<compile_context>
chip_gen: v7x
topology: tpu7x:2x2x1
jax: 0.10.2.dev20260603
libtpu: 0.0.44.dev20260713+nightly
codegen_flags: <defaults>
</compile_context>

<pallas_src>
import functools

import jax
import jax.numpy as jnp
import numpy as np
from jax import lax
from jax.experimental import pallas as pl
from jax.experimental.pallas import tpu as pltpu
from jax.experimental.pallas import tpu_sc as plsc

N = 10000
D = 128
H = 128
OUT = 2
E = 320000

NC = 2
NS = 16
NW = NC * NS
CHUNK = 64
CPT = 160
HCPT = CPT // 2
EPAD = NW * CPT * CHUNK
NBUF = 3
NROWS = 10112
RPT = NROWS // NS
WPT = 624
WTAIL = N - NS * WPT
RB = 2000
GRID = N // RB

_PAD = EPAD - E
_PAD_SRC = np.asarray((np.arange(_PAD) * 7919) % N, np.int32)
_PAD_DST = np.asarray(N + np.arange(_PAD) % (NROWS - N), np.int32)
_ZEROS1 = np.zeros((NROWS,), np.float32)

_mesh = plsc.VectorSubcoreMesh(core_axis_name="c", subcore_axis_name="s")



@functools.partial(
    pl.kernel,
    mesh=_mesh,
    out_type=jax.ShapeDtypeStruct((NC * NROWS,), jnp.float32),
    scratch_types=[
        pltpu.VMEM((CPT, CHUNK), jnp.int32),
        pltpu.VMEM((CHUNK,), jnp.float32),
        pltpu.VMEM_SHARED((NROWS,), jnp.float32),
        pltpu.SemaphoreType.DMA,
    ],
)
def _deg_kernel(dst_hbm, zeros_hbm, out_hbm, dst_all, ones_v, dacc, dsem):
    c = lax.axis_index("c")
    s = lax.axis_index("s")
    wid = c * NS + s
    for i in range(CHUNK // 16):
        ones_v[pl.ds(i * 16, 16)] = jnp.full((16,), 1.0, jnp.float32)
    pltpu.sync_copy(dst_hbm.at[wid], dst_all)

    @pl.when(s < NS - 1)
    def _z0():
        pltpu.sync_copy(zeros_hbm.at[pl.ds(s * 640, 640)],
                        dacc.at[pl.ds(s * 640, 640)])

    @pl.when(s == NS - 1)
    def _z1():
        pltpu.sync_copy(zeros_hbm.at[pl.ds((NS - 1) * 640, NROWS - (NS - 1) * 640)],
                        dacc.at[pl.ds((NS - 1) * 640, NROWS - (NS - 1) * 640)])

    plsc.subcore_barrier()

    def body(g, carry):
        for i in range(8):
            pltpu.async_copy(ones_v, dacc.at[dst_all.at[g * 8 + i]], dsem,
                             add=True)
        for i in range(8):
            pltpu.make_async_copy(ones_v, dacc.at[dst_all.at[g * 8 + i]],
                                  dsem).wait()
        return carry

    lax.fori_loop(0, CPT // 8, body, 0)
    plsc.subcore_barrier()

    @pl.when(s < NS - 1)
    def _w0():
        pltpu.sync_copy(dacc.at[pl.ds(s * 640, 640)],
                        out_hbm.at[pl.ds(c * NROWS + s * 640, 640)])

    @pl.when(s == NS - 1)
    def _w1():
        pltpu.sync_copy(dacc.at[pl.ds((NS - 1) * 640, NROWS - (NS - 1) * 640)],
                        out_hbm.at[pl.ds(c * NROWS + (NS - 1) * 640,
                                         NROWS - (NS - 1) * 640)])


@functools.partial(
    pl.kernel,
    mesh=_mesh,
    out_type=jax.ShapeDtypeStruct((NC, N, H), jnp.float32),
    scratch_types=[
        pltpu.VMEM((HCPT // 2, 2 * CHUNK), jnp.int32),
        pltpu.VMEM((HCPT, CHUNK), jnp.int32),
        pltpu.VMEM_SHARED((NROWS, H), jnp.float32),
    ]
    + [pltpu.VMEM((CHUNK, H), jnp.float32) for _ in range(NBUF)]
    + [pltpu.SemaphoreType.DMA for _ in range(2 * NBUF)],
)
def _scatter_kernel(hs_hbm, src_hbm, dst_hbm, out_hbm,
                    src_half, dst_half, acc, *bufs_sems):
    bufs = bufs_sems[:NBUF]
    gsem = bufs_sems[NBUF:2 * NBUF]
    ssem = bufs_sems[2 * NBUF:]
    c = lax.axis_index("c")
    s = lax.axis_index("s")
    wid = c * NS + s

    def zrow(j, carry):
        for i in range(H // 16):
            bufs[0][j, pl.ds(i * 16, 16)] = jnp.zeros((16,), jnp.float32)
        return carry

    lax.fori_loop(0, CHUNK, zrow, 0)
    nfull = RPT // CHUNK
    for k in range(nfull):
        pltpu.sync_copy(bufs[0], acc.at[pl.ds(s * RPT + k * CHUNK, CHUNK)])
    if RPT % CHUNK:
        pltpu.sync_copy(bufs[0].at[pl.ds(0, RPT % CHUNK)],
                        acc.at[pl.ds(s * RPT + nfull * CHUNK, RPT % CHUNK)])
    plsc.subcore_barrier()

    def _sidx(j):
        return src_half.at[j // 2, pl.ds((j % 2) * CHUNK, CHUNK)]

    def gather(j, b):
        pltpu.async_copy(hs_hbm.at[_sidx(j)], bufs[b], gsem[b])

    def wait_gather(j, b):
        pltpu.make_async_copy(hs_hbm.at[_sidx(j)], bufs[b], gsem[b]).wait()

    def scat(j, b):
        pltpu.async_copy(bufs[b], acc.at[dst_half.at[j]], ssem[b], add=True)

    def wait_scat(j, b):
        pltpu.make_async_copy(bufs[b], acc.at[dst_half.at[j]], ssem[b]).wait()

    for h in range(2):
        pltpu.sync_copy(src_hbm.at[wid, pl.ds(h * (HCPT // 2), HCPT // 2)],
                        src_half)
        pltpu.sync_copy(dst_hbm.at[wid, pl.ds(h * HCPT, HCPT)], dst_half)
        gather(0, 0)
        gather(1, 1)

        def body(g, carry):
            for b in range(NBUF):
                j = g * NBUF + b
                b2 = (b + 2) % NBUF
                wait_gather(j, b)
                scat(j, b)

                @pl.when(j >= 1)
                def _drain():
                    wait_scat(j - 1, b2)

                @pl.when(j + 2 < HCPT)
                def _refill():
                    gather(j + 2, b2)
            return carry

        lax.fori_loop(0, HCPT // NBUF, body, 0)
        for j in range(NBUF * (HCPT // NBUF), HCPT):
            b = j % NBUF
            wait_gather(j, b)
            scat(j, b)
            wait_scat(j - 1, (b + 2) % NBUF)
        wait_scat(HCPT - 1, (HCPT - 1) % NBUF)
    plsc.subcore_barrier()
    pltpu.sync_copy(acc.at[pl.ds(s * WPT, WPT)],
                    out_hbm.at[c, pl.ds(s * WPT, WPT)])

    @pl.when(s == NS - 1)
    def _tail():
        pltpu.sync_copy(acc.at[pl.ds(NS * WPT, WTAIL)],
                        out_hbm.at[c, pl.ds(NS * WPT, WTAIL)])



def _dinv_body(degp_ref, o_ref):
    o_ref[...] = lax.rsqrt(degp_ref[0] + degp_ref[1] + 1.0)


def _dinv_call(degp):
    return pl.pallas_call(
        _dinv_body,
        out_shape=jax.ShapeDtypeStruct((NROWS // 128, 128), jnp.float32),
    )(degp)


def _dinv_spec():
    return pl.BlockSpec((RB, H), lambda i: (i, 0))


def _mmraw_body(x_ref, w_ref, o_ref):
    o_ref[...] = jnp.dot(x_ref[...], w_ref[...],
                         preferred_element_type=jnp.float32)


def _mmraw_call(x, W):
    return pl.pallas_call(
        _mmraw_body,
        grid=(GRID,),
        in_specs=[
            pl.BlockSpec((RB, D), lambda i: (i, 0)),
            pl.BlockSpec((D, H), lambda i: (0, 0)),
        ],
        out_specs=pl.BlockSpec((RB, H), lambda i: (i, 0)),
        out_shape=jax.ShapeDtypeStruct((N, H), jnp.float32),
    )(x, W)


def _scale_body(h_ref, dinv_ref, o_ref):
    o_ref[...] = h_ref[...] * dinv_ref[...]


def _scale_call(h, dinv_rep):
    return pl.pallas_call(
        _scale_body,
        grid=(GRID,),
        in_specs=[
            pl.BlockSpec((RB, H), lambda i: (i, 0)),
            _dinv_spec(),
        ],
        out_specs=pl.BlockSpec((RB, H), lambda i: (i, 0)),
        out_shape=jax.ShapeDtypeStruct((N, H), jnp.float32),
    )(h, dinv_rep)


def _mm2_body(agg_ref, hs_ref, dinv_ref, b_ref, w_ref, o_ref):
    dinv = dinv_ref[...]
    a = (agg_ref[0] + agg_ref[1] + hs_ref[...]) * dinv + b_ref[...]
    t = jnp.maximum(a, 0.0)
    o_ref[...] = jnp.dot(t, w_ref[...],
                         preferred_element_type=jnp.float32) * dinv


def _mm2_call(agg, hs, dinv_rep, b_row, W):
    return pl.pallas_call(
        _mm2_body,
        grid=(GRID,),
        in_specs=[
            pl.BlockSpec((NC, RB, H), lambda i: (0, i, 0)),
            pl.BlockSpec((RB, H), lambda i: (i, 0)),
            _dinv_spec(),
            pl.BlockSpec((1, H), lambda i: (0, 0)),
            pl.BlockSpec((H, H), lambda i: (0, 0)),
        ],
        out_specs=pl.BlockSpec((RB, H), lambda i: (i, 0)),
        out_shape=jax.ShapeDtypeStruct((N, H), jnp.float32),
    )(agg, hs, dinv_rep, b_row, W)


def _mm3_body(agg_ref, hs_ref, dinv_ref, b_ref, w_ref, blin_ref, o_ref):
    a = (agg_ref[0] + agg_ref[1] + hs_ref[...]) * dinv_ref[...] + b_ref[...]
    t = jnp.maximum(a, 0.0)
    o_ref[...] = jnp.dot(t, w_ref[...],
                         preferred_element_type=jnp.float32) + blin_ref[...]


def _mm3_call(agg, hs, dinv_rep, b_row, Wlin, blin_row):
    return pl.pallas_call(
        _mm3_body,
        grid=(GRID,),
        in_specs=[
            pl.BlockSpec((NC, RB, H), lambda i: (0, i, 0)),
            pl.BlockSpec((RB, H), lambda i: (i, 0)),
            _dinv_spec(),
            pl.BlockSpec((1, H), lambda i: (0, 0)),
            pl.BlockSpec((H, OUT), lambda i: (0, 0)),
            pl.BlockSpec((1, OUT), lambda i: (0, 0)),
        ],
        out_specs=pl.BlockSpec((RB, OUT), lambda i: (i, 0)),
        out_shape=jax.ShapeDtypeStruct((N, OUT), jnp.float32),
    )(agg, hs, dinv_rep, b_row, Wlin, blin_row)



def kernel(x, edge_index, W1, b1, W2, b2, Wlin, blin):
    src = edge_index[0]
    dst = edge_index[1]
    src_p = jnp.concatenate([src, jnp.asarray(_PAD_SRC)]).reshape(
        NW, CPT // 2, 2 * CHUNK)
    dst_p = jnp.concatenate([dst, jnp.asarray(_PAD_DST)]).reshape(NW, CPT, CHUNK)
    zeros1 = jnp.asarray(_ZEROS1)

    h1 = _mmraw_call(x, W1)
    degp = _deg_kernel(dst_p, zeros1)
    dinv2d = _dinv_call(degp.reshape(NC, NROWS // 128, 128))
    dinv_rep = jnp.broadcast_to(dinv2d.reshape(NROWS)[:N, None], (N, H))

    hs1 = _scale_call(h1, dinv_rep)
    agg1 = _scatter_kernel(hs1, src_p, dst_p)
    hs2 = _mm2_call(agg1, hs1, dinv_rep, b1.reshape(1, H), W2)
    agg2 = _scatter_kernel(hs2, src_p, dst_p)
    return _mm3_call(agg2, hs2, dinv_rep, b2.reshape(1, H), Wlin,
                     blin.reshape(1, OUT))

# --- scband reference (transcript-rebuilt; emitter-appended) ---
"""Pipeline reference for scband-fraud-detection-gnn-17394617548971 (READ-ONLY COPY).

The authoritative reference and input builder live on the scoring server;
editing this copy changes nothing except your own understanding.
"""

import jax, jax.numpy as jnp
import numpy as np

N = 10000
E = 320000
D = 128
H = 128
OUT = 2


def setup_inputs(seed: int = 0) -> dict:
    key = jax.random.key(seed)
    ks = jax.random.split(key, 8)
    x = jax.random.normal(ks[0], (N, D), dtype=jnp.float32)
    edge_index = jax.random.randint(ks[1], (2, E), 0, N, dtype=jnp.int32)
    W1 = jax.random.normal(ks[2], (D, H), dtype=jnp.float32) * (1.0 / np.sqrt(D))
    b1 = jnp.zeros((H,), dtype=jnp.float32)
    W2 = jax.random.normal(ks[3], (H, H), dtype=jnp.float32) * (1.0 / np.sqrt(H))
    b2 = jnp.zeros((H,), dtype=jnp.float32)
    Wlin = jax.random.normal(ks[4], (H, OUT), dtype=jnp.float32) * (1.0 / np.sqrt(H))
    blin = jnp.zeros((OUT,), dtype=jnp.float32)
    return {"x": x, "edge_index": edge_index, "W1": W1, "b1": b1, "W2": W2, "b2": b2, "Wlin": Wlin, "blin": blin}


def _gcn_conv(x, src, dst, W, b):
    # PyG GCNConv: h = x @ W; symmetric normalization with self-loops; scatter-add; + bias
    h = x @ W
    deg = jax.ops.segment_sum(jnp.ones(src.shape[0], dtype=h.dtype), dst, num_segments=N)
    d_inv_sqrt = jnp.where(deg > 0, jax.lax.rsqrt(jnp.maximum(deg, 1e-12)), 0.0)
    norm = d_inv_sqrt[src] * d_inv_sqrt[dst]
    msg = h[src] * norm[:, None]
    out = jax.ops.segment_sum(msg, dst, num_segments=N)
    return out + b


def reference(x, edge_index, W1, b1, W2, b2, Wlin, blin):
    # add self-loops once (shared by both conv layers)
    loop = jnp.arange(N, dtype=edge_index.dtype)
    src = jnp.concatenate([edge_index[0], loop])
    dst = jnp.concatenate([edge_index[1], loop])
    h = _gcn_conv(x, src, dst, W1, b1)
    h = jax.nn.relu(h)
    # dropout p=0.3 is identity in eval mode (training=False)
    h = _gcn_conv(h, src, dst, W2, b2)
    h = jax.nn.relu(h)
    return h @ Wlin + blin

if __name__ == "__main__":
    import jax
    _d = setup_inputs()
    print(jax.jit(kernel)(*tuple(_d.values())))

</pallas_src>

<mosaic_0001>
#map = affine_map<(d0, d1) -> (0, 0)>
#map1 = affine_map<(d0, d1) -> (0, 0, 0)>
module attributes {stable_mosaic.version = 14 : i64} {
  func.func @_scatter_kernel(%arg0: i32, %arg1: i32, %arg2: memref<10000x128xf32, #tpu.memory_space<hbm>>, %arg3: memref<32x80x128xi32, #tpu.memory_space<hbm>>, %arg4: memref<32x160x64xi32, #tpu.memory_space<hbm>>, %arg5: memref<2x10000x128xf32, #tpu.memory_space<hbm>>, %arg6: memref<40x128xi32, #tpu.memory_space<vmem>>, %arg7: memref<80x64xi32, #tpu.memory_space<vmem>>, %arg8: memref<10112x128xf32, #tpu.memory_space<vmem_shared>>, %arg9: memref<64x128xf32, #tpu.memory_space<vmem>>, %arg10: memref<64x128xf32, #tpu.memory_space<vmem>>, %arg11: memref<64x128xf32, #tpu.memory_space<vmem>>, %arg12: memref<!tpu.dma_semaphore, #tpu.memory_space<semaphore_mem>>, %arg13: memref<!tpu.dma_semaphore, #tpu.memory_space<semaphore_mem>>, %arg14: memref<!tpu.dma_semaphore, #tpu.memory_space<semaphore_mem>>, %arg15: memref<!tpu.dma_semaphore, #tpu.memory_space<semaphore_mem>>, %arg16: memref<!tpu.dma_semaphore, #tpu.memory_space<semaphore_mem>>, %arg17: memref<!tpu.dma_semaphore, #tpu.memory_space<semaphore_mem>>) attributes {dimension_semantics = [#tpu.dimension_semantics<core_parallel>, #tpu.dimension_semantics<subcore_parallel>], iteration_bounds = array<i64: 2, 16>, scalar_prefetch = 0 : i64, scratch_operands = 12 : i64, tpu.core_type = #tpu.core_type<sc_vector_subcore>, window_params = [{transform_indices = #map}, {transform_indices = #map1}, {transform_indices = #map1}, {transform_indices = #map1}]} {
    %mul3A = arith.constant 16 : i32
    %mul3A_0 = arith.muli %arg0, %mul3A : i32
    %add3A = arith.addi %mul3A_0, %arg1 : i32
    %scan3A = arith.constant 0 : i32
    %scan3A_1 = arith.constant 0 : i32
    %scan3A_2 = arith.constant 64 : i32
    %scan3A_3 = arith.addi %scan3A_1, %scan3A_2 : i32
    %scan3A_4 = arith.constant 1 : i32
    scf.for %scan3A_189 = %scan3A_1 to %scan3A_3 step %scan3A_4  : i32 {
      %broadcast_in_dim3A = arith.constant 0.000000e+00 : f32
      %broadcast_in_dim3A_190 = vector.broadcast %broadcast_in_dim3A : f32 to vector<16xf32>
      %swap3A = arith.index_cast %scan3A_189 : i32 to index
      %swap3A_191 = arith.constant 0 : index
      %swap3A_192 = tpu.vector_load %arg9[%swap3A, %swap3A_191] {strides = array<i32>} : memref<64x128xf32, #tpu.memory_space<vmem>>, vector<1x16xf32>,
      %swap3A_193 = vector.shape_cast %swap3A_192 : vector<1x16xf32> to vector<16xf32>
      %swap3A_194 = vector.shape_cast %broadcast_in_dim3A_190 : vector<16xf32> to vector<1x16xf32>
      tpu.vector_store %arg9[%swap3A, %swap3A_191], %swap3A_194 {strides = array<i32>} : memref<64x128xf32, #tpu.memory_space<vmem>>, vector<1x16xf32>,
      %broadcast_in_dim3A_195 = arith.constant 0.000000e+00 : f32
      %broadcast_in_dim3A_196 = vector.broadcast %broadcast_in_dim3A_195 : f32 to vector<16xf32>
      %swap3A_197 = arith.index_cast %scan3A_189 : i32 to index
      %swap3A_198 = arith.constant 16 : index
      %swap3A_199 = tpu.vector_load %arg9[%swap3A_197, %swap3A_198] {strides = array<i32>} : memref<64x128xf32, #tpu.memory_space<vmem>>, vector<1x16xf32>,
      %swap3A_200 = vector.shape_cast %swap3A_199 : vector<1x16xf32> to vector<16xf32>
      %swap3A_201 = vector.shape_cast %broadcast_in_dim3A_196 : vector<16xf32> to vector<1x16xf32>
      tpu.vector_store %arg9[%swap3A_197, %swap3A_198], %swap3A_201 {strides = array<i32>} : memref<64x128xf32, #tpu.memory_space<vmem>>, vector<1x16xf32>,
      %broadcast_in_dim3A_202 = arith.constant 0.000000e+00 : f32
      %broadcast_in_dim3A_203 = vector.broadcast %broadcast_in_dim3A_202 : f32 to vector<16xf32>
      %swap3A_204 = arith.index_cast %scan3A_189 : i32 to index
      %swap3A_205 = arith.constant 32 : index
      %swap3A_206 = tpu.vector_load %arg9[%swap3A_204, %swap3A_205] {strides = array<i32>} : memref<64x128xf32, #tpu.memory_space<vmem>>, vector<1x16xf32>,
      %swap3A_207 = vector.shape_cast %swap3A_206 : vector<1x16xf32> to vector<16xf32>
      %swap3A_208 = vector.shape_cast %broadcast_in_dim3A_203 : vector<16xf32> to vector<1x16xf32>
      tpu.vector_store %arg9[%swap3A_204, %swap3A_205], %swap3A_208 {strides = array<i32>} : memref<64x128xf32, #tpu.memory_space<vmem>>, vector<1x16xf32>,
      %broadcast_in_dim3A_209 = arith.constant 0.000000e+00 : f32
      %broadcast_in_dim3A_210 = vector.broadcast %broadcast_in_dim3A_209 : f32 to vector<16xf32>
      %swap3A_211 = arith.index_cast %scan3A_189 : i32 to index
      %swap3A_212 = arith.constant 48 : index
      %swap3A_213 = tpu.vector_load %arg9[%swap3A_211, %swap3A_212] {strides = array<i32>} : memref<64x128xf32, #tpu.memory_space<vmem>>, vector<1x16xf32>,
      %swap3A_214 = vector.shape_cast %swap3A_213 : vector<1x16xf32> to vector<16xf32>
      %swap3A_215 = vector.shape_cast %broadcast_in_dim3A_210 : vector<16xf32> to vector<1x16xf32>
      tpu.vector_store %arg9[%swap3A_211, %swap3A_212], %swap3A_215 {strides = array<i32>} : memref<64x128xf32, #tpu.memory_space<vmem>>, vector<1x16xf32>,
      %broadcast_in_dim3A_216 = arith.constant 0.000000e+00 : f32
      %broadcast_in_dim3A_217 = vector.broadcast %broadcast_in_dim3A_216 : f32 to vector<16xf32>
      %swap3A_218 = arith.index_cast %scan3A_189 : i32 to index
      %swap3A_219 = arith.constant 64 : index
      %swap3A_220 = tpu.vector_load %arg9[%swap3A_218, %swap3A_219] {strides = array<i32>} : memref<64x128xf32, #tpu.memory_space<vmem>>, vector<1x16xf32>,
      %swap3A_221 = vector.shape_cast %swap3A_220 : vector<1x16xf32> to vector<16xf32>
      %swap3A_222 = vector.shape_cast %broadcast_in_dim3A_217 : vector<16xf32> to vector<1x16xf32>
      tpu.vector_store %arg9[%swap3A_218, %swap3A_219], %swap3A_222 {strides = array<i32>} : memref<64x128xf32, #tpu.memory_space<vmem>>, vector<1x16xf32>,
      %broadcast_in_dim3A_223 = arith.constant 0.000000e+00 : f32
      %broadcast_in_dim3A_224 = vector.broadcast %broadcast_in_dim3A_223 : f32 to vector<16xf32>
      %swap3A_225 = arith.index_cast %scan3A_189 : i32 to index
      %swap3A_226 = arith.constant 80 : index
      %swap3A_227 = tpu.vector_load %arg9[%swap3A_225, %swap3A_226] {strides = array<i32>} : memref<64x128xf32, #tpu.memory_space<vmem>>, vector<1x16xf32>,
      %swap3A_228 = vector.shape_cast %swap3A_227 : vector<1x16xf32> to vector<16xf32>
      %swap3A_229 = vector.shape_cast %broadcast_in_dim3A_224 : vector<16xf32> to vector<1x16xf32>
      tpu.vector_store %arg9[%swap3A_225, %swap3A_226], %swap3A_229 {strides = array<i32>} : memref<64x128xf32, #tpu.memory_space<vmem>>, vector<1x16xf32>,
      %broadcast_in_dim3A_230 = arith.constant 0.000000e+00 : f32
      %broadcast_in_dim3A_231 = vector.broadcast %broadcast_in_dim3A_230 : f32 to vector<16xf32>
      %swap3A_232 = arith.index_cast %scan3A_189 : i32 to index
      %swap3A_233 = arith.constant 96 : index
      %swap3A_234 = tpu.vector_load %arg9[%swap3A_232, %swap3A_233] {strides = array<i32>} : memref<64x128xf32, #tpu.memory_space<vmem>>, vector<1x16xf32>,
      %swap3A_235 = vector.shape_cast %swap3A_234 : vector<1x16xf32> to vector<16xf32>
      %swap3A_236 = vector.shape_cast %broadcast_in_dim3A_231 : vector<16xf32> to vector<1x16xf32>
      tpu.vector_store %arg9[%swap3A_232, %swap3A_233], %swap3A_236 {strides = array<i32>} : memref<64x128xf32, #tpu.memory_space<vmem>>, vector<1x16xf32>,
      %broadcast_in_dim3A_237 = arith.constant 0.000000e+00 : f32
      %broadcast_in_dim3A_238 = vector.broadcast %broadcast_in_dim3A_237 : f32 to vector<16xf32>
      %swap3A_239 = arith.index_cast %scan3A_189 : i32 to index
      %swap3A_240 = arith.constant 112 : index
      %swap3A_241 = tpu.vector_load %arg9[%swap3A_239, %swap3A_240] {strides = array<i32>} : memref<64x128xf32, #tpu.memory_space<vmem>>, vector<1x16xf32>,
      %swap3A_242 = vector.shape_cast %swap3A_241 : vector<1x16xf32> to vector<16xf32>
      %swap3A_243 = vector.shape_cast %broadcast_in_dim3A_238 : vector<16xf32> to vector<1x16xf32>
      tpu.vector_store %arg9[%swap3A_239, %swap3A_240], %swap3A_243 {strides = array<i32>} : memref<64x128xf32, #tpu.memory_space<vmem>>, vector<1x16xf32>,
    }
    %scan3A_5 = arith.constant 64 : i32
    %mul3A_6 = arith.constant 632 : i32
    %mul3A_7 = arith.muli %arg1, %mul3A_6 : i32
    %add3A_8 = arith.constant 0 : i32
    %add3A_9 = arith.addi %mul3A_7, %add3A_8 : i32
    "tpu.region"() ({
      %run_scoped3A = tpu.sem_alloc : memref<!tpu.dma_semaphore, #tpu.memory_space<semaphore_mem>>
      %dma_start3A_189 = arith.constant 0 : i32
      %dma_start3A_190 = tpu.memref_slice %arg8[%add3A_9, %dma_start3A_189] : memref<10112x128xf32, #tpu.memory_space<vmem_shared>> -> memref<64x128xf32, #tpu.memory_space<vmem_shared>>
      %dma_start3A_191 = arith.constant 0 : i32
      %dma_start3A_192 = tpu.memref_slice %arg8[%add3A_9, %dma_start3A_191] : memref<10112x128xf32, #tpu.memory_space<vmem_shared>> -> memref<64x128xf32, #tpu.memory_space<vmem_shared>>
      tpu.enqueue_dma source(%arg9 : memref<64x128xf32, #tpu.memory_space<vmem>>) target(%dma_start3A_192 : memref<64x128xf32, #tpu.memory_space<vmem_shared>>) target_semaphore(%run_scoped3A : memref<!tpu.dma_semaphore, #tpu.memory_space<semaphore_mem>>)
      %dma_wait3A_193 = arith.constant 0 : i32
      %dma_wait3A_194 = tpu.memref_slice %arg8[%add3A_9, %dma_wait3A_193] : memref<10112x128xf32, #tpu.memory_space<vmem_shared>> -> memref<64x128xf32, #tpu.memory_space<vmem_shared>>
      %dma_wait3A_195 = arith.constant 0 : i32
      %dma_wait3A_196 = tpu.memref_slice %arg8[%add3A_9, %dma_wait3A_195] : memref<10112x128xf32, #tpu.memory_space<vmem_shared>> -> memref<64x128xf32, #tpu.memory_space<vmem_shared>>
      tpu.wait_dma2 semaphore(%run_scoped3A : memref<!tpu.dma_semaphore, #tpu.memory_space<semaphore_mem>>) src(%arg9 : memref<64x128xf32, #tpu.memory_space<vmem>>) dst(%dma_wait3A_196 : memref<64x128xf32, #tpu.memory_space<vmem_shared>>)
      tpu.yield
    }) : () -> ()
    %mul3A_10 = arith.constant 632 : i32
    %mul3A_11 = arith.muli %arg1, %mul3A_10 : i32
    %add3A_12 = arith.constant 64 : i32
    %add3A_13 = arith.addi %mul3A_11, %add3A_12 : i32
    "tpu.region"() ({
      %run_scoped3A = tpu.sem_alloc : memref<!tpu.dma_semaphore, #tpu.memory_space<semaphore_mem>>
      %dma_start3A_189 = arith.constant 0 : i32
      %dma_start3A_190 = tpu.memref_slice %arg8[%add3A_13, %dma_start3A_189] : memref<10112x128xf32, #tpu.memory_space<vmem_shared>> -> memref<64x128xf32, #tpu.memory_space<vmem_shared>>
      %dma_start3A_191 = arith.constant 0 : i32
      %dma_start3A_192 = tpu.memref_slice %arg8[%add3A_13, %dma_start3A_191] : memref<10112x128xf32, #tpu.memory_space<vmem_shared>> -> memref<64x128xf32, #tpu.memory_space<vmem_shared>>
      tpu.enqueue_dma source(%arg9 : memref<64x128xf32, #tpu.memory_space<vmem>>) target(%dma_start3A_192 : memref<64x128xf32, #tpu.memory_space<vmem_shared>>) target_semaphore(%run_scoped3A : memref<!tpu.dma_semaphore, #tpu.memory_space<semaphore_mem>>)
      %dma_wait3A_193 = arith.constant 0 : i32
      %dma_wait3A_194 = tpu.memref_slice %arg8[%add3A_13, %dma_wait3A_193] : memref<10112x128xf32, #tpu.memory_space<vmem_shared>> -> memref<64x128xf32, #tpu.memory_space<vmem_shared>>
      %dma_wait3A_195 = arith.constant 0 : i32
      %dma_wait3A_196 = tpu.memref_slice %arg8[%add3A_13, %dma_wait3A_195] : memref<10112x128xf32, #tpu.memory_space<vmem_shared>> -> memref<64x128xf32, #tpu.memory_space<vmem_shared>>
      tpu.wait_dma2 semaphore(%run_scoped3A : memref<!tpu.dma_semaphore, #tpu.memory_space<semaphore_mem>>) src(%arg9 : memref<64x128xf32, #tpu.memory_space<vmem>>) dst(%dma_wait3A_196 : memref<64x128xf32, #tpu.memory_space<vmem_shared>>)
      tpu.yield
    }) : () -> ()
    %mul3A_14 = arith.constant 632 : i32
    %mul3A_15 = arith.muli %arg1, %mul3A_14 : i32
    %add3A_16 = arith.constant 128 : i32
    %add3A_17 = arith.addi %mul3A_15, %add3A_16 : i32
    "tpu.region"() ({
      %run_scoped3A = tpu.sem_alloc : memref<!tpu.dma_semaphore, #tpu.memory_space<semaphore_mem>>
      %dma_start3A_189 = arith.constant 0 : i32
      %dma_start3A_190 = tpu.memref_slice %arg8[%add3A_17, %dma_start3A_189] : memref<10112x128xf32, #tpu.memory_space<vmem_shared>> -> memref<64x128xf32, #tpu.memory_space<vmem_shared>>
      %dma_start3A_191 = arith.constant 0 : i32
      %dma_start3A_192 = tpu.memref_slice %arg8[%add3A_17, %dma_start3A_191] : memref<10112x128xf32, #tpu.memory_space<vmem_shared>> -> memref<64x128xf32, #tpu.memory_space<vmem_shared>>
      tpu.enqueue_dma source(%arg9 : memref<64x128xf32, #tpu.memory_space<vmem>>) target(%dma_start3A_192 : memref<64x128xf32, #tpu.memory_space<vmem_shared>>) target_semaphore(%run_scoped3A : memref<!tpu.dma_semaphore, #tpu.memory_space<semaphore_mem>>)
      %dma_wait3A_193 = arith.constant 0 : i32
      %dma_wait3A_194 = tpu.memref_slice %arg8[%add3A_17, %dma_wait3A_193] : memref<10112x128xf32, #tpu.memory_space<vmem_shared>> -> memref<64x128xf32, #tpu.memory_space<vmem_shared>>
      %dma_wait3A_195 = arith.constant 0 : i32
      %dma_wait3A_196 = tpu.memref_slice %arg8[%add3A_17, %dma_wait3A_195] : memref<10112x128xf32, #tpu.memory_space<vmem_shared>> -> memref<64x128xf32, #tpu.memory_space<vmem_shared>>
      tpu.wait_dma2 semaphore(%run_scoped3A : memref<!tpu.dma_semaphore, #tpu.memory_space<semaphore_mem>>) src(%arg9 : memref<64x128xf32, #tpu.memory_space<vmem>>) dst(%dma_wait3A_196 : memref<64x128xf32, #tpu.memory_space<vmem_shared>>)
      tpu.yield
    }) : () -> ()
    %mul3A_18 = arith.constant 632 : i32
    %mul3A_19 = arith.muli %arg1, %mul3A_18 : i32
    %add3A_20 = arith.constant 192 : i32
    %add3A_21 = arith.addi %mul3A_19, %add3A_20 : i32
    "tpu.region"() ({
      %run_scoped3A = tpu.sem_alloc : memref<!tpu.dma_semaphore, #tpu.memory_space<semaphore_mem>>
      %dma_start3A_189 = arith.constant 0 : i32
      %dma_start3A_190 = tpu.memref_slice %arg8[%add3A_21, %dma_start3A_189] : memref<10112x128xf32, #tpu.memory_space<vmem_shared>> -> memref<64x128xf32, #tpu.memory_space<vmem_shared>>
      %dma_start3A_191 = arith.constant 0 : i32
      %dma_start3A_192 = tpu.memref_slice %arg8[%add3A_21, %dma_start3A_191] : memref<10112x128xf32, #tpu.memory_space<vmem_shared>> -> memref<64x128xf32, #tpu.memory_space<vmem_shared>>
      tpu.enqueue_dma source(%arg9 : memref<64x128xf32, #tpu.memory_space<vmem>>) target(%dma_start3A_192 : memref<64x128xf32, #tpu.memory_space<vmem_shared>>) target_semaphore(%run_scoped3A : memref<!tpu.dma_semaphore, #tpu.memory_space<semaphore_mem>>)
      %dma_wait3A_193 = arith.constant 0 : i32
      %dma_wait3A_194 = tpu.memref_slice %arg8[%add3A_21, %dma_wait3A_193] : memref<10112x128xf32, #tpu.memory_space<vmem_shared>> -> memref<64x128xf32, #tpu.memory_space<vmem_shared>>
      %dma_wait3A_195 = arith.constant 0 : i32
      %dma_wait3A_196 = tpu.memref_slice %arg8[%add3A_21, %dma_wait3A_195] : memref<10112x128xf32, #tpu.memory_space<vmem_shared>> -> memref<64x128xf32, #tpu.memory_space<vmem_shared>>
      tpu.wait_dma2 semaphore(%run_scoped3A : memref<!tpu.dma_semaphore, #tpu.memory_space<semaphore_mem>>) src(%arg9 : memref<64x128xf32, #tpu.memory_space<vmem>>) dst(%dma_wait3A_196 : memref<64x128xf32, #tpu.memory_space<vmem_shared>>)
      tpu.yield
    }) : () -> ()
    %mul3A_22 = arith.constant 632 : i32
    %mul3A_23 = arith.muli %arg1, %mul3A_22 : i32
    %add3A_24 = arith.constant 256 : i32
    %add3A_25 = arith.addi %mul3A_23, %add3A_24 : i32
    "tpu.region"() ({
      %run_scoped3A = tpu.sem_alloc : memref<!tpu.dma_semaphore, #tpu.memory_space<semaphore_mem>>
      %dma_start3A_189 = arith.constant 0 : i32
      %dma_start3A_190 = tpu.memref_slice %arg8[%add3A_25, %dma_start3A_189] : memref<10112x128xf32, #tpu.memory_space<vmem_shared>> -> memref<64x128xf32, #tpu.memory_space<vmem_shared>>
      %dma_start3A_191 = arith.constant 0 : i32
      %dma_start3A_192 = tpu.memref_slice %arg8[%add3A_25, %dma_start3A_191] : memref<10112x128xf32, #tpu.memory_space<vmem_shared>> -> memref<64x128xf32, #tpu.memory_space<vmem_shared>>
      tpu.enqueue_dma source(%arg9 : memref<64x128xf32, #tpu.memory_space<vmem>>) target(%dma_start3A_192 : memref<64x128xf32, #tpu.memory_space<vmem_shared>>) target_semaphore(%run_scoped3A : memref<!tpu.dma_semaphore, #tpu.memory_space<semaphore_mem>>)
      %dma_wait3A_193 = arith.constant 0 : i32
      %dma_wait3A_194 = tpu.memref_slice %arg8[%add3A_25, %dma_wait3A_193] : memref<10112x128xf32, #tpu.memory_space<vmem_shared>> -> memref<64x128xf32, #tpu.memory_space<vmem_shared>>
      %dma_wait3A_195 = arith.constant 0 : i32
      %dma_wait3A_196 = tpu.memref_slice %arg8[%add3A_25, %dma_wait3A_195] : memref<10112x128xf32, #tpu.memory_space<vmem_shared>> -> memref<64x128xf32, #tpu.memory_space<vmem_shared>>
      tpu.wait_dma2 semaphore(%run_scoped3A : memref<!tpu.dma_semaphore, #tpu.memory_space<semaphore_mem>>) src(%arg9 : memref<64x128xf32, #tpu.memory_space<vmem>>) dst(%dma_wait3A_196 : memref<64x128xf32, #tpu.memory_space<vmem_shared>>)
      tpu.yield
    }) : () -> ()
    %mul3A_26 = arith.constant 632 : i32
    %mul3A_27 = arith.muli %arg1, %mul3A_26 : i32
    %add3A_28 = arith.constant 320 : i32
    %add3A_29 = arith.addi %mul3A_27, %add3A_28 : i32
    "tpu.region"() ({
      %run_scoped3A = tpu.sem_alloc : memref<!tpu.dma_semaphore, #tpu.memory_space<semaphore_mem>>
      %dma_start3A_189 = arith.constant 0 : i32
      %dma_start3A_190 = tpu.memref_slice %arg8[%add3A_29, %dma_start3A_189] : memref<10112x128xf32, #tpu.memory_space<vmem_shared>> -> memref<64x128xf32, #tpu.memory_space<vmem_shared>>
      %dma_start3A_191 = arith.constant 0 : i32
      %dma_start3A_192 = tpu.memref_slice %arg8[%add3A_29, %dma_start3A_191] : memref<10112x128xf32, #tpu.memory_space<vmem_shared>> -> memref<64x128xf32, #tpu.memory_space<vmem_shared>>
      tpu.enqueue_dma source(%arg9 : memref<64x128xf32, #tpu.memory_space<vmem>>) target(%dma_start3A_192 : memref<64x128xf32, #tpu.memory_space<vmem_shared>>) target_semaphore(%run_scoped3A : memref<!tpu.dma_semaphore, #tpu.memory_space<semaphore_mem>>)
      %dma_wait3A_193 = arith.constant 0 : i32
      %dma_wait3A_194 = tpu.memref_slice %arg8[%add3A_29, %dma_wait3A_193] : memref<10112x128xf32, #tpu.memory_space<vmem_shared>> -> memref<64x128xf32, #tpu.memory_space<vmem_shared>>
      %dma_wait3A_195 = arith.constant 0 : i32
      %dma_wait3A_196 = tpu.memref_slice %arg8[%add3A_29, %dma_wait3A_195] : memref<10112x128xf32, #tpu.memory_space<vmem_shared>> -> memref<64x128xf32, #tpu.memory_space<vmem_shared>>
      tpu.wait_dma2 semaphore(%run_scoped3A : memref<!tpu.dma_semaphore, #tpu.memory_space<semaphore_mem>>) src(%arg9 : memref<64x128xf32, #tpu.memory_space<vmem>>) dst(%dma_wait3A_196 : memref<64x128xf32, #tpu.memory_space<vmem_shared>>)
      tpu.yield
    }) : () -> ()
    %mul3A_30 = arith.constant 632 : i32
    %mul3A_31 = arith.muli %arg1, %mul3A_30 : i32
    %add3A_32 = arith.constant 384 : i32
    %add3A_33 = arith.addi %mul3A_31, %add3A_32 : i32
    "tpu.region"() ({
      %run_scoped3A = tpu.sem_alloc : memref<!tpu.dma_semaphore, #tpu.memory_space<semaphore_mem>>
      %dma_start3A_189 = arith.constant 0 : i32
      %dma_start3A_190 = tpu.memref_slice %arg8[%add3A_33, %dma_start3A_189] : memref<10112x128xf32, #tpu.memory_space<vmem_shared>> -> memref<64x128xf32, #tpu.memory_space<vmem_shared>>
      %dma_start3A_191 = arith.constant 0 : i32
      %dma_start3A_192 = tpu.memref_slice %arg8[%add3A_33, %dma_start3A_191] : memref<10112x128xf32, #tpu.memory_space<vmem_shared>> -> memref<64x128xf32, #tpu.memory_space<vmem_shared>>
      tpu.enqueue_dma source(%arg9 : memref<64x128xf32, #tpu.memory_space<vmem>>) target(%dma_start3A_192 : memref<64x128xf32, #tpu.memory_space<vmem_shared>>) target_semaphore(%run_scoped3A : memref<!tpu.dma_semaphore, #tpu.memory_space<semaphore_mem>>)
      %dma_wait3A_193 = arith.constant 0 : i32
      %dma_wait3A_194 = tpu.memref_slice %arg8[%add3A_33, %dma_wait3A_193] : memref<10112x128xf32, #tpu.memory_space<vmem_shared>> -> memref<64x128xf32, #tpu.memory_space<vmem_shared>>
      %dma_wait3A_195 = arith.constant 0 : i32
      %dma_wait3A_196 = tpu.memref_slice %arg8[%add3A_33, %dma_wait3A_195] : memref<10112x128xf32, #tpu.memory_space<vmem_shared>> -> memref<64x128xf32, #tpu.memory_space<vmem_shared>>
      tpu.wait_dma2 semaphore(%run_scoped3A : memref<!tpu.dma_semaphore, #tpu.memory_space<semaphore_mem>>) src(%arg9 : memref<64x128xf32, #tpu.memory_space<vmem>>) dst(%dma_wait3A_196 : memref<64x128xf32, #tpu.memory_space<vmem_shared>>)
      tpu.yield
    }) : () -> ()
    %mul3A_34 = arith.constant 632 : i32
    %mul3A_35 = arith.muli %arg1, %mul3A_34 : i32
    %add3A_36 = arith.constant 448 : i32
    %add3A_37 = arith.addi %mul3A_35, %add3A_36 : i32
    "tpu.region"() ({
      %run_scoped3A = tpu.sem_alloc : memref<!tpu.dma_semaphore, #tpu.memory_space<semaphore_mem>>
      %dma_start3A_189 = arith.constant 0 : i32
      %dma_start3A_190 = tpu.memref_slice %arg8[%add3A_37, %dma_start3A_189] : memref<10112x128xf32, #tpu.memory_space<vmem_shared>> -> memref<64x128xf32, #tpu.memory_space<vmem_shared>>
      %dma_start3A_191 = arith.constant 0 : i32
      %dma_start3A_192 = tpu.memref_slice %arg8[%add3A_37, %dma_start3A_191] : memref<10112x128xf32, #tpu.memory_space<vmem_shared>> -> memref<64x128xf32, #tpu.memory_space<vmem_shared>>
      tpu.enqueue_dma source(%arg9 : memref<64x128xf32, #tpu.memory_space<vmem>>) target(%dma_start3A_192 : memref<64x128xf32, #tpu.memory_space<vmem_shared>>) target_semaphore(%run_scoped3A : memref<!tpu.dma_semaphore, #tpu.memory_space<semaphore_mem>>)
      %dma_wait3A_193 = arith.constant 0 : i32
      %dma_wait3A_194 = tpu.memref_slice %arg8[%add3A_37, %dma_wait3A_193] : memref<10112x128xf32, #tpu.memory_space<vmem_shared>> -> memref<64x128xf32, #tpu.memory_space<vmem_shared>>
      %dma_wait3A_195 = arith.constant 0 : i32
      %dma_wait3A_196 = tpu.memref_slice %arg8[%add3A_37, %dma_wait3A_195] : memref<10112x128xf32, #tpu.memory_space<vmem_shared>> -> memref<64x128xf32, #tpu.memory_space<vmem_shared>>
      tpu.wait_dma2 semaphore(%run_scoped3A : memref<!tpu.dma_semaphore, #tpu.memory_space<semaphore_mem>>) src(%arg9 : memref<64x128xf32, #tpu.memory_space<vmem>>) dst(%dma_wait3A_196 : memref<64x128xf32, #tpu.memory_space<vmem_shared>>)
      tpu.yield
    }) : () -> ()
    %mul3A_38 = arith.constant 632 : i32
    %mul3A_39 = arith.muli %arg1, %mul3A_38 : i32
    %add3A_40 = arith.constant 512 : i32
    %add3A_41 = arith.addi %mul3A_39, %add3A_40 : i32
    "tpu.region"() ({
      %run_scoped3A = tpu.sem_alloc : memref<!tpu.dma_semaphore, #tpu.memory_space<semaphore_mem>>
      %dma_start3A_189 = arith.constant 0 : i32
      %dma_start3A_190 = tpu.memref_slice %arg8[%add3A_41, %dma_start3A_189] : memref<10112x128xf32, #tpu.memory_space<vmem_shared>> -> memref<64x128xf32, #tpu.memory_space<vmem_shared>>
      %dma_start3A_191 = arith.constant 0 : i32
      %dma_start3A_192 = tpu.memref_slice %arg8[%add3A_41, %dma_start3A_191] : memref<10112x128xf32, #tpu.memory_space<vmem_shared>> -> memref<64x128xf32, #tpu.memory_space<vmem_shared>>
      tpu.enqueue_dma source(%arg9 : memref<64x128xf32, #tpu.memory_space<vmem>>) target(%dma_start3A_192 : memref<64x128xf32, #tpu.memory_space<vmem_shared>>) target_semaphore(%run_scoped3A : memref<!tpu.dma_semaphore, #tpu.memory_space<semaphore_mem>>)
      %dma_wait3A_193 = arith.constant 0 : i32
      %dma_wait3A_194 = tpu.memref_slice %arg8[%add3A_41, %dma_wait3A_193] : memref<10112x128xf32, #tpu.memory_space<vmem_shared>> -> memref<64x128xf32, #tpu.memory_space<vmem_shared>>
      %dma_wait3A_195 = arith.constant 0 : i32
      %dma_wait3A_196 = tpu.memref_slice %arg8[%add3A_41, %dma_wait3A_195] : memref<10112x128xf32, #tpu.memory_space<vmem_shared>> -> memref<64x128xf32, #tpu.memory_space<vmem_shared>>
      tpu.wait_dma2 semaphore(%run_scoped3A : memref<!tpu.dma_semaphore, #tpu.memory_space<semaphore_mem>>) src(%arg9 : memref<64x128xf32, #tpu.memory_space<vmem>>) dst(%dma_wait3A_196 : memref<64x128xf32, #tpu.memory_space<vmem_shared>>)
      tpu.yield
    }) : () -> ()
    %mul3A_42 = arith.constant 632 : i32
    %mul3A_43 = arith.muli %arg1, %mul3A_42 : i32
    %add3A_44 = arith.constant 576 : i32
    %add3A_45 = arith.addi %mul3A_43, %add3A_44 : i32
    "tpu.region"() ({
      %run_scoped3A = tpu.sem_alloc : memref<!tpu.dma_semaphore, #tpu.memory_space<semaphore_mem>>
      %dma_start3A_189 = arith.constant 0 : i32
      %dma_start3A_190 = arith.constant 0 : i32
      %dma_start3A_191 = tpu.memref_slice %arg9[%dma_start3A_189, %dma_start3A_190] : memref<64x128xf32, #tpu.memory_space<vmem>> -> memref<56x128xf32, #tpu.memory_space<vmem>>
      %dma_start3A_192 = arith.constant 0 : i32
      %dma_start3A_193 = tpu.memref_slice %arg8[%add3A_45, %dma_start3A_192] : memref<10112x128xf32, #tpu.memory_space<vmem_shared>> -> memref<56x128xf32, #tpu.memory_space<vmem_shared>>
      %dma_start3A_194 = arith.constant 0 : i32
      %dma_start3A_195 = tpu.memref_slice %arg8[%add3A_45, %dma_start3A_194] : memref<10112x128xf32, #tpu.memory_space<vmem_shared>> -> memref<56x128xf32, #tpu.memory_space<vmem_shared>>
      %dma_start3A_196 = arith.constant 0 : i32
      %dma_start3A_197 = arith.constant 0 : i32
      %dma_start3A_198 = tpu.memref_slice %arg9[%dma_start3A_196, %dma_start3A_197] : memref<64x128xf32, #tpu.memory_space<vmem>> -> memref<56x128xf32, #tpu.memory_space<vmem>>
      tpu.enqueue_dma source(%dma_start3A_198 : memref<56x128xf32, #tpu.memory_space<vmem>>) target(%dma_start3A_195 : memref<56x128xf32, #tpu.memory_space<vmem_shared>>) target_semaphore(%run_scoped3A : memref<!tpu.dma_semaphore, #tpu.memory_space<semaphore_mem>>)
      %dma_wait3A_199 = arith.constant 0 : i32
      %dma_wait3A_200 = arith.constant 0 : i32
      %dma_wait3A_201 = tpu.memref_slice %arg9[%dma_wait3A_199, %dma_wait3A_200] : memref<64x128xf32, #tpu.memory_space<vmem>> -> memref<56x128xf32, #tpu.memory_space<vmem>>
      %dma_wait3A_202 = arith.constant 0 : i32
      %dma_wait3A_203 = tpu.memref_slice %arg8[%add3A_45, %dma_wait3A_202] : memref<10112x128xf32, #tpu.memory_space<vmem_shared>> -> memref<56x128xf32, #tpu.memory_space<vmem_shared>>
      %dma_wait3A_204 = arith.constant 0 : i32
      %dma_wait3A_205 = tpu.memref_slice %arg8[%add3A_45, %dma_wait3A_204] : memref<10112x128xf32, #tpu.memory_space<vmem_shared>> -> memref<56x128xf32, #tpu.memory_space<vmem_shared>>
      %dma_wait3A_206 = arith.constant 0 : i32
      %dma_wait3A_207 = arith.constant 0 : i32
      %dma_wait3A_208 = tpu.memref_slice %arg9[%dma_wait3A_206, %dma_wait3A_207] : memref<64x128xf32, #tpu.memory_space<vmem>> -> memref<56x128xf32, #tpu.memory_space<vmem>>
      tpu.wait_dma2 semaphore(%run_scoped3A : memref<!tpu.dma_semaphore, #tpu.memory_space<semaphore_mem>>) src(%dma_wait3A_208 : memref<56x128xf32, #tpu.memory_space<vmem>>) dst(%dma_wait3A_205 : memref<56x128xf32, #tpu.memory_space<vmem_shared>>)
      tpu.yield
    }) : () -> ()
    %barrier3A = arith.constant 0 : index
    tpu.barrier barrier_id(%barrier3A)
    "tpu.region"() ({
      %run_scoped3A = tpu.sem_alloc : memref<!tpu.dma_semaphore, #tpu.memory_space<semaphore_mem>>
      %dma_start3A_189 = arith.constant 0 : i32
      %dma_start3A_190 = arith.constant 0 : i32
      %dma_start3A_191 = tpu.memref_slice %arg3[%add3A, %dma_start3A_189, %dma_start3A_190] : memref<32x80x128xi32, #tpu.memory_space<hbm>> -> memref<1x40x128xi32, #tpu.memory_space<hbm>>
      %dma_start3A_192 = tpu.memref_squeeze %dma_start3A_191 : memref<1x40x128xi32, #tpu.memory_space<hbm>> -> memref<40x128xi32, #tpu.memory_space<hbm>>
      %dma_start3A_193 = arith.constant 0 : i32
      %dma_start3A_194 = arith.constant 0 : i32
      %dma_start3A_195 = tpu.memref_slice %arg3[%add3A, %dma_start3A_193, %dma_start3A_194] : memref<32x80x128xi32, #tpu.memory_space<hbm>> -> memref<1x40x128xi32, #tpu.memory_space<hbm>>
      %dma_start3A_196 = tpu.memref_squeeze %dma_start3A_195 : memref<1x40x128xi32, #tpu.memory_space<hbm>> -> memref<40x128xi32, #tpu.memory_space<hbm>>
      tpu.enqueue_dma source(%dma_start3A_196 : memref<40x128xi32, #tpu.memory_space<hbm>>) target(%arg6 : memref<40x128xi32, #tpu.memory_space<vmem>>) target_semaphore(%run_scoped3A : memref<!tpu.dma_semaphore, #tpu.memory_space<semaphore_mem>>)
      %dma_wait3A_197 = arith.constant 0 : i32
      %dma_wait3A_198 = arith.constant 0 : i32
      %dma_wait3A_199 = tpu.memref_slice %arg3[%add3A, %dma_wait3A_197, %dma_wait3A_198] : memref<32x80x128xi32, #tpu.memory_space<hbm>> -> memref<1x40x128xi32, #tpu.memory_space<hbm>>
      %dma_wait3A_200 = tpu.memref_squeeze %dma_wait3A_199 : memref<1x40x128xi32, #tpu.memory_space<hbm>> -> memref<40x128xi32, #tpu.memory_space<hbm>>
      %dma_wait3A_201 = arith.constant 0 : i32
      %dma_wait3A_202 = arith.constant 0 : i32
      %dma_wait3A_203 = tpu.memref_slice %arg3[%add3A, %dma_wait3A_201, %dma_wait3A_202] : memref<32x80x128xi32, #tpu.memory_space<hbm>> -> memref<1x40x128xi32, #tpu.memory_space<hbm>>
      %dma_wait3A_204 = tpu.memref_squeeze %dma_wait3A_203 : memref<1x40x128xi32, #tpu.memory_space<hbm>> -> memref<40x128xi32, #tpu.memory_space<hbm>>
      tpu.wait_dma2 semaphore(%run_scoped3A : memref<!tpu.dma_semaphore, #tpu.memory_space<semaphore_mem>>) src(%dma_wait3A_204 : memref<40x128xi32, #tpu.memory_space<hbm>>) dst(%arg6 : memref<40x128xi32, #tpu.memory_space<vmem>>)
      tpu.yield
    }) : () -> ()
    "tpu.region"() ({
      %run_scoped3A = tpu.sem_alloc : memref<!tpu.dma_semaphore, #tpu.memory_space<semaphore_mem>>
      %dma_start3A_189 = arith.constant 0 : i32
      %dma_start3A_190 = arith.constant 0 : i32
      %dma_start3A_191 = tpu.memref_slice %arg4[%add3A, %dma_start3A_189, %dma_start3A_190] : memref<32x160x64xi32, #tpu.memory_space<hbm>> -> memref<1x80x64xi32, #tpu.memory_space<hbm>>
      %dma_start3A_192 = tpu.memref_squeeze %dma_start3A_191 : memref<1x80x64xi32, #tpu.memory_space<hbm>> -> memref<80x64xi32, #tpu.memory_space<hbm>>
      %dma_start3A_193 = arith.constant 0 : i32
      %dma_start3A_194 = arith.constant 0 : i32
      %dma_start3A_195 = tpu.memref_slice %arg4[%add3A, %dma_start3A_193, %dma_start3A_194] : memref<32x160x64xi32, #tpu.memory_space<hbm>> -> memref<1x80x64xi32, #tpu.memory_space<hbm>>
      %dma_start3A_196 = tpu.memref_squeeze %dma_start3A_195 : memref<1x80x64xi32, #tpu.memory_space<hbm>> -> memref<80x64xi32, #tpu.memory_space<hbm>>
      tpu.enqueue_dma source(%dma_start3A_196 : memref<80x64xi32, #tpu.memory_space<hbm>>) target(%arg7 : memref<80x64xi32, #tpu.memory_space<vmem>>) target_semaphore(%run_scoped3A : memref<!tpu.dma_semaphore, #tpu.memory_space<semaphore_mem>>)
      %dma_wait3A_197 = arith.constant 0 : i32
      %dma_wait3A_198 = arith.constant 0 : i32
      %dma_wait3A_199 = tpu.memref_slice %arg4[%add3A, %dma_wait3A_197, %dma_wait3A_198] : memref<32x160x64xi32, #tpu.memory_space<hbm>> -> memref<1x80x64xi32, #tpu.memory_space<hbm>>
      %dma_wait3A_200 = tpu.memref_squeeze %dma_wait3A_199 : memref<1x80x64xi32, #tpu.memory_space<hbm>> -> memref<80x64xi32, #tpu.memory_space<hbm>>
      %dma_wait3A_201 = arith.constant 0 : i32
      %dma_wait3A_202 = arith.constant 0 : i32
      %dma_wait3A_203 = tpu.memref_slice %arg4[%add3A, %dma_wait3A_201, %dma_wait3A_202] : memref<32x160x64xi32, #tpu.memory_space<hbm>> -> memref<1x80x64xi32, #tpu.memory_space<hbm>>
      %dma_wait3A_204 = tpu.memref_squeeze %dma_wait3A_203 : memref<1x80x64xi32, #tpu.memory_space<hbm>> -> memref<80x64xi32, #tpu.memory_space<hbm>>
      tpu.wait_dma2 semaphore(%run_scoped3A : memref<!tpu.dma_semaphore, #tpu.memory_space<semaphore_mem>>) src(%dma_wait3A_204 : memref<80x64xi32, #tpu.memory_space<hbm>>) dst(%arg7 : memref<80x64xi32, #tpu.memory_space<vmem>>)
      tpu.yield
    }) : () -> ()
    %dma_start3A = arith.constant 0 : i32
    %dma_start3A_46 = arith.constant 0 : i32
    %dma_start3A_47 = tpu.memref_slice %arg6[%dma_start3A, %dma_start3A_46] : memref<40x128xi32, #tpu.memory_space<vmem>> -> memref<1x64xi32, #tpu.memory_space<vmem>>
    %dma_start3A_48 = tpu.memref_squeeze %dma_start3A_47 : memref<1x64xi32, #tpu.memory_space<vmem>> -> memref<64xi32, #tpu.memory_space<vmem>>
    %dma_start3A_49 = arith.constant 0 : i32
    %dma_start3A_50 = arith.constant 0 : i32
    %dma_start3A_51 = tpu.memref_slice %arg2[%dma_start3A_49, %dma_start3A_50] : memref<10000x128xf32, #tpu.memory_space<hbm>> -> memref<10000x128xf32, #tpu.memory_space<hbm>>
    tpu.enqueue_indirect_dma source(%dma_start3A_51 : memref<10000x128xf32, #tpu.memory_space<hbm>>) target(%arg9 : memref<64x128xf32, #tpu.memory_space<vmem>>) offsets(%dma_start3A_48 : memref<64xi32, #tpu.memory_space<vmem>>) semaphore(%arg12 : memref<!tpu.dma_semaphore, #tpu.memory_space<semaphore_mem>>)
    %dma_start3A_52 = arith.constant 0 : i32
    %dma_start3A_53 = arith.constant 64 : i32
    %dma_start3A_54 = tpu.memref_slice %arg6[%dma_start3A_52, %dma_start3A_53] : memref<40x128xi32, #tpu.memory_space<vmem>> -> memref<1x64xi32, #tpu.memory_space<vmem>>
    %dma_start3A_55 = tpu.memref_squeeze %dma_start3A_54 : memref<1x64xi32, #tpu.memory_space<vmem>> -> memref<64xi32, #tpu.memory_space<vmem>>
    %dma_start3A_56 = arith.constant 0 : i32
    %dma_start3A_57 = arith.constant 0 : i32
    %dma_start3A_58 = tpu.memref_slice %arg2[%dma_start3A_56, %dma_start3A_57] : memref<10000x128xf32, #tpu.memory_space<hbm>> -> memref<10000x128xf32, #tpu.memory_space<hbm>>
    tpu.enqueue_indirect_dma source(%dma_start3A_58 : memref<10000x128xf32, #tpu.memory_space<hbm>>) target(%arg10 : memref<64x128xf32, #tpu.memory_space<vmem>>) offsets(%dma_start3A_55 : memref<64xi32, #tpu.memory_space<vmem>>) semaphore(%arg13 : memref<!tpu.dma_semaphore, #tpu.memory_space<semaphore_mem>>)
    %scan3A_59 = arith.constant 0 : i32
    %scan3A_60 = arith.constant 0 : i32
    %scan3A_61 = arith.constant 26 : i32
    %scan3A_62 = arith.addi %scan3A_60, %scan3A_61 : i32
    %scan3A_63 = arith.constant 1 : i32
    scf.for %scan3A_189 = %scan3A_60 to %scan3A_62 step %scan3A_63  : i32 {
      %mul3A_190 = arith.constant 3 : i32
      %mul3A_191 = arith.muli %scan3A_189, %mul3A_190 : i32
      %add3A_192 = arith.constant 0 : i32
      %add3A_193 = arith.addi %mul3A_191, %add3A_192 : i32
      %jit3A = arith.constant 2 : i32
      %div3A = arith.divsi %add3A_193, %jit3A : i32
      %sign3A = arith.constant 0 : i32
      %sign3A_194 = arith.cmpi sgt, %add3A_193, %sign3A : i32
      %sign3A_195 = arith.extui %sign3A_194 : i1 to i32
      %sign3A_196 = arith.constant 0 : i32
      %sign3A_197 = arith.cmpi slt, %add3A_193, %sign3A_196 : i32
      %sign3A_198 = arith.extui %sign3A_197 : i1 to i32
      %sign3A_199 = arith.subi %sign3A_195, %sign3A_198 : i32
      %sign3A_200 = arith.constant 0 : i32
      %sign3A_201 = arith.cmpi sgt, %jit3A, %sign3A_200 : i32
      %sign3A_202 = arith.extui %sign3A_201 : i1 to i32
      %sign3A_203 = arith.constant 0 : i32
      %sign3A_204 = arith.cmpi slt, %jit3A, %sign3A_203 : i32
      %sign3A_205 = arith.extui %sign3A_204 : i1 to i32
      %sign3A_206 = arith.subi %sign3A_202, %sign3A_205 : i32
      %ne3A = arith.cmpi ne, %sign3A_199, %sign3A_206 : i32
      %rem3A = arith.remsi %add3A_193, %jit3A : i32
      %ne3A_207 = arith.constant 0 : i32
      %ne3A_208 = arith.cmpi ne, %rem3A, %ne3A_207 : i32
      %and3A = arith.andi %ne3A, %ne3A_208 : i1
      %sub3A = arith.constant 1 : i32
      %sub3A_209 = arith.subi %div3A, %sub3A : i32
      %select_n3A = arith.select %and3A, %sub3A_209, %div3A : i32
      %jit3A_210 = arith.constant 2 : i32
      %eq3A_211 = arith.constant 0 : i32
      %eq3A_212 = arith.cmpi eq, %jit3A_210, %eq3A_211 : i32
      %jit3A_213 = arith.constant 1 : i32
      %select_n3A_214 = arith.select %eq3A_212, %jit3A_213, %jit3A_210 : i32
      %rem3A_215 = arith.remsi %add3A_193, %select_n3A_214 : i32
      %ne3A_216 = arith.constant 0 : i32
      %ne3A_217 = arith.cmpi ne, %rem3A_215, %ne3A_216 : i32
      %lt3A = arith.constant 0 : i32
      %lt3A_218 = arith.cmpi slt, %rem3A_215, %lt3A : i32
      %lt3A_219 = arith.constant 0 : i32
      %lt3A_220 = arith.cmpi slt, %select_n3A_214, %lt3A_219 : i32
      %ne3A_221 = arith.xori %lt3A_218, %lt3A_220 : i1
      %and3A_222 = arith.andi %ne3A_221, %ne3A_217 : i1
      %add3A_223 = arith.addi %rem3A_215, %select_n3A_214 : i32
      %select_n3A_224 = arith.select %and3A_222, %add3A_223, %rem3A_215 : i32
      %mul3A_225 = arith.constant 64 : i32
      %mul3A_226 = arith.muli %select_n3A_224, %mul3A_225 : i32
      %dma_wait3A_227 = tpu.memref_slice %arg6[%select_n3A, %mul3A_226] : memref<40x128xi32, #tpu.memory_space<vmem>> -> memref<1x64xi32, #tpu.memory_space<vmem>>
      %dma_wait3A_228 = tpu.memref_squeeze %dma_wait3A_227 : memref<1x64xi32, #tpu.memory_space<vmem>> -> memref<64xi32, #tpu.memory_space<vmem>>
      %dma_wait3A_229 = arith.constant 0 : i32
      %dma_wait3A_230 = arith.constant 0 : i32
      %dma_wait3A_231 = tpu.memref_slice %arg2[%dma_wait3A_229, %dma_wait3A_230] : memref<10000x128xf32, #tpu.memory_space<hbm>> -> memref<10000x128xf32, #tpu.memory_space<hbm>>
      tpu.wait_indirect_dma semaphore(%arg12 : memref<!tpu.dma_semaphore, #tpu.memory_space<semaphore_mem>>) src(%dma_wait3A_231 : memref<10000x128xf32, #tpu.memory_space<hbm>>) dst(%arg9 : memref<64x128xf32, #tpu.memory_space<vmem>>)
      %dma_start3A_232 = arith.constant 0 : i32
      %dma_start3A_233 = tpu.memref_slice %arg7[%add3A_193, %dma_start3A_232] : memref<80x64xi32, #tpu.memory_space<vmem>> -> memref<1x64xi32, #tpu.memory_space<vmem>>
      %dma_start3A_234 = tpu.memref_squeeze %dma_start3A_233 : memref<1x64xi32, #tpu.memory_space<vmem>> -> memref<64xi32, #tpu.memory_space<vmem>>
      %dma_start3A_235 = arith.constant 0 : i32
      %dma_start3A_236 = arith.constant 0 : i32
      %dma_start3A_237 = tpu.memref_slice %arg8[%dma_start3A_235, %dma_start3A_236] : memref<10112x128xf32, #tpu.memory_space<vmem_shared>> -> memref<10112x128xf32, #tpu.memory_space<vmem_shared>>
      tpu.enqueue_indirect_dma source(%arg9 : memref<64x128xf32, #tpu.memory_space<vmem>>) target(%dma_start3A_237 : memref<10112x128xf32, #tpu.memory_space<vmem_shared>>) offsets(%dma_start3A_234 : memref<64xi32, #tpu.memory_space<vmem>>) semaphore(%arg15 : memref<!tpu.dma_semaphore, #tpu.memory_space<semaphore_mem>>) {add = true}
      %ge3A = arith.constant 1 : i32
      %ge3A_238 = arith.cmpi sge, %add3A_193, %ge3A : i32
      %convert_element_type3A_239 = arith.extui %ge3A_238 : i1 to i32
      %cond3A_240 = arith.constant 0 : i32
      %cond3A_241 = arith.cmpi ne, %convert_element_type3A_239, %cond3A_240 : i32
      scf.if %cond3A_241 {
        %sub3A_387 = arith.constant 1 : i32
        %sub3A_388 = arith.subi %add3A_193, %sub3A_387 : i32
        %dma_wait3A_389 = arith.constant 0 : i32
        %dma_wait3A_390 = tpu.memref_slice %arg7[%sub3A_388, %dma_wait3A_389] : memref<80x64xi32, #tpu.memory_space<vmem>> -> memref<1x64xi32, #tpu.memory_space<vmem>>
        %dma_wait3A_391 = tpu.memref_squeeze %dma_wait3A_390 : memref<1x64xi32, #tpu.memory_space<vmem>> -> memref<64xi32, #tpu.memory_space<vmem>>
        %dma_wait3A_392 = arith.constant 0 : i32
        %dma_wait3A_393 = arith.constant 0 : i32
        %dma_wait3A_394 = tpu.memref_slice %arg8[%dma_wait3A_392, %dma_wait3A_393] : memref<10112x128xf32, #tpu.memory_space<vmem_shared>> -> memref<10112x128xf32, #tpu.memory_space<vmem_shared>>
        tpu.wait_indirect_dma semaphore(%arg17 : memref<!tpu.dma_semaphore, #tpu.memory_space<semaphore_mem>>) src(%arg11 : memref<64x128xf32, #tpu.memory_space<vmem>>) dst(%dma_wait3A_394 : memref<10112x128xf32, #tpu.memory_space<vmem_shared>>)
      } else {
      }
      %add3A_242 = arith.constant 2 : i32
      %add3A_243 = arith.addi %add3A_193, %add3A_242 : i32
      %lt3A_244 = arith.constant 80 : i32
      %lt3A_245 = arith.cmpi slt, %add3A_243, %lt3A_244 : i32
      %convert_element_type3A_246 = arith.extui %lt3A_245 : i1 to i32
      %cond3A_247 = arith.constant 0 : i32
      %cond3A_248 = arith.cmpi ne, %convert_element_type3A_246, %cond3A_247 : i32
      scf.if %cond3A_248 {
        %add3A_387 = arith.constant 2 : i32
        %add3A_388 = arith.addi %add3A_193, %add3A_387 : i32
        %jit3A_389 = arith.constant 2 : i32
        %div3A_390 = arith.divsi %add3A_388, %jit3A_389 : i32
        %sign3A_391 = arith.constant 0 : i32
        %sign3A_392 = arith.cmpi sgt, %add3A_388, %sign3A_391 : i32
        %sign3A_393 = arith.extui %sign3A_392 : i1 to i32
        %sign3A_394 = arith.constant 0 : i32
        %sign3A_395 = arith.cmpi slt, %add3A_388, %sign3A_394 : i32
        %sign3A_396 = arith.extui %sign3A_395 : i1 to i32
        %sign3A_397 = arith.subi %sign3A_393, %sign3A_396 : i32
        %sign3A_398 = arith.constant 0 : i32
        %sign3A_399 = arith.cmpi sgt, %jit3A_389, %sign3A_398 : i32
        %sign3A_400 = arith.extui %sign3A_399 : i1 to i32
        %sign3A_401 = arith.constant 0 : i32
        %sign3A_402 = arith.cmpi slt, %jit3A_389, %sign3A_401 : i32
        %sign3A_403 = arith.extui %sign3A_402 : i1 to i32
        %sign3A_404 = arith.subi %sign3A_400, %sign3A_403 : i32
        %ne3A_405 = arith.cmpi ne, %sign3A_397, %sign3A_404 : i32
        %rem3A_406 = arith.remsi %add3A_388, %jit3A_389 : i32
        %ne3A_407 = arith.constant 0 : i32
        %ne3A_408 = arith.cmpi ne, %rem3A_406, %ne3A_407 : i32
        %and3A_409 = arith.andi %ne3A_405, %ne3A_408 : i1
        %sub3A_410 = arith.constant 1 : i32
        %sub3A_411 = arith.subi %div3A_390, %sub3A_410 : i32
        %select_n3A_412 = arith.select %and3A_409, %sub3A_411, %div3A_390 : i32
        %jit3A_413 = arith.constant 2 : i32
        %eq3A_414 = arith.constant 0 : i32
        %eq3A_415 = arith.cmpi eq, %jit3A_413, %eq3A_414 : i32
        %jit3A_416 = arith.constant 1 : i32
        %select_n3A_417 = arith.select %eq3A_415, %jit3A_416, %jit3A_413 : i32
        %rem3A_418 = arith.remsi %add3A_388, %select_n3A_417 : i32
        %ne3A_419 = arith.constant 0 : i32
        %ne3A_420 = arith.cmpi ne, %rem3A_418, %ne3A_419 : i32
        %lt3A_421 = arith.constant 0 : i32
        %lt3A_422 = arith.cmpi slt, %rem3A_418, %lt3A_421 : i32
        %lt3A_423 = arith.constant 0 : i32
        %lt3A_424 = arith.cmpi slt, %select_n3A_417, %lt3A_423 : i32
        %ne3A_425 = arith.xori %lt3A_422, %lt3A_424 : i1
        %and3A_426 = arith.andi %ne3A_425, %ne3A_420 : i1
        %add3A_427 = arith.addi %rem3A_418, %select_n3A_417 : i32
        %select_n3A_428 = arith.select %and3A_426, %add3A_427, %rem3A_418 : i32
        %mul3A_429 = arith.constant 64 : i32
        %mul3A_430 = arith.muli %select_n3A_428, %mul3A_429 : i32
        %dma_start3A_431 = tpu.memref_slice %arg6[%select_n3A_412, %mul3A_430] : memref<40x128xi32, #tpu.memory_space<vmem>> -> memref<1x64xi32, #tpu.memory_space<vmem>>
        %dma_start3A_432 = tpu.memref_squeeze %dma_start3A_431 : memref<1x64xi32, #tpu.memory_space<vmem>> -> memref<64xi32, #tpu.memory_space<vmem>>
        %dma_start3A_433 = arith.constant 0 : i32
        %dma_start3A_434 = arith.constant 0 : i32
        %dma_start3A_435 = tpu.memref_slice %arg2[%dma_start3A_433, %dma_start3A_434] : memref<10000x128xf32, #tpu.memory_space<hbm>> -> memref<10000x128xf32, #tpu.memory_space<hbm>>
        tpu.enqueue_indirect_dma source(%dma_start3A_435 : memref<10000x128xf32, #tpu.memory_space<hbm>>) target(%arg11 : memref<64x128xf32, #tpu.memory_space<vmem>>) offsets(%dma_start3A_432 : memref<64xi32, #tpu.memory_space<vmem>>) semaphore(%arg14 : memref<!tpu.dma_semaphore, #tpu.memory_space<semaphore_mem>>)
      } else {
      }
      %mul3A_249 = arith.constant 3 : i32
      %mul3A_250 = arith.muli %scan3A_189, %mul3A_249 : i32
      %add3A_251 = arith.constant 1 : i32
      %add3A_252 = arith.addi %mul3A_250, %add3A_251 : i32
      %jit3A_253 = arith.constant 2 : i32
      %div3A_254 = arith.divsi %add3A_252, %jit3A_253 : i32
      %sign3A_255 = arith.constant 0 : i32
      %sign3A_256 = arith.cmpi sgt, %add3A_252, %sign3A_255 : i32
      %sign3A_257 = arith.extui %sign3A_256 : i1 to i32
      %sign3A_258 = arith.constant 0 : i32
      %sign3A_259 = arith.cmpi slt, %add3A_252, %sign3A_258 : i32
      %sign3A_260 = arith.extui %sign3A_259 : i1 to i32
      %sign3A_261 = arith.subi %sign3A_257, %sign3A_260 : i32
      %sign3A_262 = arith.constant 0 : i32
      %sign3A_263 = arith.cmpi sgt, %jit3A_253, %sign3A_262 : i32
      %sign3A_264 = arith.extui %sign3A_263 : i1 to i32
      %sign3A_265 = arith.constant 0 : i32
      %sign3A_266 = arith.cmpi slt, %jit3A_253, %sign3A_265 : i32
      %sign3A_267 = arith.extui %sign3A_266 : i1 to i32
      %sign3A_268 = arith.subi %sign3A_264, %sign3A_267 : i32
      %ne3A_269 = arith.cmpi ne, %sign3A_261, %sign3A_268 : i32
      %rem3A_270 = arith.remsi %add3A_252, %jit3A_253 : i32
      %ne3A_271 = arith.constant 0 : i32
      %ne3A_272 = arith.cmpi ne, %rem3A_270, %ne3A_271 : i32
      %and3A_273 = arith.andi %ne3A_269, %ne3A_272 : i1
      %sub3A_274 = arith.constant 1 : i32
      %sub3A_275 = arith.subi %div3A_254, %sub3A_274 : i32
      %select_n3A_276 = arith.select %and3A_273, %sub3A_275, %div3A_254 : i32
      %jit3A_277 = arith.constant 2 : i32
      %eq3A_278 = arith.constant 0 : i32
      %eq3A_279 = arith.cmpi eq, %jit3A_277, %eq3A_278 : i32
      %jit3A_280 = arith.constant 1 : i32
      %select_n3A_281 = arith.select %eq3A_279, %jit3A_280, %jit3A_277 : i32
      %rem3A_282 = arith.remsi %add3A_252, %select_n3A_281 : i32
      %ne3A_283 = arith.constant 0 : i32
      %ne3A_284 = arith.cmpi ne, %rem3A_282, %ne3A_283 : i32
      %lt3A_285 = arith.constant 0 : i32
      %lt3A_286 = arith.cmpi slt, %rem3A_282, %lt3A_285 : i32
      %lt3A_287 = arith.constant 0 : i32
      %lt3A_288 = arith.cmpi slt, %select_n3A_281, %lt3A_287 : i32
      %ne3A_289 = arith.xori %lt3A_286, %lt3A_288 : i1
      %and3A_290 = arith.andi %ne3A_289, %ne3A_284 : i1
      %add3A_291 = arith.addi %rem3A_282, %select_n3A_281 : i32
      %select_n3A_292 = arith.select %and3A_290, %add3A_291, %rem3A_282 : i32
      %mul3A_293 = arith.constant 64 : i32
      %mul3A_294 = arith.muli %select_n3A_292, %mul3A_293 : i32
      %dma_wait3A_295 = tpu.memref_slice %arg6[%select_n3A_276, %mul3A_294] : memref<40x128xi32, #tpu.memory_space<vmem>> -> memref<1x64xi32, #tpu.memory_space<vmem>>
      %dma_wait3A_296 = tpu.memref_squeeze %dma_wait3A_295 : memref<1x64xi32, #tpu.memory_space<vmem>> -> memref<64xi32, #tpu.memory_space<vmem>>
      %dma_wait3A_297 = arith.constant 0 : i32
      %dma_wait3A_298 = arith.constant 0 : i32
      %dma_wait3A_299 = tpu.memref_slice %arg2[%dma_wait3A_297, %dma_wait3A_298] : memref<10000x128xf32, #tpu.memory_space<hbm>> -> memref<10000x128xf32, #tpu.memory_space<hbm>>
      tpu.wait_indirect_dma semaphore(%arg13 : memref<!tpu.dma_semaphore, #tpu.memory_space<semaphore_mem>>) src(%dma_wait3A_299 : memref<10000x128xf32, #tpu.memory_space<hbm>>) dst(%arg10 : memref<64x128xf32, #tpu.memory_space<vmem>>)
      %dma_start3A_300 = arith.constant 0 : i32
      %dma_start3A_301 = tpu.memref_slice %arg7[%add3A_252, %dma_start3A_300] : memref<80x64xi32, #tpu.memory_space<vmem>> -> memref<1x64xi32, #tpu.memory_space<vmem>>
      %dma_start3A_302 = tpu.memref_squeeze %dma_start3A_301 : memref<1x64xi32, #tpu.memory_space<vmem>> -> memref<64xi32, #tpu.memory_space<vmem>>
      %dma_start3A_303 = arith.constant 0 : i32
      %dma_start3A_304 = arith.constant 0 : i32
      %dma_start3A_305 = tpu.memref_slice %arg8[%dma_start3A_303, %dma_start3A_304] : memref<10112x128xf32, #tpu.memory_space<vmem_shared>> -> memref<10112x128xf32, #tpu.memory_space<vmem_shared>>
      tpu.enqueue_indirect_dma source(%arg10 : memref<64x128xf32, #tpu.memory_space<vmem>>) target(%dma_start3A_305 : memref<10112x128xf32, #tpu.memory_space<vmem_shared>>) offsets(%dma_start3A_302 : memref<64xi32, #tpu.memory_space<vmem>>) semaphore(%arg16 : memref<!tpu.dma_semaphore, #tpu.memory_space<semaphore_mem>>) {add = true}
      %ge3A_306 = arith.constant 1 : i32
      %ge3A_307 = arith.cmpi sge, %add3A_252, %ge3A_306 : i32
      %convert_element_type3A_308 = arith.extui %ge3A_307 : i1 to i32
      %cond3A_309 = arith.constant 0 : i32
      %cond3A_310 = arith.cmpi ne, %convert_element_type3A_308, %cond3A_309 : i32
      scf.if %cond3A_310 {
        %sub3A_387 = arith.constant 1 : i32
        %sub3A_388 = arith.subi %add3A_252, %sub3A_387 : i32
        %dma_wait3A_389 = arith.constant 0 : i32
        %dma_wait3A_390 = tpu.memref_slice %arg7[%sub3A_388, %dma_wait3A_389] : memref<80x64xi32, #tpu.memory_space<vmem>> -> memref<1x64xi32, #tpu.memory_space<vmem>>
        %dma_wait3A_391 = tpu.memref_squeeze %dma_wait3A_390 : memref<1x64xi32, #tpu.memory_space<vmem>> -> memref<64xi32, #tpu.memory_space<vmem>>
        %dma_wait3A_392 = arith.constant 0 : i32
        %dma_wait3A_393 = arith.constant 0 : i32
        %dma_wait3A_394 = tpu.memref_slice %arg8[%dma_wait3A_392, %dma_wait3A_393] : memref<10112x128xf32, #tpu.memory_space<vmem_shared>> -> memref<10112x128xf32, #tpu.memory_space<vmem_shared>>
        tpu.wait_indirect_dma semaphore(%arg15 : memref<!tpu.dma_semaphore, #tpu.memory_space<semaphore_mem>>) src(%arg9 : memref<64x128xf32, #tpu.memory_space<vmem>>) dst(%dma_wait3A_394 : memref<10112x128xf32, #tpu.memory_space<vmem_shared>>)
      } else {
      }
      %add3A_311 = arith.constant 2 : i32
      %add3A_312 = arith.addi %add3A_252, %add3A_311 : i32
      %lt3A_313 = arith.constant 80 : i32
      %lt3A_314 = arith.cmpi slt, %add3A_312, %lt3A_313 : i32
      %convert_element_type3A_315 = arith.extui %lt3A_314 : i1 to i32
      %cond3A_316 = arith.constant 0 : i32
      %cond3A_317 = arith.cmpi ne, %convert_element_type3A_315, %cond3A_316 : i32
      scf.if %cond3A_317 {
        %add3A_387 = arith.constant 2 : i32
        %add3A_388 = arith.addi %add3A_252, %add3A_387 : i32
        %jit3A_389 = arith.constant 2 : i32
        %div3A_390 = arith.divsi %add3A_388, %jit3A_389 : i32
        %sign3A_391 = arith.constant 0 : i32
        %sign3A_392 = arith.cmpi sgt, %add3A_388, %sign3A_391 : i32
        %sign3A_393 = arith.extui %sign3A_392 : i1 to i32
        %sign3A_394 = arith.constant 0 : i32
        %sign3A_395 = arith.cmpi slt, %add3A_388, %sign3A_394 : i32
        %sign3A_396 = arith.extui %sign3A_395 : i1 to i32
        %sign3A_397 = arith.subi %sign3A_393, %sign3A_396 : i32
        %sign3A_398 = arith.constant 0 : i32
        %sign3A_399 = arith.cmpi sgt, %jit3A_389, %sign3A_398 : i32
        %sign3A_400 = arith.extui %sign3A_399 : i1 to i32
        %sign3A_401 = arith.constant 0 : i32
        %sign3A_402 = arith.cmpi slt, %jit3A_389, %sign3A_401 : i32
        %sign3A_403 = arith.extui %sign3A_402 : i1 to i32
        %sign3A_404 = arith.subi %sign3A_400, %sign3A_403 : i32
        %ne3A_405 = arith.cmpi ne, %sign3A_397, %sign3A_404 : i32
        %rem3A_406 = arith.remsi %add3A_388, %jit3A_389 : i32
        %ne3A_407 = arith.constant 0 : i32
        %ne3A_408 = arith.cmpi ne, %rem3A_406, %ne3A_407 : i32
        %and3A_409 = arith.andi %ne3A_405, %ne3A_408 : i1
        %sub3A_410 = arith.constant 1 : i32
        %sub3A_411 = arith.subi %div3A_390, %sub3A_410 : i32
        %select_n3A_412 = arith.select %and3A_409, %sub3A_411, %div3A_390 : i32
        %jit3A_413 = arith.constant 2 : i32
        %eq3A_414 = arith.constant 0 : i32
        %eq3A_415 = arith.cmpi eq, %jit3A_413, %eq3A_414 : i32
        %jit3A_416 = arith.constant 1 : i32
        %select_n3A_417 = arith.select %eq3A_415, %jit3A_416, %jit3A_413 : i32
        %rem3A_418 = arith.remsi %add3A_388, %select_n3A_417 : i32
        %ne3A_419 = arith.constant 0 : i32
        %ne3A_420 = arith.cmpi ne, %rem3A_418, %ne3A_419 : i32
        %lt3A_421 = arith.constant 0 : i32
        %lt3A_422 = arith.cmpi slt, %rem3A_418, %lt3A_421 : i32
        %lt3A_423 = arith.constant 0 : i32
        %lt3A_424 = arith.cmpi slt, %select_n3A_417, %lt3A_423 : i32
        %ne3A_425 = arith.xori %lt3A_422, %lt3A_424 : i1
        %and3A_426 = arith.andi %ne3A_425, %ne3A_420 : i1
        %add3A_427 = arith.addi %rem3A_418, %select_n3A_417 : i32
        %select_n3A_428 = arith.select %and3A_426, %add3A_427, %rem3A_418 : i32
        %mul3A_429 = arith.constant 64 : i32
        %mul3A_430 = arith.muli %select_n3A_428, %mul3A_429 : i32
        %dma_start3A_431 = tpu.memref_slice %arg6[%select_n3A_412, %mul3A_430] : memref<40x128xi32, #tpu.memory_space<vmem>> -> memref<1x64xi32, #tpu.memory_space<vmem>>
        %dma_start3A_432 = tpu.memref_squeeze %dma_start3A_431 : memref<1x64xi32, #tpu.memory_space<vmem>> -> memref<64xi32, #tpu.memory_space<vmem>>
        %dma_start3A_433 = arith.constant 0 : i32
        %dma_start3A_434 = arith.constant 0 : i32
        %dma_start3A_435 = tpu.memref_slice %arg2[%dma_start3A_433, %dma_start3A_434] : memref<10000x128xf32, #tpu.memory_space<hbm>> -> memref<10000x128xf32, #tpu.memory_space<hbm>>
        tpu.enqueue_indirect_dma source(%dma_start3A_435 : memref<10000x128xf32, #tpu.memory_space<hbm>>) target(%arg9 : memref<64x128xf32, #tpu.memory_space<vmem>>) offsets(%dma_start3A_432 : memref<64xi32, #tpu.memory_space<vmem>>) semaphore(%arg12 : memref<!tpu.dma_semaphore, #tpu.memory_space<semaphore_mem>>)
      } else {
      }
      %mul3A_318 = arith.constant 3 : i32
      %mul3A_319 = arith.muli %scan3A_189, %mul3A_318 : i32
      %add3A_320 = arith.constant 2 : i32
      %add3A_321 = arith.addi %mul3A_319, %add3A_320 : i32
      %jit3A_322 = arith.constant 2 : i32
      %div3A_323 = arith.divsi %add3A_321, %jit3A_322 : i32
      %sign3A_324 = arith.constant 0 : i32
      %sign3A_325 = arith.cmpi sgt, %add3A_321, %sign3A_324 : i32
      %sign3A_326 = arith.extui %sign3A_325 : i1 to i32
      %sign3A_327 = arith.constant 0 : i32
      %sign3A_328 = arith.cmpi slt, %add3A_321, %sign3A_327 : i32
      %sign3A_329 = arith.extui %sign3A_328 : i1 to i32
      %sign3A_330 = arith.subi %sign3A_326, %sign3A_329 : i32
      %sign3A_331 = arith.constant 0 : i32
      %sign3A_332 = arith.cmpi sgt, %jit3A_322, %sign3A_331 : i32
      %sign3A_333 = arith.extui %sign3A_332 : i1 to i32
      %sign3A_334 = arith.constant 0 : i32
      %sign3A_335 = arith.cmpi slt, %jit3A_322, %sign3A_334 : i32
      %sign3A_336 = arith.extui %sign3A_335 : i1 to i32
      %sign3A_337 = arith.subi %sign3A_333, %sign3A_336 : i32
      %ne3A_338 = arith.cmpi ne, %sign3A_330, %sign3A_337 : i32
      %rem3A_339 = arith.remsi %add3A_321, %jit3A_322 : i32
      %ne3A_340 = arith.constant 0 : i32
      %ne3A_341 = arith.cmpi ne, %rem3A_339, %ne3A_340 : i32
      %and3A_342 = arith.andi %ne3A_338, %ne3A_341 : i1
      %sub3A_343 = arith.constant 1 : i32
      %sub3A_344 = arith.subi %div3A_323, %sub3A_343 : i32
      %select_n3A_345 = arith.select %and3A_342, %sub3A_344, %div3A_323 : i32
      %jit3A_346 = arith.constant 2 : i32
      %eq3A_347 = arith.constant 0 : i32
      %eq3A_348 = arith.cmpi eq, %jit3A_346, %eq3A_347 : i32
      %jit3A_349 = arith.constant 1 : i32
      %select_n3A_350 = arith.select %eq3A_348, %jit3A_349, %jit3A_346 : i32
      %rem3A_351 = arith.remsi %add3A_321, %select_n3A_350 : i32
      %ne3A_352 = arith.constant 0 : i32
      %ne3A_353 = arith.cmpi ne, %rem3A_351, %ne3A_352 : i32
      %lt3A_354 = arith.constant 0 : i32
      %lt3A_355 = arith.cmpi slt, %rem3A_351, %lt3A_354 : i32
      %lt3A_356 = arith.constant 0 : i32
      %lt3A_357 = arith.cmpi slt, %select_n3A_350, %lt3A_356 : i32
      %ne3A_358 = arith.xori %lt3A_355, %lt3A_357 : i1
      %and3A_359 = arith.andi %ne3A_358, %ne3A_353 : i1
      %add3A_360 = arith.addi %rem3A_351, %select_n3A_350 : i32
      %select_n3A_361 = arith.select %and3A_359, %add3A_360, %rem3A_351 : i32
      %mul3A_362 = arith.constant 64 : i32
      %mul3A_363 = arith.muli %select_n3A_361, %mul3A_362 : i32
      %dma_wait3A_364 = tpu.memref_slice %arg6[%select_n3A_345, %mul3A_363] : memref<40x128xi32, #tpu.memory_space<vmem>> -> memref<1x64xi32, #tpu.memory_space<vmem>>
      %dma_wait3A_365 = tpu.memref_squeeze %dma_wait3A_364 : memref<1x64xi32, #tpu.memory_space<vmem>> -> memref<64xi32, #tpu.memory_space<vmem>>
      %dma_wait3A_366 = arith.constant 0 : i32
      %dma_wait3A_367 = arith.constant 0 : i32
      %dma_wait3A_368 = tpu.memref_slice %arg2[%dma_wait3A_366, %dma_wait3A_367] : memref<10000x128xf32, #tpu.memory_space<hbm>> -> memref<10000x128xf32, #tpu.memory_space<hbm>>
      tpu.wait_indirect_dma semaphore(%arg14 : memref<!tpu.dma_semaphore, #tpu.memory_space<semaphore_mem>>) src(%dma_wait3A_368 : memref<10000x128xf32, #tpu.memory_space<hbm>>) dst(%arg11 : memref<64x128xf32, #tpu.memory_space<vmem>>)
      %dma_start3A_369 = arith.constant 0 : i32
      %dma_start3A_370 = tpu.memref_slice %arg7[%add3A_321, %dma_start3A_369] : memref<80x64xi32, #tpu.memory_space<vmem>> -> memref<1x64xi32, #tpu.memory_space<vmem>>
      %dma_start3A_371 = tpu.memref_squeeze %dma_start3A_370 : memref<1x64xi32, #tpu.memory_space<vmem>> -> memref<64xi32, #tpu.memory_space<vmem>>
      %dma_start3A_372 = arith.constant 0 : i32
      %dma_start3A_373 = arith.constant 0 : i32
      %dma_start3A_374 = tpu.memref_slice %arg8[%dma_start3A_372, %dma_start3A_373] : memref<10112x128xf32, #tpu.memory_space<vmem_shared>> -> memref<10112x128xf32, #tpu.memory_space<vmem_shared>>
      tpu.enqueue_indirect_dma source(%arg11 : memref<64x128xf32, #tpu.memory_space<vmem>>) target(%dma_start3A_374 : memref<10112x128xf32, #tpu.memory_space<vmem_shared>>) offsets(%dma_start3A_371 : memref<64xi32, #tpu.memory_space<vmem>>) semaphore(%arg17 : memref<!tpu.dma_semaphore, #tpu.memory_space<semaphore_mem>>) {add = true}
      %ge3A_375 = arith.constant 1 : i32
      %ge3A_376 = arith.cmpi sge, %add3A_321, %ge3A_375 : i32
      %convert_element_type3A_377 = arith.extui %ge3A_376 : i1 to i32
      %cond3A_378 = arith.constant 0 : i32
      %cond3A_379 = arith.cmpi ne, %convert_element_type3A_377, %cond3A_378 : i32
      scf.if %cond3A_379 {
        %sub3A_387 = arith.constant 1 : i32
        %sub3A_388 = arith.subi %add3A_321, %sub3A_387 : i32
        %dma_wait3A_389 = arith.constant 0 : i32
        %dma_wait3A_390 = tpu.memref_slice %arg7[%sub3A_388, %dma_wait3A_389] : memref<80x64xi32, #tpu.memory_space<vmem>> -> memref<1x64xi32, #tpu.memory_space<vmem>>
        %dma_wait3A_391 = tpu.memref_squeeze %dma_wait3A_390 : memref<1x64xi32, #tpu.memory_space<vmem>> -> memref<64xi32, #tpu.memory_space<vmem>>
        %dma_wait3A_392 = arith.constant 0 : i32
        %dma_wait3A_393 = arith.constant 0 : i32
        %dma_wait3A_394 = tpu.memref_slice %arg8[%dma_wait3A_392, %dma_wait3A_393] : memref<10112x128xf32, #tpu.memory_space<vmem_shared>> -> memref<10112x128xf32, #tpu.memory_space<vmem_shared>>
        tpu.wait_indirect_dma semaphore(%arg16 : memref<!tpu.dma_semaphore, #tpu.memory_space<semaphore_mem>>) src(%arg10 : memref<64x128xf32, #tpu.memory_space<vmem>>) dst(%dma_wait3A_394 : memref<10112x128xf32, #tpu.memory_space<vmem_shared>>)
      } else {
      }
      %add3A_380 = arith.constant 2 : i32
      %add3A_381 = arith.addi %add3A_321, %add3A_380 : i32
      %lt3A_382 = arith.constant 80 : i32
      %lt3A_383 = arith.cmpi slt, %add3A_381, %lt3A_382 : i32
      %convert_element_type3A_384 = arith.extui %lt3A_383 : i1 to i32
      %cond3A_385 = arith.constant 0 : i32
      %cond3A_386 = arith.cmpi ne, %convert_element_type3A_384, %cond3A_385 : i32
      scf.if %cond3A_386 {
        %add3A_387 = arith.constant 2 : i32
        %add3A_388 = arith.addi %add3A_321, %add3A_387 : i32
        %jit3A_389 = arith.constant 2 : i32
        %div3A_390 = arith.divsi %add3A_388, %jit3A_389 : i32
        %sign3A_391 = arith.constant 0 : i32
        %sign3A_392 = arith.cmpi sgt, %add3A_388, %sign3A_391 : i32
        %sign3A_393 = arith.extui %sign3A_392 : i1 to i32
        %sign3A_394 = arith.constant 0 : i32
        %sign3A_395 = arith.cmpi slt, %add3A_388, %sign3A_394 : i32
        %sign3A_396 = arith.extui %sign3A_395 : i1 to i32
        %sign3A_397 = arith.subi %sign3A_393, %sign3A_396 : i32
        %sign3A_398 = arith.constant 0 : i32
        %sign3A_399 = arith.cmpi sgt, %jit3A_389, %sign3A_398 : i32
        %sign3A_400 = arith.extui %sign3A_399 : i1 to i32
        %sign3A_401 = arith.constant 0 : i32
        %sign3A_402 = arith.cmpi slt, %jit3A_389, %sign3A_401 : i32
        %sign3A_403 = arith.extui %sign3A_402 : i1 to i32
        %sign3A_404 = arith.subi %sign3A_400, %sign3A_403 : i32
        %ne3A_405 = arith.cmpi ne, %sign3A_397, %sign3A_404 : i32
        %rem3A_406 = arith.remsi %add3A_388, %jit3A_389 : i32
        %ne3A_407 = arith.constant 0 : i32
        %ne3A_408 = arith.cmpi ne, %rem3A_406, %ne3A_407 : i32
        %and3A_409 = arith.andi %ne3A_405, %ne3A_408 : i1
        %sub3A_410 = arith.constant 1 : i32
        %sub3A_411 = arith.subi %div3A_390, %sub3A_410 : i32
        %select_n3A_412 = arith.select %and3A_409, %sub3A_411, %div3A_390 : i32
        %jit3A_413 = arith.constant 2 : i32
        %eq3A_414 = arith.constant 0 : i32
        %eq3A_415 = arith.cmpi eq, %jit3A_413, %eq3A_414 : i32
        %jit3A_416 = arith.constant 1 : i32
        %select_n3A_417 = arith.select %eq3A_415, %jit3A_416, %jit3A_413 : i32
        %rem3A_418 = arith.remsi %add3A_388, %select_n3A_417 : i32
        %ne3A_419 = arith.constant 0 : i32
        %ne3A_420 = arith.cmpi ne, %rem3A_418, %ne3A_419 : i32
        %lt3A_421 = arith.constant 0 : i32
        %lt3A_422 = arith.cmpi slt, %rem3A_418, %lt3A_421 : i32
        %lt3A_423 = arith.constant 0 : i32
        %lt3A_424 = arith.cmpi slt, %select_n3A_417, %lt3A_423 : i32
        %ne3A_425 = arith.xori %lt3A_422, %lt3A_424 : i1
        %and3A_426 = arith.andi %ne3A_425, %ne3A_420 : i1
        %add3A_427 = arith.addi %rem3A_418, %select_n3A_417 : i32
        %select_n3A_428 = arith.select %and3A_426, %add3A_427, %rem3A_418 : i32
        %mul3A_429 = arith.constant 64 : i32
        %mul3A_430 = arith.muli %select_n3A_428, %mul3A_429 : i32
        %dma_start3A_431 = tpu.memref_slice %arg6[%select_n3A_412, %mul3A_430] : memref<40x128xi32, #tpu.memory_space<vmem>> -> memref<1x64xi32, #tpu.memory_space<vmem>>
        %dma_start3A_432 = tpu.memref_squeeze %dma_start3A_431 : memref<1x64xi32, #tpu.memory_space<vmem>> -> memref<64xi32, #tpu.memory_space<vmem>>
        %dma_start3A_433 = arith.constant 0 : i32
        %dma_start3A_434 = arith.constant 0 : i32
        %dma_start3A_435 = tpu.memref_slice %arg2[%dma_start3A_433, %dma_start3A_434] : memref<10000x128xf32, #tpu.memory_space<hbm>> -> memref<10000x128xf32, #tpu.memory_space<hbm>>
        tpu.enqueue_indirect_dma source(%dma_start3A_435 : memref<10000x128xf32, #tpu.memory_space<hbm>>) target(%arg10 : memref<64x128xf32, #tpu.memory_space<vmem>>) offsets(%dma_start3A_432 : memref<64xi32, #tpu.memory_space<vmem>>) semaphore(%arg13 : memref<!tpu.dma_semaphore, #tpu.memory_space<semaphore_mem>>)
      } else {
      }
    }
    %scan3A_64 = arith.constant 26 : i32
    %dma_wait3A = arith.constant 39 : i32
    %dma_wait3A_65 = arith.constant 0 : i32
    %dma_wait3A_66 = tpu.memref_slice %arg6[%dma_wait3A, %dma_wait3A_65] : memref<40x128xi32, #tpu.memory_space<vmem>> -> memref<1x64xi32, #tpu.memory_space<vmem>>
    %dma_wait3A_67 = tpu.memref_squeeze %dma_wait3A_66 : memref<1x64xi32, #tpu.memory_space<vmem>> -> memref<64xi32, #tpu.memory_space<vmem>>
    %dma_wait3A_68 = arith.constant 0 : i32
    %dma_wait3A_69 = arith.constant 0 : i32
    %dma_wait3A_70 = tpu.memref_slice %arg2[%dma_wait3A_68, %dma_wait3A_69] : memref<10000x128xf32, #tpu.memory_space<hbm>> -> memref<10000x128xf32, #tpu.memory_space<hbm>>
    tpu.wait_indirect_dma semaphore(%arg12 : memref<!tpu.dma_semaphore, #tpu.memory_space<semaphore_mem>>) src(%dma_wait3A_70 : memref<10000x128xf32, #tpu.memory_space<hbm>>) dst(%arg9 : memref<64x128xf32, #tpu.memory_space<vmem>>)
    %dma_start3A_71 = arith.constant 78 : i32
    %dma_start3A_72 = arith.constant 0 : i32
    %dma_start3A_73 = tpu.memref_slice %arg7[%dma_start3A_71, %dma_start3A_72] : memref<80x64xi32, #tpu.memory_space<vmem>> -> memref<1x64xi32, #tpu.memory_space<vmem>>
    %dma_start3A_74 = tpu.memref_squeeze %dma_start3A_73 : memref<1x64xi32, #tpu.memory_space<vmem>> -> memref<64xi32, #tpu.memory_space<vmem>>
    %dma_start3A_75 = arith.constant 0 : i32
    %dma_start3A_76 = arith.constant 0 : i32
    %dma_start3A_77 = tpu.memref_slice %arg8[%dma_start3A_75, %dma_start3A_76] : memref<10112x128xf32, #tpu.memory_space<vmem_shared>> -> memref<10112x128xf32, #tpu.memory_space<vmem_shared>>
    tpu.enqueue_indirect_dma source(%arg9 : memref<64x128xf32, #tpu.memory_space<vmem>>) target(%dma_start3A_77 : memref<10112x128xf32, #tpu.memory_space<vmem_shared>>) offsets(%dma_start3A_74 : memref<64xi32, #tpu.memory_space<vmem>>) semaphore(%arg15 : memref<!tpu.dma_semaphore, #tpu.memory_space<semaphore_mem>>) {add = true}
    %dma_wait3A_78 = arith.constant 77 : i32
    %dma_wait3A_79 = arith.constant 0 : i32
    %dma_wait3A_80 = tpu.memref_slice %arg7[%dma_wait3A_78, %dma_wait3A_79] : memref<80x64xi32, #tpu.memory_space<vmem>> -> memref<1x64xi32, #tpu.memory_space<vmem>>
    %dma_wait3A_81 = tpu.memref_squeeze %dma_wait3A_80 : memref<1x64xi32, #tpu.memory_space<vmem>> -> memref<64xi32, #tpu.memory_space<vmem>>
    %dma_wait3A_82 = arith.constant 0 : i32
    %dma_wait3A_83 = arith.constant 0 : i32
    %dma_wait3A_84 = tpu.memref_slice %arg8[%dma_wait3A_82, %dma_wait3A_83] : memref<10112x128xf32, #tpu.memory_space<vmem_shared>> -> memref<10112x128xf32, #tpu.memory_space<vmem_shared>>
    tpu.wait_indirect_dma semaphore(%arg17 : memref<!tpu.dma_semaphore, #tpu.memory_space<semaphore_mem>>) src(%arg11 : memref<64x128xf32, #tpu.memory_space<vmem>>) dst(%dma_wait3A_84 : memref<10112x128xf32, #tpu.memory_space<vmem_shared>>)
    %dma_wait3A_85 = arith.constant 39 : i32
    %dma_wait3A_86 = arith.constant 64 : i32
    %dma_wait3A_87 = tpu.memref_slice %arg6[%dma_wait3A_85, %dma_wait3A_86] : memref<40x128xi32, #tpu.memory_space<vmem>> -> memref<1x64xi32, #tpu.memory_space<vmem>>
    %dma_wait3A_88 = tpu.memref_squeeze %dma_wait3A_87 : memref<1x64xi32, #tpu.memory_space<vmem>> -> memref<64xi32, #tpu.memory_space<vmem>>
    %dma_wait3A_89 = arith.constant 0 : i32
    %dma_wait3A_90 = arith.constant 0 : i32
    %dma_wait3A_91 = tpu.memref_slice %arg2[%dma_wait3A_89, %dma_wait3A_90] : memref<10000x128xf32, #tpu.memory_space<hbm>> -> memref<10000x128xf32, #tpu.memory_space<hbm>>
    tpu.wait_indirect_dma semaphore(%arg13 : memref<!tpu.dma_semaphore, #tpu.memory_space<semaphore_mem>>) src(%dma_wait3A_91 : memref<10000x128xf32, #tpu.memory_space<hbm>>) dst(%arg10 : memref<64x128xf32, #tpu.memory_space<vmem>>)
    %dma_start3A_92 = arith.constant 79 : i32
    %dma_start3A_93 = arith.constant 0 : i32
    %dma_start3A_94 = tpu.memref_slice %arg7[%dma_start3A_92, %dma_start3A_93] : memref<80x64xi32, #tpu.memory_space<vmem>> -> memref<1x64xi32, #tpu.memory_space<vmem>>
    %dma_start3A_95 = tpu.memref_squeeze %dma_start3A_94 : memref<1x64xi32, #tpu.memory_space<vmem>> -> memref<64xi32, #tpu.memory_space<vmem>>
    %dma_start3A_96 = arith.constant 0 : i32
    %dma_start3A_97 = arith.constant 0 : i32
    %dma_start3A_98 = tpu.memref_slice %arg8[%dma_start3A_96, %dma_start3A_97] : memref<10112x128xf32, #tpu.memory_space<vmem_shared>> -> memref<10112x128xf32, #tpu.memory_space<vmem_shared>>
    tpu.enqueue_indirect_dma source(%arg10 : memref<64x128xf32, #tpu.memory_space<vmem>>) target(%dma_start3A_98 : memref<10112x128xf32, #tpu.memory_space<vmem_shared>>) offsets(%dma_start3A_95 : memref<64xi32, #tpu.memory_space<vmem>>) semaphore(%arg16 : memref<!tpu.dma_semaphore, #tpu.memory_space<semaphore_mem>>) {add = true}
    %dma_wait3A_99 = arith.constant 78 : i32
    %dma_wait3A_100 = arith.constant 0 : i32
    %dma_wait3A_101 = tpu.memref_slice %arg7[%dma_wait3A_99, %dma_wait3A_100] : memref<80x64xi32, #tpu.memory_space<vmem>> -> memref<1x64xi32, #tpu.memory_space<vmem>>
    %dma_wait3A_102 = tpu.memref_squeeze %dma_wait3A_101 : memref<1x64xi32, #tpu.memory_space<vmem>> -> memref<64xi32, #tpu.memory_space<vmem>>
    %dma_wait3A_103 = arith.constant 0 : i32
    %dma_wait3A_104 = arith.constant 0 : i32
    %dma_wait3A_105 = tpu.memref_slice %arg8[%dma_wait3A_103, %dma_wait3A_104] : memref<10112x128xf32, #tpu.memory_space<vmem_shared>> -> memref<10112x128xf32, #tpu.memory_space<vmem_shared>>
    tpu.wait_indirect_dma semaphore(%arg15 : memref<!tpu.dma_semaphore, #tpu.memory_space<semaphore_mem>>) src(%arg9 : memref<64x128xf32, #tpu.memory_space<vmem>>) dst(%dma_wait3A_105 : memref<10112x128xf32, #tpu.memory_space<vmem_shared>>)
    %dma_wait3A_106 = arith.constant 79 : i32
    %dma_wait3A_107 = arith.constant 0 : i32
    %dma_wait3A_108 = tpu.memref_slice %arg7[%dma_wait3A_106, %dma_wait3A_107] : memref<80x64xi32, #tpu.memory_space<vmem>> -> memref<1x64xi32, #tpu.memory_space<vmem>>
    %dma_wait3A_109 = tpu.memref_squeeze %dma_wait3A_108 : memref<1x64xi32, #tpu.memory_space<vmem>> -> memref<64xi32, #tpu.memory_space<vmem>>
    %dma_wait3A_110 = arith.constant 0 : i32
    %dma_wait3A_111 = arith.constant 0 : i32
    %dma_wait3A_112 = tpu.memref_slice %arg8[%dma_wait3A_110, %dma_wait3A_111] : memref<10112x128xf32, #tpu.memory_space<vmem_shared>> -> memref<10112x128xf32, #tpu.memory_space<vmem_shared>>
    tpu.wait_indirect_dma semaphore(%arg16 : memref<!tpu.dma_semaphore, #tpu.memory_space<semaphore_mem>>) src(%arg10 : memref<64x128xf32, #tpu.memory_space<vmem>>) dst(%dma_wait3A_112 : memref<10112x128xf32, #tpu.memory_space<vmem_shared>>)
    "tpu.region"() ({
      %run_scoped3A = tpu.sem_alloc : memref<!tpu.dma_semaphore, #tpu.memory_space<semaphore_mem>>
      %dma_start3A_189 = arith.constant 40 : i32
      %dma_start3A_190 = arith.constant 0 : i32
      %dma_start3A_191 = tpu.memref_slice %arg3[%add3A, %dma_start3A_189, %dma_start3A_190] : memref<32x80x128xi32, #tpu.memory_space<hbm>> -> memref<1x40x128xi32, #tpu.memory_space<hbm>>
      %dma_start3A_192 = tpu.memref_squeeze %dma_start3A_191 : memref<1x40x128xi32, #tpu.memory_space<hbm>> -> memref<40x128xi32, #tpu.memory_space<hbm>>
      %dma_start3A_193 = arith.constant 40 : i32
      %dma_start3A_194 = arith.constant 0 : i32
      %dma_start3A_195 = tpu.memref_slice %arg3[%add3A, %dma_start3A_193, %dma_start3A_194] : memref<32x80x128xi32, #tpu.memory_space<hbm>> -> memref<1x40x128xi32, #tpu.memory_space<hbm>>
      %dma_start3A_196 = tpu.memref_squeeze %dma_start3A_195 : memref<1x40x128xi32, #tpu.memory_space<hbm>> -> memref<40x128xi32, #tpu.memory_space<hbm>>
      tpu.enqueue_dma source(%dma_start3A_196 : memref<40x128xi32, #tpu.memory_space<hbm>>) target(%arg6 : memref<40x128xi32, #tpu.memory_space<vmem>>) target_semaphore(%run_scoped3A : memref<!tpu.dma_semaphore, #tpu.memory_space<semaphore_mem>>)
      %dma_wait3A_197 = arith.constant 40 : i32
      %dma_wait3A_198 = arith.constant 0 : i32
      %dma_wait3A_199 = tpu.memref_slice %arg3[%add3A, %dma_wait3A_197, %dma_wait3A_198] : memref<32x80x128xi32, #tpu.memory_space<hbm>> -> memref<1x40x128xi32, #tpu.memory_space<hbm>>
      %dma_wait3A_200 = tpu.memref_squeeze %dma_wait3A_199 : memref<1x40x128xi32, #tpu.memory_space<hbm>> -> memref<40x128xi32, #tpu.memory_space<hbm>>
      %dma_wait3A_201 = arith.constant 40 : i32
      %dma_wait3A_202 = arith.constant 0 : i32
      %dma_wait3A_203 = tpu.memref_slice %arg3[%add3A, %dma_wait3A_201, %dma_wait3A_202] : memref<32x80x128xi32, #tpu.memory_space<hbm>> -> memref<1x40x128xi32, #tpu.memory_space<hbm>>
      %dma_wait3A_204 = tpu.memref_squeeze %dma_wait3A_203 : memref<1x40x128xi32, #tpu.memory_space<hbm>> -> memref<40x128xi32, #tpu.memory_space<hbm>>
      tpu.wait_dma2 semaphore(%run_scoped3A : memref<!tpu.dma_semaphore, #tpu.memory_space<semaphore_mem>>) src(%dma_wait3A_204 : memref<40x128xi32, #tpu.memory_space<hbm>>) dst(%arg6 : memref<40x128xi32, #tpu.memory_space<vmem>>)
      tpu.yield
    }) : () -> ()
    "tpu.region"() ({
      %run_scoped3A = tpu.sem_alloc : memref<!tpu.dma_semaphore, #tpu.memory_space<semaphore_mem>>
      %dma_start3A_189 = arith.constant 80 : i32
      %dma_start3A_190 = arith.constant 0 : i32
      %dma_start3A_191 = tpu.memref_slice %arg4[%add3A, %dma_start3A_189, %dma_start3A_190] : memref<32x160x64xi32, #tpu.memory_space<hbm>> -> memref<1x80x64xi32, #tpu.memory_space<hbm>>
      %dma_start3A_192 = tpu.memref_squeeze %dma_start3A_191 : memref<1x80x64xi32, #tpu.memory_space<hbm>> -> memref<80x64xi32, #tpu.memory_space<hbm>>
      %dma_start3A_193 = arith.constant 80 : i32
      %dma_start3A_194 = arith.constant 0 : i32
      %dma_start3A_195 = tpu.memref_slice %arg4[%add3A, %dma_start3A_193, %dma_start3A_194] : memref<32x160x64xi32, #tpu.memory_space<hbm>> -> memref<1x80x64xi32, #tpu.memory_space<hbm>>
      %dma_start3A_196 = tpu.memref_squeeze %dma_start3A_195 : memref<1x80x64xi32, #tpu.memory_space<hbm>> -> memref<80x64xi32, #tpu.memory_space<hbm>>
      tpu.enqueue_dma source(%dma_start3A_196 : memref<80x64xi32, #tpu.memory_space<hbm>>) target(%arg7 : memref<80x64xi32, #tpu.memory_space<vmem>>) target_semaphore(%run_scoped3A : memref<!tpu.dma_semaphore, #tpu.memory_space<semaphore_mem>>)
      %dma_wait3A_197 = arith.constant 80 : i32
      %dma_wait3A_198 = arith.constant 0 : i32
      %dma_wait3A_199 = tpu.memref_slice %arg4[%add3A, %dma_wait3A_197, %dma_wait3A_198] : memref<32x160x64xi32, #tpu.memory_space<hbm>> -> memref<1x80x64xi32, #tpu.memory_space<hbm>>
      %dma_wait3A_200 = tpu.memref_squeeze %dma_wait3A_199 : memref<1x80x64xi32, #tpu.memory_space<hbm>> -> memref<80x64xi32, #tpu.memory_space<hbm>>
      %dma_wait3A_201 = arith.constant 80 : i32
      %dma_wait3A_202 = arith.constant 0 : i32
      %dma_wait3A_203 = tpu.memref_slice %arg4[%add3A, %dma_wait3A_201, %dma_wait3A_202] : memref<32x160x64xi32, #tpu.memory_space<hbm>> -> memref<1x80x64xi32, #tpu.memory_space<hbm>>
      %dma_wait3A_204 = tpu.memref_squeeze %dma_wait3A_203 : memref<1x80x64xi32, #tpu.memory_space<hbm>> -> memref<80x64xi32, #tpu.memory_space<hbm>>
      tpu.wait_dma2 semaphore(%run_scoped3A : memref<!tpu.dma_semaphore, #tpu.memory_space<semaphore_mem>>) src(%dma_wait3A_204 : memref<80x64xi32, #tpu.memory_space<hbm>>) dst(%arg7 : memref<80x64xi32, #tpu.memory_space<vmem>>)
      tpu.yield
    }) : () -> ()
    %dma_start3A_113 = arith.constant 0 : i32
    %dma_start3A_114 = arith.constant 0 : i32
    %dma_start3A_115 = tpu.memref_slice %arg6[%dma_start3A_113, %dma_start3A_114] : memref<40x128xi32, #tpu.memory_space<vmem>> -> memref<1x64xi32, #tpu.memory_space<vmem>>
    %dma_start3A_116 = tpu.memref_squeeze %dma_start3A_115 : memref<1x64xi32, #tpu.memory_space<vmem>> -> memref<64xi32, #tpu.memory_space<vmem>>
    %dma_start3A_117 = arith.constant 0 : i32
    %dma_start3A_118 = arith.constant 0 : i32
    %dma_start3A_119 = tpu.memref_slice %arg2[%dma_start3A_117, %dma_start3A_118] : memref<10000x128xf32, #tpu.memory_space<hbm>> -> memref<10000x128xf32, #tpu.memory_space<hbm>>
    tpu.enqueue_indirect_dma source(%dma_start3A_119 : memref<10000x128xf32, #tpu.memory_space<hbm>>) target(%arg9 : memref<64x128xf32, #tpu.memory_space<vmem>>) offsets(%dma_start3A_116 : memref<64xi32, #tpu.memory_space<vmem>>) semaphore(%arg12 : memref<!tpu.dma_semaphore, #tpu.memory_space<semaphore_mem>>)
    %dma_start3A_120 = arith.constant 0 : i32
    %dma_start3A_121 = arith.constant 64 : i32
    %dma_start3A_122 = tpu.memref_slice %arg6[%dma_start3A_120, %dma_start3A_121] : memref<40x128xi32, #tpu.memory_space<vmem>> -> memref<1x64xi32, #tpu.memory_space<vmem>>
    %dma_start3A_123 = tpu.memref_squeeze %dma_start3A_122 : memref<1x64xi32, #tpu.memory_space<vmem>> -> memref<64xi32, #tpu.memory_space<vmem>>
    %dma_start3A_124 = arith.constant 0 : i32
    %dma_start3A_125 = arith.constant 0 : i32
    %dma_start3A_126 = tpu.memref_slice %arg2[%dma_start3A_124, %dma_start3A_125] : memref<10000x128xf32, #tpu.memory_space<hbm>> -> memref<10000x128xf32, #tpu.memory_space<hbm>>
    tpu.enqueue_indirect_dma source(%dma_start3A_126 : memref<10000x128xf32, #tpu.memory_space<hbm>>) target(%arg10 : memref<64x128xf32, #tpu.memory_space<vmem>>) offsets(%dma_start3A_123 : memref<64xi32, #tpu.memory_space<vmem>>) semaphore(%arg13 : memref<!tpu.dma_semaphore, #tpu.memory_space<semaphore_mem>>)
    %scan3A_127 = arith.constant 0 : i32
    %scan3A_128 = arith.constant 0 : i32
    %scan3A_129 = arith.constant 26 : i32
    %scan3A_130 = arith.addi %scan3A_128, %scan3A_129 : i32
    %scan3A_131 = arith.constant 1 : i32
    scf.for %scan3A_189 = %scan3A_128 to %scan3A_130 step %scan3A_131  : i32 {
      %mul3A_190 = arith.constant 3 : i32
      %mul3A_191 = arith.muli %scan3A_189, %mul3A_190 : i32
      %add3A_192 = arith.constant 0 : i32
      %add3A_193 = arith.addi %mul3A_191, %add3A_192 : i32
      %jit3A = arith.constant 2 : i32
      %div3A = arith.divsi %add3A_193, %jit3A : i32
      %sign3A = arith.constant 0 : i32
      %sign3A_194 = arith.cmpi sgt, %add3A_193, %sign3A : i32
      %sign3A_195 = arith.extui %sign3A_194 : i1 to i32
      %sign3A_196 = arith.constant 0 : i32
      %sign3A_197 = arith.cmpi slt, %add3A_193, %sign3A_196 : i32
      %sign3A_198 = arith.extui %sign3A_197 : i1 to i32
      %sign3A_199 = arith.subi %sign3A_195, %sign3A_198 : i32
      %sign3A_200 = arith.constant 0 : i32
      %sign3A_201 = arith.cmpi sgt, %jit3A, %sign3A_200 : i32
      %sign3A_202 = arith.extui %sign3A_201 : i1 to i32
      %sign3A_203 = arith.constant 0 : i32
      %sign3A_204 = arith.cmpi slt, %jit3A, %sign3A_203 : i32
      %sign3A_205 = arith.extui %sign3A_204 : i1 to i32
      %sign3A_206 = arith.subi %sign3A_202, %sign3A_205 : i32
      %ne3A = arith.cmpi ne, %sign3A_199, %sign3A_206 : i32
      %rem3A = arith.remsi %add3A_193, %jit3A : i32
      %ne3A_207 = arith.constant 0 : i32
      %ne3A_208 = arith.cmpi ne, %rem3A, %ne3A_207 : i32
      %and3A = arith.andi %ne3A, %ne3A_208 : i1
      %sub3A = arith.constant 1 : i32
      %sub3A_209 = arith.subi %div3A, %sub3A : i32
      %select_n3A = arith.select %and3A, %sub3A_209, %div3A : i32
      %jit3A_210 = arith.constant 2 : i32
      %eq3A_211 = arith.constant 0 : i32
      %eq3A_212 = arith.cmpi eq, %jit3A_210, %eq3A_211 : i32
      %jit3A_213 = arith.constant 1 : i32
      %select_n3A_214 = arith.select %eq3A_212, %jit3A_213, %jit3A_210 : i32
      %rem3A_215 = arith.remsi %add3A_193, %select_n3A_214 : i32
      %ne3A_216 = arith.constant 0 : i32
      %ne3A_217 = arith.cmpi ne, %rem3A_215, %ne3A_216 : i32
      %lt3A = arith.constant 0 : i32
      %lt3A_218 = arith.cmpi slt, %rem3A_215, %lt3A : i32
      %lt3A_219 = arith.constant 0 : i32
      %lt3A_220 = arith.cmpi slt, %select_n3A_214, %lt3A_219 : i32
      %ne3A_221 = arith.xori %lt3A_218, %lt3A_220 : i1
      %and3A_222 = arith.andi %ne3A_221, %ne3A_217 : i1
      %add3A_223 = arith.addi %rem3A_215, %select_n3A_214 : i32
      %select_n3A_224 = arith.select %and3A_222, %add3A_223, %rem3A_215 : i32
      %mul3A_225 = arith.constant 64 : i32
      %mul3A_226 = arith.muli %select_n3A_224, %mul3A_225 : i32
      %dma_wait3A_227 = tpu.memref_slice %arg6[%select_n3A, %mul3A_226] : memref<40x128xi32, #tpu.memory_space<vmem>> -> memref<1x64xi32, #tpu.memory_space<vmem>>
      %dma_wait3A_228 = tpu.memref_squeeze %dma_wait3A_227 : memref<1x64xi32, #tpu.memory_space<vmem>> -> memref<64xi32, #tpu.memory_space<vmem>>
      %dma_wait3A_229 = arith.constant 0 : i32
      %dma_wait3A_230 = arith.constant 0 : i32
      %dma_wait3A_231 = tpu.memref_slice %arg2[%dma_wait3A_229, %dma_wait3A_230] : memref<10000x128xf32, #tpu.memory_space<hbm>> -> memref<10000x128xf32, #tpu.memory_space<hbm>>
      tpu.wait_indirect_dma semaphore(%arg12 : memref<!tpu.dma_semaphore, #tpu.memory_space<semaphore_mem>>) src(%dma_wait3A_231 : memref<10000x128xf32, #tpu.memory_space<hbm>>) dst(%arg9 : memref<64x128xf32, #tpu.memory_space<vmem>>)
      %dma_start3A_232 = arith.constant 0 : i32
      %dma_start3A_233 = tpu.memref_slice %arg7[%add3A_193, %dma_start3A_232] : memref<80x64xi32, #tpu.memory_space<vmem>> -> memref<1x64xi32, #tpu.memory_space<vmem>>
      %dma_start3A_234 = tpu.memref_squeeze %dma_start3A_233 : memref<1x64xi32, #tpu.memory_space<vmem>> -> memref<64xi32, #tpu.memory_space<vmem>>
      %dma_start3A_235 = arith.constant 0 : i32
      %dma_start3A_236 = arith.constant 0 : i32
      %dma_start3A_237 = tpu.memref_slice %arg8[%dma_start3A_235, %dma_start3A_236] : memref<10112x128xf32, #tpu.memory_space<vmem_shared>> -> memref<10112x128xf32, #tpu.memory_space<vmem_shared>>
      tpu.enqueue_indirect_dma source(%arg9 : memref<64x128xf32, #tpu.memory_space<vmem>>) target(%dma_start3A_237 : memref<10112x128xf32, #tpu.memory_space<vmem_shared>>) offsets(%dma_start3A_234 : memref<64xi32, #tpu.memory_space<vmem>>) semaphore(%arg15 : memref<!tpu.dma_semaphore, #tpu.memory_space<semaphore_mem>>) {add = true}
      %ge3A = arith.constant 1 : i32
      %ge3A_238 = arith.cmpi sge, %add3A_193, %ge3A : i32
      %convert_element_type3A_239 = arith.extui %ge3A_238 : i1 to i32
      %cond3A_240 = arith.constant 0 : i32
      %cond3A_241 = arith.cmpi ne, %convert_element_type3A_239, %cond3A_240 : i32
      scf.if %cond3A_241 {
        %sub3A_387 = arith.constant 1 : i32
        %sub3A_388 = arith.subi %add3A_193, %sub3A_387 : i32
        %dma_wait3A_389 = arith.constant 0 : i32
        %dma_wait3A_390 = tpu.memref_slice %arg7[%sub3A_388, %dma_wait3A_389] : memref<80x64xi32, #tpu.memory_space<vmem>> -> memref<1x64xi32, #tpu.memory_space<vmem>>
        %dma_wait3A_391 = tpu.memref_squeeze %dma_wait3A_390 : memref<1x64xi32, #tpu.memory_space<vmem>> -> memref<64xi32, #tpu.memory_space<vmem>>
        %dma_wait3A_392 = arith.constant 0 : i32
        %dma_wait3A_393 = arith.constant 0 : i32
        %dma_wait3A_394 = tpu.memref_slice %arg8[%dma_wait3A_392, %dma_wait3A_393] : memref<10112x128xf32, #tpu.memory_space<vmem_shared>> -> memref<10112x128xf32, #tpu.memory_space<vmem_shared>>
        tpu.wait_indirect_dma semaphore(%arg17 : memref<!tpu.dma_semaphore, #tpu.memory_space<semaphore_mem>>) src(%arg11 : memref<64x128xf32, #tpu.memory_space<vmem>>) dst(%dma_wait3A_394 : memref<10112x128xf32, #tpu.memory_space<vmem_shared>>)
      } else {
      }
      %add3A_242 = arith.constant 2 : i32
      %add3A_243 = arith.addi %add3A_193, %add3A_242 : i32
      %lt3A_244 = arith.constant 80 : i32
      %lt3A_245 = arith.cmpi slt, %add3A_243, %lt3A_244 : i32
      %convert_element_type3A_246 = arith.extui %lt3A_245 : i1 to i32
      %cond3A_247 = arith.constant 0 : i32
      %cond3A_248 = arith.cmpi ne, %convert_element_type3A_246, %cond3A_247 : i32
      scf.if %cond3A_248 {
        %add3A_387 = arith.constant 2 : i32
        %add3A_388 = arith.addi %add3A_193, %add3A_387 : i32
        %jit3A_389 = arith.constant 2 : i32
        %div3A_390 = arith.divsi %add3A_388, %jit3A_389 : i32
        %sign3A_391 = arith.constant 0 : i32
        %sign3A_392 = arith.cmpi sgt, %add3A_388, %sign3A_391 : i32
        %sign3A_393 = arith.extui %sign3A_392 : i1 to i32
        %sign3A_394 = arith.constant 0 : i32
        %sign3A_395 = arith.cmpi slt, %add3A_388, %sign3A_394 : i32
        %sign3A_396 = arith.extui %sign3A_395 : i1 to i32
        %sign3A_397 = arith.subi %sign3A_393, %sign3A_396 : i32
        %sign3A_398 = arith.constant 0 : i32
        %sign3A_399 = arith.cmpi sgt, %jit3A_389, %sign3A_398 : i32
        %sign3A_400 = arith.extui %sign3A_399 : i1 to i32
        %sign3A_401 = arith.constant 0 : i32
        %sign3A_402 = arith.cmpi slt, %jit3A_389, %sign3A_401 : i32
        %sign3A_403 = arith.extui %sign3A_402 : i1 to i32
        %sign3A_404 = arith.subi %sign3A_400, %sign3A_403 : i32
        %ne3A_405 = arith.cmpi ne, %sign3A_397, %sign3A_404 : i32
        %rem3A_406 = arith.remsi %add3A_388, %jit3A_389 : i32
        %ne3A_407 = arith.constant 0 : i32
        %ne3A_408 = arith.cmpi ne, %rem3A_406, %ne3A_407 : i32
        %and3A_409 = arith.andi %ne3A_405, %ne3A_408 : i1
        %sub3A_410 = arith.constant 1 : i32
        %sub3A_411 = arith.subi %div3A_390, %sub3A_410 : i32
        %select_n3A_412 = arith.select %and3A_409, %sub3A_411, %div3A_390 : i32
        %jit3A_413 = arith.constant 2 : i32
        %eq3A_414 = arith.constant 0 : i32
        %eq3A_415 = arith.cmpi eq, %jit3A_413, %eq3A_414 : i32
        %jit3A_416 = arith.constant 1 : i32
        %select_n3A_417 = arith.select %eq3A_415, %jit3A_416, %jit3A_413 : i32
        %rem3A_418 = arith.remsi %add3A_388, %select_n3A_417 : i32
        %ne3A_419 = arith.constant 0 : i32
        %ne3A_420 = arith.cmpi ne, %rem3A_418, %ne3A_419 : i32
        %lt3A_421 = arith.constant 0 : i32
        %lt3A_422 = arith.cmpi slt, %rem3A_418, %lt3A_421 : i32
        %lt3A_423 = arith.constant 0 : i32
        %lt3A_424 = arith.cmpi slt, %select_n3A_417, %lt3A_423 : i32
        %ne3A_425 = arith.xori %lt3A_422, %lt3A_424 : i1
        %and3A_426 = arith.andi %ne3A_425, %ne3A_420 : i1
        %add3A_427 = arith.addi %rem3A_418, %select_n3A_417 : i32
        %select_n3A_428 = arith.select %and3A_426, %add3A_427, %rem3A_418 : i32
        %mul3A_429 = arith.constant 64 : i32
        %mul3A_430 = arith.muli %select_n3A_428, %mul3A_429 : i32
        %dma_start3A_431 = tpu.memref_slice %arg6[%select_n3A_412, %mul3A_430] : memref<40x128xi32, #tpu.memory_space<vmem>> -> memref<1x64xi32, #tpu.memory_space<vmem>>
        %dma_start3A_432 = tpu.memref_squeeze %dma_start3A_431 : memref<1x64xi32, #tpu.memory_space<vmem>> -> memref<64xi32, #tpu.memory_space<vmem>>
        %dma_start3A_433 = arith.constant 0 : i32
        %dma_start3A_434 = arith.constant 0 : i32
        %dma_start3A_435 = tpu.memref_slice %arg2[%dma_start3A_433, %dma_start3A_434] : memref<10000x128xf32, #tpu.memory_space<hbm>> -> memref<10000x128xf32, #tpu.memory_space<hbm>>
        tpu.enqueue_indirect_dma source(%dma_start3A_435 : memref<10000x128xf32, #tpu.memory_space<hbm>>) target(%arg11 : memref<64x128xf32, #tpu.memory_space<vmem>>) offsets(%dma_start3A_432 : memref<64xi32, #tpu.memory_space<vmem>>) semaphore(%arg14 : memref<!tpu.dma_semaphore, #tpu.memory_space<semaphore_mem>>)
      } else {
      }
      %mul3A_249 = arith.constant 3 : i32
      %mul3A_250 = arith.muli %scan3A_189, %mul3A_249 : i32
      %add3A_251 = arith.constant 1 : i32
      %add3A_252 = arith.addi %mul3A_250, %add3A_251 : i32
      %jit3A_253 = arith.constant 2 : i32
      %div3A_254 = arith.divsi %add3A_252, %jit3A_253 : i32
      %sign3A_255 = arith.constant 0 : i32
      %sign3A_256 = arith.cmpi sgt, %add3A_252, %sign3A_255 : i32
      %sign3A_257 = arith.extui %sign3A_256 : i1 to i32
      %sign3A_258 = arith.constant 0 : i32
      %sign3A_259 = arith.cmpi slt, %add3A_252, %sign3A_258 : i32
      %sign3A_260 = arith.extui %sign3A_259 : i1 to i32
      %sign3A_261 = arith.subi %sign3A_257, %sign3A_260 : i32
      %sign3A_262 = arith.constant 0 : i32
      %sign3A_263 = arith.cmpi sgt, %jit3A_253, %sign3A_262 : i32
      %sign3A_264 = arith.extui %sign3A_263 : i1 to i32
      %sign3A_265 = arith.constant 0 : i32
      %sign3A_266 = arith.cmpi slt, %jit3A_253, %sign3A_265 : i32
      %sign3A_267 = arith.extui %sign3A_266 : i1 to i32
      %sign3A_268 = arith.subi %sign3A_264, %sign3A_267 : i32
      %ne3A_269 = arith.cmpi ne, %sign3A_261, %sign3A_268 : i32
      %rem3A_270 = arith.remsi %add3A_252, %jit3A_253 : i32
      %ne3A_271 = arith.constant 0 : i32
      %ne3A_272 = arith.cmpi ne, %rem3A_270, %ne3A_271 : i32
      %and3A_273 = arith.andi %ne3A_269, %ne3A_272 : i1
      %sub3A_274 = arith.constant 1 : i32
      %sub3A_275 = arith.subi %div3A_254, %sub3A_274 : i32
      %select_n3A_276 = arith.select %and3A_273, %sub3A_275, %div3A_254 : i32
      %jit3A_277 = arith.constant 2 : i32
      %eq3A_278 = arith.constant 0 : i32
      %eq3A_279 = arith.cmpi eq, %jit3A_277, %eq3A_278 : i32
      %jit3A_280 = arith.constant 1 : i32
      %select_n3A_281 = arith.select %eq3A_279, %jit3A_280, %jit3A_277 : i32
      %rem3A_282 = arith.remsi %add3A_252, %select_n3A_281 : i32
      %ne3A_283 = arith.constant 0 : i32
      %ne3A_284 = arith.cmpi ne, %rem3A_282, %ne3A_283 : i32
      %lt3A_285 = arith.constant 0 : i32
      %lt3A_286 = arith.cmpi slt, %rem3A_282, %lt3A_285 : i32
      %lt3A_287 = arith.constant 0 : i32
      %lt3A_288 = arith.cmpi slt, %select_n3A_281, %lt3A_287 : i32
      %ne3A_289 = arith.xori %lt3A_286, %lt3A_288 : i1
      %and3A_290 = arith.andi %ne3A_289, %ne3A_284 : i1
      %add3A_291 = arith.addi %rem3A_282, %select_n3A_281 : i32
      %select_n3A_292 = arith.select %and3A_290, %add3A_291, %rem3A_282 : i32
      %mul3A_293 = arith.constant 64 : i32
      %mul3A_294 = arith.muli %select_n3A_292, %mul3A_293 : i32
      %dma_wait3A_295 = tpu.memref_slice %arg6[%select_n3A_276, %mul3A_294] : memref<40x128xi32, #tpu.memory_space<vmem>> -> memref<1x64xi32, #tpu.memory_space<vmem>>
      %dma_wait3A_296 = tpu.memref_squeeze %dma_wait3A_295 : memref<1x64xi32, #tpu.memory_space<vmem>> -> memref<64xi32, #tpu.memory_space<vmem>>
      %dma_wait3A_297 = arith.constant 0 : i32
      %dma_wait3A_298 = arith.constant 0 : i32
      %dma_wait3A_299 = tpu.memref_slice %arg2[%dma_wait3A_297, %dma_wait3A_298] : memref<10000x128xf32, #tpu.memory_space<hbm>> -> memref<10000x128xf32, #tpu.memory_space<hbm>>
      tpu.wait_indirect_dma semaphore(%arg13 : memref<!tpu.dma_semaphore, #tpu.memory_space<semaphore_mem>>) src(%dma_wait3A_299 : memref<10000x128xf32, #tpu.memory_space<hbm>>) dst(%arg10 : memref<64x128xf32, #tpu.memory_space<vmem>>)
      %dma_start3A_300 = arith.constant 0 : i32
      %dma_start3A_301 = tpu.memref_slice %arg7[%add3A_252, %dma_start3A_300] : memref<80x64xi32, #tpu.memory_space<vmem>> -> memref<1x64xi32, #tpu.memory_space<vmem>>
      %dma_start3A_302 = tpu.memref_squeeze %dma_start3A_301 : memref<1x64xi32, #tpu.memory_space<vmem>> -> memref<64xi32, #tpu.memory_space<vmem>>
      %dma_start3A_303 = arith.constant 0 : i32
      %dma_start3A_304 = arith.constant 0 : i32
      %dma_start3A_305 = tpu.memref_slice %arg8[%dma_start3A_303, %dma_start3A_304] : memref<10112x128xf32, #tpu.memory_space<vmem_shared>> -> memref<10112x128xf32, #tpu.memory_space<vmem_shared>>
      tpu.enqueue_indirect_dma source(%arg10 : memref<64x128xf32, #tpu.memory_space<vmem>>) target(%dma_start3A_305 : memref<10112x128xf32, #tpu.memory_space<vmem_shared>>) offsets(%dma_start3A_302 : memref<64xi32, #tpu.memory_space<vmem>>) semaphore(%arg16 : memref<!tpu.dma_semaphore, #tpu.memory_space<semaphore_mem>>) {add = true}
      %ge3A_306 = arith.constant 1 : i32
      %ge3A_307 = arith.cmpi sge, %add3A_252, %ge3A_306 : i32
      %convert_element_type3A_308 = arith.extui %ge3A_307 : i1 to i32
      %cond3A_309 = arith.constant 0 : i32
      %cond3A_310 = arith.cmpi ne, %convert_element_type3A_308, %cond3A_309 : i32
      scf.if %cond3A_310 {
        %sub3A_387 = arith.constant 1 : i32
        %sub3A_388 = arith.subi %add3A_252, %sub3A_387 : i32
        %dma_wait3A_389 = arith.constant 0 : i32
        %dma_wait3A_390 = tpu.memref_slice %arg7[%sub3A_388, %dma_wait3A_389] : memref<80x64xi32, #tpu.memory_space<vmem>> -> memref<1x64xi32, #tpu.memory_space<vmem>>
        %dma_wait3A_391 = tpu.memref_squeeze %dma_wait3A_390 : memref<1x64xi32, #tpu.memory_space<vmem>> -> memref<64xi32, #tpu.memory_space<vmem>>
        %dma_wait3A_392 = arith.constant 0 : i32
        %dma_wait3A_393 = arith.constant 0 : i32
        %dma_wait3A_394 = tpu.memref_slice %arg8[%dma_wait3A_392, %dma_wait3A_393] : memref<10112x128xf32, #tpu.memory_space<vmem_shared>> -> memref<10112x128xf32, #tpu.memory_space<vmem_shared>>
        tpu.wait_indirect_dma semaphore(%arg15 : memref<!tpu.dma_semaphore, #tpu.memory_space<semaphore_mem>>) src(%arg9 : memref<64x128xf32, #tpu.memory_space<vmem>>) dst(%dma_wait3A_394 : memref<10112x128xf32, #tpu.memory_space<vmem_shared>>)
      } else {
      }
      %add3A_311 = arith.constant 2 : i32
      %add3A_312 = arith.addi %add3A_252, %add3A_311 : i32
      %lt3A_313 = arith.constant 80 : i32
      %lt3A_314 = arith.cmpi slt, %add3A_312, %lt3A_313 : i32
      %convert_element_type3A_315 = arith.extui %lt3A_314 : i1 to i32
      %cond3A_316 = arith.constant 0 : i32
      %cond3A_317 = arith.cmpi ne, %convert_element_type3A_315, %cond3A_316 : i32
      scf.if %cond3A_317 {
        %add3A_387 = arith.constant 2 : i32
        %add3A_388 = arith.addi %add3A_252, %add3A_387 : i32
        %jit3A_389 = arith.constant 2 : i32
        %div3A_390 = arith.divsi %add3A_388, %jit3A_389 : i32
        %sign3A_391 = arith.constant 0 : i32
        %sign3A_392 = arith.cmpi sgt, %add3A_388, %sign3A_391 : i32
        %sign3A_393 = arith.extui %sign3A_392 : i1 to i32
        %sign3A_394 = arith.constant 0 : i32
        %sign3A_395 = arith.cmpi slt, %add3A_388, %sign3A_394 : i32
        %sign3A_396 = arith.extui %sign3A_395 : i1 to i32
        %sign3A_397 = arith.subi %sign3A_393, %sign3A_396 : i32
        %sign3A_398 = arith.constant 0 : i32
        %sign3A_399 = arith.cmpi sgt, %jit3A_389, %sign3A_398 : i32
        %sign3A_400 = arith.extui %sign3A_399 : i1 to i32
        %sign3A_401 = arith.constant 0 : i32
        %sign3A_402 = arith.cmpi slt, %jit3A_389, %sign3A_401 : i32
        %sign3A_403 = arith.extui %sign3A_402 : i1 to i32
        %sign3A_404 = arith.subi %sign3A_400, %sign3A_403 : i32
        %ne3A_405 = arith.cmpi ne, %sign3A_397, %sign3A_404 : i32
        %rem3A_406 = arith.remsi %add3A_388, %jit3A_389 : i32
        %ne3A_407 = arith.constant 0 : i32
        %ne3A_408 = arith.cmpi ne, %rem3A_406, %ne3A_407 : i32
        %and3A_409 = arith.andi %ne3A_405, %ne3A_408 : i1
        %sub3A_410 = arith.constant 1 : i32
        %sub3A_411 = arith.subi %div3A_390, %sub3A_410 : i32
        %select_n3A_412 = arith.select %and3A_409, %sub3A_411, %div3A_390 : i32
        %jit3A_413 = arith.constant 2 : i32
        %eq3A_414 = arith.constant 0 : i32
        %eq3A_415 = arith.cmpi eq, %jit3A_413, %eq3A_414 : i32
        %jit3A_416 = arith.constant 1 : i32
        %select_n3A_417 = arith.select %eq3A_415, %jit3A_416, %jit3A_413 : i32
        %rem3A_418 = arith.remsi %add3A_388, %select_n3A_417 : i32
        %ne3A_419 = arith.constant 0 : i32
        %ne3A_420 = arith.cmpi ne, %rem3A_418, %ne3A_419 : i32
        %lt3A_421 = arith.constant 0 : i32
        %lt3A_422 = arith.cmpi slt, %rem3A_418, %lt3A_421 : i32
        %lt3A_423 = arith.constant 0 : i32
        %lt3A_424 = arith.cmpi slt, %select_n3A_417, %lt3A_423 : i32
        %ne3A_425 = arith.xori %lt3A_422, %lt3A_424 : i1
        %and3A_426 = arith.andi %ne3A_425, %ne3A_420 : i1
        %add3A_427 = arith.addi %rem3A_418, %select_n3A_417 : i32
        %select_n3A_428 = arith.select %and3A_426, %add3A_427, %rem3A_418 : i32
        %mul3A_429 = arith.constant 64 : i32
        %mul3A_430 = arith.muli %select_n3A_428, %mul3A_429 : i32
        %dma_start3A_431 = tpu.memref_slice %arg6[%select_n3A_412, %mul3A_430] : memref<40x128xi32, #tpu.memory_space<vmem>> -> memref<1x64xi32, #tpu.memory_space<vmem>>
        %dma_start3A_432 = tpu.memref_squeeze %dma_start3A_431 : memref<1x64xi32, #tpu.memory_space<vmem>> -> memref<64xi32, #tpu.memory_space<vmem>>
        %dma_start3A_433 = arith.constant 0 : i32
        %dma_start3A_434 = arith.constant 0 : i32
        %dma_start3A_435 = tpu.memref_slice %arg2[%dma_start3A_433, %dma_start3A_434] : memref<10000x128xf32, #tpu.memory_space<hbm>> -> memref<10000x128xf32, #tpu.memory_space<hbm>>
        tpu.enqueue_indirect_dma source(%dma_start3A_435 : memref<10000x128xf32, #tpu.memory_space<hbm>>) target(%arg9 : memref<64x128xf32, #tpu.memory_space<vmem>>) offsets(%dma_start3A_432 : memref<64xi32, #tpu.memory_space<vmem>>) semaphore(%arg12 : memref<!tpu.dma_semaphore, #tpu.memory_space<semaphore_mem>>)
      } else {
      }
      %mul3A_318 = arith.constant 3 : i32
      %mul3A_319 = arith.muli %scan3A_189, %mul3A_318 : i32
      %add3A_320 = arith.constant 2 : i32
      %add3A_321 = arith.addi %mul3A_319, %add3A_320 : i32
      %jit3A_322 = arith.constant 2 : i32
      %div3A_323 = arith.divsi %add3A_321, %jit3A_322 : i32
      %sign3A_324 = arith.constant 0 : i32
      %sign3A_325 = arith.cmpi sgt, %add3A_321, %sign3A_324 : i32
      %sign3A_326 = arith.extui %sign3A_325 : i1 to i32
      %sign3A_327 = arith.constant 0 : i32
      %sign3A_328 = arith.cmpi slt, %add3A_321, %sign3A_327 : i32
      %sign3A_329 = arith.extui %sign3A_328 : i1 to i32
      %sign3A_330 = arith.subi %sign3A_326, %sign3A_329 : i32
      %sign3A_331 = arith.constant 0 : i32
      %sign3A_332 = arith.cmpi sgt, %jit3A_322, %sign3A_331 : i32
      %sign3A_333 = arith.extui %sign3A_332 : i1 to i32
      %sign3A_334 = arith.constant 0 : i32
      %sign3A_335 = arith.cmpi slt, %jit3A_322, %sign3A_334 : i32
      %sign3A_336 = arith.extui %sign3A_335 : i1 to i32
      %sign3A_337 = arith.subi %sign3A_333, %sign3A_336 : i32
      %ne3A_338 = arith.cmpi ne, %sign3A_330, %sign3A_337 : i32
      %rem3A_339 = arith.remsi %add3A_321, %jit3A_322 : i32
      %ne3A_340 = arith.constant 0 : i32
      %ne3A_341 = arith.cmpi ne, %rem3A_339, %ne3A_340 : i32
      %and3A_342 = arith.andi %ne3A_338, %ne3A_341 : i1
      %sub3A_343 = arith.constant 1 : i32
      %sub3A_344 = arith.subi %div3A_323, %sub3A_343 : i32
      %select_n3A_345 = arith.select %and3A_342, %sub3A_344, %div3A_323 : i32
      %jit3A_346 = arith.constant 2 : i32
      %eq3A_347 = arith.constant 0 : i32
      %eq3A_348 = arith.cmpi eq, %jit3A_346, %eq3A_347 : i32
      %jit3A_349 = arith.constant 1 : i32
      %select_n3A_350 = arith.select %eq3A_348, %jit3A_349, %jit3A_346 : i32
      %rem3A_351 = arith.remsi %add3A_321, %select_n3A_350 : i32
      %ne3A_352 = arith.constant 0 : i32
      %ne3A_353 = arith.cmpi ne, %rem3A_351, %ne3A_352 : i32
      %lt3A_354 = arith.constant 0 : i32
      %lt3A_355 = arith.cmpi slt, %rem3A_351, %lt3A_354 : i32
      %lt3A_356 = arith.constant 0 : i32
      %lt3A_357 = arith.cmpi slt, %select_n3A_350, %lt3A_356 : i32
      %ne3A_358 = arith.xori %lt3A_355, %lt3A_357 : i1
      %and3A_359 = arith.andi %ne3A_358, %ne3A_353 : i1
      %add3A_360 = arith.addi %rem3A_351, %select_n3A_350 : i32
      %select_n3A_361 = arith.select %and3A_359, %add3A_360, %rem3A_351 : i32
      %mul3A_362 = arith.constant 64 : i32
      %mul3A_363 = arith.muli %select_n3A_361, %mul3A_362 : i32
      %dma_wait3A_364 = tpu.memref_slice %arg6[%select_n3A_345, %mul3A_363] : memref<40x128xi32, #tpu.memory_space<vmem>> -> memref<1x64xi32, #tpu.memory_space<vmem>>
      %dma_wait3A_365 = tpu.memref_squeeze %dma_wait3A_364 : memref<1x64xi32, #tpu.memory_space<vmem>> -> memref<64xi32, #tpu.memory_space<vmem>>
      %dma_wait3A_366 = arith.constant 0 : i32
      %dma_wait3A_367 = arith.constant 0 : i32
      %dma_wait3A_368 = tpu.memref_slice %arg2[%dma_wait3A_366, %dma_wait3A_367] : memref<10000x128xf32, #tpu.memory_space<hbm>> -> memref<10000x128xf32, #tpu.memory_space<hbm>>
      tpu.wait_indirect_dma semaphore(%arg14 : memref<!tpu.dma_semaphore, #tpu.memory_space<semaphore_mem>>) src(%dma_wait3A_368 : memref<10000x128xf32, #tpu.memory_space<hbm>>) dst(%arg11 : memref<64x128xf32, #tpu.memory_space<vmem>>)
      %dma_start3A_369 = arith.constant 0 : i32
      %dma_start3A_370 = tpu.memref_slice %arg7[%add3A_321, %dma_start3A_369] : memref<80x64xi32, #tpu.memory_space<vmem>> -> memref<1x64xi32, #tpu.memory_space<vmem>>
      %dma_start3A_371 = tpu.memref_squeeze %dma_start3A_370 : memref<1x64xi32, #tpu.memory_space<vmem>> -> memref<64xi32, #tpu.memory_space<vmem>>
      %dma_start3A_372 = arith.constant 0 : i32
      %dma_start3A_373 = arith.constant 0 : i32
      %dma_start3A_374 = tpu.memref_slice %arg8[%dma_start3A_372, %dma_start3A_373] : memref<10112x128xf32, #tpu.memory_space<vmem_shared>> -> memref<10112x128xf32, #tpu.memory_space<vmem_shared>>
      tpu.enqueue_indirect_dma source(%arg11 : memref<64x128xf32, #tpu.memory_space<vmem>>) target(%dma_start3A_374 : memref<10112x128xf32, #tpu.memory_space<vmem_shared>>) offsets(%dma_start3A_371 : memref<64xi32, #tpu.memory_space<vmem>>) semaphore(%arg17 : memref<!tpu.dma_semaphore, #tpu.memory_space<semaphore_mem>>) {add = true}
      %ge3A_375 = arith.constant 1 : i32
      %ge3A_376 = arith.cmpi sge, %add3A_321, %ge3A_375 : i32
      %convert_element_type3A_377 = arith.extui %ge3A_376 : i1 to i32
      %cond3A_378 = arith.constant 0 : i32
      %cond3A_379 = arith.cmpi ne, %convert_element_type3A_377, %cond3A_378 : i32
      scf.if %cond3A_379 {
        %sub3A_387 = arith.constant 1 : i32
        %sub3A_388 = arith.subi %add3A_321, %sub3A_387 : i32
        %dma_wait3A_389 = arith.constant 0 : i32
        %dma_wait3A_390 = tpu.memref_slice %arg7[%sub3A_388, %dma_wait3A_389] : memref<80x64xi32, #tpu.memory_space<vmem>> -> memref<1x64xi32, #tpu.memory_space<vmem>>
        %dma_wait3A_391 = tpu.memref_squeeze %dma_wait3A_390 : memref<1x64xi32, #tpu.memory_space<vmem>> -> memref<64xi32, #tpu.memory_space<vmem>>
        %dma_wait3A_392 = arith.constant 0 : i32
        %dma_wait3A_393 = arith.constant 0 : i32
        %dma_wait3A_394 = tpu.memref_slice %arg8[%dma_wait3A_392, %dma_wait3A_393] : memref<10112x128xf32, #tpu.memory_space<vmem_shared>> -> memref<10112x128xf32, #tpu.memory_space<vmem_shared>>
        tpu.wait_indirect_dma semaphore(%arg16 : memref<!tpu.dma_semaphore, #tpu.memory_space<semaphore_mem>>) src(%arg10 : memref<64x128xf32, #tpu.memory_space<vmem>>) dst(%dma_wait3A_394 : memref<10112x128xf32, #tpu.memory_space<vmem_shared>>)
      } else {
      }
      %add3A_380 = arith.constant 2 : i32
      %add3A_381 = arith.addi %add3A_321, %add3A_380 : i32
      %lt3A_382 = arith.constant 80 : i32
      %lt3A_383 = arith.cmpi slt, %add3A_381, %lt3A_382 : i32
      %convert_element_type3A_384 = arith.extui %lt3A_383 : i1 to i32
      %cond3A_385 = arith.constant 0 : i32
      %cond3A_386 = arith.cmpi ne, %convert_element_type3A_384, %cond3A_385 : i32
      scf.if %cond3A_386 {
        %add3A_387 = arith.constant 2 : i32
        %add3A_388 = arith.addi %add3A_321, %add3A_387 : i32
        %jit3A_389 = arith.constant 2 : i32
        %div3A_390 = arith.divsi %add3A_388, %jit3A_389 : i32
        %sign3A_391 = arith.constant 0 : i32
        %sign3A_392 = arith.cmpi sgt, %add3A_388, %sign3A_391 : i32
        %sign3A_393 = arith.extui %sign3A_392 : i1 to i32
        %sign3A_394 = arith.constant 0 : i32
        %sign3A_395 = arith.cmpi slt, %add3A_388, %sign3A_394 : i32
        %sign3A_396 = arith.extui %sign3A_395 : i1 to i32
        %sign3A_397 = arith.subi %sign3A_393, %sign3A_396 : i32
        %sign3A_398 = arith.constant 0 : i32
        %sign3A_399 = arith.cmpi sgt, %jit3A_389, %sign3A_398 : i32
        %sign3A_400 = arith.extui %sign3A_399 : i1 to i32
        %sign3A_401 = arith.constant 0 : i32
        %sign3A_402 = arith.cmpi slt, %jit3A_389, %sign3A_401 : i32
        %sign3A_403 = arith.extui %sign3A_402 : i1 to i32
        %sign3A_404 = arith.subi %sign3A_400, %sign3A_403 : i32
        %ne3A_405 = arith.cmpi ne, %sign3A_397, %sign3A_404 : i32
        %rem3A_406 = arith.remsi %add3A_388, %jit3A_389 : i32
        %ne3A_407 = arith.constant 0 : i32
        %ne3A_408 = arith.cmpi ne, %rem3A_406, %ne3A_407 : i32
        %and3A_409 = arith.andi %ne3A_405, %ne3A_408 : i1
        %sub3A_410 = arith.constant 1 : i32
        %sub3A_411 = arith.subi %div3A_390, %sub3A_410 : i32
        %select_n3A_412 = arith.select %and3A_409, %sub3A_411, %div3A_390 : i32
        %jit3A_413 = arith.constant 2 : i32
        %eq3A_414 = arith.constant 0 : i32
        %eq3A_415 = arith.cmpi eq, %jit3A_413, %eq3A_414 : i32
        %jit3A_416 = arith.constant 1 : i32
        %select_n3A_417 = arith.select %eq3A_415, %jit3A_416, %jit3A_413 : i32
        %rem3A_418 = arith.remsi %add3A_388, %select_n3A_417 : i32
        %ne3A_419 = arith.constant 0 : i32
        %ne3A_420 = arith.cmpi ne, %rem3A_418, %ne3A_419 : i32
        %lt3A_421 = arith.constant 0 : i32
        %lt3A_422 = arith.cmpi slt, %rem3A_418, %lt3A_421 : i32
        %lt3A_423 = arith.constant 0 : i32
        %lt3A_424 = arith.cmpi slt, %select_n3A_417, %lt3A_423 : i32
        %ne3A_425 = arith.xori %lt3A_422, %lt3A_424 : i1
        %and3A_426 = arith.andi %ne3A_425, %ne3A_420 : i1
        %add3A_427 = arith.addi %rem3A_418, %select_n3A_417 : i32
        %select_n3A_428 = arith.select %and3A_426, %add3A_427, %rem3A_418 : i32
        %mul3A_429 = arith.constant 64 : i32
        %mul3A_430 = arith.muli %select_n3A_428, %mul3A_429 : i32
        %dma_start3A_431 = tpu.memref_slice %arg6[%select_n3A_412, %mul3A_430] : memref<40x128xi32, #tpu.memory_space<vmem>> -> memref<1x64xi32, #tpu.memory_space<vmem>>
        %dma_start3A_432 = tpu.memref_squeeze %dma_start3A_431 : memref<1x64xi32, #tpu.memory_space<vmem>> -> memref<64xi32, #tpu.memory_space<vmem>>
        %dma_start3A_433 = arith.constant 0 : i32
        %dma_start3A_434 = arith.constant 0 : i32
        %dma_start3A_435 = tpu.memref_slice %arg2[%dma_start3A_433, %dma_start3A_434] : memref<10000x128xf32, #tpu.memory_space<hbm>> -> memref<10000x128xf32, #tpu.memory_space<hbm>>
        tpu.enqueue_indirect_dma source(%dma_start3A_435 : memref<10000x128xf32, #tpu.memory_space<hbm>>) target(%arg10 : memref<64x128xf32, #tpu.memory_space<vmem>>) offsets(%dma_start3A_432 : memref<64xi32, #tpu.memory_space<vmem>>) semaphore(%arg13 : memref<!tpu.dma_semaphore, #tpu.memory_space<semaphore_mem>>)
      } else {
      }
    }
    %scan3A_132 = arith.constant 26 : i32
    %dma_wait3A_133 = arith.constant 39 : i32
    %dma_wait3A_134 = arith.constant 0 : i32
    %dma_wait3A_135 = tpu.memref_slice %arg6[%dma_wait3A_133, %dma_wait3A_134] : memref<40x128xi32, #tpu.memory_space<vmem>> -> memref<1x64xi32, #tpu.memory_space<vmem>>
    %dma_wait3A_136 = tpu.memref_squeeze %dma_wait3A_135 : memref<1x64xi32, #tpu.memory_space<vmem>> -> memref<64xi32, #tpu.memory_space<vmem>>
    %dma_wait3A_137 = arith.constant 0 : i32
    %dma_wait3A_138 = arith.constant 0 : i32
    %dma_wait3A_139 = tpu.memref_slice %arg2[%dma_wait3A_137, %dma_wait3A_138] : memref<10000x128xf32, #tpu.memory_space<hbm>> -> memref<10000x128xf32, #tpu.memory_space<hbm>>
    tpu.wait_indirect_dma semaphore(%arg12 : memref<!tpu.dma_semaphore, #tpu.memory_space<semaphore_mem>>) src(%dma_wait3A_139 : memref<10000x128xf32, #tpu.memory_space<hbm>>) dst(%arg9 : memref<64x128xf32, #tpu.memory_space<vmem>>)
    %dma_start3A_140 = arith.constant 78 : i32
    %dma_start3A_141 = arith.constant 0 : i32
    %dma_start3A_142 = tpu.memref_slice %arg7[%dma_start3A_140, %dma_start3A_141] : memref<80x64xi32, #tpu.memory_space<vmem>> -> memref<1x64xi32, #tpu.memory_space<vmem>>
    %dma_start3A_143 = tpu.memref_squeeze %dma_start3A_142 : memref<1x64xi32, #tpu.memory_space<vmem>> -> memref<64xi32, #tpu.memory_space<vmem>>
    %dma_start3A_144 = arith.constant 0 : i32
    %dma_start3A_145 = arith.constant 0 : i32
    %dma_start3A_146 = tpu.memref_slice %arg8[%dma_start3A_144, %dma_start3A_145] : memref<10112x128xf32, #tpu.memory_space<vmem_shared>> -> memref<10112x128xf32, #tpu.memory_space<vmem_shared>>
    tpu.enqueue_indirect_dma source(%arg9 : memref<64x128xf32, #tpu.memory_space<vmem>>) target(%dma_start3A_146 : memref<10112x128xf32, #tpu.memory_space<vmem_shared>>) offsets(%dma_start3A_143 : memref<64xi32, #tpu.memory_space<vmem>>) semaphore(%arg15 : memref<!tpu.dma_semaphore, #tpu.memory_space<semaphore_mem>>) {add = true}
    %dma_wait3A_147 = arith.constant 77 : i32
    %dma_wait3A_148 = arith.constant 0 : i32
    %dma_wait3A_149 = tpu.memref_slice %arg7[%dma_wait3A_147, %dma_wait3A_148] : memref<80x64xi32, #tpu.memory_space<vmem>> -> memref<1x64xi32, #tpu.memory_space<vmem>>
    %dma_wait3A_150 = tpu.memref_squeeze %dma_wait3A_149 : memref<1x64xi32, #tpu.memory_space<vmem>> -> memref<64xi32, #tpu.memory_space<vmem>>
    %dma_wait3A_151 = arith.constant 0 : i32
    %dma_wait3A_152 = arith.constant 0 : i32
    %dma_wait3A_153 = tpu.memref_slice %arg8[%dma_wait3A_151, %dma_wait3A_152] : memref<10112x128xf32, #tpu.memory_space<vmem_shared>> -> memref<10112x128xf32, #tpu.memory_space<vmem_shared>>
    tpu.wait_indirect_dma semaphore(%arg17 : memref<!tpu.dma_semaphore, #tpu.memory_space<semaphore_mem>>) src(%arg11 : memref<64x128xf32, #tpu.memory_space<vmem>>) dst(%dma_wait3A_153 : memref<10112x128xf32, #tpu.memory_space<vmem_shared>>)
    %dma_wait3A_154 = arith.constant 39 : i32
    %dma_wait3A_155 = arith.constant 64 : i32
    %dma_wait3A_156 = tpu.memref_slice %arg6[%dma_wait3A_154, %dma_wait3A_155] : memref<40x128xi32, #tpu.memory_space<vmem>> -> memref<1x64xi32, #tpu.memory_space<vmem>>
    %dma_wait3A_157 = tpu.memref_squeeze %dma_wait3A_156 : memref<1x64xi32, #tpu.memory_space<vmem>> -> memref<64xi32, #tpu.memory_space<vmem>>
    %dma_wait3A_158 = arith.constant 0 : i32
    %dma_wait3A_159 = arith.constant 0 : i32
    %dma_wait3A_160 = tpu.memref_slice %arg2[%dma_wait3A_158, %dma_wait3A_159] : memref<10000x128xf32, #tpu.memory_space<hbm>> -> memref<10000x128xf32, #tpu.memory_space<hbm>>
    tpu.wait_indirect_dma semaphore(%arg13 : memref<!tpu.dma_semaphore, #tpu.memory_space<semaphore_mem>>) src(%dma_wait3A_160 : memref<10000x128xf32, #tpu.memory_space<hbm>>) dst(%arg10 : memref<64x128xf32, #tpu.memory_space<vmem>>)
    %dma_start3A_161 = arith.constant 79 : i32
    %dma_start3A_162 = arith.constant 0 : i32
    %dma_start3A_163 = tpu.memref_slice %arg7[%dma_start3A_161, %dma_start3A_162] : memref<80x64xi32, #tpu.memory_space<vmem>> -> memref<1x64xi32, #tpu.memory_space<vmem>>
    %dma_start3A_164 = tpu.memref_squeeze %dma_start3A_163 : memref<1x64xi32, #tpu.memory_space<vmem>> -> memref<64xi32, #tpu.memory_space<vmem>>
    %dma_start3A_165 = arith.constant 0 : i32
    %dma_start3A_166 = arith.constant 0 : i32
    %dma_start3A_167 = tpu.memref_slice %arg8[%dma_start3A_165, %dma_start3A_166] : memref<10112x128xf32, #tpu.memory_space<vmem_shared>> -> memref<10112x128xf32, #tpu.memory_space<vmem_shared>>
    tpu.enqueue_indirect_dma source(%arg10 : memref<64x128xf32, #tpu.memory_space<vmem>>) target(%dma_start3A_167 : memref<10112x128xf32, #tpu.memory_space<vmem_shared>>) offsets(%dma_start3A_164 : memref<64xi32, #tpu.memory_space<vmem>>) semaphore(%arg16 : memref<!tpu.dma_semaphore, #tpu.memory_space<semaphore_mem>>) {add = true}
    %dma_wait3A_168 = arith.constant 78 : i32
    %dma_wait3A_169 = arith.constant 0 : i32
    %dma_wait3A_170 = tpu.memref_slice %arg7[%dma_wait3A_168, %dma_wait3A_169] : memref<80x64xi32, #tpu.memory_space<vmem>> -> memref<1x64xi32, #tpu.memory_space<vmem>>
    %dma_wait3A_171 = tpu.memref_squeeze %dma_wait3A_170 : memref<1x64xi32, #tpu.memory_space<vmem>> -> memref<64xi32, #tpu.memory_space<vmem>>
    %dma_wait3A_172 = arith.constant 0 : i32
    %dma_wait3A_173 = arith.constant 0 : i32
    %dma_wait3A_174 = tpu.memref_slice %arg8[%dma_wait3A_172, %dma_wait3A_173] : memref<10112x128xf32, #tpu.memory_space<vmem_shared>> -> memref<10112x128xf32, #tpu.memory_space<vmem_shared>>
    tpu.wait_indirect_dma semaphore(%arg15 : memref<!tpu.dma_semaphore, #tpu.memory_space<semaphore_mem>>) src(%arg9 : memref<64x128xf32, #tpu.memory_space<vmem>>) dst(%dma_wait3A_174 : memref<10112x128xf32, #tpu.memory_space<vmem_shared>>)
    %dma_wait3A_175 = arith.constant 79 : i32
    %dma_wait3A_176 = arith.constant 0 : i32
    %dma_wait3A_177 = tpu.memref_slice %arg7[%dma_wait3A_175, %dma_wait3A_176] : memref<80x64xi32, #tpu.memory_space<vmem>> -> memref<1x64xi32, #tpu.memory_space<vmem>>
    %dma_wait3A_178 = tpu.memref_squeeze %dma_wait3A_177 : memref<1x64xi32, #tpu.memory_space<vmem>> -> memref<64xi32, #tpu.memory_space<vmem>>
    %dma_wait3A_179 = arith.constant 0 : i32
    %dma_wait3A_180 = arith.constant 0 : i32
    %dma_wait3A_181 = tpu.memref_slice %arg8[%dma_wait3A_179, %dma_wait3A_180] : memref<10112x128xf32, #tpu.memory_space<vmem_shared>> -> memref<10112x128xf32, #tpu.memory_space<vmem_shared>>
    tpu.wait_indirect_dma semaphore(%arg16 : memref<!tpu.dma_semaphore, #tpu.memory_space<semaphore_mem>>) src(%arg10 : memref<64x128xf32, #tpu.memory_space<vmem>>) dst(%dma_wait3A_181 : memref<10112x128xf32, #tpu.memory_space<vmem_shared>>)
    %barrier3A_182 = arith.constant 0 : index
    tpu.barrier barrier_id(%barrier3A_182)
    %mul3A_183 = arith.constant 624 : i32
    %mul3A_184 = arith.muli %arg1, %mul3A_183 : i32
    %mul3A_185 = arith.constant 624 : i32
    %mul3A_186 = arith.muli %arg1, %mul3A_185 : i32
    "tpu.region"() ({
      %run_scoped3A = tpu.sem_alloc : memref<!tpu.dma_semaphore, #tpu.memory_space<semaphore_mem>>
      %dma_start3A_189 = arith.constant 0 : i32
      %dma_start3A_190 = tpu.memref_slice %arg5[%arg0, %mul3A_186, %dma_start3A_189] : memref<2x10000x128xf32, #tpu.memory_space<hbm>> -> memref<1x624x128xf32, #tpu.memory_space<hbm>>
      %dma_start3A_191 = tpu.memref_squeeze %dma_start3A_190 : memref<1x624x128xf32, #tpu.memory_space<hbm>> -> memref<624x128xf32, #tpu.memory_space<hbm>>
      %dma_start3A_192 = arith.constant 0 : i32
      %dma_start3A_193 = tpu.memref_slice %arg8[%mul3A_184, %dma_start3A_192] : memref<10112x128xf32, #tpu.memory_space<vmem_shared>> -> memref<624x128xf32, #tpu.memory_space<vmem_shared>>
      tpu.enqueue_dma source(%dma_start3A_193 : memref<624x128xf32, #tpu.memory_space<vmem_shared>>) target(%dma_start3A_191 : memref<624x128xf32, #tpu.memory_space<hbm>>) target_semaphore(%run_scoped3A : memref<!tpu.dma_semaphore, #tpu.memory_space<semaphore_mem>>)
      %dma_wait3A_194 = arith.constant 0 : i32
      %dma_wait3A_195 = tpu.memref_slice %arg5[%arg0, %mul3A_186, %dma_wait3A_194] : memref<2x10000x128xf32, #tpu.memory_space<hbm>> -> memref<1x624x128xf32, #tpu.memory_space<hbm>>
      %dma_wait3A_196 = tpu.memref_squeeze %dma_wait3A_195 : memref<1x624x128xf32, #tpu.memory_space<hbm>> -> memref<624x128xf32, #tpu.memory_space<hbm>>
      %dma_wait3A_197 = arith.constant 0 : i32
      %dma_wait3A_198 = tpu.memref_slice %arg8[%mul3A_184, %dma_wait3A_197] : memref<10112x128xf32, #tpu.memory_space<vmem_shared>> -> memref<624x128xf32, #tpu.memory_space<vmem_shared>>
      tpu.wait_dma2 semaphore(%run_scoped3A : memref<!tpu.dma_semaphore, #tpu.memory_space<semaphore_mem>>) src(%dma_wait3A_198 : memref<624x128xf32, #tpu.memory_space<vmem_shared>>) dst(%dma_wait3A_196 : memref<624x128xf32, #tpu.memory_space<hbm>>)
      tpu.yield
    }) : () -> ()
    %eq3A = arith.constant 15 : i32
    %eq3A_187 = arith.cmpi eq, %arg1, %eq3A : i32
    %convert_element_type3A = arith.extui %eq3A_187 : i1 to i32
    %cond3A = arith.constant 0 : i32
    %cond3A_188 = arith.cmpi ne, %convert_element_type3A, %cond3A : i32
    scf.if %cond3A_188 {
      "tpu.region"() ({
        %run_scoped3A = tpu.sem_alloc : memref<!tpu.dma_semaphore, #tpu.memory_space<semaphore_mem>>
        %dma_start3A_189 = arith.constant 9984 : i32
        %dma_start3A_190 = arith.constant 0 : i32
        %dma_start3A_191 = tpu.memref_slice %arg5[%arg0, %dma_start3A_189, %dma_start3A_190] : memref<2x10000x128xf32, #tpu.memory_space<hbm>> -> memref<1x16x128xf32, #tpu.memory_space<hbm>>
        %dma_start3A_192 = tpu.memref_squeeze %dma_start3A_191 : memref<1x16x128xf32, #tpu.memory_space<hbm>> -> memref<16x128xf32, #tpu.memory_space<hbm>>
        %dma_start3A_193 = arith.constant 9984 : i32
        %dma_start3A_194 = arith.constant 0 : i32
        %dma_start3A_195 = tpu.memref_slice %arg8[%dma_start3A_193, %dma_start3A_194] : memref<10112x128xf32, #tpu.memory_space<vmem_shared>> -> memref<16x128xf32, #tpu.memory_space<vmem_shared>>
        tpu.enqueue_dma source(%dma_start3A_195 : memref<16x128xf32, #tpu.memory_space<vmem_shared>>) target(%dma_start3A_192 : memref<16x128xf32, #tpu.memory_space<hbm>>) target_semaphore(%run_scoped3A : memref<!tpu.dma_semaphore, #tpu.memory_space<semaphore_mem>>)
        %dma_wait3A_196 = arith.constant 9984 : i32
        %dma_wait3A_197 = arith.constant 0 : i32
        %dma_wait3A_198 = tpu.memref_slice %arg5[%arg0, %dma_wait3A_196, %dma_wait3A_197] : memref<2x10000x128xf32, #tpu.memory_space<hbm>> -> memref<1x16x128xf32, #tpu.memory_space<hbm>>
        %dma_wait3A_199 = tpu.memref_squeeze %dma_wait3A_198 : memref<1x16x128xf32, #tpu.memory_space<hbm>> -> memref<16x128xf32, #tpu.memory_space<hbm>>
        %dma_wait3A_200 = arith.constant 9984 : i32
        %dma_wait3A_201 = arith.constant 0 : i32
        %dma_wait3A_202 = tpu.memref_slice %arg8[%dma_wait3A_200, %dma_wait3A_201] : memref<10112x128xf32, #tpu.memory_space<vmem_shared>> -> memref<16x128xf32, #tpu.memory_space<vmem_shared>>
        tpu.wait_dma2 semaphore(%run_scoped3A : memref<!tpu.dma_semaphore, #tpu.memory_space<semaphore_mem>>) src(%dma_wait3A_202 : memref<16x128xf32, #tpu.memory_space<vmem_shared>>) dst(%dma_wait3A_199 : memref<16x128xf32, #tpu.memory_space<hbm>>)
        tpu.yield
      }) : () -> ()
    } else {
    }
    return
  }
}

#map = affine_map<(d0, d1) -> (0, 0, 0)>
#map1 = affine_map<(d0, d1) -> (0)>
module attributes {stable_mosaic.version = 14 : i64} {
  func.func @_deg_kernel(%arg0: i32, %arg1: i32, %arg2: memref<32x160x64xi32, #tpu.memory_space<hbm>>, %arg3: memref<10112xf32, #tpu.memory_space<hbm>>, %arg4: memref<20224xf32, #tpu.memory_space<hbm>>, %arg5: memref<160x64xi32, #tpu.memory_space<vmem>>, %arg6: memref<64xf32, #tpu.memory_space<vmem>>, %arg7: memref<10112xf32, #tpu.memory_space<vmem_shared>>, %arg8: memref<!tpu.dma_semaphore, #tpu.memory_space<semaphore_mem>>) attributes {dimension_semantics = [#tpu.dimension_semantics<core_parallel>, #tpu.dimension_semantics<subcore_parallel>], iteration_bounds = array<i64: 2, 16>, scalar_prefetch = 0 : i64, scratch_operands = 4 : i64, tpu.core_type = #tpu.core_type<sc_vector_subcore>, window_params = [{transform_indices = #map}, {transform_indices = #map1}, {transform_indices = #map1}]} {
    %mul3A = arith.constant 16 : i32
    %mul3A_0 = arith.muli %arg0, %mul3A : i32
    %add3A = arith.addi %mul3A_0, %arg1 : i32
    %broadcast_in_dim3A = arith.constant 1.000000e+00 : f32
    %broadcast_in_dim3A_1 = vector.broadcast %broadcast_in_dim3A : f32 to vector<16xf32>
    %swap3A = arith.constant 0 : index
    %swap3A_2 = tpu.vector_load %arg6[%swap3A] {strides = array<i32>} : memref<64xf32, #tpu.memory_space<vmem>>, vector<16xf32>,
    %swap3A_3 = vector.shape_cast %swap3A_2 : vector<16xf32> to vector<16xf32>
    %swap3A_4 = vector.shape_cast %broadcast_in_dim3A_1 : vector<16xf32> to vector<16xf32>
    tpu.vector_store %arg6[%swap3A], %swap3A_4 {strides = array<i32>} : memref<64xf32, #tpu.memory_space<vmem>>, vector<16xf32>,
    %broadcast_in_dim3A_5 = arith.constant 1.000000e+00 : f32
    %broadcast_in_dim3A_6 = vector.broadcast %broadcast_in_dim3A_5 : f32 to vector<16xf32>
    %swap3A_7 = arith.constant 16 : index
    %swap3A_8 = tpu.vector_load %arg6[%swap3A_7] {strides = array<i32>} : memref<64xf32, #tpu.memory_space<vmem>>, vector<16xf32>,
    %swap3A_9 = vector.shape_cast %swap3A_8 : vector<16xf32> to vector<16xf32>
    %swap3A_10 = vector.shape_cast %broadcast_in_dim3A_6 : vector<16xf32> to vector<16xf32>
    tpu.vector_store %arg6[%swap3A_7], %swap3A_10 {strides = array<i32>} : memref<64xf32, #tpu.memory_space<vmem>>, vector<16xf32>,
    %broadcast_in_dim3A_11 = arith.constant 1.000000e+00 : f32
    %broadcast_in_dim3A_12 = vector.broadcast %broadcast_in_dim3A_11 : f32 to vector<16xf32>
    %swap3A_13 = arith.constant 32 : index
    %swap3A_14 = tpu.vector_load %arg6[%swap3A_13] {strides = array<i32>} : memref<64xf32, #tpu.memory_space<vmem>>, vector<16xf32>,
    %swap3A_15 = vector.shape_cast %swap3A_14 : vector<16xf32> to vector<16xf32>
    %swap3A_16 = vector.shape_cast %broadcast_in_dim3A_12 : vector<16xf32> to vector<16xf32>
    tpu.vector_store %arg6[%swap3A_13], %swap3A_16 {strides = array<i32>} : memref<64xf32, #tpu.memory_space<vmem>>, vector<16xf32>,
    %broadcast_in_dim3A_17 = arith.constant 1.000000e+00 : f32
    %broadcast_in_dim3A_18 = vector.broadcast %broadcast_in_dim3A_17 : f32 to vector<16xf32>
    %swap3A_19 = arith.constant 48 : index
    %swap3A_20 = tpu.vector_load %arg6[%swap3A_19] {strides = array<i32>} : memref<64xf32, #tpu.memory_space<vmem>>, vector<16xf32>,
    %swap3A_21 = vector.shape_cast %swap3A_20 : vector<16xf32> to vector<16xf32>
    %swap3A_22 = vector.shape_cast %broadcast_in_dim3A_18 : vector<16xf32> to vector<16xf32>
    tpu.vector_store %arg6[%swap3A_19], %swap3A_22 {strides = array<i32>} : memref<64xf32, #tpu.memory_space<vmem>>, vector<16xf32>,
    "tpu.region"() ({
      %run_scoped3A = tpu.sem_alloc : memref<!tpu.dma_semaphore, #tpu.memory_space<semaphore_mem>>
      %dma_start3A = arith.constant 0 : i32
      %dma_start3A_45 = arith.constant 0 : i32
      %dma_start3A_46 = tpu.memref_slice %arg2[%add3A, %dma_start3A, %dma_start3A_45] : memref<32x160x64xi32, #tpu.memory_space<hbm>> -> memref<1x160x64xi32, #tpu.memory_space<hbm>>
      %dma_start3A_47 = tpu.memref_squeeze %dma_start3A_46 : memref<1x160x64xi32, #tpu.memory_space<hbm>> -> memref<160x64xi32, #tpu.memory_space<hbm>>
      %dma_start3A_48 = arith.constant 0 : i32
      %dma_start3A_49 = arith.constant 0 : i32
      %dma_start3A_50 = tpu.memref_slice %arg2[%add3A, %dma_start3A_48, %dma_start3A_49] : memref<32x160x64xi32, #tpu.memory_space<hbm>> -> memref<1x160x64xi32, #tpu.memory_space<hbm>>
      %dma_start3A_51 = tpu.memref_squeeze %dma_start3A_50 : memref<1x160x64xi32, #tpu.memory_space<hbm>> -> memref<160x64xi32, #tpu.memory_space<hbm>>
      tpu.enqueue_dma source(%dma_start3A_51 : memref<160x64xi32, #tpu.memory_space<hbm>>) target(%arg5 : memref<160x64xi32, #tpu.memory_space<vmem>>) target_semaphore(%run_scoped3A : memref<!tpu.dma_semaphore, #tpu.memory_space<semaphore_mem>>)
      %dma_wait3A = arith.constant 0 : i32
      %dma_wait3A_52 = arith.constant 0 : i32
      %dma_wait3A_53 = tpu.memref_slice %arg2[%add3A, %dma_wait3A, %dma_wait3A_52] : memref<32x160x64xi32, #tpu.memory_space<hbm>> -> memref<1x160x64xi32, #tpu.memory_space<hbm>>
      %dma_wait3A_54 = tpu.memref_squeeze %dma_wait3A_53 : memref<1x160x64xi32, #tpu.memory_space<hbm>> -> memref<160x64xi32, #tpu.memory_space<hbm>>
      %dma_wait3A_55 = arith.constant 0 : i32
      %dma_wait3A_56 = arith.constant 0 : i32
      %dma_wait3A_57 = tpu.memref_slice %arg2[%add3A, %dma_wait3A_55, %dma_wait3A_56] : memref<32x160x64xi32, #tpu.memory_space<hbm>> -> memref<1x160x64xi32, #tpu.memory_space<hbm>>
      %dma_wait3A_58 = tpu.memref_squeeze %dma_wait3A_57 : memref<1x160x64xi32, #tpu.memory_space<hbm>> -> memref<160x64xi32, #tpu.memory_space<hbm>>
      tpu.wait_dma2 semaphore(%run_scoped3A : memref<!tpu.dma_semaphore, #tpu.memory_space<semaphore_mem>>) src(%dma_wait3A_58 : memref<160x64xi32, #tpu.memory_space<hbm>>) dst(%arg5 : memref<160x64xi32, #tpu.memory_space<vmem>>)
      tpu.yield
    }) : () -> ()
    %lt3A = arith.constant 15 : i32
    %lt3A_23 = arith.cmpi slt, %arg1, %lt3A : i32
    %convert_element_type3A = arith.extui %lt3A_23 : i1 to i32
    %cond3A = arith.constant 0 : i32
    %cond3A_24 = arith.cmpi ne, %convert_element_type3A, %cond3A : i32
    scf.if %cond3A_24 {
      %mul3A_45 = arith.constant 640 : i32
      %mul3A_46 = arith.muli %arg1, %mul3A_45 : i32
      %mul3A_47 = arith.constant 640 : i32
      %mul3A_48 = arith.muli %arg1, %mul3A_47 : i32
      "tpu.region"() ({
        %run_scoped3A = tpu.sem_alloc : memref<!tpu.dma_semaphore, #tpu.memory_space<semaphore_mem>>
        %dma_start3A = tpu.memref_slice %arg7[%mul3A_48] : memref<10112xf32, #tpu.memory_space<vmem_shared>> -> memref<640xf32, #tpu.memory_space<vmem_shared>>
        %dma_start3A_49 = tpu.memref_slice %arg3[%mul3A_46] : memref<10112xf32, #tpu.memory_space<hbm>> -> memref<640xf32, #tpu.memory_space<hbm>>
        tpu.enqueue_dma source(%dma_start3A_49 : memref<640xf32, #tpu.memory_space<hbm>>) target(%dma_start3A : memref<640xf32, #tpu.memory_space<vmem_shared>>) target_semaphore(%run_scoped3A : memref<!tpu.dma_semaphore, #tpu.memory_space<semaphore_mem>>)
        %dma_wait3A = tpu.memref_slice %arg7[%mul3A_48] : memref<10112xf32, #tpu.memory_space<vmem_shared>> -> memref<640xf32, #tpu.memory_space<vmem_shared>>
        %dma_wait3A_50 = tpu.memref_slice %arg3[%mul3A_46] : memref<10112xf32, #tpu.memory_space<hbm>> -> memref<640xf32, #tpu.memory_space<hbm>>
        tpu.wait_dma2 semaphore(%run_scoped3A : memref<!tpu.dma_semaphore, #tpu.memory_space<semaphore_mem>>) src(%dma_wait3A_50 : memref<640xf32, #tpu.memory_space<hbm>>) dst(%dma_wait3A : memref<640xf32, #tpu.memory_space<vmem_shared>>)
        tpu.yield
      }) : () -> ()
    } else {
    }
    %eq3A = arith.constant 15 : i32
    %eq3A_25 = arith.cmpi eq, %arg1, %eq3A : i32
    %convert_element_type3A_26 = arith.extui %eq3A_25 : i1 to i32
    %cond3A_27 = arith.constant 0 : i32
    %cond3A_28 = arith.cmpi ne, %convert_element_type3A_26, %cond3A_27 : i32
    scf.if %cond3A_28 {
      "tpu.region"() ({
        %run_scoped3A = tpu.sem_alloc : memref<!tpu.dma_semaphore, #tpu.memory_space<semaphore_mem>>
        %dma_start3A = arith.constant 9600 : i32
        %dma_start3A_45 = tpu.memref_slice %arg7[%dma_start3A] : memref<10112xf32, #tpu.memory_space<vmem_shared>> -> memref<512xf32, #tpu.memory_space<vmem_shared>>
        %dma_start3A_46 = arith.constant 9600 : i32
        %dma_start3A_47 = tpu.memref_slice %arg3[%dma_start3A_46] : memref<10112xf32, #tpu.memory_space<hbm>> -> memref<512xf32, #tpu.memory_space<hbm>>
        tpu.enqueue_dma source(%dma_start3A_47 : memref<512xf32, #tpu.memory_space<hbm>>) target(%dma_start3A_45 : memref<512xf32, #tpu.memory_space<vmem_shared>>) target_semaphore(%run_scoped3A : memref<!tpu.dma_semaphore, #tpu.memory_space<semaphore_mem>>)
        %dma_wait3A = arith.constant 9600 : i32
        %dma_wait3A_48 = tpu.memref_slice %arg7[%dma_wait3A] : memref<10112xf32, #tpu.memory_space<vmem_shared>> -> memref<512xf32, #tpu.memory_space<vmem_shared>>
        %dma_wait3A_49 = arith.constant 9600 : i32
        %dma_wait3A_50 = tpu.memref_slice %arg3[%dma_wait3A_49] : memref<10112xf32, #tpu.memory_space<hbm>> -> memref<512xf32, #tpu.memory_space<hbm>>
        tpu.wait_dma2 semaphore(%run_scoped3A : memref<!tpu.dma_semaphore, #tpu.memory_space<semaphore_mem>>) src(%dma_wait3A_50 : memref<512xf32, #tpu.memory_space<hbm>>) dst(%dma_wait3A_48 : memref<512xf32, #tpu.memory_space<vmem_shared>>)
        tpu.yield
      }) : () -> ()
    } else {
    }
    %barrier3A = arith.constant 0 : index
    tpu.barrier barrier_id(%barrier3A)
    %scan3A = arith.constant 0 : i32
    %scan3A_29 = arith.constant 0 : i32
    %scan3A_30 = arith.constant 20 : i32
    %scan3A_31 = arith.addi %scan3A_29, %scan3A_30 : i32
    %scan3A_32 = arith.constant 1 : i32
    scf.for %scan3A_45 = %scan3A_29 to %scan3A_31 step %scan3A_32  : i32 {
      %mul3A_46 = arith.constant 8 : i32
      %mul3A_47 = arith.muli %scan3A_45, %mul3A_46 : i32
      %add3A_48 = arith.constant 0 : i32
      %add3A_49 = arith.addi %mul3A_47, %add3A_48 : i32
      %dma_start3A = arith.constant 0 : i32
      %dma_start3A_50 = tpu.memref_slice %arg5[%add3A_49, %dma_start3A] : memref<160x64xi32, #tpu.memory_space<vmem>> -> memref<1x64xi32, #tpu.memory_space<vmem>>
      %dma_start3A_51 = tpu.memref_squeeze %dma_start3A_50 : memref<1x64xi32, #tpu.memory_space<vmem>> -> memref<64xi32, #tpu.memory_space<vmem>>
      %dma_start3A_52 = arith.constant 0 : i32
      %dma_start3A_53 = tpu.memref_slice %arg7[%dma_start3A_52] : memref<10112xf32, #tpu.memory_space<vmem_shared>> -> memref<10112xf32, #tpu.memory_space<vmem_shared>>
      tpu.enqueue_indirect_dma source(%arg6 : memref<64xf32, #tpu.memory_space<vmem>>) target(%dma_start3A_53 : memref<10112xf32, #tpu.memory_space<vmem_shared>>) offsets(%dma_start3A_51 : memref<64xi32, #tpu.memory_space<vmem>>) semaphore(%arg8 : memref<!tpu.dma_semaphore, #tpu.memory_space<semaphore_mem>>) {add = true}
      %mul3A_54 = arith.constant 8 : i32
      %mul3A_55 = arith.muli %scan3A_45, %mul3A_54 : i32
      %add3A_56 = arith.constant 1 : i32
      %add3A_57 = arith.addi %mul3A_55, %add3A_56 : i32
      %dma_start3A_58 = arith.constant 0 : i32
      %dma_start3A_59 = tpu.memref_slice %arg5[%add3A_57, %dma_start3A_58] : memref<160x64xi32, #tpu.memory_space<vmem>> -> memref<1x64xi32, #tpu.memory_space<vmem>>
      %dma_start3A_60 = tpu.memref_squeeze %dma_start3A_59 : memref<1x64xi32, #tpu.memory_space<vmem>> -> memref<64xi32, #tpu.memory_space<vmem>>
      %dma_start3A_61 = arith.constant 0 : i32
      %dma_start3A_62 = tpu.memref_slice %arg7[%dma_start3A_61] : memref<10112xf32, #tpu.memory_space<vmem_shared>> -> memref<10112xf32, #tpu.memory_space<vmem_shared>>
      tpu.enqueue_indirect_dma source(%arg6 : memref<64xf32, #tpu.memory_space<vmem>>) target(%dma_start3A_62 : memref<10112xf32, #tpu.memory_space<vmem_shared>>) offsets(%dma_start3A_60 : memref<64xi32, #tpu.memory_space<vmem>>) semaphore(%arg8 : memref<!tpu.dma_semaphore, #tpu.memory_space<semaphore_mem>>) {add = true}
      %mul3A_63 = arith.constant 8 : i32
      %mul3A_64 = arith.muli %scan3A_45, %mul3A_63 : i32
      %add3A_65 = arith.constant 2 : i32
      %add3A_66 = arith.addi %mul3A_64, %add3A_65 : i32
      %dma_start3A_67 = arith.constant 0 : i32
      %dma_start3A_68 = tpu.memref_slice %arg5[%add3A_66, %dma_start3A_67] : memref<160x64xi32, #tpu.memory_space<vmem>> -> memref<1x64xi32, #tpu.memory_space<vmem>>
      %dma_start3A_69 = tpu.memref_squeeze %dma_start3A_68 : memref<1x64xi32, #tpu.memory_space<vmem>> -> memref<64xi32, #tpu.memory_space<vmem>>
      %dma_start3A_70 = arith.constant 0 : i32
      %dma_start3A_71 = tpu.memref_slice %arg7[%dma_start3A_70] : memref<10112xf32, #tpu.memory_space<vmem_shared>> -> memref<10112xf32, #tpu.memory_space<vmem_shared>>
      tpu.enqueue_indirect_dma source(%arg6 : memref<64xf32, #tpu.memory_space<vmem>>) target(%dma_start3A_71 : memref<10112xf32, #tpu.memory_space<vmem_shared>>) offsets(%dma_start3A_69 : memref<64xi32, #tpu.memory_space<vmem>>) semaphore(%arg8 : memref<!tpu.dma_semaphore, #tpu.memory_space<semaphore_mem>>) {add = true}
      %mul3A_72 = arith.constant 8 : i32
      %mul3A_73 = arith.muli %scan3A_45, %mul3A_72 : i32
      %add3A_74 = arith.constant 3 : i32
      %add3A_75 = arith.addi %mul3A_73, %add3A_74 : i32
      %dma_start3A_76 = arith.constant 0 : i32
      %dma_start3A_77 = tpu.memref_slice %arg5[%add3A_75, %dma_start3A_76] : memref<160x64xi32, #tpu.memory_space<vmem>> -> memref<1x64xi32, #tpu.memory_space<vmem>>
      %dma_start3A_78 = tpu.memref_squeeze %dma_start3A_77 : memref<1x64xi32, #tpu.memory_space<vmem>> -> memref<64xi32, #tpu.memory_space<vmem>>
      %dma_start3A_79 = arith.constant 0 : i32
      %dma_start3A_80 = tpu.memref_slice %arg7[%dma_start3A_79] : memref<10112xf32, #tpu.memory_space<vmem_shared>> -> memref<10112xf32, #tpu.memory_space<vmem_shared>>
      tpu.enqueue_indirect_dma source(%arg6 : memref<64xf32, #tpu.memory_space<vmem>>) target(%dma_start3A_80 : memref<10112xf32, #tpu.memory_space<vmem_shared>>) offsets(%dma_start3A_78 : memref<64xi32, #tpu.memory_space<vmem>>) semaphore(%arg8 : memref<!tpu.dma_semaphore, #tpu.memory_space<semaphore_mem>>) {add = true}
      %mul3A_81 = arith.constant 8 : i32
      %mul3A_82 = arith.muli %scan3A_45, %mul3A_81 : i32
      %add3A_83 = arith.constant 4 : i32
      %add3A_84 = arith.addi %mul3A_82, %add3A_83 : i32
      %dma_start3A_85 = arith.constant 0 : i32
      %dma_start3A_86 = tpu.memref_slice %arg5[%add3A_84, %dma_start3A_85] : memref<160x64xi32, #tpu.memory_space<vmem>> -> memref<1x64xi32, #tpu.memory_space<vmem>>
      %dma_start3A_87 = tpu.memref_squeeze %dma_start3A_86 : memref<1x64xi32, #tpu.memory_space<vmem>> -> memref<64xi32, #tpu.memory_space<vmem>>
      %dma_start3A_88 = arith.constant 0 : i32
      %dma_start3A_89 = tpu.memref_slice %arg7[%dma_start3A_88] : memref<10112xf32, #tpu.memory_space<vmem_shared>> -> memref<10112xf32, #tpu.memory_space<vmem_shared>>
      tpu.enqueue_indirect_dma source(%arg6 : memref<64xf32, #tpu.memory_space<vmem>>) target(%dma_start3A_89 : memref<10112xf32, #tpu.memory_space<vmem_shared>>) offsets(%dma_start3A_87 : memref<64xi32, #tpu.memory_space<vmem>>) semaphore(%arg8 : memref<!tpu.dma_semaphore, #tpu.memory_space<semaphore_mem>>) {add = true}
      %mul3A_90 = arith.constant 8 : i32
      %mul3A_91 = arith.muli %scan3A_45, %mul3A_90 : i32
      %add3A_92 = arith.constant 5 : i32
      %add3A_93 = arith.addi %mul3A_91, %add3A_92 : i32
      %dma_start3A_94 = arith.constant 0 : i32
      %dma_start3A_95 = tpu.memref_slice %arg5[%add3A_93, %dma_start3A_94] : memref<160x64xi32, #tpu.memory_space<vmem>> -> memref<1x64xi32, #tpu.memory_space<vmem>>
      %dma_start3A_96 = tpu.memref_squeeze %dma_start3A_95 : memref<1x64xi32, #tpu.memory_space<vmem>> -> memref<64xi32, #tpu.memory_space<vmem>>
      %dma_start3A_97 = arith.constant 0 : i32
      %dma_start3A_98 = tpu.memref_slice %arg7[%dma_start3A_97] : memref<10112xf32, #tpu.memory_space<vmem_shared>> -> memref<10112xf32, #tpu.memory_space<vmem_shared>>
      tpu.enqueue_indirect_dma source(%arg6 : memref<64xf32, #tpu.memory_space<vmem>>) target(%dma_start3A_98 : memref<10112xf32, #tpu.memory_space<vmem_shared>>) offsets(%dma_start3A_96 : memref<64xi32, #tpu.memory_space<vmem>>) semaphore(%arg8 : memref<!tpu.dma_semaphore, #tpu.memory_space<semaphore_mem>>) {add = true}
      %mul3A_99 = arith.constant 8 : i32
      %mul3A_100 = arith.muli %scan3A_45, %mul3A_99 : i32
      %add3A_101 = arith.constant 6 : i32
      %add3A_102 = arith.addi %mul3A_100, %add3A_101 : i32
      %dma_start3A_103 = arith.constant 0 : i32
      %dma_start3A_104 = tpu.memref_slice %arg5[%add3A_102, %dma_start3A_103] : memref<160x64xi32, #tpu.memory_space<vmem>> -> memref<1x64xi32, #tpu.memory_space<vmem>>
      %dma_start3A_105 = tpu.memref_squeeze %dma_start3A_104 : memref<1x64xi32, #tpu.memory_space<vmem>> -> memref<64xi32, #tpu.memory_space<vmem>>
      %dma_start3A_106 = arith.constant 0 : i32
      %dma_start3A_107 = tpu.memref_slice %arg7[%dma_start3A_106] : memref<10112xf32, #tpu.memory_space<vmem_shared>> -> memref<10112xf32, #tpu.memory_space<vmem_shared>>
      tpu.enqueue_indirect_dma source(%arg6 : memref<64xf32, #tpu.memory_space<vmem>>) target(%dma_start3A_107 : memref<10112xf32, #tpu.memory_space<vmem_shared>>) offsets(%dma_start3A_105 : memref<64xi32, #tpu.memory_space<vmem>>) semaphore(%arg8 : memref<!tpu.dma_semaphore, #tpu.memory_space<semaphore_mem>>) {add = true}
      %mul3A_108 = arith.constant 8 : i32
      %mul3A_109 = arith.muli %scan3A_45, %mul3A_108 : i32
      %add3A_110 = arith.constant 7 : i32
      %add3A_111 = arith.addi %mul3A_109, %add3A_110 : i32
      %dma_start3A_112 = arith.constant 0 : i32
      %dma_start3A_113 = tpu.memref_slice %arg5[%add3A_111, %dma_start3A_112] : memref<160x64xi32, #tpu.memory_space<vmem>> -> memref<1x64xi32, #tpu.memory_space<vmem>>
      %dma_start3A_114 = tpu.memref_squeeze %dma_start3A_113 : memref<1x64xi32, #tpu.memory_space<vmem>> -> memref<64xi32, #tpu.memory_space<vmem>>
      %dma_start3A_115 = arith.constant 0 : i32
      %dma_start3A_116 = tpu.memref_slice %arg7[%dma_start3A_115] : memref<10112xf32, #tpu.memory_space<vmem_shared>> -> memref<10112xf32, #tpu.memory_space<vmem_shared>>
      tpu.enqueue_indirect_dma source(%arg6 : memref<64xf32, #tpu.memory_space<vmem>>) target(%dma_start3A_116 : memref<10112xf32, #tpu.memory_space<vmem_shared>>) offsets(%dma_start3A_114 : memref<64xi32, #tpu.memory_space<vmem>>) semaphore(%arg8 : memref<!tpu.dma_semaphore, #tpu.memory_space<semaphore_mem>>) {add = true}
      %mul3A_117 = arith.constant 8 : i32
      %mul3A_118 = arith.muli %scan3A_45, %mul3A_117 : i32
      %add3A_119 = arith.constant 0 : i32
      %add3A_120 = arith.addi %mul3A_118, %add3A_119 : i32
      %dma_wait3A = arith.constant 0 : i32
      %dma_wait3A_121 = tpu.memref_slice %arg5[%add3A_120, %dma_wait3A] : memref<160x64xi32, #tpu.memory_space<vmem>> -> memref<1x64xi32, #tpu.memory_space<vmem>>
      %dma_wait3A_122 = tpu.memref_squeeze %dma_wait3A_121 : memref<1x64xi32, #tpu.memory_space<vmem>> -> memref<64xi32, #tpu.memory_space<vmem>>
      %dma_wait3A_123 = arith.constant 0 : i32
      %dma_wait3A_124 = tpu.memref_slice %arg7[%dma_wait3A_123] : memref<10112xf32, #tpu.memory_space<vmem_shared>> -> memref<10112xf32, #tpu.memory_space<vmem_shared>>
      tpu.wait_indirect_dma semaphore(%arg8 : memref<!tpu.dma_semaphore, #tpu.memory_space<semaphore_mem>>) src(%arg6 : memref<64xf32, #tpu.memory_space<vmem>>) dst(%dma_wait3A_124 : memref<10112xf32, #tpu.memory_space<vmem_shared>>)
      %mul3A_125 = arith.constant 8 : i32
      %mul3A_126 = arith.muli %scan3A_45, %mul3A_125 : i32
      %add3A_127 = arith.constant 1 : i32
      %add3A_128 = arith.addi %mul3A_126, %add3A_127 : i32
      %dma_wait3A_129 = arith.constant 0 : i32
      %dma_wait3A_130 = tpu.memref_slice %arg5[%add3A_128, %dma_wait3A_129] : memref<160x64xi32, #tpu.memory_space<vmem>> -> memref<1x64xi32, #tpu.memory_space<vmem>>
      %dma_wait3A_131 = tpu.memref_squeeze %dma_wait3A_130 : memref<1x64xi32, #tpu.memory_space<vmem>> -> memref<64xi32, #tpu.memory_space<vmem>>
      %dma_wait3A_132 = arith.constant 0 : i32
      %dma_wait3A_133 = tpu.memref_slice %arg7[%dma_wait3A_132] : memref<10112xf32, #tpu.memory_space<vmem_shared>> -> memref<10112xf32, #tpu.memory_space<vmem_shared>>
      tpu.wait_indirect_dma semaphore(%arg8 : memref<!tpu.dma_semaphore, #tpu.memory_space<semaphore_mem>>) src(%arg6 : memref<64xf32, #tpu.memory_space<vmem>>) dst(%dma_wait3A_133 : memref<10112xf32, #tpu.memory_space<vmem_shared>>)
      %mul3A_134 = arith.constant 8 : i32
      %mul3A_135 = arith.muli %scan3A_45, %mul3A_134 : i32
      %add3A_136 = arith.constant 2 : i32
      %add3A_137 = arith.addi %mul3A_135, %add3A_136 : i32
      %dma_wait3A_138 = arith.constant 0 : i32
      %dma_wait3A_139 = tpu.memref_slice %arg5[%add3A_137, %dma_wait3A_138] : memref<160x64xi32, #tpu.memory_space<vmem>> -> memref<1x64xi32, #tpu.memory_space<vmem>>
      %dma_wait3A_140 = tpu.memref_squeeze %dma_wait3A_139 : memref<1x64xi32, #tpu.memory_space<vmem>> -> memref<64xi32, #tpu.memory_space<vmem>>
      %dma_wait3A_141 = arith.constant 0 : i32
      %dma_wait3A_142 = tpu.memref_slice %arg7[%dma_wait3A_141] : memref<10112xf32, #tpu.memory_space<vmem_shared>> -> memref<10112xf32, #tpu.memory_space<vmem_shared>>
      tpu.wait_indirect_dma semaphore(%arg8 : memref<!tpu.dma_semaphore, #tpu.memory_space<semaphore_mem>>) src(%arg6 : memref<64xf32, #tpu.memory_space<vmem>>) dst(%dma_wait3A_142 : memref<10112xf32, #tpu.memory_space<vmem_shared>>)
      %mul3A_143 = arith.constant 8 : i32
      %mul3A_144 = arith.muli %scan3A_45, %mul3A_143 : i32
      %add3A_145 = arith.constant 3 : i32
      %add3A_146 = arith.addi %mul3A_144, %add3A_145 : i32
      %dma_wait3A_147 = arith.constant 0 : i32
      %dma_wait3A_148 = tpu.memref_slice %arg5[%add3A_146, %dma_wait3A_147] : memref<160x64xi32, #tpu.memory_space<vmem>> -> memref<1x64xi32, #tpu.memory_space<vmem>>
      %dma_wait3A_149 = tpu.memref_squeeze %dma_wait3A_148 : memref<1x64xi32, #tpu.memory_space<vmem>> -> memref<64xi32, #tpu.memory_space<vmem>>
      %dma_wait3A_150 = arith.constant 0 : i32
      %dma_wait3A_151 = tpu.memref_slice %arg7[%dma_wait3A_150] : memref<10112xf32, #tpu.memory_space<vmem_shared>> -> memref<10112xf32, #tpu.memory_space<vmem_shared>>
      tpu.wait_indirect_dma semaphore(%arg8 : memref<!tpu.dma_semaphore, #tpu.memory_space<semaphore_mem>>) src(%arg6 : memref<64xf32, #tpu.memory_space<vmem>>) dst(%dma_wait3A_151 : memref<10112xf32, #tpu.memory_space<vmem_shared>>)
      %mul3A_152 = arith.constant 8 : i32
      %mul3A_153 = arith.muli %scan3A_45, %mul3A_152 : i32
      %add3A_154 = arith.constant 4 : i32
      %add3A_155 = arith.addi %mul3A_153, %add3A_154 : i32
      %dma_wait3A_156 = arith.constant 0 : i32
      %dma_wait3A_157 = tpu.memref_slice %arg5[%add3A_155, %dma_wait3A_156] : memref<160x64xi32, #tpu.memory_space<vmem>> -> memref<1x64xi32, #tpu.memory_space<vmem>>
      %dma_wait3A_158 = tpu.memref_squeeze %dma_wait3A_157 : memref<1x64xi32, #tpu.memory_space<vmem>> -> memref<64xi32, #tpu.memory_space<vmem>>
      %dma_wait3A_159 = arith.constant 0 : i32
      %dma_wait3A_160 = tpu.memref_slice %arg7[%dma_wait3A_159] : memref<10112xf32, #tpu.memory_space<vmem_shared>> -> memref<10112xf32, #tpu.memory_space<vmem_shared>>
      tpu.wait_indirect_dma semaphore(%arg8 : memref<!tpu.dma_semaphore, #tpu.memory_space<semaphore_mem>>) src(%arg6 : memref<64xf32, #tpu.memory_space<vmem>>) dst(%dma_wait3A_160 : memref<10112xf32, #tpu.memory_space<vmem_shared>>)
      %mul3A_161 = arith.constant 8 : i32
      %mul3A_162 = arith.muli %scan3A_45, %mul3A_161 : i32
      %add3A_163 = arith.constant 5 : i32
      %add3A_164 = arith.addi %mul3A_162, %add3A_163 : i32
      %dma_wait3A_165 = arith.constant 0 : i32
      %dma_wait3A_166 = tpu.memref_slice %arg5[%add3A_164, %dma_wait3A_165] : memref<160x64xi32, #tpu.memory_space<vmem>> -> memref<1x64xi32, #tpu.memory_space<vmem>>
      %dma_wait3A_167 = tpu.memref_squeeze %dma_wait3A_166 : memref<1x64xi32, #tpu.memory_space<vmem>> -> memref<64xi32, #tpu.memory_space<vmem>>
      %dma_wait3A_168 = arith.constant 0 : i32
      %dma_wait3A_169 = tpu.memref_slice %arg7[%dma_wait3A_168] : memref<10112xf32, #tpu.memory_space<vmem_shared>> -> memref<10112xf32, #tpu.memory_space<vmem_shared>>
      tpu.wait_indirect_dma semaphore(%arg8 : memref<!tpu.dma_semaphore, #tpu.memory_space<semaphore_mem>>) src(%arg6 : memref<64xf32, #tpu.memory_space<vmem>>) dst(%dma_wait3A_169 : memref<10112xf32, #tpu.memory_space<vmem_shared>>)
      %mul3A_170 = arith.constant 8 : i32
      %mul3A_171 = arith.muli %scan3A_45, %mul3A_170 : i32
      %add3A_172 = arith.constant 6 : i32
      %add3A_173 = arith.addi %mul3A_171, %add3A_172 : i32
      %dma_wait3A_174 = arith.constant 0 : i32
      %dma_wait3A_175 = tpu.memref_slice %arg5[%add3A_173, %dma_wait3A_174] : memref<160x64xi32, #tpu.memory_space<vmem>> -> memref<1x64xi32, #tpu.memory_space<vmem>>
      %dma_wait3A_176 = tpu.memref_squeeze %dma_wait3A_175 : memref<1x64xi32, #tpu.memory_space<vmem>> -> memref<64xi32, #tpu.memory_space<vmem>>
      %dma_wait3A_177 = arith.constant 0 : i32
      %dma_wait3A_178 = tpu.memref_slice %arg7[%dma_wait3A_177] : memref<10112xf32, #tpu.memory_space<vmem_shared>> -> memref<10112xf32, #tpu.memory_space<vmem_shared>>
      tpu.wait_indirect_dma semaphore(%arg8 : memref<!tpu.dma_semaphore, #tpu.memory_space<semaphore_mem>>) src(%arg6 : memref<64xf32, #tpu.memory_space<vmem>>) dst(%dma_wait3A_178 : memref<10112xf32, #tpu.memory_space<vmem_shared>>)
      %mul3A_179 = arith.constant 8 : i32
      %mul3A_180 = arith.muli %scan3A_45, %mul3A_179 : i32
      %add3A_181 = arith.constant 7 : i32
      %add3A_182 = arith.addi %mul3A_180, %add3A_181 : i32
      %dma_wait3A_183 = arith.constant 0 : i32
      %dma_wait3A_184 = tpu.memref_slice %arg5[%add3A_182, %dma_wait3A_183] : memref<160x64xi32, #tpu.memory_space<vmem>> -> memref<1x64xi32, #tpu.memory_space<vmem>>
      %dma_wait3A_185 = tpu.memref_squeeze %dma_wait3A_184 : memref<1x64xi32, #tpu.memory_space<vmem>> -> memref<64xi32, #tpu.memory_space<vmem>>
      %dma_wait3A_186 = arith.constant 0 : i32
      %dma_wait3A_187 = tpu.memref_slice %arg7[%dma_wait3A_186] : memref<10112xf32, #tpu.memory_space<vmem_shared>> -> memref<10112xf32, #tpu.memory_space<vmem_shared>>
      tpu.wait_indirect_dma semaphore(%arg8 : memref<!tpu.dma_semaphore, #tpu.memory_space<semaphore_mem>>) src(%arg6 : memref<64xf32, #tpu.memory_space<vmem>>) dst(%dma_wait3A_187 : memref<10112xf32, #tpu.memory_space<vmem_shared>>)
    }
    %scan3A_33 = arith.constant 20 : i32
    %barrier3A_34 = arith.constant 0 : index
    tpu.barrier barrier_id(%barrier3A_34)
    %lt3A_35 = arith.constant 15 : i32
    %lt3A_36 = arith.cmpi slt, %arg1, %lt3A_35 : i32
    %convert_element_type3A_37 = arith.extui %lt3A_36 : i1 to i32
    %cond3A_38 = arith.constant 0 : i32
    %cond3A_39 = arith.cmpi ne, %convert_element_type3A_37, %cond3A_38 : i32
    scf.if %cond3A_39 {
      %mul3A_45 = arith.constant 640 : i32
      %mul3A_46 = arith.muli %arg1, %mul3A_45 : i32
      %mul3A_47 = arith.constant 10112 : i32
      %mul3A_48 = arith.muli %arg0, %mul3A_47 : i32
      %mul3A_49 = arith.constant 640 : i32
      %mul3A_50 = arith.muli %arg1, %mul3A_49 : i32
      %add3A_51 = arith.addi %mul3A_48, %mul3A_50 : i32
      "tpu.region"() ({
        %run_scoped3A = tpu.sem_alloc : memref<!tpu.dma_semaphore, #tpu.memory_space<semaphore_mem>>
        %dma_start3A = tpu.memref_slice %arg4[%add3A_51] : memref<20224xf32, #tpu.memory_space<hbm>> -> memref<640xf32, #tpu.memory_space<hbm>>
        %dma_start3A_52 = tpu.memref_slice %arg7[%mul3A_46] : memref<10112xf32, #tpu.memory_space<vmem_shared>> -> memref<640xf32, #tpu.memory_space<vmem_shared>>
        tpu.enqueue_dma source(%dma_start3A_52 : memref<640xf32, #tpu.memory_space<vmem_shared>>) target(%dma_start3A : memref<640xf32, #tpu.memory_space<hbm>>) target_semaphore(%run_scoped3A : memref<!tpu.dma_semaphore, #tpu.memory_space<semaphore_mem>>)
        %dma_wait3A = tpu.memref_slice %arg4[%add3A_51] : memref<20224xf32, #tpu.memory_space<hbm>> -> memref<640xf32, #tpu.memory_space<hbm>>
        %dma_wait3A_53 = tpu.memref_slice %arg7[%mul3A_46] : memref<10112xf32, #tpu.memory_space<vmem_shared>> -> memref<640xf32, #tpu.memory_space<vmem_shared>>
        tpu.wait_dma2 semaphore(%run_scoped3A : memref<!tpu.dma_semaphore, #tpu.memory_space<semaphore_mem>>) src(%dma_wait3A_53 : memref<640xf32, #tpu.memory_space<vmem_shared>>) dst(%dma_wait3A : memref<640xf32, #tpu.memory_space<hbm>>)
        tpu.yield
      }) : () -> ()
    } else {
    }
    %eq3A_40 = arith.constant 15 : i32
    %eq3A_41 = arith.cmpi eq, %arg1, %eq3A_40 : i32
    %convert_element_type3A_42 = arith.extui %eq3A_41 : i1 to i32
    %cond3A_43 = arith.constant 0 : i32
    %cond3A_44 = arith.cmpi ne, %convert_element_type3A_42, %cond3A_43 : i32
    scf.if %cond3A_44 {
      %mul3A_45 = arith.constant 10112 : i32
      %mul3A_46 = arith.muli %arg0, %mul3A_45 : i32
      %add3A_47 = arith.constant 9600 : i32
      %add3A_48 = arith.addi %mul3A_46, %add3A_47 : i32
      "tpu.region"() ({
        %run_scoped3A = tpu.sem_alloc : memref<!tpu.dma_semaphore, #tpu.memory_space<semaphore_mem>>
        %dma_start3A = tpu.memref_slice %arg4[%add3A_48] : memref<20224xf32, #tpu.memory_space<hbm>> -> memref<512xf32, #tpu.memory_space<hbm>>
        %dma_start3A_49 = arith.constant 9600 : i32
        %dma_start3A_50 = tpu.memref_slice %arg7[%dma_start3A_49] : memref<10112xf32, #tpu.memory_space<vmem_shared>> -> memref<512xf32, #tpu.memory_space<vmem_shared>>
        tpu.enqueue_dma source(%dma_start3A_50 : memref<512xf32, #tpu.memory_space<vmem_shared>>) target(%dma_start3A : memref<512xf32, #tpu.memory_space<hbm>>) target_semaphore(%run_scoped3A : memref<!tpu.dma_semaphore, #tpu.memory_space<semaphore_mem>>)
        %dma_wait3A = tpu.memref_slice %arg4[%add3A_48] : memref<20224xf32, #tpu.memory_space<hbm>> -> memref<512xf32, #tpu.memory_space<hbm>>
        %dma_wait3A_51 = arith.constant 9600 : i32
        %dma_wait3A_52 = tpu.memref_slice %arg7[%dma_wait3A_51] : memref<10112xf32, #tpu.memory_space<vmem_shared>> -> memref<512xf32, #tpu.memory_space<vmem_shared>>
        tpu.wait_dma2 semaphore(%run_scoped3A : memref<!tpu.dma_semaphore, #tpu.memory_space<semaphore_mem>>) src(%dma_wait3A_52 : memref<512xf32, #tpu.memory_space<vmem_shared>>) dst(%dma_wait3A : memref<512xf32, #tpu.memory_space<hbm>>)
        tpu.yield
      }) : () -> ()
    } else {
    }
    return
  }
}

#map = affine_map<(d0, d1) -> (0, 0)>
#map1 = affine_map<(d0, d1) -> (0, 0, 0)>
module attributes {stable_mosaic.version = 14 : i64} {
  func.func @_scatter_kernel(%arg0: i32, %arg1: i32, %arg2: memref<10000x128xf32, #tpu.memory_space<hbm>>, %arg3: memref<32x80x128xi32, #tpu.memory_space<hbm>>, %arg4: memref<32x160x64xi32, #tpu.memory_space<hbm>>, %arg5: memref<2x10000x128xf32, #tpu.memory_space<hbm>>, %arg6: memref<40x128xi32, #tpu.memory_space<vmem>>, %arg7: memref<80x64xi32, #tpu.memory_space<vmem>>, %arg8: memref<10112x128xf32, #tpu.memory_space<vmem_shared>>, %arg9: memref<64x128xf32, #tpu.memory_space<vmem>>, %arg10: memref<64x128xf32, #tpu.memory_space<vmem>>, %arg11: memref<64x128xf32, #tpu.memory_space<vmem>>, %arg12: memref<!tpu.dma_semaphore, #tpu.memory_space<semaphore_mem>>, %arg13: memref<!tpu.dma_semaphore, #tpu.memory_space<semaphore_mem>>, %arg14: memref<!tpu.dma_semaphore, #tpu.memory_space<semaphore_mem>>, %arg15: memref<!tpu.dma_semaphore, #tpu.memory_space<semaphore_mem>>, %arg16: memref<!tpu.dma_semaphore, #tpu.memory_space<semaphore_mem>>, %arg17: memref<!tpu.dma_semaphore, #tpu.memory_space<semaphore_mem>>) attributes {dimension_semantics = [#tpu.dimension_semantics<core_parallel>, #tpu.dimension_semantics<subcore_parallel>], iteration_bounds = array<i64: 2, 16>, scalar_prefetch = 0 : i64, scratch_operands = 12 : i64, tpu.core_type = #tpu.core_type<sc_vector_subcore>, window_params = [{transform_indices = #map}, {transform_indices = #map1}, {transform_indices = #map1}, {transform_indices = #map1}]} {
    %mul3A = arith.constant 16 : i32
    %mul3A_0 = arith.muli %arg0, %mul3A : i32
    %add3A = arith.addi %mul3A_0, %arg1 : i32
    %scan3A = arith.constant 0 : i32
    %scan3A_1 = arith.constant 0 : i32
    %scan3A_2 = arith.constant 64 : i32
    %scan3A_3 = arith.addi %scan3A_1, %scan3A_2 : i32
    %scan3A_4 = arith.constant 1 : i32
    scf.for %scan3A_189 = %scan3A_1 to %scan3A_3 step %scan3A_4  : i32 {
      %broadcast_in_dim3A = arith.constant 0.000000e+00 : f32
      %broadcast_in_dim3A_190 = vector.broadcast %broadcast_in_dim3A : f32 to vector<16xf32>
      %swap3A = arith.index_cast %scan3A_189 : i32 to index
      %swap3A_191 = arith.constant 0 : index
      %swap3A_192 = tpu.vector_load %arg9[%swap3A, %swap3A_191] {strides = array<i32>} : memref<64x128xf32, #tpu.memory_space<vmem>>, vector<1x16xf32>,
      %swap3A_193 = vector.shape_cast %swap3A_192 : vector<1x16xf32> to vector<16xf32>
      %swap3A_194 = vector.shape_cast %broadcast_in_dim3A_190 : vector<16xf32> to vector<1x16xf32>
      tpu.vector_store %arg9[%swap3A, %swap3A_191], %swap3A_194 {strides = array<i32>} : memref<64x128xf32, #tpu.memory_space<vmem>>, vector<1x16xf32>,
      %broadcast_in_dim3A_195 = arith.constant 0.000000e+00 : f32
      %broadcast_in_dim3A_196 = vector.broadcast %broadcast_in_dim3A_195 : f32 to vector<16xf32>
      %swap3A_197 = arith.index_cast %scan3A_189 : i32 to index
      %swap3A_198 = arith.constant 16 : index
      %swap3A_199 = tpu.vector_load %arg9[%swap3A_197, %swap3A_198] {strides = array<i32>} : memref<64x128xf32, #tpu.memory_space<vmem>>, vector<1x16xf32>,
      %swap3A_200 = vector.shape_cast %swap3A_199 : vector<1x16xf32> to vector<16xf32>
      %swap3A_201 = vector.shape_cast %broadcast_in_dim3A_196 : vector<16xf32> to vector<1x16xf32>
      tpu.vector_store %arg9[%swap3A_197, %swap3A_198], %swap3A_201 {strides = array<i32>} : memref<64x128xf32, #tpu.memory_space<vmem>>, vector<1x16xf32>,
      %broadcast_in_dim3A_202 = arith.constant 0.000000e+00 : f32
      %broadcast_in_dim3A_203 = vector.broadcast %broadcast_in_dim3A_202 : f32 to vector<16xf32>
      %swap3A_204 = arith.index_cast %scan3A_189 : i32 to index
      %swap3A_205 = arith.constant 32 : index
      %swap3A_206 = tpu.vector_load %arg9[%swap3A_204, %swap3A_205] {strides = array<i32>} : memref<64x128xf32, #tpu.memory_space<vmem>>, vector<1x16xf32>,
      %swap3A_207 = vector.shape_cast %swap3A_206 : vector<1x16xf32> to vector<16xf32>
      %swap3A_208 = vector.shape_cast %broadcast_in_dim3A_203 : vector<16xf32> to vector<1x16xf32>
      tpu.vector_store %arg9[%swap3A_204, %swap3A_205], %swap3A_208 {strides = array<i32>} : memref<64x128xf32, #tpu.memory_space<vmem>>, vector<1x16xf32>,
      %broadcast_in_dim3A_209 = arith.constant 0.000000e+00 : f32
      %broadcast_in_dim3A_210 = vector.broadcast %broadcast_in_dim3A_209 : f32 to vector<16xf32>
      %swap3A_211 = arith.index_cast %scan3A_189 : i32 to index
      %swap3A_212 = arith.constant 48 : index
      %swap3A_213 = tpu.vector_load %arg9[%swap3A_211, %swap3A_212] {strides = array<i32>} : memref<64x128xf32, #tpu.memory_space<vmem>>, vector<1x16xf32>,
      %swap3A_214 = vector.shape_cast %swap3A_213 : vector<1x16xf32> to vector<16xf32>
      %swap3A_215 = vector.shape_cast %broadcast_in_dim3A_210 : vector<16xf32> to vector<1x16xf32>
      tpu.vector_store %arg9[%swap3A_211, %swap3A_212], %swap3A_215 {strides = array<i32>} : memref<64x128xf32, #tpu.memory_space<vmem>>, vector<1x16xf32>,
      %broadcast_in_dim3A_216 = arith.constant 0.000000e+00 : f32
      %broadcast_in_dim3A_217 = vector.broadcast %broadcast_in_dim3A_216 : f32 to vector<16xf32>
      %swap3A_218 = arith.index_cast %scan3A_189 : i32 to index
      %swap3A_219 = arith.constant 64 : index
      %swap3A_220 = tpu.vector_load %arg9[%swap3A_218, %swap3A_219] {strides = array<i32>} : memref<64x128xf32, #tpu.memory_space<vmem>>, vector<1x16xf32>,
      %swap3A_221 = vector.shape_cast %swap3A_220 : vector<1x16xf32> to vector<16xf32>
      %swap3A_222 = vector.shape_cast %broadcast_in_dim3A_217 : vector<16xf32> to vector<1x16xf32>
      tpu.vector_store %arg9[%swap3A_218, %swap3A_219], %swap3A_222 {strides = array<i32>} : memref<64x128xf32, #tpu.memory_space<vmem>>, vector<1x16xf32>,
      %broadcast_in_dim3A_223 = arith.constant 0.000000e+00 : f32
      %broadcast_in_dim3A_224 = vector.broadcast %broadcast_in_dim3A_223 : f32 to vector<16xf32>
      %swap3A_225 = arith.index_cast %scan3A_189 : i32 to index
      %swap3A_226 = arith.constant 80 : index
      %swap3A_227 = tpu.vector_load %arg9[%swap3A_225, %swap3A_226] {strides = array<i32>} : memref<64x128xf32, #tpu.memory_space<vmem>>, vector<1x16xf32>,
      %swap3A_228 = vector.shape_cast %swap3A_227 : vector<1x16xf32> to vector<16xf32>
      %swap3A_229 = vector.shape_cast %broadcast_in_dim3A_224 : vector<16xf32> to vector<1x16xf32>
      tpu.vector_store %arg9[%swap3A_225, %swap3A_226], %swap3A_229 {strides = array<i32>} : memref<64x128xf32, #tpu.memory_space<vmem>>, vector<1x16xf32>,
      %broadcast_in_dim3A_230 = arith.constant 0.000000e+00 : f32
      %broadcast_in_dim3A_231 = vector.broadcast %broadcast_in_dim3A_230 : f32 to vector<16xf32>
      %swap3A_232 = arith.index_cast %scan3A_189 : i32 to index
      %swap3A_233 = arith.constant 96 : index
      %swap3A_234 = tpu.vector_load %arg9[%swap3A_232, %swap3A_233] {strides = array<i32>} : memref<64x128xf32, #tpu.memory_space<vmem>>, vector<1x16xf32>,
      %swap3A_235 = vector.shape_cast %swap3A_234 : vector<1x16xf32> to vector<16xf32>
      %swap3A_236 = vector.shape_cast %broadcast_in_dim3A_231 : vector<16xf32> to vector<1x16xf32>
      tpu.vector_store %arg9[%swap3A_232, %swap3A_233], %swap3A_236 {strides = array<i32>} : memref<64x128xf32, #tpu.memory_space<vmem>>, vector<1x16xf32>,
      %broadcast_in_dim3A_237 = arith.constant 0.000000e+00 : f32
      %broadcast_in_dim3A_238 = vector.broadcast %broadcast_in_dim3A_237 : f32 to vector<16xf32>
      %swap3A_239 = arith.index_cast %scan3A_189 : i32 to index
      %swap3A_240 = arith.constant 112 : index
      %swap3A_241 = tpu.vector_load %arg9[%swap3A_239, %swap3A_240] {strides = array<i32>} : memref<64x128xf32, #tpu.memory_space<vmem>>, vector<1x16xf32>,
      %swap3A_242 = vector.shape_cast %swap3A_241 : vector<1x16xf32> to vector<16xf32>
      %swap3A_243 = vector.shape_cast %broadcast_in_dim3A_238 : vector<16xf32> to vector<1x16xf32>
      tpu.vector_store %arg9[%swap3A_239, %swap3A_240], %swap3A_243 {strides = array<i32>} : memref<64x128xf32, #tpu.memory_space<vmem>>, vector<1x16xf32>,
    }
    %scan3A_5 = arith.constant 64 : i32
    %mul3A_6 = arith.constant 632 : i32
    %mul3A_7 = arith.muli %arg1, %mul3A_6 : i32
    %add3A_8 = arith.constant 0 : i32
    %add3A_9 = arith.addi %mul3A_7, %add3A_8 : i32
    "tpu.region"() ({
      %run_scoped3A = tpu.sem_alloc : memref<!tpu.dma_semaphore, #tpu.memory_space<semaphore_mem>>
      %dma_start3A_189 = arith.constant 0 : i32
      %dma_start3A_190 = tpu.memref_slice %arg8[%add3A_9, %dma_start3A_189] : memref<10112x128xf32, #tpu.memory_space<vmem_shared>> -> memref<64x128xf32, #tpu.memory_space<vmem_shared>>
      %dma_start3A_191 = arith.constant 0 : i32
      %dma_start3A_192 = tpu.memref_slice %arg8[%add3A_9, %dma_start3A_191] : memref<10112x128xf32, #tpu.memory_space<vmem_shared>> -> memref<64x128xf32, #tpu.memory_space<vmem_shared>>
      tpu.enqueue_dma source(%arg9 : memref<64x128xf32, #tpu.memory_space<vmem>>) target(%dma_start3A_192 : memref<64x128xf32, #tpu.memory_space<vmem_shared>>) target_semaphore(%run_scoped3A : memref<!tpu.dma_semaphore, #tpu.memory_space<semaphore_mem>>)
      %dma_wait3A_193 = arith.constant 0 : i32
      %dma_wait3A_194 = tpu.memref_slice %arg8[%add3A_9, %dma_wait3A_193] : memref<10112x128xf32, #tpu.memory_space<vmem_shared>> -> memref<64x128xf32, #tpu.memory_space<vmem_shared>>
      %dma_wait3A_195 = arith.constant 0 : i32
      %dma_wait3A_196 = tpu.memref_slice %arg8[%add3A_9, %dma_wait3A_195] : memref<10112x128xf32, #tpu.memory_space<vmem_shared>> -> memref<64x128xf32, #tpu.memory_space<vmem_shared>>
      tpu.wait_dma2 semaphore(%run_scoped3A : memref<!tpu.dma_semaphore, #tpu.memory_space<semaphore_mem>>) src(%arg9 : memref<64x128xf32, #tpu.memory_space<vmem>>) dst(%dma_wait3A_196 : memref<64x128xf32, #tpu.memory_space<vmem_shared>>)
      tpu.yield
    }) : () -> ()
    %mul3A_10 = arith.constant 632 : i32
    %mul3A_11 = arith.muli %arg1, %mul3A_10 : i32
    %add3A_12 = arith.constant 64 : i32
    %add3A_13 = arith.addi %mul3A_11, %add3A_12 : i32
    "tpu.region"() ({
      %run_scoped3A = tpu.sem_alloc : memref<!tpu.dma_semaphore, #tpu.memory_space<semaphore_mem>>
      %dma_start3A_189 = arith.constant 0 : i32
      %dma_start3A_190 = tpu.memref_slice %arg8[%add3A_13, %dma_start3A_189] : memref<10112x128xf32, #tpu.memory_space<vmem_shared>> -> memref<64x128xf32, #tpu.memory_space<vmem_shared>>
      %dma_start3A_191 = arith.constant 0 : i32
      %dma_start3A_192 = tpu.memref_slice %arg8[%add3A_13, %dma_start3A_191] : memref<10112x128xf32, #tpu.memory_space<vmem_shared>> -> memref<64x128xf32, #tpu.memory_space<vmem_shared>>
      tpu.enqueue_dma source(%arg9 : memref<64x128xf32, #tpu.memory_space<vmem>>) target(%dma_start3A_192 : memref<64x128xf32, #tpu.memory_space<vmem_shared>>) target_semaphore(%run_scoped3A : memref<!tpu.dma_semaphore, #tpu.memory_space<semaphore_mem>>)
      %dma_wait3A_193 = arith.constant 0 : i32
      %dma_wait3A_194 = tpu.memref_slice %arg8[%add3A_13, %dma_wait3A_193] : memref<10112x128xf32, #tpu.memory_space<vmem_shared>> -> memref<64x128xf32, #tpu.memory_space<vmem_shared>>
      %dma_wait3A_195 = arith.constant 0 : i32
      %dma_wait3A_196 = tpu.memref_slice %arg8[%add3A_13, %dma_wait3A_195] : memref<10112x128xf32, #tpu.memory_space<vmem_shared>> -> memref<64x128xf32, #tpu.memory_space<vmem_shared>>
      tpu.wait_dma2 semaphore(%run_scoped3A : memref<!tpu.dma_semaphore, #tpu.memory_space<semaphore_mem>>) src(%arg9 : memref<64x128xf32, #tpu.memory_space<vmem>>) dst(%dma_wait3A_196 : memref<64x128xf32, #tpu.memory_space<vmem_shared>>)
      tpu.yield
    }) : () -> ()
    %mul3A_14 = arith.constant 632 : i32
    %mul3A_15 = arith.muli %arg1, %mul3A_14 : i32
    %add3A_16 = arith.constant 128 : i32
    %add3A_17 = arith.addi %mul3A_15, %add3A_16 : i32
    "tpu.region"() ({
      %run_scoped3A = tpu.sem_alloc : memref<!tpu.dma_semaphore, #tpu.memory_space<semaphore_mem>>
      %dma_start3A_189 = arith.constant 0 : i32
      %dma_start3A_190 = tpu.memref_slice %arg8[%add3A_17, %dma_start3A_189] : memref<10112x128xf32, #tpu.memory_space<vmem_shared>> -> memref<64x128xf32, #tpu.memory_space<vmem_shared>>
      %dma_start3A_191 = arith.constant 0 : i32
      %dma_start3A_192 = tpu.memref_slice %arg8[%add3A_17, %dma_start3A_191] : memref<10112x128xf32, #tpu.memory_space<vmem_shared>> -> memref<64x128xf32, #tpu.memory_space<vmem_shared>>
      tpu.enqueue_dma source(%arg9 : memref<64x128xf32, #tpu.memory_space<vmem>>) target(%dma_start3A_192 : memref<64x128xf32, #tpu.memory_space<vmem_shared>>) target_semaphore(%run_scoped3A : memref<!tpu.dma_semaphore, #tpu.memory_space<semaphore_mem>>)
      %dma_wait3A_193 = arith.constant 0 : i32
      %dma_wait3A_194 = tpu.memref_slice %arg8[%add3A_17, %dma_wait3A_193] : memref<10112x128xf32, #tpu.memory_space<vmem_shared>> -> memref<64x128xf32, #tpu.memory_space<vmem_shared>>
      %dma_wait3A_195 = arith.constant 0 : i32
      %dma_wait3A_196 = tpu.memref_slice %arg8[%add3A_17, %dma_wait3A_195] : memref<10112x128xf32, #tpu.memory_space<vmem_shared>> -> memref<64x128xf32, #tpu.memory_space<vmem_shared>>
      tpu.wait_dma2 semaphore(%run_scoped3A : memref<!tpu.dma_semaphore, #tpu.memory_space<semaphore_mem>>) src(%arg9 : memref<64x128xf32, #tpu.memory_space<vmem>>) dst(%dma_wait3A_196 : memref<64x128xf32, #tpu.memory_space<vmem_shared>>)
      tpu.yield
    }) : () -> ()
    %mul3A_18 = arith.constant 632 : i32
    %mul3A_19 = arith.muli %arg1, %mul3A_18 : i32
    %add3A_20 = arith.constant 192 : i32
    %add3A_21 = arith.addi %mul3A_19, %add3A_20 : i32
    "tpu.region"() ({
      %run_scoped3A = tpu.sem_alloc : memref<!tpu.dma_semaphore, #tpu.memory_space<semaphore_mem>>
      %dma_start3A_189 = arith.constant 0 : i32
      %dma_start3A_190 = tpu.memref_slice %arg8[%add3A_21, %dma_start3A_189] : memref<10112x128xf32, #tpu.memory_space<vmem_shared>> -> memref<64x128xf32, #tpu.memory_space<vmem_shared>>
      %dma_start3A_191 = arith.constant 0 : i32
      %dma_start3A_192 = tpu.memref_slice %arg8[%add3A_21, %dma_start3A_191] : memref<10112x128xf32, #tpu.memory_space<vmem_shared>> -> memref<64x128xf32, #tpu.memory_space<vmem_shared>>
      tpu.enqueue_dma source(%arg9 : memref<64x128xf32, #tpu.memory_space<vmem>>) target(%dma_start3A_192 : memref<64x128xf32, #tpu.memory_space<vmem_shared>>) target_semaphore(%run_scoped3A : memref<!tpu.dma_semaphore, #tpu.memory_space<semaphore_mem>>)
      %dma_wait3A_193 = arith.constant 0 : i32
      %dma_wait3A_194 = tpu.memref_slice %arg8[%add3A_21, %dma_wait3A_193] : memref<10112x128xf32, #tpu.memory_space<vmem_shared>> -> memref<64x128xf32, #tpu.memory_space<vmem_shared>>
      %dma_wait3A_195 = arith.constant 0 : i32
      %dma_wait3A_196 = tpu.memref_slice %arg8[%add3A_21, %dma_wait3A_195] : memref<10112x128xf32, #tpu.memory_space<vmem_shared>> -> memref<64x128xf32, #tpu.memory_space<vmem_shared>>
      tpu.wait_dma2 semaphore(%run_scoped3A : memref<!tpu.dma_semaphore, #tpu.memory_space<semaphore_mem>>) src(%arg9 : memref<64x128xf32, #tpu.memory_space<vmem>>) dst(%dma_wait3A_196 : memref<64x128xf32, #tpu.memory_space<vmem_shared>>)
      tpu.yield
    }) : () -> ()
    %mul3A_22 = arith.constant 632 : i32
    %mul3A_23 = arith.muli %arg1, %mul3A_22 : i32
    %add3A_24 = arith.constant 256 : i32
    %add3A_25 = arith.addi %mul3A_23, %add3A_24 : i32
    "tpu.region"() ({
      %run_scoped3A = tpu.sem_alloc : memref<!tpu.dma_semaphore, #tpu.memory_space<semaphore_mem>>
      %dma_start3A_189 = arith.constant 0 : i32
      %dma_start3A_190 = tpu.memref_slice %arg8[%add3A_25, %dma_start3A_189] : memref<10112x128xf32, #tpu.memory_space<vmem_shared>> -> memref<64x128xf32, #tpu.memory_space<vmem_shared>>
      %dma_start3A_191 = arith.constant 0 : i32
      %dma_start3A_192 = tpu.memref_slice %arg8[%add3A_25, %dma_start3A_191] : memref<10112x128xf32, #tpu.memory_space<vmem_shared>> -> memref<64x128xf32, #tpu.memory_space<vmem_shared>>
      tpu.enqueue_dma source(%arg9 : memref<64x128xf32, #tpu.memory_space<vmem>>) target(%dma_start3A_192 : memref<64x128xf32, #tpu.memory_space<vmem_shared>>) target_semaphore(%run_scoped3A : memref<!tpu.dma_semaphore, #tpu.memory_space<semaphore_mem>>)
      %dma_wait3A_193 = arith.constant 0 : i32
      %dma_wait3A_194 = tpu.memref_slice %arg8[%add3A_25, %dma_wait3A_193] : memref<10112x128xf32, #tpu.memory_space<vmem_shared>> -> memref<64x128xf32, #tpu.memory_space<vmem_shared>>
      %dma_wait3A_195 = arith.constant 0 : i32
      %dma_wait3A_196 = tpu.memref_slice %arg8[%add3A_25, %dma_wait3A_195] : memref<10112x128xf32, #tpu.memory_space<vmem_shared>> -> memref<64x128xf32, #tpu.memory_space<vmem_shared>>
      tpu.wait_dma2 semaphore(%run_scoped3A : memref<!tpu.dma_semaphore, #tpu.memory_space<semaphore_mem>>) src(%arg9 : memref<64x128xf32, #tpu.memory_space<vmem>>) dst(%dma_wait3A_196 : memref<64x128xf32, #tpu.memory_space<vmem_shared>>)
      tpu.yield
    }) : () -> ()
    %mul3A_26 = arith.constant 632 : i32
    %mul3A_27 = arith.muli %arg1, %mul3A_26 : i32
    %add3A_28 = arith.constant 320 : i32
    %add3A_29 = arith.addi %mul3A_27, %add3A_28 : i32
    "tpu.region"() ({
      %run_scoped3A = tpu.sem_alloc : memref<!tpu.dma_semaphore, #tpu.memory_space<semaphore_mem>>
      %dma_start3A_189 = arith.constant 0 : i32
      %dma_start3A_190 = tpu.memref_slice %arg8[%add3A_29, %dma_start3A_189] : memref<10112x128xf32, #tpu.memory_space<vmem_shared>> -> memref<64x128xf32, #tpu.memory_space<vmem_shared>>
      %dma_start3A_191 = arith.constant 0 : i32
      %dma_start3A_192 = tpu.memref_slice %arg8[%add3A_29, %dma_start3A_191] : memref<10112x128xf32, #tpu.memory_space<vmem_shared>> -> memref<64x128xf32, #tpu.memory_space<vmem_shared>>
      tpu.enqueue_dma source(%arg9 : memref<64x128xf32, #tpu.memory_space<vmem>>) target(%dma_start3A_192 : memref<64x128xf32, #tpu.memory_space<vmem_shared>>) target_semaphore(%run_scoped3A : memref<!tpu.dma_semaphore, #tpu.memory_space<semaphore_mem>>)
      %dma_wait3A_193 = arith.constant 0 : i32
      %dma_wait3A_194 = tpu.memref_slice %arg8[%add3A_29, %dma_wait3A_193] : memref<10112x128xf32, #tpu.memory_space<vmem_shared>> -> memref<64x128xf32, #tpu.memory_space<vmem_shared>>
      %dma_wait3A_195 = arith.constant 0 : i32
      %dma_wait3A_196 = tpu.memref_slice %arg8[%add3A_29, %dma_wait3A_195] : memref<10112x128xf32, #tpu.memory_space<vmem_shared>> -> memref<64x128xf32, #tpu.memory_space<vmem_shared>>
      tpu.wait_dma2 semaphore(%run_scoped3A : memref<!tpu.dma_semaphore, #tpu.memory_space<semaphore_mem>>) src(%arg9 : memref<64x128xf32, #tpu.memory_space<vmem>>) dst(%dma_wait3A_196 : memref<64x128xf32, #tpu.memory_space<vmem_shared>>)
      tpu.yield
    }) : () -> ()
    %mul3A_30 = arith.constant 632 : i32
    %mul3A_31 = arith.muli %arg1, %mul3A_30 : i32
    %add3A_32 = arith.constant 384 : i32
    %add3A_33 = arith.addi %mul3A_31, %add3A_32 : i32
    "tpu.region"() ({
      %run_scoped3A = tpu.sem_alloc : memref<!tpu.dma_semaphore, #tpu.memory_space<semaphore_mem>>
      %dma_start3A_189 = arith.constant 0 : i32
      %dma_start3A_190 = tpu.memref_slice %arg8[%add3A_33, %dma_start3A_189] : memref<10112x128xf32, #tpu.memory_space<vmem_shared>> -> memref<64x128xf32, #tpu.memory_space<vmem_shared>>
      %dma_start3A_191 = arith.constant 0 : i32
      %dma_start3A_192 = tpu.memref_slice %arg8[%add3A_33, %dma_start3A_191] : memref<10112x128xf32, #tpu.memory_space<vmem_shared>> -> memref<64x128xf32, #tpu.memory_space<vmem_shared>>
      tpu.enqueue_dma source(%arg9 : memref<64x128xf32, #tpu.memory_space<vmem>>) target(%dma_start3A_192 : memref<64x128xf32, #tpu.memory_space<vmem_shared>>) target_semaphore(%run_scoped3A : memref<!tpu.dma_semaphore, #tpu.memory_space<semaphore_mem>>)
      %dma_wait3A_193 = arith.constant 0 : i32
      %dma_wait3A_194 = tpu.memref_slice %arg8[%add3A_33, %dma_wait3A_193] : memref<10112x128xf32, #tpu.memory_space<vmem_shared>> -> memref<64x128xf32, #tpu.memory_space<vmem_shared>>
      %dma_wait3A_195 = arith.constant 0 : i32
      %dma_wait3A_196 = tpu.memref_slice %arg8[%add3A_33, %dma_wait3A_195] : memref<10112x128xf32, #tpu.memory_space<vmem_shared>> -> memref<64x128xf32, #tpu.memory_space<vmem_shared>>
      tpu.wait_dma2 semaphore(%run_scoped3A : memref<!tpu.dma_semaphore, #tpu.memory_space<semaphore_mem>>) src(%arg9 : memref<64x128xf32, #tpu.memory_space<vmem>>) dst(%dma_wait3A_196 : memref<64x128xf32, #tpu.memory_space<vmem_shared>>)
      tpu.yield
    }) : () -> ()
    %mul3A_34 = arith.constant 632 : i32
    %mul3A_35 = arith.muli %arg1, %mul3A_34 : i32
    %add3A_36 = arith.constant 448 : i32
    %add3A_37 = arith.addi %mul3A_35, %add3A_36 : i32
    "tpu.region"() ({
      %run_scoped3A = tpu.sem_alloc : memref<!tpu.dma_semaphore, #tpu.memory_space<semaphore_mem>>
      %dma_start3A_189 = arith.constant 0 : i32
      %dma_start3A_190 = tpu.memref_slice %arg8[%add3A_37, %dma_start3A_189] : memref<10112x128xf32, #tpu.memory_space<vmem_shared>> -> memref<64x128xf32, #tpu.memory_space<vmem_shared>>
      %dma_start3A_191 = arith.constant 0 : i32
      %dma_start3A_192 = tpu.memref_slice %arg8[%add3A_37, %dma_start3A_191] : memref<10112x128xf32, #tpu.memory_space<vmem_shared>> -> memref<64x128xf32, #tpu.memory_space<vmem_shared>>
      tpu.enqueue_dma source(%arg9 : memref<64x128xf32, #tpu.memory_space<vmem>>) target(%dma_start3A_192 : memref<64x128xf32, #tpu.memory_space<vmem_shared>>) target_semaphore(%run_scoped3A : memref<!tpu.dma_semaphore, #tpu.memory_space<semaphore_mem>>)
      %dma_wait3A_193 = arith.constant 0 : i32
      %dma_wait3A_194 = tpu.memref_slice %arg8[%add3A_37, %dma_wait3A_193] : memref<10112x128xf32, #tpu.memory_space<vmem_shared>> -> memref<64x128xf32, #tpu.memory_space<vmem_shared>>
      %dma_wait3A_195 = arith.constant 0 : i32
      %dma_wait3A_196 = tpu.memref_slice %arg8[%add3A_37, %dma_wait3A_195] : memref<10112x128xf32, #tpu.memory_space<vmem_shared>> -> memref<64x128xf32, #tpu.memory_space<vmem_shared>>
      tpu.wait_dma2 semaphore(%run_scoped3A : memref<!tpu.dma_semaphore, #tpu.memory_space<semaphore_mem>>) src(%arg9 : memref<64x128xf32, #tpu.memory_space<vmem>>) dst(%dma_wait3A_196 : memref<64x128xf32, #tpu.memory_space<vmem_shared>>)
      tpu.yield
    }) : () -> ()
    %mul3A_38 = arith.constant 632 : i32
    %mul3A_39 = arith.muli %arg1, %mul3A_38 : i32
    %add3A_40 = arith.constant 512 : i32
    %add3A_41 = arith.addi %mul3A_39, %add3A_40 : i32
    "tpu.region"() ({
      %run_scoped3A = tpu.sem_alloc : memref<!tpu.dma_semaphore, #tpu.memory_space<semaphore_mem>>
      %dma_start3A_189 = arith.constant 0 : i32
      %dma_start3A_190 = tpu.memref_slice %arg8[%add3A_41, %dma_start3A_189] : memref<10112x128xf32, #tpu.memory_space<vmem_shared>> -> memref<64x128xf32, #tpu.memory_space<vmem_shared>>
      %dma_start3A_191 = arith.constant 0 : i32
      %dma_start3A_192 = tpu.memref_slice %arg8[%add3A_41, %dma_start3A_191] : memref<10112x128xf32, #tpu.memory_space<vmem_shared>> -> memref<64x128xf32, #tpu.memory_space<vmem_shared>>
      tpu.enqueue_dma source(%arg9 : memref<64x128xf32, #tpu.memory_space<vmem>>) target(%dma_start3A_192 : memref<64x128xf32, #tpu.memory_space<vmem_shared>>) target_semaphore(%run_scoped3A : memref<!tpu.dma_semaphore, #tpu.memory_space<semaphore_mem>>)
      %dma_wait3A_193 = arith.constant 0 : i32
      %dma_wait3A_194 = tpu.memref_slice %arg8[%add3A_41, %dma_wait3A_193] : memref<10112x128xf32, #tpu.memory_space<vmem_shared>> -> memref<64x128xf32, #tpu.memory_space<vmem_shared>>
      %dma_wait3A_195 = arith.constant 0 : i32
      %dma_wait3A_196 = tpu.memref_slice %arg8[%add3A_41, %dma_wait3A_195] : memref<10112x128xf32, #tpu.memory_space<vmem_shared>> -> memref<64x128xf32, #tpu.memory_space<vmem_shared>>
      tpu.wait_dma2 semaphore(%run_scoped3A : memref<!tpu.dma_semaphore, #tpu.memory_space<semaphore_mem>>) src(%arg9 : memref<64x128xf32, #tpu.memory_space<vmem>>) dst(%dma_wait3A_196 : memref<64x128xf32, #tpu.memory_space<vmem_shared>>)
      tpu.yield
    }) : () -> ()
    %mul3A_42 = arith.constant 632 : i32
    %mul3A_43 = arith.muli %arg1, %mul3A_42 : i32
    %add3A_44 = arith.constant 576 : i32
    %add3A_45 = arith.addi %mul3A_43, %add3A_44 : i32
    "tpu.region"() ({
      %run_scoped3A = tpu.sem_alloc : memref<!tpu.dma_semaphore, #tpu.memory_space<semaphore_mem>>
      %dma_start3A_189 = arith.constant 0 : i32
      %dma_start3A_190 = arith.constant 0 : i32
      %dma_start3A_191 = tpu.memref_slice %arg9[%dma_start3A_189, %dma_start3A_190] : memref<64x128xf32, #tpu.memory_space<vmem>> -> memref<56x128xf32, #tpu.memory_space<vmem>>
      %dma_start3A_192 = arith.constant 0 : i32
      %dma_start3A_193 = tpu.memref_slice %arg8[%add3A_45, %dma_start3A_192] : memref<10112x128xf32, #tpu.memory_space<vmem_shared>> -> memref<56x128xf32, #tpu.memory_space<vmem_shared>>
      %dma_start3A_194 = arith.constant 0 : i32
      %dma_start3A_195 = tpu.memref_slice %arg8[%add3A_45, %dma_start3A_194] : memref<10112x128xf32, #tpu.memory_space<vmem_shared>> -> memref<56x128xf32, #tpu.memory_space<vmem_shared>>
      %dma_start3A_196 = arith.constant 0 : i32
      %dma_start3A_197 = arith.constant 0 : i32
      %dma_start3A_198 = tpu.memref_slice %arg9[%dma_start3A_196, %dma_start3A_197] : memref<64x128xf32, #tpu.memory_space<vmem>> -> memref<56x128xf32, #tpu.memory_space<vmem>>
      tpu.enqueue_dma source(%dma_start3A_198 : memref<56x128xf32, #tpu.memory_space<vmem>>) target(%dma_start3A_195 : memref<56x128xf32, #tpu.memory_space<vmem_shared>>) target_semaphore(%run_scoped3A : memref<!tpu.dma_semaphore, #tpu.memory_space<semaphore_mem>>)
      %dma_wait3A_199 = arith.constant 0 : i32
      %dma_wait3A_200 = arith.constant 0 : i32
      %dma_wait3A_201 = tpu.memref_slice %arg9[%dma_wait3A_199, %dma_wait3A_200] : memref<64x128xf32, #tpu.memory_space<vmem>> -> memref<56x128xf32, #tpu.memory_space<vmem>>
      %dma_wait3A_202 = arith.constant 0 : i32
      %dma_wait3A_203 = tpu.memref_slice %arg8[%add3A_45, %dma_wait3A_202] : memref<10112x128xf32, #tpu.memory_space<vmem_shared>> -> memref<56x128xf32, #tpu.memory_space<vmem_shared>>
      %dma_wait3A_204 = arith.constant 0 : i32
      %dma_wait3A_205 = tpu.memref_slice %arg8[%add3A_45, %dma_wait3A_204] : memref<10112x128xf32, #tpu.memory_space<vmem_shared>> -> memref<56x128xf32, #tpu.memory_space<vmem_shared>>
      %dma_wait3A_206 = arith.constant 0 : i32
      %dma_wait3A_207 = arith.constant 0 : i32
      %dma_wait3A_208 = tpu.memref_slice %arg9[%dma_wait3A_206, %dma_wait3A_207] : memref<64x128xf32, #tpu.memory_space<vmem>> -> memref<56x128xf32, #tpu.memory_space<vmem>>
      tpu.wait_dma2 semaphore(%run_scoped3A : memref<!tpu.dma_semaphore, #tpu.memory_space<semaphore_mem>>) src(%dma_wait3A_208 : memref<56x128xf32, #tpu.memory_space<vmem>>) dst(%dma_wait3A_205 : memref<56x128xf32, #tpu.memory_space<vmem_shared>>)
      tpu.yield
    }) : () -> ()
    %barrier3A = arith.constant 0 : index
    tpu.barrier barrier_id(%barrier3A)
    "tpu.region"() ({
      %run_scoped3A = tpu.sem_alloc : memref<!tpu.dma_semaphore, #tpu.memory_space<semaphore_mem>>
      %dma_start3A_189 = arith.constant 0 : i32
      %dma_start3A_190 = arith.constant 0 : i32
      %dma_start3A_191 = tpu.memref_slice %arg3[%add3A, %dma_start3A_189, %dma_start3A_190] : memref<32x80x128xi32, #tpu.memory_space<hbm>> -> memref<1x40x128xi32, #tpu.memory_space<hbm>>
      %dma_start3A_192 = tpu.memref_squeeze %dma_start3A_191 : memref<1x40x128xi32, #tpu.memory_space<hbm>> -> memref<40x128xi32, #tpu.memory_space<hbm>>
      %dma_start3A_193 = arith.constant 0 : i32
      %dma_start3A_194 = arith.constant 0 : i32
      %dma_start3A_195 = tpu.memref_slice %arg3[%add3A, %dma_start3A_193, %dma_start3A_194] : memref<32x80x128xi32, #tpu.memory_space<hbm>> -> memref<1x40x128xi32, #tpu.memory_space<hbm>>
      %dma_start3A_196 = tpu.memref_squeeze %dma_start3A_195 : memref<1x40x128xi32, #tpu.memory_space<hbm>> -> memref<40x128xi32, #tpu.memory_space<hbm>>
      tpu.enqueue_dma source(%dma_start3A_196 : memref<40x128xi32, #tpu.memory_space<hbm>>) target(%arg6 : memref<40x128xi32, #tpu.memory_space<vmem>>) target_semaphore(%run_scoped3A : memref<!tpu.dma_semaphore, #tpu.memory_space<semaphore_mem>>)
      %dma_wait3A_197 = arith.constant 0 : i32
      %dma_wait3A_198 = arith.constant 0 : i32
      %dma_wait3A_199 = tpu.memref_slice %arg3[%add3A, %dma_wait3A_197, %dma_wait3A_198] : memref<32x80x128xi32, #tpu.memory_space<hbm>> -> memref<1x40x128xi32, #tpu.memory_space<hbm>>
      %dma_wait3A_200 = tpu.memref_squeeze %dma_wait3A_199 : memref<1x40x128xi32, #tpu.memory_space<hbm>> -> memref<40x128xi32, #tpu.memory_space<hbm>>
      %dma_wait3A_201 = arith.constant 0 : i32
      %dma_wait3A_202 = arith.constant 0 : i32
      %dma_wait3A_203 = tpu.memref_slice %arg3[%add3A, %dma_wait3A_201, %dma_wait3A_202] : memref<32x80x128xi32, #tpu.memory_space<hbm>> -> memref<1x40x128xi32, #tpu.memory_space<hbm>>
      %dma_wait3A_204 = tpu.memref_squeeze %dma_wait3A_203 : memref<1x40x128xi32, #tpu.memory_space<hbm>> -> memref<40x128xi32, #tpu.memory_space<hbm>>
      tpu.wait_dma2 semaphore(%run_scoped3A : memref<!tpu.dma_semaphore, #tpu.memory_space<semaphore_mem>>) src(%dma_wait3A_204 : memref<40x128xi32, #tpu.memory_space<hbm>>) dst(%arg6 : memref<40x128xi32, #tpu.memory_space<vmem>>)
      tpu.yield
    }) : () -> ()
    "tpu.region"() ({
      %run_scoped3A = tpu.sem_alloc : memref<!tpu.dma_semaphore, #tpu.memory_space<semaphore_mem>>
      %dma_start3A_189 = arith.constant 0 : i32
      %dma_start3A_190 = arith.constant 0 : i32
      %dma_start3A_191 = tpu.memref_slice %arg4[%add3A, %dma_start3A_189, %dma_start3A_190] : memref<32x160x64xi32, #tpu.memory_space<hbm>> -> memref<1x80x64xi32, #tpu.memory_space<hbm>>
      %dma_start3A_192 = tpu.memref_squeeze %dma_start3A_191 : memref<1x80x64xi32, #tpu.memory_space<hbm>> -> memref<80x64xi32, #tpu.memory_space<hbm>>
      %dma_start3A_193 = arith.constant 0 : i32
      %dma_start3A_194 = arith.constant 0 : i32
      %dma_start3A_195 = tpu.memref_slice %arg4[%add3A, %dma_start3A_193, %dma_start3A_194] : memref<32x160x64xi32, #tpu.memory_space<hbm>> -> memref<1x80x64xi32, #tpu.memory_space<hbm>>
      %dma_start3A_196 = tpu.memref_squeeze %dma_start3A_195 : memref<1x80x64xi32, #tpu.memory_space<hbm>> -> memref<80x64xi32, #tpu.memory_space<hbm>>
      tpu.enqueue_dma source(%dma_start3A_196 : memref<80x64xi32, #tpu.memory_space<hbm>>) target(%arg7 : memref<80x64xi32, #tpu.memory_space<vmem>>) target_semaphore(%run_scoped3A : memref<!tpu.dma_semaphore, #tpu.memory_space<semaphore_mem>>)
      %dma_wait3A_197 = arith.constant 0 : i32
      %dma_wait3A_198 = arith.constant 0 : i32
      %dma_wait3A_199 = tpu.memref_slice %arg4[%add3A, %dma_wait3A_197, %dma_wait3A_198] : memref<32x160x64xi32, #tpu.memory_space<hbm>> -> memref<1x80x64xi32, #tpu.memory_space<hbm>>
      %dma_wait3A_200 = tpu.memref_squeeze %dma_wait3A_199 : memref<1x80x64xi32, #tpu.memory_space<hbm>> -> memref<80x64xi32, #tpu.memory_space<hbm>>
      %dma_wait3A_201 = arith.constant 0 : i32
      %dma_wait3A_202 = arith.constant 0 : i32
      %dma_wait3A_203 = tpu.memref_slice %arg4[%add3A, %dma_wait3A_201, %dma_wait3A_202] : memref<32x160x64xi32, #tpu.memory_space<hbm>> -> memref<1x80x64xi32, #tpu.memory_space<hbm>>
      %dma_wait3A_204 = tpu.memref_squeeze %dma_wait3A_203 : memref<1x80x64xi32, #tpu.memory_space<hbm>> -> memref<80x64xi32, #tpu.memory_space<hbm>>
      tpu.wait_dma2 semaphore(%run_scoped3A : memref<!tpu.dma_semaphore, #tpu.memory_space<semaphore_mem>>) src(%dma_wait3A_204 : memref<80x64xi32, #tpu.memory_space<hbm>>) dst(%arg7 : memref<80x64xi32, #tpu.memory_space<vmem>>)
      tpu.yield
    }) : () -> ()
    %dma_start3A = arith.constant 0 : i32
    %dma_start3A_46 = arith.constant 0 : i32
    %dma_start3A_47 = tpu.memref_slice %arg6[%dma_start3A, %dma_start3A_46] : memref<40x128xi32, #tpu.memory_space<vmem>> -> memref<1x64xi32, #tpu.memory_space<vmem>>
    %dma_start3A_48 = tpu.memref_squeeze %dma_start3A_47 : memref<1x64xi32, #tpu.memory_space<vmem>> -> memref<64xi32, #tpu.memory_space<vmem>>
    %dma_start3A_49 = arith.constant 0 : i32
    %dma_start3A_50 = arith.constant 0 : i32
    %dma_start3A_51 = tpu.memref_slice %arg2[%dma_start3A_49, %dma_start3A_50] : memref<10000x128xf32, #tpu.memory_space<hbm>> -> memref<10000x128xf32, #tpu.memory_space<hbm>>
    tpu.enqueue_indirect_dma source(%dma_start3A_51 : memref<10000x128xf32, #tpu.memory_space<hbm>>) target(%arg9 : memref<64x128xf32, #tpu.memory_space<vmem>>) offsets(%dma_start3A_48 : memref<64xi32, #tpu.memory_space<vmem>>) semaphore(%arg12 : memref<!tpu.dma_semaphore, #tpu.memory_space<semaphore_mem>>)
    %dma_start3A_52 = arith.constant 0 : i32
    %dma_start3A_53 = arith.constant 64 : i32
    %dma_start3A_54 = tpu.memref_slice %arg6[%dma_start3A_52, %dma_start3A_53] : memref<40x128xi32, #tpu.memory_space<vmem>> -> memref<1x64xi32, #tpu.memory_space<vmem>>
    %dma_start3A_55 = tpu.memref_squeeze %dma_start3A_54 : memref<1x64xi32, #tpu.memory_space<vmem>> -> memref<64xi32, #tpu.memory_space<vmem>>
    %dma_start3A_56 = arith.constant 0 : i32
    %dma_start3A_57 = arith.constant 0 : i32
    %dma_start3A_58 = tpu.memref_slice %arg2[%dma_start3A_56, %dma_start3A_57] : memref<10000x128xf32, #tpu.memory_space<hbm>> -> memref<10000x128xf32, #tpu.memory_space<hbm>>
    tpu.enqueue_indirect_dma source(%dma_start3A_58 : memref<10000x128xf32, #tpu.memory_space<hbm>>) target(%arg10 : memref<64x128xf32, #tpu.memory_space<vmem>>) offsets(%dma_start3A_55 : memref<64xi32, #tpu.memory_space<vmem>>) semaphore(%arg13 : memref<!tpu.dma_semaphore, #tpu.memory_space<semaphore_mem>>)
    %scan3A_59 = arith.constant 0 : i32
    %scan3A_60 = arith.constant 0 : i32
    %scan3A_61 = arith.constant 26 : i32
    %scan3A_62 = arith.addi %scan3A_60, %scan3A_61 : i32
    %scan3A_63 = arith.constant 1 : i32
    scf.for %scan3A_189 = %scan3A_60 to %scan3A_62 step %scan3A_63  : i32 {
      %mul3A_190 = arith.constant 3 : i32
      %mul3A_191 = arith.muli %scan3A_189, %mul3A_190 : i32
      %add3A_192 = arith.constant 0 : i32
      %add3A_193 = arith.addi %mul3A_191, %add3A_192 : i32
      %jit3A = arith.constant 2 : i32
      %div3A = arith.divsi %add3A_193, %jit3A : i32
      %sign3A = arith.constant 0 : i32
      %sign3A_194 = arith.cmpi sgt, %add3A_193, %sign3A : i32
      %sign3A_195 = arith.extui %sign3A_194 : i1 to i32
      %sign3A_196 = arith.constant 0 : i32
      %sign3A_197 = arith.cmpi slt, %add3A_193, %sign3A_196 : i32
      %sign3A_198 = arith.extui %sign3A_197 : i1 to i32
      %sign3A_199 = arith.subi %sign3A_195, %sign3A_198 : i32
      %sign3A_200 = arith.constant 0 : i32
      %sign3A_201 = arith.cmpi sgt, %jit3A, %sign3A_200 : i32
      %sign3A_202 = arith.extui %sign3A_201 : i1 to i32
      %sign3A_203 = arith.constant 0 : i32
      %sign3A_204 = arith.cmpi slt, %jit3A, %sign3A_203 : i32
      %sign3A_205 = arith.extui %sign3A_204 : i1 to i32
      %sign3A_206 = arith.subi %sign3A_202, %sign3A_205 : i32
      %ne3A = arith.cmpi ne, %sign3A_199, %sign3A_206 : i32
      %rem3A = arith.remsi %add3A_193, %jit3A : i32
      %ne3A_207 = arith.constant 0 : i32
      %ne3A_208 = arith.cmpi ne, %rem3A, %ne3A_207 : i32
      %and3A = arith.andi %ne3A, %ne3A_208 : i1
      %sub3A = arith.constant 1 : i32
      %sub3A_209 = arith.subi %div3A, %sub3A : i32
      %select_n3A = arith.select %and3A, %sub3A_209, %div3A : i32
      %jit3A_210 = arith.constant 2 : i32
      %eq3A_211 = arith.constant 0 : i32
      %eq3A_212 = arith.cmpi eq, %jit3A_210, %eq3A_211 : i32
      %jit3A_213 = arith.constant 1 : i32
      %select_n3A_214 = arith.select %eq3A_212, %jit3A_213, %jit3A_210 : i32
      %rem3A_215 = arith.remsi %add3A_193, %select_n3A_214 : i32
      %ne3A_216 = arith.constant 0 : i32
      %ne3A_217 = arith.cmpi ne, %rem3A_215, %ne3A_216 : i32
      %lt3A = arith.constant 0 : i32
      %lt3A_218 = arith.cmpi slt, %rem3A_215, %lt3A : i32
      %lt3A_219 = arith.constant 0 : i32
      %lt3A_220 = arith.cmpi slt, %select_n3A_214, %lt3A_219 : i32
      %ne3A_221 = arith.xori %lt3A_218, %lt3A_220 : i1
      %and3A_222 = arith.andi %ne3A_221, %ne3A_217 : i1
      %add3A_223 = arith.addi %rem3A_215, %select_n3A_214 : i32
      %select_n3A_224 = arith.select %and3A_222, %add3A_223, %rem3A_215 : i32
      %mul3A_225 = arith.constant 64 : i32
      %mul3A_226 = arith.muli %select_n3A_224, %mul3A_225 : i32
      %dma_wait3A_227 = tpu.memref_slice %arg6[%select_n3A, %mul3A_226] : memref<40x128xi32, #tpu.memory_space<vmem>> -> memref<1x64xi32, #tpu.memory_space<vmem>>
      %dma_wait3A_228 = tpu.memref_squeeze %dma_wait3A_227 : memref<1x64xi32, #tpu.memory_space<vmem>> -> memref<64xi32, #tpu.memory_space<vmem>>
      %dma_wait3A_229 = arith.constant 0 : i32
      %dma_wait3A_230 = arith.constant 0 : i32
      %dma_wait3A_231 = tpu.memref_slice %arg2[%dma_wait3A_229, %dma_wait3A_230] : memref<10000x128xf32, #tpu.memory_space<hbm>> -> memref<10000x128xf32, #tpu.memory_space<hbm>>
      tpu.wait_indirect_dma semaphore(%arg12 : memref<!tpu.dma_semaphore, #tpu.memory_space<semaphore_mem>>) src(%dma_wait3A_231 : memref<10000x128xf32, #tpu.memory_space<hbm>>) dst(%arg9 : memref<64x128xf32, #tpu.memory_space<vmem>>)
      %dma_start3A_232 = arith.constant 0 : i32
      %dma_start3A_233 = tpu.memref_slice %arg7[%add3A_193, %dma_start3A_232] : memref<80x64xi32, #tpu.memory_space<vmem>> -> memref<1x64xi32, #tpu.memory_space<vmem>>
      %dma_start3A_234 = tpu.memref_squeeze %dma_start3A_233 : memref<1x64xi32, #tpu.memory_space<vmem>> -> memref<64xi32, #tpu.memory_space<vmem>>
      %dma_start3A_235 = arith.constant 0 : i32
      %dma_start3A_236 = arith.constant 0 : i32
      %dma_start3A_237 = tpu.memref_slice %arg8[%dma_start3A_235, %dma_start3A_236] : memref<10112x128xf32, #tpu.memory_space<vmem_shared>> -> memref<10112x128xf32, #tpu.memory_space<vmem_shared>>
      tpu.enqueue_indirect_dma source(%arg9 : memref<64x128xf32, #tpu.memory_space<vmem>>) target(%dma_start3A_237 : memref<10112x128xf32, #tpu.memory_space<vmem_shared>>) offsets(%dma_start3A_234 : memref<64xi32, #tpu.memory_space<vmem>>) semaphore(%arg15 : memref<!tpu.dma_semaphore, #tpu.memory_space<semaphore_mem>>) {add = true}
      %ge3A = arith.constant 1 : i32
      %ge3A_238 = arith.cmpi sge, %add3A_193, %ge3A : i32
      %convert_element_type3A_239 = arith.extui %ge3A_238 : i1 to i32
      %cond3A_240 = arith.constant 0 : i32
      %cond3A_241 = arith.cmpi ne, %convert_element_type3A_239, %cond3A_240 : i32
      scf.if %cond3A_241 {
        %sub3A_387 = arith.constant 1 : i32
        %sub3A_388 = arith.subi %add3A_193, %sub3A_387 : i32
        %dma_wait3A_389 = arith.constant 0 : i32
        %dma_wait3A_390 = tpu.memref_slice %arg7[%sub3A_388, %dma_wait3A_389] : memref<80x64xi32, #tpu.memory_space<vmem>> -> memref<1x64xi32, #tpu.memory_space<vmem>>
        %dma_wait3A_391 = tpu.memref_squeeze %dma_wait3A_390 : memref<1x64xi32, #tpu.memory_space<vmem>> -> memref<64xi32, #tpu.memory_space<vmem>>
        %dma_wait3A_392 = arith.constant 0 : i32
        %dma_wait3A_393 = arith.constant 0 : i32
        %dma_wait3A_394 = tpu.memref_slice %arg8[%dma_wait3A_392, %dma_wait3A_393] : memref<10112x128xf32, #tpu.memory_space<vmem_shared>> -> memref<10112x128xf32, #tpu.memory_space<vmem_shared>>
        tpu.wait_indirect_dma semaphore(%arg17 : memref<!tpu.dma_semaphore, #tpu.memory_space<semaphore_mem>>) src(%arg11 : memref<64x128xf32, #tpu.memory_space<vmem>>) dst(%dma_wait3A_394 : memref<10112x128xf32, #tpu.memory_space<vmem_shared>>)
      } else {
      }
      %add3A_242 = arith.constant 2 : i32
      %add3A_243 = arith.addi %add3A_193, %add3A_242 : i32
      %lt3A_244 = arith.constant 80 : i32
      %lt3A_245 = arith.cmpi slt, %add3A_243, %lt3A_244 : i32
      %convert_element_type3A_246 = arith.extui %lt3A_245 : i1 to i32
      %cond3A_247 = arith.constant 0 : i32
      %cond3A_248 = arith.cmpi ne, %convert_element_type3A_246, %cond3A_247 : i32
      scf.if %cond3A_248 {
        %add3A_387 = arith.constant 2 : i32
        %add3A_388 = arith.addi %add3A_193, %add3A_387 : i32
        %jit3A_389 = arith.constant 2 : i32
        %div3A_390 = arith.divsi %add3A_388, %jit3A_389 : i32
        %sign3A_391 = arith.constant 0 : i32
        %sign3A_392 = arith.cmpi sgt, %add3A_388, %sign3A_391 : i32
        %sign3A_393 = arith.extui %sign3A_392 : i1 to i32
        %sign3A_394 = arith.constant 0 : i32
        %sign3A_395 = arith.cmpi slt, %add3A_388, %sign3A_394 : i32
        %sign3A_396 = arith.extui %sign3A_395 : i1 to i32
        %sign3A_397 = arith.subi %sign3A_393, %sign3A_396 : i32
        %sign3A_398 = arith.constant 0 : i32
        %sign3A_399 = arith.cmpi sgt, %jit3A_389, %sign3A_398 : i32
        %sign3A_400 = arith.extui %sign3A_399 : i1 to i32
        %sign3A_401 = arith.constant 0 : i32
        %sign3A_402 = arith.cmpi slt, %jit3A_389, %sign3A_401 : i32
        %sign3A_403 = arith.extui %sign3A_402 : i1 to i32
        %sign3A_404 = arith.subi %sign3A_400, %sign3A_403 : i32
        %ne3A_405 = arith.cmpi ne, %sign3A_397, %sign3A_404 : i32
        %rem3A_406 = arith.remsi %add3A_388, %jit3A_389 : i32
        %ne3A_407 = arith.constant 0 : i32
        %ne3A_408 = arith.cmpi ne, %rem3A_406, %ne3A_407 : i32
        %and3A_409 = arith.andi %ne3A_405, %ne3A_408 : i1
        %sub3A_410 = arith.constant 1 : i32
        %sub3A_411 = arith.subi %div3A_390, %sub3A_410 : i32
        %select_n3A_412 = arith.select %and3A_409, %sub3A_411, %div3A_390 : i32
        %jit3A_413 = arith.constant 2 : i32
        %eq3A_414 = arith.constant 0 : i32
        %eq3A_415 = arith.cmpi eq, %jit3A_413, %eq3A_414 : i32
        %jit3A_416 = arith.constant 1 : i32
        %select_n3A_417 = arith.select %eq3A_415, %jit3A_416, %jit3A_413 : i32
        %rem3A_418 = arith.remsi %add3A_388, %select_n3A_417 : i32
        %ne3A_419 = arith.constant 0 : i32
        %ne3A_420 = arith.cmpi ne, %rem3A_418, %ne3A_419 : i32
        %lt3A_421 = arith.constant 0 : i32
        %lt3A_422 = arith.cmpi slt, %rem3A_418, %lt3A_421 : i32
        %lt3A_423 = arith.constant 0 : i32
        %lt3A_424 = arith.cmpi slt, %select_n3A_417, %lt3A_423 : i32
        %ne3A_425 = arith.xori %lt3A_422, %lt3A_424 : i1
        %and3A_426 = arith.andi %ne3A_425, %ne3A_420 : i1
        %add3A_427 = arith.addi %rem3A_418, %select_n3A_417 : i32
        %select_n3A_428 = arith.select %and3A_426, %add3A_427, %rem3A_418 : i32
        %mul3A_429 = arith.constant 64 : i32
        %mul3A_430 = arith.muli %select_n3A_428, %mul3A_429 : i32
        %dma_start3A_431 = tpu.memref_slice %arg6[%select_n3A_412, %mul3A_430] : memref<40x128xi32, #tpu.memory_space<vmem>> -> memref<1x64xi32, #tpu.memory_space<vmem>>
        %dma_start3A_432 = tpu.memref_squeeze %dma_start3A_431 : memref<1x64xi32, #tpu.memory_space<vmem>> -> memref<64xi32, #tpu.memory_space<vmem>>
        %dma_start3A_433 = arith.constant 0 : i32
        %dma_start3A_434 = arith.constant 0 : i32
        %dma_start3A_435 = tpu.memref_slice %arg2[%dma_start3A_433, %dma_start3A_434] : memref<10000x128xf32, #tpu.memory_space<hbm>> -> memref<10000x128xf32, #tpu.memory_space<hbm>>
        tpu.enqueue_indirect_dma source(%dma_start3A_435 : memref<10000x128xf32, #tpu.memory_space<hbm>>) target(%arg11 : memref<64x128xf32, #tpu.memory_space<vmem>>) offsets(%dma_start3A_432 : memref<64xi32, #tpu.memory_space<vmem>>) semaphore(%arg14 : memref<!tpu.dma_semaphore, #tpu.memory_space<semaphore_mem>>)
      } else {
      }
      %mul3A_249 = arith.constant 3 : i32
      %mul3A_250 = arith.muli %scan3A_189, %mul3A_249 : i32
      %add3A_251 = arith.constant 1 : i32
      %add3A_252 = arith.addi %mul3A_250, %add3A_251 : i32
      %jit3A_253 = arith.constant 2 : i32
      %div3A_254 = arith.divsi %add3A_252, %jit3A_253 : i32
      %sign3A_255 = arith.constant 0 : i32
      %sign3A_256 = arith.cmpi sgt, %add3A_252, %sign3A_255 : i32
      %sign3A_257 = arith.extui %sign3A_256 : i1 to i32
      %sign3A_258 = arith.constant 0 : i32
      %sign3A_259 = arith.cmpi slt, %add3A_252, %sign3A_258 : i32
      %sign3A_260 = arith.extui %sign3A_259 : i1 to i32
      %sign3A_261 = arith.subi %sign3A_257, %sign3A_260 : i32
      %sign3A_262 = arith.constant 0 : i32
      %sign3A_263 = arith.cmpi sgt, %jit3A_253, %sign3A_262 : i32
      %sign3A_264 = arith.extui %sign3A_263 : i1 to i32
      %sign3A_265 = arith.constant 0 : i32
      %sign3A_266 = arith.cmpi slt, %jit3A_253, %sign3A_265 : i32
      %sign3A_267 = arith.extui %sign3A_266 : i1 to i32
      %sign3A_268 = arith.subi %sign3A_264, %sign3A_267 : i32
      %ne3A_269 = arith.cmpi ne, %sign3A_261, %sign3A_268 : i32
      %rem3A_270 = arith.remsi %add3A_252, %jit3A_253 : i32
      %ne3A_271 = arith.constant 0 : i32
      %ne3A_272 = arith.cmpi ne, %rem3A_270, %ne3A_271 : i32
      %and3A_273 = arith.andi %ne3A_269, %ne3A_272 : i1
      %sub3A_274 = arith.constant 1 : i32
      %sub3A_275 = arith.subi %div3A_254, %sub3A_274 : i32
      %select_n3A_276 = arith.select %and3A_273, %sub3A_275, %div3A_254 : i32
      %jit3A_277 = arith.constant 2 : i32
      %eq3A_278 = arith.constant 0 : i32
      %eq3A_279 = arith.cmpi eq, %jit3A_277, %eq3A_278 : i32
      %jit3A_280 = arith.constant 1 : i32
      %select_n3A_281 = arith.select %eq3A_279, %jit3A_280, %jit3A_277 : i32
      %rem3A_282 = arith.remsi %add3A_252, %select_n3A_281 : i32
      %ne3A_283 = arith.constant 0 : i32
      %ne3A_284 = arith.cmpi ne, %rem3A_282, %ne3A_283 : i32
      %lt3A_285 = arith.constant 0 : i32
      %lt3A_286 = arith.cmpi slt, %rem3A_282, %lt3A_285 : i32
      %lt3A_287 = arith.constant 0 : i32
      %lt3A_288 = arith.cmpi slt, %select_n3A_281, %lt3A_287 : i32
      %ne3A_289 = arith.xori %lt3A_286, %lt3A_288 : i1
      %and3A_290 = arith.andi %ne3A_289, %ne3A_284 : i1
      %add3A_291 = arith.addi %rem3A_282, %select_n3A_281 : i32
      %select_n3A_292 = arith.select %and3A_290, %add3A_291, %rem3A_282 : i32
      %mul3A_293 = arith.constant 64 : i32
      %mul3A_294 = arith.muli %select_n3A_292, %mul3A_293 : i32
      %dma_wait3A_295 = tpu.memref_slice %arg6[%select_n3A_276, %mul3A_294] : memref<40x128xi32, #tpu.memory_space<vmem>> -> memref<1x64xi32, #tpu.memory_space<vmem>>
      %dma_wait3A_296 = tpu.memref_squeeze %dma_wait3A_295 : memref<1x64xi32, #tpu.memory_space<vmem>> -> memref<64xi32, #tpu.memory_space<vmem>>
      %dma_wait3A_297 = arith.constant 0 : i32
      %dma_wait3A_298 = arith.constant 0 : i32
      %dma_wait3A_299 = tpu.memref_slice %arg2[%dma_wait3A_297, %dma_wait3A_298] : memref<10000x128xf32, #tpu.memory_space<hbm>> -> memref<10000x128xf32, #tpu.memory_space<hbm>>
      tpu.wait_indirect_dma semaphore(%arg13 : memref<!tpu.dma_semaphore, #tpu.memory_space<semaphore_mem>>) src(%dma_wait3A_299 : memref<10000x128xf32, #tpu.memory_space<hbm>>) dst(%arg10 : memref<64x128xf32, #tpu.memory_space<vmem>>)
      %dma_start3A_300 = arith.constant 0 : i32
      %dma_start3A_301 = tpu.memref_slice %arg7[%add3A_252, %dma_start3A_300] : memref<80x64xi32, #tpu.memory_space<vmem>> -> memref<1x64xi32, #tpu.memory_space<vmem>>
      %dma_start3A_302 = tpu.memref_squeeze %dma_start3A_301 : memref<1x64xi32, #tpu.memory_space<vmem>> -> memref<64xi32, #tpu.memory_space<vmem>>
      %dma_start3A_303 = arith.constant 0 : i32
      %dma_start3A_304 = arith.constant 0 : i32
      %dma_start3A_305 = tpu.memref_slice %arg8[%dma_start3A_303, %dma_start3A_304] : memref<10112x128xf32, #tpu.memory_space<vmem_shared>> -> memref<10112x128xf32, #tpu.memory_space<vmem_shared>>
      tpu.enqueue_indirect_dma source(%arg10 : memref<64x128xf32, #tpu.memory_space<vmem>>) target(%dma_start3A_305 : memref<10112x128xf32, #tpu.memory_space<vmem_shared>>) offsets(%dma_start3A_302 : memref<64xi32, #tpu.memory_space<vmem>>) semaphore(%arg16 : memref<!tpu.dma_semaphore, #tpu.memory_space<semaphore_mem>>) {add = true}
      %ge3A_306 = arith.constant 1 : i32
      %ge3A_307 = arith.cmpi sge, %add3A_252, %ge3A_306 : i32
      %convert_element_type3A_308 = arith.extui %ge3A_307 : i1 to i32
      %cond3A_309 = arith.constant 0 : i32
      %cond3A_310 = arith.cmpi ne, %convert_element_type3A_308, %cond3A_309 : i32
      scf.if %cond3A_310 {
        %sub3A_387 = arith.constant 1 : i32
        %sub3A_388 = arith.subi %add3A_252, %sub3A_387 : i32
        %dma_wait3A_389 = arith.constant 0 : i32
        %dma_wait3A_390 = tpu.memref_slice %arg7[%sub3A_388, %dma_wait3A_389] : memref<80x64xi32, #tpu.memory_space<vmem>> -> memref<1x64xi32, #tpu.memory_space<vmem>>
        %dma_wait3A_391 = tpu.memref_squeeze %dma_wait3A_390 : memref<1x64xi32, #tpu.memory_space<vmem>> -> memref<64xi32, #tpu.memory_space<vmem>>
        %dma_wait3A_392 = arith.constant 0 : i32
        %dma_wait3A_393 = arith.constant 0 : i32
        %dma_wait3A_394 = tpu.memref_slice %arg8[%dma_wait3A_392, %dma_wait3A_393] : memref<10112x128xf32, #tpu.memory_space<vmem_shared>> -> memref<10112x128xf32, #tpu.memory_space<vmem_shared>>
        tpu.wait_indirect_dma semaphore(%arg15 : memref<!tpu.dma_semaphore, #tpu.memory_space<semaphore_mem>>) src(%arg9 : memref<64x128xf32, #tpu.memory_space<vmem>>) dst(%dma_wait3A_394 : memref<10112x128xf32, #tpu.memory_space<vmem_shared>>)
      } else {
      }
      %add3A_311 = arith.constant 2 : i32
      %add3A_312 = arith.addi %add3A_252, %add3A_311 : i32
      %lt3A_313 = arith.constant 80 : i32
      %lt3A_314 = arith.cmpi slt, %add3A_312, %lt3A_313 : i32
      %convert_element_type3A_315 = arith.extui %lt3A_314 : i1 to i32
      %cond3A_316 = arith.constant 0 : i32
      %cond3A_317 = arith.cmpi ne, %convert_element_type3A_315, %cond3A_316 : i32
      scf.if %cond3A_317 {
        %add3A_387 = arith.constant 2 : i32
        %add3A_388 = arith.addi %add3A_252, %add3A_387 : i32
        %jit3A_389 = arith.constant 2 : i32
        %div3A_390 = arith.divsi %add3A_388, %jit3A_389 : i32
        %sign3A_391 = arith.constant 0 : i32
        %sign3A_392 = arith.cmpi sgt, %add3A_388, %sign3A_391 : i32
        %sign3A_393 = arith.extui %sign3A_392 : i1 to i32
        %sign3A_394 = arith.constant 0 : i32
        %sign3A_395 = arith.cmpi slt, %add3A_388, %sign3A_394 : i32
        %sign3A_396 = arith.extui %sign3A_395 : i1 to i32
        %sign3A_397 = arith.subi %sign3A_393, %sign3A_396 : i32
        %sign3A_398 = arith.constant 0 : i32
        %sign3A_399 = arith.cmpi sgt, %jit3A_389, %sign3A_398 : i32
        %sign3A_400 = arith.extui %sign3A_399 : i1 to i32
        %sign3A_401 = arith.constant 0 : i32
        %sign3A_402 = arith.cmpi slt, %jit3A_389, %sign3A_401 : i32
        %sign3A_403 = arith.extui %sign3A_402 : i1 to i32
        %sign3A_404 = arith.subi %sign3A_400, %sign3A_403 : i32
        %ne3A_405 = arith.cmpi ne, %sign3A_397, %sign3A_404 : i32
        %rem3A_406 = arith.remsi %add3A_388, %jit3A_389 : i32
        %ne3A_407 = arith.constant 0 : i32
        %ne3A_408 = arith.cmpi ne, %rem3A_406, %ne3A_407 : i32
        %and3A_409 = arith.andi %ne3A_405, %ne3A_408 : i1
        %sub3A_410 = arith.constant 1 : i32
        %sub3A_411 = arith.subi %div3A_390, %sub3A_410 : i32
        %select_n3A_412 = arith.select %and3A_409, %sub3A_411, %div3A_390 : i32
        %jit3A_413 = arith.constant 2 : i32
        %eq3A_414 = arith.constant 0 : i32
        %eq3A_415 = arith.cmpi eq, %jit3A_413, %eq3A_414 : i32
        %jit3A_416 = arith.constant 1 : i32
        %select_n3A_417 = arith.select %eq3A_415, %jit3A_416, %jit3A_413 : i32
        %rem3A_418 = arith.remsi %add3A_388, %select_n3A_417 : i32
        %ne3A_419 = arith.constant 0 : i32
        %ne3A_420 = arith.cmpi ne, %rem3A_418, %ne3A_419 : i32
        %lt3A_421 = arith.constant 0 : i32
        %lt3A_422 = arith.cmpi slt, %rem3A_418, %lt3A_421 : i32
        %lt3A_423 = arith.constant 0 : i32
        %lt3A_424 = arith.cmpi slt, %select_n3A_417, %lt3A_423 : i32
        %ne3A_425 = arith.xori %lt3A_422, %lt3A_424 : i1
        %and3A_426 = arith.andi %ne3A_425, %ne3A_420 : i1
        %add3A_427 = arith.addi %rem3A_418, %select_n3A_417 : i32
        %select_n3A_428 = arith.select %and3A_426, %add3A_427, %rem3A_418 : i32
        %mul3A_429 = arith.constant 64 : i32
        %mul3A_430 = arith.muli %select_n3A_428, %mul3A_429 : i32
        %dma_start3A_431 = tpu.memref_slice %arg6[%select_n3A_412, %mul3A_430] : memref<40x128xi32, #tpu.memory_space<vmem>> -> memref<1x64xi32, #tpu.memory_space<vmem>>
        %dma_start3A_432 = tpu.memref_squeeze %dma_start3A_431 : memref<1x64xi32, #tpu.memory_space<vmem>> -> memref<64xi32, #tpu.memory_space<vmem>>
        %dma_start3A_433 = arith.constant 0 : i32
        %dma_start3A_434 = arith.constant 0 : i32
        %dma_start3A_435 = tpu.memref_slice %arg2[%dma_start3A_433, %dma_start3A_434] : memref<10000x128xf32, #tpu.memory_space<hbm>> -> memref<10000x128xf32, #tpu.memory_space<hbm>>
        tpu.enqueue_indirect_dma source(%dma_start3A_435 : memref<10000x128xf32, #tpu.memory_space<hbm>>) target(%arg9 : memref<64x128xf32, #tpu.memory_space<vmem>>) offsets(%dma_start3A_432 : memref<64xi32, #tpu.memory_space<vmem>>) semaphore(%arg12 : memref<!tpu.dma_semaphore, #tpu.memory_space<semaphore_mem>>)
      } else {
      }
      %mul3A_318 = arith.constant 3 : i32
      %mul3A_319 = arith.muli %scan3A_189, %mul3A_318 : i32
      %add3A_320 = arith.constant 2 : i32
      %add3A_321 = arith.addi %mul3A_319, %add3A_320 : i32
      %jit3A_322 = arith.constant 2 : i32
      %div3A_323 = arith.divsi %add3A_321, %jit3A_322 : i32
      %sign3A_324 = arith.constant 0 : i32
      %sign3A_325 = arith.cmpi sgt, %add3A_321, %sign3A_324 : i32
      %sign3A_326 = arith.extui %sign3A_325 : i1 to i32
      %sign3A_327 = arith.constant 0 : i32
      %sign3A_328 = arith.cmpi slt, %add3A_321, %sign3A_327 : i32
      %sign3A_329 = arith.extui %sign3A_328 : i1 to i32
      %sign3A_330 = arith.subi %sign3A_326, %sign3A_329 : i32
      %sign3A_331 = arith.constant 0 : i32
      %sign3A_332 = arith.cmpi sgt, %jit3A_322, %sign3A_331 : i32
      %sign3A_333 = arith.extui %sign3A_332 : i1 to i32
      %sign3A_334 = arith.constant 0 : i32
      %sign3A_335 = arith.cmpi slt, %jit3A_322, %sign3A_334 : i32
      %sign3A_336 = arith.extui %sign3A_335 : i1 to i32
      %sign3A_337 = arith.subi %sign3A_333, %sign3A_336 : i32
      %ne3A_338 = arith.cmpi ne, %sign3A_330, %sign3A_337 : i32
      %rem3A_339 = arith.remsi %add3A_321, %jit3A_322 : i32
      %ne3A_340 = arith.constant 0 : i32
      %ne3A_341 = arith.cmpi ne, %rem3A_339, %ne3A_340 : i32
      %and3A_342 = arith.andi %ne3A_338, %ne3A_341 : i1
      %sub3A_343 = arith.constant 1 : i32
      %sub3A_344 = arith.subi %div3A_323, %sub3A_343 : i32
      %select_n3A_345 = arith.select %and3A_342, %sub3A_344, %div3A_323 : i32
      %jit3A_346 = arith.constant 2 : i32
      %eq3A_347 = arith.constant 0 : i32
      %eq3A_348 = arith.cmpi eq, %jit3A_346, %eq3A_347 : i32
      %jit3A_349 = arith.constant 1 : i32
      %select_n3A_350 = arith.select %eq3A_348, %jit3A_349, %jit3A_346 : i32
      %rem3A_351 = arith.remsi %add3A_321, %select_n3A_350 : i32
      %ne3A_352 = arith.constant 0 : i32
      %ne3A_353 = arith.cmpi ne, %rem3A_351, %ne3A_352 : i32
      %lt3A_354 = arith.constant 0 : i32
      %lt3A_355 = arith.cmpi slt, %rem3A_351, %lt3A_354 : i32
      %lt3A_356 = arith.constant 0 : i32
      %lt3A_357 = arith.cmpi slt, %select_n3A_350, %lt3A_356 : i32
      %ne3A_358 = arith.xori %lt3A_355, %lt3A_357 : i1
      %and3A_359 = arith.andi %ne3A_358, %ne3A_353 : i1
      %add3A_360 = arith.addi %rem3A_351, %select_n3A_350 : i32
      %select_n3A_361 = arith.select %and3A_359, %add3A_360, %rem3A_351 : i32
      %mul3A_362 = arith.constant 64 : i32
      %mul3A_363 = arith.muli %select_n3A_361, %mul3A_362 : i32
      %dma_wait3A_364 = tpu.memref_slice %arg6[%select_n3A_345, %mul3A_363] : memref<40x128xi32, #tpu.memory_space<vmem>> -> memref<1x64xi32, #tpu.memory_space<vmem>>
      %dma_wait3A_365 = tpu.memref_squeeze %dma_wait3A_364 : memref<1x64xi32, #tpu.memory_space<vmem>> -> memref<64xi32, #tpu.memory_space<vmem>>
      %dma_wait3A_366 = arith.constant 0 : i32
      %dma_wait3A_367 = arith.constant 0 : i32
      %dma_wait3A_368 = tpu.memref_slice %arg2[%dma_wait3A_366, %dma_wait3A_367] : memref<10000x128xf32, #tpu.memory_space<hbm>> -> memref<10000x128xf32, #tpu.memory_space<hbm>>
      tpu.wait_indirect_dma semaphore(%arg14 : memref<!tpu.dma_semaphore, #tpu.memory_space<semaphore_mem>>) src(%dma_wait3A_368 : memref<10000x128xf32, #tpu.memory_space<hbm>>) dst(%arg11 : memref<64x128xf32, #tpu.memory_space<vmem>>)
      %dma_start3A_369 = arith.constant 0 : i32
      %dma_start3A_370 = tpu.memref_slice %arg7[%add3A_321, %dma_start3A_369] : memref<80x64xi32, #tpu.memory_space<vmem>> -> memref<1x64xi32, #tpu.memory_space<vmem>>
      %dma_start3A_371 = tpu.memref_squeeze %dma_start3A_370 : memref<1x64xi32, #tpu.memory_space<vmem>> -> memref<64xi32, #tpu.memory_space<vmem>>
      %dma_start3A_372 = arith.constant 0 : i32
      %dma_start3A_373 = arith.constant 0 : i32
      %dma_start3A_374 = tpu.memref_slice %arg8[%dma_start3A_372, %dma_start3A_373] : memref<10112x128xf32, #tpu.memory_space<vmem_shared>> -> memref<10112x128xf32, #tpu.memory_space<vmem_shared>>
      tpu.enqueue_indirect_dma source(%arg11 : memref<64x128xf32, #tpu.memory_space<vmem>>) target(%dma_start3A_374 : memref<10112x128xf32, #tpu.memory_space<vmem_shared>>) offsets(%dma_start3A_371 : memref<64xi32, #tpu.memory_space<vmem>>) semaphore(%arg17 : memref<!tpu.dma_semaphore, #tpu.memory_space<semaphore_mem>>) {add = true}
      %ge3A_375 = arith.constant 1 : i32
      %ge3A_376 = arith.cmpi sge, %add3A_321, %ge3A_375 : i32
      %convert_element_type3A_377 = arith.extui %ge3A_376 : i1 to i32
      %cond3A_378 = arith.constant 0 : i32
      %cond3A_379 = arith.cmpi ne, %convert_element_type3A_377, %cond3A_378 : i32
      scf.if %cond3A_379 {
        %sub3A_387 = arith.constant 1 : i32
        %sub3A_388 = arith.subi %add3A_321, %sub3A_387 : i32
        %dma_wait3A_389 = arith.constant 0 : i32
        %dma_wait3A_390 = tpu.memref_slice %arg7[%sub3A_388, %dma_wait3A_389] : memref<80x64xi32, #tpu.memory_space<vmem>> -> memref<1x64xi32, #tpu.memory_space<vmem>>
        %dma_wait3A_391 = tpu.memref_squeeze %dma_wait3A_390 : memref<1x64xi32, #tpu.memory_space<vmem>> -> memref<64xi32, #tpu.memory_space<vmem>>
        %dma_wait3A_392 = arith.constant 0 : i32
        %dma_wait3A_393 = arith.constant 0 : i32
        %dma_wait3A_394 = tpu.memref_slice %arg8[%dma_wait3A_392, %dma_wait3A_393] : memref<10112x128xf32, #tpu.memory_space<vmem_shared>> -> memref<10112x128xf32, #tpu.memory_space<vmem_shared>>
        tpu.wait_indirect_dma semaphore(%arg16 : memref<!tpu.dma_semaphore, #tpu.memory_space<semaphore_mem>>) src(%arg10 : memref<64x128xf32, #tpu.memory_space<vmem>>) dst(%dma_wait3A_394 : memref<10112x128xf32, #tpu.memory_space<vmem_shared>>)
      } else {
      }
      %add3A_380 = arith.constant 2 : i32
      %add3A_381 = arith.addi %add3A_321, %add3A_380 : i32
      %lt3A_382 = arith.constant 80 : i32
      %lt3A_383 = arith.cmpi slt, %add3A_381, %lt3A_382 : i32
      %convert_element_type3A_384 = arith.extui %lt3A_383 : i1 to i32
      %cond3A_385 = arith.constant 0 : i32
      %cond3A_386 = arith.cmpi ne, %convert_element_type3A_384, %cond3A_385 : i32
      scf.if %cond3A_386 {
        %add3A_387 = arith.constant 2 : i32
        %add3A_388 = arith.addi %add3A_321, %add3A_387 : i32
        %jit3A_389 = arith.constant 2 : i32
        %div3A_390 = arith.divsi %add3A_388, %jit3A_389 : i32
        %sign3A_391 = arith.constant 0 : i32
        %sign3A_392 = arith.cmpi sgt, %add3A_388, %sign3A_391 : i32
        %sign3A_393 = arith.extui %sign3A_392 : i1 to i32
        %sign3A_394 = arith.constant 0 : i32
        %sign3A_395 = arith.cmpi slt, %add3A_388, %sign3A_394 : i32
        %sign3A_396 = arith.extui %sign3A_395 : i1 to i32
        %sign3A_397 = arith.subi %sign3A_393, %sign3A_396 : i32
        %sign3A_398 = arith.constant 0 : i32
        %sign3A_399 = arith.cmpi sgt, %jit3A_389, %sign3A_398 : i32
        %sign3A_400 = arith.extui %sign3A_399 : i1 to i32
        %sign3A_401 = arith.constant 0 : i32
        %sign3A_402 = arith.cmpi slt, %jit3A_389, %sign3A_401 : i32
        %sign3A_403 = arith.extui %sign3A_402 : i1 to i32
        %sign3A_404 = arith.subi %sign3A_400, %sign3A_403 : i32
        %ne3A_405 = arith.cmpi ne, %sign3A_397, %sign3A_404 : i32
        %rem3A_406 = arith.remsi %add3A_388, %jit3A_389 : i32
        %ne3A_407 = arith.constant 0 : i32
        %ne3A_408 = arith.cmpi ne, %rem3A_406, %ne3A_407 : i32
        %and3A_409 = arith.andi %ne3A_405, %ne3A_408 : i1
        %sub3A_410 = arith.constant 1 : i32
        %sub3A_411 = arith.subi %div3A_390, %sub3A_410 : i32
        %select_n3A_412 = arith.select %and3A_409, %sub3A_411, %div3A_390 : i32
        %jit3A_413 = arith.constant 2 : i32
        %eq3A_414 = arith.constant 0 : i32
        %eq3A_415 = arith.cmpi eq, %jit3A_413, %eq3A_414 : i32
        %jit3A_416 = arith.constant 1 : i32
        %select_n3A_417 = arith.select %eq3A_415, %jit3A_416, %jit3A_413 : i32
        %rem3A_418 = arith.remsi %add3A_388, %select_n3A_417 : i32
        %ne3A_419 = arith.constant 0 : i32
        %ne3A_420 = arith.cmpi ne, %rem3A_418, %ne3A_419 : i32
        %lt3A_421 = arith.constant 0 : i32
        %lt3A_422 = arith.cmpi slt, %rem3A_418, %lt3A_421 : i32
        %lt3A_423 = arith.constant 0 : i32
        %lt3A_424 = arith.cmpi slt, %select_n3A_417, %lt3A_423 : i32
        %ne3A_425 = arith.xori %lt3A_422, %lt3A_424 : i1
        %and3A_426 = arith.andi %ne3A_425, %ne3A_420 : i1
        %add3A_427 = arith.addi %rem3A_418, %select_n3A_417 : i32
        %select_n3A_428 = arith.select %and3A_426, %add3A_427, %rem3A_418 : i32
        %mul3A_429 = arith.constant 64 : i32
        %mul3A_430 = arith.muli %select_n3A_428, %mul3A_429 : i32
        %dma_start3A_431 = tpu.memref_slice %arg6[%select_n3A_412, %mul3A_430] : memref<40x128xi32, #tpu.memory_space<vmem>> -> memref<1x64xi32, #tpu.memory_space<vmem>>
        %dma_start3A_432 = tpu.memref_squeeze %dma_start3A_431 : memref<1x64xi32, #tpu.memory_space<vmem>> -> memref<64xi32, #tpu.memory_space<vmem>>
        %dma_start3A_433 = arith.constant 0 : i32
        %dma_start3A_434 = arith.constant 0 : i32
        %dma_start3A_435 = tpu.memref_slice %arg2[%dma_start3A_433, %dma_start3A_434] : memref<10000x128xf32, #tpu.memory_space<hbm>> -> memref<10000x128xf32, #tpu.memory_space<hbm>>
        tpu.enqueue_indirect_dma source(%dma_start3A_435 : memref<10000x128xf32, #tpu.memory_space<hbm>>) target(%arg10 : memref<64x128xf32, #tpu.memory_space<vmem>>) offsets(%dma_start3A_432 : memref<64xi32, #tpu.memory_space<vmem>>) semaphore(%arg13 : memref<!tpu.dma_semaphore, #tpu.memory_space<semaphore_mem>>)
      } else {
      }
    }
    %scan3A_64 = arith.constant 26 : i32
    %dma_wait3A = arith.constant 39 : i32
    %dma_wait3A_65 = arith.constant 0 : i32
    %dma_wait3A_66 = tpu.memref_slice %arg6[%dma_wait3A, %dma_wait3A_65] : memref<40x128xi32, #tpu.memory_space<vmem>> -> memref<1x64xi32, #tpu.memory_space<vmem>>
    %dma_wait3A_67 = tpu.memref_squeeze %dma_wait3A_66 : memref<1x64xi32, #tpu.memory_space<vmem>> -> memref<64xi32, #tpu.memory_space<vmem>>
    %dma_wait3A_68 = arith.constant 0 : i32
    %dma_wait3A_69 = arith.constant 0 : i32
    %dma_wait3A_70 = tpu.memref_slice %arg2[%dma_wait3A_68, %dma_wait3A_69] : memref<10000x128xf32, #tpu.memory_space<hbm>> -> memref<10000x128xf32, #tpu.memory_space<hbm>>
    tpu.wait_indirect_dma semaphore(%arg12 : memref<!tpu.dma_semaphore, #tpu.memory_space<semaphore_mem>>) src(%dma_wait3A_70 : memref<10000x128xf32, #tpu.memory_space<hbm>>) dst(%arg9 : memref<64x128xf32, #tpu.memory_space<vmem>>)
    %dma_start3A_71 = arith.constant 78 : i32
    %dma_start3A_72 = arith.constant 0 : i32
    %dma_start3A_73 = tpu.memref_slice %arg7[%dma_start3A_71, %dma_start3A_72] : memref<80x64xi32, #tpu.memory_space<vmem>> -> memref<1x64xi32, #tpu.memory_space<vmem>>
    %dma_start3A_74 = tpu.memref_squeeze %dma_start3A_73 : memref<1x64xi32, #tpu.memory_space<vmem>> -> memref<64xi32, #tpu.memory_space<vmem>>
    %dma_start3A_75 = arith.constant 0 : i32
    %dma_start3A_76 = arith.constant 0 : i32
    %dma_start3A_77 = tpu.memref_slice %arg8[%dma_start3A_75, %dma_start3A_76] : memref<10112x128xf32, #tpu.memory_space<vmem_shared>> -> memref<10112x128xf32, #tpu.memory_space<vmem_shared>>
    tpu.enqueue_indirect_dma source(%arg9 : memref<64x128xf32, #tpu.memory_space<vmem>>) target(%dma_start3A_77 : memref<10112x128xf32, #tpu.memory_space<vmem_shared>>) offsets(%dma_start3A_74 : memref<64xi32, #tpu.memory_space<vmem>>) semaphore(%arg15 : memref<!tpu.dma_semaphore, #tpu.memory_space<semaphore_mem>>) {add = true}
    %dma_wait3A_78 = arith.constant 77 : i32
    %dma_wait3A_79 = arith.constant 0 : i32
    %dma_wait3A_80 = tpu.memref_slice %arg7[%dma_wait3A_78, %dma_wait3A_79] : memref<80x64xi32, #tpu.memory_space<vmem>> -> memref<1x64xi32, #tpu.memory_space<vmem>>
    %dma_wait3A_81 = tpu.memref_squeeze %dma_wait3A_80 : memref<1x64xi32, #tpu.memory_space<vmem>> -> memref<64xi32, #tpu.memory_space<vmem>>
    %dma_wait3A_82 = arith.constant 0 : i32
    %dma_wait3A_83 = arith.constant 0 : i32
    %dma_wait3A_84 = tpu.memref_slice %arg8[%dma_wait3A_82, %dma_wait3A_83] : memref<10112x128xf32, #tpu.memory_space<vmem_shared>> -> memref<10112x128xf32, #tpu.memory_space<vmem_shared>>
    tpu.wait_indirect_dma semaphore(%arg17 : memref<!tpu.dma_semaphore, #tpu.memory_space<semaphore_mem>>) src(%arg11 : memref<64x128xf32, #tpu.memory_space<vmem>>) dst(%dma_wait3A_84 : memref<10112x128xf32, #tpu.memory_space<vmem_shared>>)
    %dma_wait3A_85 = arith.constant 39 : i32
    %dma_wait3A_86 = arith.constant 64 : i32
    %dma_wait3A_87 = tpu.memref_slice %arg6[%dma_wait3A_85, %dma_wait3A_86] : memref<40x128xi32, #tpu.memory_space<vmem>> -> memref<1x64xi32, #tpu.memory_space<vmem>>
    %dma_wait3A_88 = tpu.memref_squeeze %dma_wait3A_87 : memref<1x64xi32, #tpu.memory_space<vmem>> -> memref<64xi32, #tpu.memory_space<vmem>>
    %dma_wait3A_89 = arith.constant 0 : i32
    %dma_wait3A_90 = arith.constant 0 : i32
    %dma_wait3A_91 = tpu.memref_slice %arg2[%dma_wait3A_89, %dma_wait3A_90] : memref<10000x128xf32, #tpu.memory_space<hbm>> -> memref<10000x128xf32, #tpu.memory_space<hbm>>
    tpu.wait_indirect_dma semaphore(%arg13 : memref<!tpu.dma_semaphore, #tpu.memory_space<semaphore_mem>>) src(%dma_wait3A_91 : memref<10000x128xf32, #tpu.memory_space<hbm>>) dst(%arg10 : memref<64x128xf32, #tpu.memory_space<vmem>>)
    %dma_start3A_92 = arith.constant 79 : i32
    %dma_start3A_93 = arith.constant 0 : i32
    %dma_start3A_94 = tpu.memref_slice %arg7[%dma_start3A_92, %dma_start3A_93] : memref<80x64xi32, #tpu.memory_space<vmem>> -> memref<1x64xi32, #tpu.memory_space<vmem>>
    %dma_start3A_95 = tpu.memref_squeeze %dma_start3A_94 : memref<1x64xi32, #tpu.memory_space<vmem>> -> memref<64xi32, #tpu.memory_space<vmem>>
    %dma_start3A_96 = arith.constant 0 : i32
    %dma_start3A_97 = arith.constant 0 : i32
    %dma_start3A_98 = tpu.memref_slice %arg8[%dma_start3A_96, %dma_start3A_97] : memref<10112x128xf32, #tpu.memory_space<vmem_shared>> -> memref<10112x128xf32, #tpu.memory_space<vmem_shared>>
    tpu.enqueue_indirect_dma source(%arg10 : memref<64x128xf32, #tpu.memory_space<vmem>>) target(%dma_start3A_98 : memref<10112x128xf32, #tpu.memory_space<vmem_shared>>) offsets(%dma_start3A_95 : memref<64xi32, #tpu.memory_space<vmem>>) semaphore(%arg16 : memref<!tpu.dma_semaphore, #tpu.memory_space<semaphore_mem>>) {add = true}
    %dma_wait3A_99 = arith.constant 78 : i32
    %dma_wait3A_100 = arith.constant 0 : i32
    %dma_wait3A_101 = tpu.memref_slice %arg7[%dma_wait3A_99, %dma_wait3A_100] : memref<80x64xi32, #tpu.memory_space<vmem>> -> memref<1x64xi32, #tpu.memory_space<vmem>>
    %dma_wait3A_102 = tpu.memref_squeeze %dma_wait3A_101 : memref<1x64xi32, #tpu.memory_space<vmem>> -> memref<64xi32, #tpu.memory_space<vmem>>
    %dma_wait3A_103 = arith.constant 0 : i32
    %dma_wait3A_104 = arith.constant 0 : i32
    %dma_wait3A_105 = tpu.memref_slice %arg8[%dma_wait3A_103, %dma_wait3A_104] : memref<10112x128xf32, #tpu.memory_space<vmem_shared>> -> memref<10112x128xf32, #tpu.memory_space<vmem_shared>>
    tpu.wait_indirect_dma semaphore(%arg15 : memref<!tpu.dma_semaphore, #tpu.memory_space<semaphore_mem>>) src(%arg9 : memref<64x128xf32, #tpu.memory_space<vmem>>) dst(%dma_wait3A_105 : memref<10112x128xf32, #tpu.memory_space<vmem_shared>>)
    %dma_wait3A_106 = arith.constant 79 : i32
    %dma_wait3A_107 = arith.constant 0 : i32
    %dma_wait3A_108 = tpu.memref_slice %arg7[%dma_wait3A_106, %dma_wait3A_107] : memref<80x64xi32, #tpu.memory_space<vmem>> -> memref<1x64xi32, #tpu.memory_space<vmem>>
    %dma_wait3A_109 = tpu.memref_squeeze %dma_wait3A_108 : memref<1x64xi32, #tpu.memory_space<vmem>> -> memref<64xi32, #tpu.memory_space<vmem>>
    %dma_wait3A_110 = arith.constant 0 : i32
    %dma_wait3A_111 = arith.constant 0 : i32
    %dma_wait3A_112 = tpu.memref_slice %arg8[%dma_wait3A_110, %dma_wait3A_111] : memref<10112x128xf32, #tpu.memory_space<vmem_shared>> -> memref<10112x128xf32, #tpu.memory_space<vmem_shared>>
    tpu.wait_indirect_dma semaphore(%arg16 : memref<!tpu.dma_semaphore, #tpu.memory_space<semaphore_mem>>) src(%arg10 : memref<64x128xf32, #tpu.memory_space<vmem>>) dst(%dma_wait3A_112 : memref<10112x128xf32, #tpu.memory_space<vmem_shared>>)
    "tpu.region"() ({
      %run_scoped3A = tpu.sem_alloc : memref<!tpu.dma_semaphore, #tpu.memory_space<semaphore_mem>>
      %dma_start3A_189 = arith.constant 40 : i32
      %dma_start3A_190 = arith.constant 0 : i32
      %dma_start3A_191 = tpu.memref_slice %arg3[%add3A, %dma_start3A_189, %dma_start3A_190] : memref<32x80x128xi32, #tpu.memory_space<hbm>> -> memref<1x40x128xi32, #tpu.memory_space<hbm>>
      %dma_start3A_192 = tpu.memref_squeeze %dma_start3A_191 : memref<1x40x128xi32, #tpu.memory_space<hbm>> -> memref<40x128xi32, #tpu.memory_space<hbm>>
      %dma_start3A_193 = arith.constant 40 : i32
      %dma_start3A_194 = arith.constant 0 : i32
      %dma_start3A_195 = tpu.memref_slice %arg3[%add3A, %dma_start3A_193, %dma_start3A_194] : memref<32x80x128xi32, #tpu.memory_space<hbm>> -> memref<1x40x128xi32, #tpu.memory_space<hbm>>
      %dma_start3A_196 = tpu.memref_squeeze %dma_start3A_195 : memref<1x40x128xi32, #tpu.memory_space<hbm>> -> memref<40x128xi32, #tpu.memory_space<hbm>>
      tpu.enqueue_dma source(%dma_start3A_196 : memref<40x128xi32, #tpu.memory_space<hbm>>) target(%arg6 : memref<40x128xi32, #tpu.memory_space<vmem>>) target_semaphore(%run_scoped3A : memref<!tpu.dma_semaphore, #tpu.memory_space<semaphore_mem>>)
      %dma_wait3A_197 = arith.constant 40 : i32
      %dma_wait3A_198 = arith.constant 0 : i32
      %dma_wait3A_199 = tpu.memref_slice %arg3[%add3A, %dma_wait3A_197, %dma_wait3A_198] : memref<32x80x128xi32, #tpu.memory_space<hbm>> -> memref<1x40x128xi32, #tpu.memory_space<hbm>>
      %dma_wait3A_200 = tpu.memref_squeeze %dma_wait3A_199 : memref<1x40x128xi32, #tpu.memory_space<hbm>> -> memref<40x128xi32, #tpu.memory_space<hbm>>
      %dma_wait3A_201 = arith.constant 40 : i32
      %dma_wait3A_202 = arith.constant 0 : i32
      %dma_wait3A_203 = tpu.memref_slice %arg3[%add3A, %dma_wait3A_201, %dma_wait3A_202] : memref<32x80x128xi32, #tpu.memory_space<hbm>> -> memref<1x40x128xi32, #tpu.memory_space<hbm>>
      %dma_wait3A_204 = tpu.memref_squeeze %dma_wait3A_203 : memref<1x40x128xi32, #tpu.memory_space<hbm>> -> memref<40x128xi32, #tpu.memory_space<hbm>>
      tpu.wait_dma2 semaphore(%run_scoped3A : memref<!tpu.dma_semaphore, #tpu.memory_space<semaphore_mem>>) src(%dma_wait3A_204 : memref<40x128xi32, #tpu.memory_space<hbm>>) dst(%arg6 : memref<40x128xi32, #tpu.memory_space<vmem>>)
      tpu.yield
    }) : () -> ()
    "tpu.region"() ({
      %run_scoped3A = tpu.sem_alloc : memref<!tpu.dma_semaphore, #tpu.memory_space<semaphore_mem>>
      %dma_start3A_189 = arith.constant 80 : i32
      %dma_start3A_190 = arith.constant 0 : i32
      %dma_start3A_191 = tpu.memref_slice %arg4[%add3A, %dma_start3A_189, %dma_start3A_190] : memref<32x160x64xi32, #tpu.memory_space<hbm>> -> memref<1x80x64xi32, #tpu.memory_space<hbm>>
      %dma_start3A_192 = tpu.memref_squeeze %dma_start3A_191 : memref<1x80x64xi32, #tpu.memory_space<hbm>> -> memref<80x64xi32, #tpu.memory_space<hbm>>
      %dma_start3A_193 = arith.constant 80 : i32
      %dma_start3A_194 = arith.constant 0 : i32
      %dma_start3A_195 = tpu.memref_slice %arg4[%add3A, %dma_start3A_193, %dma_start3A_194] : memref<32x160x64xi32, #tpu.memory_space<hbm>> -> memref<1x80x64xi32, #tpu.memory_space<hbm>>
      %dma_start3A_196 = tpu.memref_squeeze %dma_start3A_195 : memref<1x80x64xi32, #tpu.memory_space<hbm>> -> memref<80x64xi32, #tpu.memory_space<hbm>>
      tpu.enqueue_dma source(%dma_start3A_196 : memref<80x64xi32, #tpu.memory_space<hbm>>) target(%arg7 : memref<80x64xi32, #tpu.memory_space<vmem>>) target_semaphore(%run_scoped3A : memref<!tpu.dma_semaphore, #tpu.memory_space<semaphore_mem>>)
      %dma_wait3A_197 = arith.constant 80 : i32
      %dma_wait3A_198 = arith.constant 0 : i32
      %dma_wait3A_199 = tpu.memref_slice %arg4[%add3A, %dma_wait3A_197, %dma_wait3A_198] : memref<32x160x64xi32, #tpu.memory_space<hbm>> -> memref<1x80x64xi32, #tpu.memory_space<hbm>>
      %dma_wait3A_200 = tpu.memref_squeeze %dma_wait3A_199 : memref<1x80x64xi32, #tpu.memory_space<hbm>> -> memref<80x64xi32, #tpu.memory_space<hbm>>
      %dma_wait3A_201 = arith.constant 80 : i32
      %dma_wait3A_202 = arith.constant 0 : i32
      %dma_wait3A_203 = tpu.memref_slice %arg4[%add3A, %dma_wait3A_201, %dma_wait3A_202] : memref<32x160x64xi32, #tpu.memory_space<hbm>> -> memref<1x80x64xi32, #tpu.memory_space<hbm>>
      %dma_wait3A_204 = tpu.memref_squeeze %dma_wait3A_203 : memref<1x80x64xi32, #tpu.memory_space<hbm>> -> memref<80x64xi32, #tpu.memory_space<hbm>>
      tpu.wait_dma2 semaphore(%run_scoped3A : memref<!tpu.dma_semaphore, #tpu.memory_space<semaphore_mem>>) src(%dma_wait3A_204 : memref<80x64xi32, #tpu.memory_space<hbm>>) dst(%arg7 : memref<80x64xi32, #tpu.memory_space<vmem>>)
      tpu.yield
    }) : () -> ()
    %dma_start3A_113 = arith.constant 0 : i32
    %dma_start3A_114 = arith.constant 0 : i32
    %dma_start3A_115 = tpu.memref_slice %arg6[%dma_start3A_113, %dma_start3A_114] : memref<40x128xi32, #tpu.memory_space<vmem>> -> memref<1x64xi32, #tpu.memory_space<vmem>>
    %dma_start3A_116 = tpu.memref_squeeze %dma_start3A_115 : memref<1x64xi32, #tpu.memory_space<vmem>> -> memref<64xi32, #tpu.memory_space<vmem>>
    %dma_start3A_117 = arith.constant 0 : i32
    %dma_start3A_118 = arith.constant 0 : i32
    %dma_start3A_119 = tpu.memref_slice %arg2[%dma_start3A_117, %dma_start3A_118] : memref<10000x128xf32, #tpu.memory_space<hbm>> -> memref<10000x128xf32, #tpu.memory_space<hbm>>
    tpu.enqueue_indirect_dma source(%dma_start3A_119 : memref<10000x128xf32, #tpu.memory_space<hbm>>) target(%arg9 : memref<64x128xf32, #tpu.memory_space<vmem>>) offsets(%dma_start3A_116 : memref<64xi32, #tpu.memory_space<vmem>>) semaphore(%arg12 : memref<!tpu.dma_semaphore, #tpu.memory_space<semaphore_mem>>)
    %dma_start3A_120 = arith.constant 0 : i32
    %dma_start3A_121 = arith.constant 64 : i32
    %dma_start3A_122 = tpu.memref_slice %arg6[%dma_start3A_120, %dma_start3A_121] : memref<40x128xi32, #tpu.memory_space<vmem>> -> memref<1x64xi32, #tpu.memory_space<vmem>>
    %dma_start3A_123 = tpu.memref_squeeze %dma_start3A_122 : memref<1x64xi32, #tpu.memory_space<vmem>> -> memref<64xi32, #tpu.memory_space<vmem>>
    %dma_start3A_124 = arith.constant 0 : i32
    %dma_start3A_125 = arith.constant 0 : i32
    %dma_start3A_126 = tpu.memref_slice %arg2[%dma_start3A_124, %dma_start3A_125] : memref<10000x128xf32, #tpu.memory_space<hbm>> -> memref<10000x128xf32, #tpu.memory_space<hbm>>
    tpu.enqueue_indirect_dma source(%dma_start3A_126 : memref<10000x128xf32, #tpu.memory_space<hbm>>) target(%arg10 : memref<64x128xf32, #tpu.memory_space<vmem>>) offsets(%dma_start3A_123 : memref<64xi32, #tpu.memory_space<vmem>>) semaphore(%arg13 : memref<!tpu.dma_semaphore, #tpu.memory_space<semaphore_mem>>)
    %scan3A_127 = arith.constant 0 : i32
    %scan3A_128 = arith.constant 0 : i32
    %scan3A_129 = arith.constant 26 : i32
    %scan3A_130 = arith.addi %scan3A_128, %scan3A_129 : i32
    %scan3A_131 = arith.constant 1 : i32
    scf.for %scan3A_189 = %scan3A_128 to %scan3A_130 step %scan3A_131  : i32 {
      %mul3A_190 = arith.constant 3 : i32
      %mul3A_191 = arith.muli %scan3A_189, %mul3A_190 : i32
      %add3A_192 = arith.constant 0 : i32
      %add3A_193 = arith.addi %mul3A_191, %add3A_192 : i32
      %jit3A = arith.constant 2 : i32
      %div3A = arith.divsi %add3A_193, %jit3A : i32
      %sign3A = arith.constant 0 : i32
      %sign3A_194 = arith.cmpi sgt, %add3A_193, %sign3A : i32
      %sign3A_195 = arith.extui %sign3A_194 : i1 to i32
      %sign3A_196 = arith.constant 0 : i32
      %sign3A_197 = arith.cmpi slt, %add3A_193, %sign3A_196 : i32
      %sign3A_198 = arith.extui %sign3A_197 : i1 to i32
      %sign3A_199 = arith.subi %sign3A_195, %sign3A_198 : i32
      %sign3A_200 = arith.constant 0 : i32
      %sign3A_201 = arith.cmpi sgt, %jit3A, %sign3A_200 : i32
      %sign3A_202 = arith.extui %sign3A_201 : i1 to i32
      %sign3A_203 = arith.constant 0 : i32
      %sign3A_204 = arith.cmpi slt, %jit3A, %sign3A_203 : i32
      %sign3A_205 = arith.extui %sign3A_204 : i1 to i32
      %sign3A_206 = arith.subi %sign3A_202, %sign3A_205 : i32
      %ne3A = arith.cmpi ne, %sign3A_199, %sign3A_206 : i32
      %rem3A = arith.remsi %add3A_193, %jit3A : i32
      %ne3A_207 = arith.constant 0 : i32
      %ne3A_208 = arith.cmpi ne, %rem3A, %ne3A_207 : i32
      %and3A = arith.andi %ne3A, %ne3A_208 : i1
      %sub3A = arith.constant 1 : i32
      %sub3A_209 = arith.subi %div3A, %sub3A : i32
      %select_n3A = arith.select %and3A, %sub3A_209, %div3A : i32
      %jit3A_210 = arith.constant 2 : i32
      %eq3A_211 = arith.constant 0 : i32
      %eq3A_212 = arith.cmpi eq, %jit3A_210, %eq3A_211 : i32
      %jit3A_213 = arith.constant 1 : i32
      %select_n3A_214 = arith.select %eq3A_212, %jit3A_213, %jit3A_210 : i32
      %rem3A_215 = arith.remsi %add3A_193, %select_n3A_214 : i32
      %ne3A_216 = arith.constant 0 : i32
      %ne3A_217 = arith.cmpi ne, %rem3A_215, %ne3A_216 : i32
      %lt3A = arith.constant 0 : i32
      %lt3A_218 = arith.cmpi slt, %rem3A_215, %lt3A : i32
      %lt3A_219 = arith.constant 0 : i32
      %lt3A_220 = arith.cmpi slt, %select_n3A_214, %lt3A_219 : i32
      %ne3A_221 = arith.xori %lt3A_218, %lt3A_220 : i1
      %and3A_222 = arith.andi %ne3A_221, %ne3A_217 : i1
      %add3A_223 = arith.addi %rem3A_215, %select_n3A_214 : i32
      %select_n3A_224 = arith.select %and3A_222, %add3A_223, %rem3A_215 : i32
      %mul3A_225 = arith.constant 64 : i32
      %mul3A_226 = arith.muli %select_n3A_224, %mul3A_225 : i32
      %dma_wait3A_227 = tpu.memref_slice %arg6[%select_n3A, %mul3A_226] : memref<40x128xi32, #tpu.memory_space<vmem>> -> memref<1x64xi32, #tpu.memory_space<vmem>>
      %dma_wait3A_228 = tpu.memref_squeeze %dma_wait3A_227 : memref<1x64xi32, #tpu.memory_space<vmem>> -> memref<64xi32, #tpu.memory_space<vmem>>
      %dma_wait3A_229 = arith.constant 0 : i32
      %dma_wait3A_230 = arith.constant 0 : i32
      %dma_wait3A_231 = tpu.memref_slice %arg2[%dma_wait3A_229, %dma_wait3A_230] : memref<10000x128xf32, #tpu.memory_space<hbm>> -> memref<10000x128xf32, #tpu.memory_space<hbm>>
      tpu.wait_indirect_dma semaphore(%arg12 : memref<!tpu.dma_semaphore, #tpu.memory_space<semaphore_mem>>) src(%dma_wait3A_231 : memref<10000x128xf32, #tpu.memory_space<hbm>>) dst(%arg9 : memref<64x128xf32, #tpu.memory_space<vmem>>)
      %dma_start3A_232 = arith.constant 0 : i32
      %dma_start3A_233 = tpu.memref_slice %arg7[%add3A_193, %dma_start3A_232] : memref<80x64xi32, #tpu.memory_space<vmem>> -> memref<1x64xi32, #tpu.memory_space<vmem>>
      %dma_start3A_234 = tpu.memref_squeeze %dma_start3A_233 : memref<1x64xi32, #tpu.memory_space<vmem>> -> memref<64xi32, #tpu.memory_space<vmem>>
      %dma_start3A_235 = arith.constant 0 : i32
      %dma_start3A_236 = arith.constant 0 : i32
      %dma_start3A_237 = tpu.memref_slice %arg8[%dma_start3A_235, %dma_start3A_236] : memref<10112x128xf32, #tpu.memory_space<vmem_shared>> -> memref<10112x128xf32, #tpu.memory_space<vmem_shared>>
      tpu.enqueue_indirect_dma source(%arg9 : memref<64x128xf32, #tpu.memory_space<vmem>>) target(%dma_start3A_237 : memref<10112x128xf32, #tpu.memory_space<vmem_shared>>) offsets(%dma_start3A_234 : memref<64xi32, #tpu.memory_space<vmem>>) semaphore(%arg15 : memref<!tpu.dma_semaphore, #tpu.memory_space<semaphore_mem>>) {add = true}
      %ge3A = arith.constant 1 : i32
      %ge3A_238 = arith.cmpi sge, %add3A_193, %ge3A : i32
      %convert_element_type3A_239 = arith.extui %ge3A_238 : i1 to i32
      %cond3A_240 = arith.constant 0 : i32
      %cond3A_241 = arith.cmpi ne, %convert_element_type3A_239, %cond3A_240 : i32
      scf.if %cond3A_241 {
        %sub3A_387 = arith.constant 1 : i32
        %sub3A_388 = arith.subi %add3A_193, %sub3A_387 : i32
        %dma_wait3A_389 = arith.constant 0 : i32
        %dma_wait3A_390 = tpu.memref_slice %arg7[%sub3A_388, %dma_wait3A_389] : memref<80x64xi32, #tpu.memory_space<vmem>> -> memref<1x64xi32, #tpu.memory_space<vmem>>
        %dma_wait3A_391 = tpu.memref_squeeze %dma_wait3A_390 : memref<1x64xi32, #tpu.memory_space<vmem>> -> memref<64xi32, #tpu.memory_space<vmem>>
        %dma_wait3A_392 = arith.constant 0 : i32
        %dma_wait3A_393 = arith.constant 0 : i32
        %dma_wait3A_394 = tpu.memref_slice %arg8[%dma_wait3A_392, %dma_wait3A_393] : memref<10112x128xf32, #tpu.memory_space<vmem_shared>> -> memref<10112x128xf32, #tpu.memory_space<vmem_shared>>
        tpu.wait_indirect_dma semaphore(%arg17 : memref<!tpu.dma_semaphore, #tpu.memory_space<semaphore_mem>>) src(%arg11 : memref<64x128xf32, #tpu.memory_space<vmem>>) dst(%dma_wait3A_394 : memref<10112x128xf32, #tpu.memory_space<vmem_shared>>)
      } else {
      }
      %add3A_242 = arith.constant 2 : i32
      %add3A_243 = arith.addi %add3A_193, %add3A_242 : i32
      %lt3A_244 = arith.constant 80 : i32
      %lt3A_245 = arith.cmpi slt, %add3A_243, %lt3A_244 : i32
      %convert_element_type3A_246 = arith.extui %lt3A_245 : i1 to i32
      %cond3A_247 = arith.constant 0 : i32
      %cond3A_248 = arith.cmpi ne, %convert_element_type3A_246, %cond3A_247 : i32
      scf.if %cond3A_248 {
        %add3A_387 = arith.constant 2 : i32
        %add3A_388 = arith.addi %add3A_193, %add3A_387 : i32
        %jit3A_389 = arith.constant 2 : i32
        %div3A_390 = arith.divsi %add3A_388, %jit3A_389 : i32
        %sign3A_391 = arith.constant 0 : i32
        %sign3A_392 = arith.cmpi sgt, %add3A_388, %sign3A_391 : i32
        %sign3A_393 = arith.extui %sign3A_392 : i1 to i32
        %sign3A_394 = arith.constant 0 : i32
        %sign3A_395 = arith.cmpi slt, %add3A_388, %sign3A_394 : i32
        %sign3A_396 = arith.extui %sign3A_395 : i1 to i32
        %sign3A_397 = arith.subi %sign3A_393, %sign3A_396 : i32
        %sign3A_398 = arith.constant 0 : i32
        %sign3A_399 = arith.cmpi sgt, %jit3A_389, %sign3A_398 : i32
        %sign3A_400 = arith.extui %sign3A_399 : i1 to i32
        %sign3A_401 = arith.constant 0 : i32
        %sign3A_402 = arith.cmpi slt, %jit3A_389, %sign3A_401 : i32
        %sign3A_403 = arith.extui %sign3A_402 : i1 to i32
        %sign3A_404 = arith.subi %sign3A_400, %sign3A_403 : i32
        %ne3A_405 = arith.cmpi ne, %sign3A_397, %sign3A_404 : i32
        %rem3A_406 = arith.remsi %add3A_388, %jit3A_389 : i32
        %ne3A_407 = arith.constant 0 : i32
        %ne3A_408 = arith.cmpi ne, %rem3A_406, %ne3A_407 : i32
        %and3A_409 = arith.andi %ne3A_405, %ne3A_408 : i1
        %sub3A_410 = arith.constant 1 : i32
        %sub3A_411 = arith.subi %div3A_390, %sub3A_410 : i32
        %select_n3A_412 = arith.select %and3A_409, %sub3A_411, %div3A_390 : i32
        %jit3A_413 = arith.constant 2 : i32
        %eq3A_414 = arith.constant 0 : i32
        %eq3A_415 = arith.cmpi eq, %jit3A_413, %eq3A_414 : i32
        %jit3A_416 = arith.constant 1 : i32
        %select_n3A_417 = arith.select %eq3A_415, %jit3A_416, %jit3A_413 : i32
        %rem3A_418 = arith.remsi %add3A_388, %select_n3A_417 : i32
        %ne3A_419 = arith.constant 0 : i32
        %ne3A_420 = arith.cmpi ne, %rem3A_418, %ne3A_419 : i32
        %lt3A_421 = arith.constant 0 : i32
        %lt3A_422 = arith.cmpi slt, %rem3A_418, %lt3A_421 : i32
        %lt3A_423 = arith.constant 0 : i32
        %lt3A_424 = arith.cmpi slt, %select_n3A_417, %lt3A_423 : i32
        %ne3A_425 = arith.xori %lt3A_422, %lt3A_424 : i1
        %and3A_426 = arith.andi %ne3A_425, %ne3A_420 : i1
        %add3A_427 = arith.addi %rem3A_418, %select_n3A_417 : i32
        %select_n3A_428 = arith.select %and3A_426, %add3A_427, %rem3A_418 : i32
        %mul3A_429 = arith.constant 64 : i32
        %mul3A_430 = arith.muli %select_n3A_428, %mul3A_429 : i32
        %dma_start3A_431 = tpu.memref_slice %arg6[%select_n3A_412, %mul3A_430] : memref<40x128xi32, #tpu.memory_space<vmem>> -> memref<1x64xi32, #tpu.memory_space<vmem>>
        %dma_start3A_432 = tpu.memref_squeeze %dma_start3A_431 : memref<1x64xi32, #tpu.memory_space<vmem>> -> memref<64xi32, #tpu.memory_space<vmem>>
        %dma_start3A_433 = arith.constant 0 : i32
        %dma_start3A_434 = arith.constant 0 : i32
        %dma_start3A_435 = tpu.memref_slice %arg2[%dma_start3A_433, %dma_start3A_434] : memref<10000x128xf32, #tpu.memory_space<hbm>> -> memref<10000x128xf32, #tpu.memory_space<hbm>>
        tpu.enqueue_indirect_dma source(%dma_start3A_435 : memref<10000x128xf32, #tpu.memory_space<hbm>>) target(%arg11 : memref<64x128xf32, #tpu.memory_space<vmem>>) offsets(%dma_start3A_432 : memref<64xi32, #tpu.memory_space<vmem>>) semaphore(%arg14 : memref<!tpu.dma_semaphore, #tpu.memory_space<semaphore_mem>>)
      } else {
      }
      %mul3A_249 = arith.constant 3 : i32
      %mul3A_250 = arith.muli %scan3A_189, %mul3A_249 : i32
      %add3A_251 = arith.constant 1 : i32
      %add3A_252 = arith.addi %mul3A_250, %add3A_251 : i32
      %jit3A_253 = arith.constant 2 : i32
      %div3A_254 = arith.divsi %add3A_252, %jit3A_253 : i32
      %sign3A_255 = arith.constant 0 : i32
      %sign3A_256 = arith.cmpi sgt, %add3A_252, %sign3A_255 : i32
      %sign3A_257 = arith.extui %sign3A_256 : i1 to i32
      %sign3A_258 = arith.constant 0 : i32
      %sign3A_259 = arith.cmpi slt, %add3A_252, %sign3A_258 : i32
      %sign3A_260 = arith.extui %sign3A_259 : i1 to i32
      %sign3A_261 = arith.subi %sign3A_257, %sign3A_260 : i32
      %sign3A_262 = arith.constant 0 : i32
      %sign3A_263 = arith.cmpi sgt, %jit3A_253, %sign3A_262 : i32
      %sign3A_264 = arith.extui %sign3A_263 : i1 to i32
      %sign3A_265 = arith.constant 0 : i32
      %sign3A_266 = arith.cmpi slt, %jit3A_253, %sign3A_265 : i32
      %sign3A_267 = arith.extui %sign3A_266 : i1 to i32
      %sign3A_268 = arith.subi %sign3A_264, %sign3A_267 : i32
      %ne3A_269 = arith.cmpi ne, %sign3A_261, %sign3A_268 : i32
      %rem3A_270 = arith.remsi %add3A_252, %jit3A_253 : i32
      %ne3A_271 = arith.constant 0 : i32
      %ne3A_272 = arith.cmpi ne, %rem3A_270, %ne3A_271 : i32
      %and3A_273 = arith.andi %ne3A_269, %ne3A_272 : i1
      %sub3A_274 = arith.constant 1 : i32
      %sub3A_275 = arith.subi %div3A_254, %sub3A_274 : i32
      %select_n3A_276 = arith.select %and3A_273, %sub3A_275, %div3A_254 : i32
      %jit3A_277 = arith.constant 2 : i32
      %eq3A_278 = arith.constant 0 : i32
      %eq3A_279 = arith.cmpi eq, %jit3A_277, %eq3A_278 : i32
      %jit3A_280 = arith.constant 1 : i32
      %select_n3A_281 = arith.select %eq3A_279, %jit3A_280, %jit3A_277 : i32
      %rem3A_282 = arith.remsi %add3A_252, %select_n3A_281 : i32
      %ne3A_283 = arith.constant 0 : i32
      %ne3A_284 = arith.cmpi ne, %rem3A_282, %ne3A_283 : i32
      %lt3A_285 = arith.constant 0 : i32
      %lt3A_286 = arith.cmpi slt, %rem3A_282, %lt3A_285 : i32
      %lt3A_287 = arith.constant 0 : i32
      %lt3A_288 = arith.cmpi slt, %select_n3A_281, %lt3A_287 : i32
      %ne3A_289 = arith.xori %lt3A_286, %lt3A_288 : i1
      %and3A_290 = arith.andi %ne3A_289, %ne3A_284 : i1
      %add3A_291 = arith.addi %rem3A_282, %select_n3A_281 : i32
      %select_n3A_292 = arith.select %and3A_290, %add3A_291, %rem3A_282 : i32
      %mul3A_293 = arith.constant 64 : i32
      %mul3A_294 = arith.muli %select_n3A_292, %mul3A_293 : i32
      %dma_wait3A_295 = tpu.memref_slice %arg6[%select_n3A_276, %mul3A_294] : memref<40x128xi32, #tpu.memory_space<vmem>> -> memref<1x64xi32, #tpu.memory_space<vmem>>
      %dma_wait3A_296 = tpu.memref_squeeze %dma_wait3A_295 : memref<1x64xi32, #tpu.memory_space<vmem>> -> memref<64xi32, #tpu.memory_space<vmem>>
      %dma_wait3A_297 = arith.constant 0 : i32
      %dma_wait3A_298 = arith.constant 0 : i32
      %dma_wait3A_299 = tpu.memref_slice %arg2[%dma_wait3A_297, %dma_wait3A_298] : memref<10000x128xf32, #tpu.memory_space<hbm>> -> memref<10000x128xf32, #tpu.memory_space<hbm>>
      tpu.wait_indirect_dma semaphore(%arg13 : memref<!tpu.dma_semaphore, #tpu.memory_space<semaphore_mem>>) src(%dma_wait3A_299 : memref<10000x128xf32, #tpu.memory_space<hbm>>) dst(%arg10 : memref<64x128xf32, #tpu.memory_space<vmem>>)
      %dma_start3A_300 = arith.constant 0 : i32
      %dma_start3A_301 = tpu.memref_slice %arg7[%add3A_252, %dma_start3A_300] : memref<80x64xi32, #tpu.memory_space<vmem>> -> memref<1x64xi32, #tpu.memory_space<vmem>>
      %dma_start3A_302 = tpu.memref_squeeze %dma_start3A_301 : memref<1x64xi32, #tpu.memory_space<vmem>> -> memref<64xi32, #tpu.memory_space<vmem>>
      %dma_start3A_303 = arith.constant 0 : i32
      %dma_start3A_304 = arith.constant 0 : i32
      %dma_start3A_305 = tpu.memref_slice %arg8[%dma_start3A_303, %dma_start3A_304] : memref<10112x128xf32, #tpu.memory_space<vmem_shared>> -> memref<10112x128xf32, #tpu.memory_space<vmem_shared>>
      tpu.enqueue_indirect_dma source(%arg10 : memref<64x128xf32, #tpu.memory_space<vmem>>) target(%dma_start3A_305 : memref<10112x128xf32, #tpu.memory_space<vmem_shared>>) offsets(%dma_start3A_302 : memref<64xi32, #tpu.memory_space<vmem>>) semaphore(%arg16 : memref<!tpu.dma_semaphore, #tpu.memory_space<semaphore_mem>>) {add = true}
      %ge3A_306 = arith.constant 1 : i32
      %ge3A_307 = arith.cmpi sge, %add3A_252, %ge3A_306 : i32
      %convert_element_type3A_308 = arith.extui %ge3A_307 : i1 to i32
      %cond3A_309 = arith.constant 0 : i32
      %cond3A_310 = arith.cmpi ne, %convert_element_type3A_308, %cond3A_309 : i32
      scf.if %cond3A_310 {
        %sub3A_387 = arith.constant 1 : i32
        %sub3A_388 = arith.subi %add3A_252, %sub3A_387 : i32
        %dma_wait3A_389 = arith.constant 0 : i32
        %dma_wait3A_390 = tpu.memref_slice %arg7[%sub3A_388, %dma_wait3A_389] : memref<80x64xi32, #tpu.memory_space<vmem>> -> memref<1x64xi32, #tpu.memory_space<vmem>>
        %dma_wait3A_391 = tpu.memref_squeeze %dma_wait3A_390 : memref<1x64xi32, #tpu.memory_space<vmem>> -> memref<64xi32, #tpu.memory_space<vmem>>
        %dma_wait3A_392 = arith.constant 0 : i32
        %dma_wait3A_393 = arith.constant 0 : i32
        %dma_wait3A_394 = tpu.memref_slice %arg8[%dma_wait3A_392, %dma_wait3A_393] : memref<10112x128xf32, #tpu.memory_space<vmem_shared>> -> memref<10112x128xf32, #tpu.memory_space<vmem_shared>>
        tpu.wait_indirect_dma semaphore(%arg15 : memref<!tpu.dma_semaphore, #tpu.memory_space<semaphore_mem>>) src(%arg9 : memref<64x128xf32, #tpu.memory_space<vmem>>) dst(%dma_wait3A_394 : memref<10112x128xf32, #tpu.memory_space<vmem_shared>>)
      } else {
      }
      %add3A_311 = arith.constant 2 : i32
      %add3A_312 = arith.addi %add3A_252, %add3A_311 : i32
      %lt3A_313 = arith.constant 80 : i32
      %lt3A_314 = arith.cmpi slt, %add3A_312, %lt3A_313 : i32
      %convert_element_type3A_315 = arith.extui %lt3A_314 : i1 to i32
      %cond3A_316 = arith.constant 0 : i32
      %cond3A_317 = arith.cmpi ne, %convert_element_type3A_315, %cond3A_316 : i32
      scf.if %cond3A_317 {
        %add3A_387 = arith.constant 2 : i32
        %add3A_388 = arith.addi %add3A_252, %add3A_387 : i32
        %jit3A_389 = arith.constant 2 : i32
        %div3A_390 = arith.divsi %add3A_388, %jit3A_389 : i32
        %sign3A_391 = arith.constant 0 : i32
        %sign3A_392 = arith.cmpi sgt, %add3A_388, %sign3A_391 : i32
        %sign3A_393 = arith.extui %sign3A_392 : i1 to i32
        %sign3A_394 = arith.constant 0 : i32
        %sign3A_395 = arith.cmpi slt, %add3A_388, %sign3A_394 : i32
        %sign3A_396 = arith.extui %sign3A_395 : i1 to i32
        %sign3A_397 = arith.subi %sign3A_393, %sign3A_396 : i32
        %sign3A_398 = arith.constant 0 : i32
        %sign3A_399 = arith.cmpi sgt, %jit3A_389, %sign3A_398 : i32
        %sign3A_400 = arith.extui %sign3A_399 : i1 to i32
        %sign3A_401 = arith.constant 0 : i32
        %sign3A_402 = arith.cmpi slt, %jit3A_389, %sign3A_401 : i32
        %sign3A_403 = arith.extui %sign3A_402 : i1 to i32
        %sign3A_404 = arith.subi %sign3A_400, %sign3A_403 : i32
        %ne3A_405 = arith.cmpi ne, %sign3A_397, %sign3A_404 : i32
        %rem3A_406 = arith.remsi %add3A_388, %jit3A_389 : i32
        %ne3A_407 = arith.constant 0 : i32
        %ne3A_408 = arith.cmpi ne, %rem3A_406, %ne3A_407 : i32
        %and3A_409 = arith.andi %ne3A_405, %ne3A_408 : i1
        %sub3A_410 = arith.constant 1 : i32
        %sub3A_411 = arith.subi %div3A_390, %sub3A_410 : i32
        %select_n3A_412 = arith.select %and3A_409, %sub3A_411, %div3A_390 : i32
        %jit3A_413 = arith.constant 2 : i32
        %eq3A_414 = arith.constant 0 : i32
        %eq3A_415 = arith.cmpi eq, %jit3A_413, %eq3A_414 : i32
        %jit3A_416 = arith.constant 1 : i32
        %select_n3A_417 = arith.select %eq3A_415, %jit3A_416, %jit3A_413 : i32
        %rem3A_418 = arith.remsi %add3A_388, %select_n3A_417 : i32
        %ne3A_419 = arith.constant 0 : i32
        %ne3A_420 = arith.cmpi ne, %rem3A_418, %ne3A_419 : i32
        %lt3A_421 = arith.constant 0 : i32
        %lt3A_422 = arith.cmpi slt, %rem3A_418, %lt3A_421 : i32
        %lt3A_423 = arith.constant 0 : i32
        %lt3A_424 = arith.cmpi slt, %select_n3A_417, %lt3A_423 : i32
        %ne3A_425 = arith.xori %lt3A_422, %lt3A_424 : i1
        %and3A_426 = arith.andi %ne3A_425, %ne3A_420 : i1
        %add3A_427 = arith.addi %rem3A_418, %select_n3A_417 : i32
        %select_n3A_428 = arith.select %and3A_426, %add3A_427, %rem3A_418 : i32
        %mul3A_429 = arith.constant 64 : i32
        %mul3A_430 = arith.muli %select_n3A_428, %mul3A_429 : i32
        %dma_start3A_431 = tpu.memref_slice %arg6[%select_n3A_412, %mul3A_430] : memref<40x128xi32, #tpu.memory_space<vmem>> -> memref<1x64xi32, #tpu.memory_space<vmem>>
        %dma_start3A_432 = tpu.memref_squeeze %dma_start3A_431 : memref<1x64xi32, #tpu.memory_space<vmem>> -> memref<64xi32, #tpu.memory_space<vmem>>
        %dma_start3A_433 = arith.constant 0 : i32
        %dma_start3A_434 = arith.constant 0 : i32
        %dma_start3A_435 = tpu.memref_slice %arg2[%dma_start3A_433, %dma_start3A_434] : memref<10000x128xf32, #tpu.memory_space<hbm>> -> memref<10000x128xf32, #tpu.memory_space<hbm>>
        tpu.enqueue_indirect_dma source(%dma_start3A_435 : memref<10000x128xf32, #tpu.memory_space<hbm>>) target(%arg9 : memref<64x128xf32, #tpu.memory_space<vmem>>) offsets(%dma_start3A_432 : memref<64xi32, #tpu.memory_space<vmem>>) semaphore(%arg12 : memref<!tpu.dma_semaphore, #tpu.memory_space<semaphore_mem>>)
      } else {
      }
      %mul3A_318 = arith.constant 3 : i32
      %mul3A_319 = arith.muli %scan3A_189, %mul3A_318 : i32
      %add3A_320 = arith.constant 2 : i32
      %add3A_321 = arith.addi %mul3A_319, %add3A_320 : i32
      %jit3A_322 = arith.constant 2 : i32
      %div3A_323 = arith.divsi %add3A_321, %jit3A_322 : i32
      %sign3A_324 = arith.constant 0 : i32
      %sign3A_325 = arith.cmpi sgt, %add3A_321, %sign3A_324 : i32
      %sign3A_326 = arith.extui %sign3A_325 : i1 to i32
      %sign3A_327 = arith.constant 0 : i32
      %sign3A_328 = arith.cmpi slt, %add3A_321, %sign3A_327 : i32
      %sign3A_329 = arith.extui %sign3A_328 : i1 to i32
      %sign3A_330 = arith.subi %sign3A_326, %sign3A_329 : i32
      %sign3A_331 = arith.constant 0 : i32
      %sign3A_332 = arith.cmpi sgt, %jit3A_322, %sign3A_331 : i32
      %sign3A_333 = arith.extui %sign3A_332 : i1 to i32
      %sign3A_334 = arith.constant 0 : i32
      %sign3A_335 = arith.cmpi slt, %jit3A_322, %sign3A_334 : i32
      %sign3A_336 = arith.extui %sign3A_335 : i1 to i32
      %sign3A_337 = arith.subi %sign3A_333, %sign3A_336 : i32
      %ne3A_338 = arith.cmpi ne, %sign3A_330, %sign3A_337 : i32
      %rem3A_339 = arith.remsi %add3A_321, %jit3A_322 : i32
      %ne3A_340 = arith.constant 0 : i32
      %ne3A_341 = arith.cmpi ne, %rem3A_339, %ne3A_340 : i32
      %and3A_342 = arith.andi %ne3A_338, %ne3A_341 : i1
      %sub3A_343 = arith.constant 1 : i32
      %sub3A_344 = arith.subi %div3A_323, %sub3A_343 : i32
      %select_n3A_345 = arith.select %and3A_342, %sub3A_344, %div3A_323 : i32
      %jit3A_346 = arith.constant 2 : i32
      %eq3A_347 = arith.constant 0 : i32
      %eq3A_348 = arith.cmpi eq, %jit3A_346, %eq3A_347 : i32
      %jit3A_349 = arith.constant 1 : i32
      %select_n3A_350 = arith.select %eq3A_348, %jit3A_349, %jit3A_346 : i32
      %rem3A_351 = arith.remsi %add3A_321, %select_n3A_350 : i32
      %ne3A_352 = arith.constant 0 : i32
      %ne3A_353 = arith.cmpi ne, %rem3A_351, %ne3A_352 : i32
      %lt3A_354 = arith.constant 0 : i32
      %lt3A_355 = arith.cmpi slt, %rem3A_351, %lt3A_354 : i32
      %lt3A_356 = arith.constant 0 : i32
      %lt3A_357 = arith.cmpi slt, %select_n3A_350, %lt3A_356 : i32
      %ne3A_358 = arith.xori %lt3A_355, %lt3A_357 : i1
      %and3A_359 = arith.andi %ne3A_358, %ne3A_353 : i1
      %add3A_360 = arith.addi %rem3A_351, %select_n3A_350 : i32
      %select_n3A_361 = arith.select %and3A_359, %add3A_360, %rem3A_351 : i32
      %mul3A_362 = arith.constant 64 : i32
      %mul3A_363 = arith.muli %select_n3A_361, %mul3A_362 : i32
      %dma_wait3A_364 = tpu.memref_slice %arg6[%select_n3A_345, %mul3A_363] : memref<40x128xi32, #tpu.memory_space<vmem>> -> memref<1x64xi32, #tpu.memory_space<vmem>>
      %dma_wait3A_365 = tpu.memref_squeeze %dma_wait3A_364 : memref<1x64xi32, #tpu.memory_space<vmem>> -> memref<64xi32, #tpu.memory_space<vmem>>
      %dma_wait3A_366 = arith.constant 0 : i32
      %dma_wait3A_367 = arith.constant 0 : i32
      %dma_wait3A_368 = tpu.memref_slice %arg2[%dma_wait3A_366, %dma_wait3A_367] : memref<10000x128xf32, #tpu.memory_space<hbm>> -> memref<10000x128xf32, #tpu.memory_space<hbm>>
      tpu.wait_indirect_dma semaphore(%arg14 : memref<!tpu.dma_semaphore, #tpu.memory_space<semaphore_mem>>) src(%dma_wait3A_368 : memref<10000x128xf32, #tpu.memory_space<hbm>>) dst(%arg11 : memref<64x128xf32, #tpu.memory_space<vmem>>)
      %dma_start3A_369 = arith.constant 0 : i32
      %dma_start3A_370 = tpu.memref_slice %arg7[%add3A_321, %dma_start3A_369] : memref<80x64xi32, #tpu.memory_space<vmem>> -> memref<1x64xi32, #tpu.memory_space<vmem>>
      %dma_start3A_371 = tpu.memref_squeeze %dma_start3A_370 : memref<1x64xi32, #tpu.memory_space<vmem>> -> memref<64xi32, #tpu.memory_space<vmem>>
      %dma_start3A_372 = arith.constant 0 : i32
      %dma_start3A_373 = arith.constant 0 : i32
      %dma_start3A_374 = tpu.memref_slice %arg8[%dma_start3A_372, %dma_start3A_373] : memref<10112x128xf32, #tpu.memory_space<vmem_shared>> -> memref<10112x128xf32, #tpu.memory_space<vmem_shared>>
      tpu.enqueue_indirect_dma source(%arg11 : memref<64x128xf32, #tpu.memory_space<vmem>>) target(%dma_start3A_374 : memref<10112x128xf32, #tpu.memory_space<vmem_shared>>) offsets(%dma_start3A_371 : memref<64xi32, #tpu.memory_space<vmem>>) semaphore(%arg17 : memref<!tpu.dma_semaphore, #tpu.memory_space<semaphore_mem>>) {add = true}
      %ge3A_375 = arith.constant 1 : i32
      %ge3A_376 = arith.cmpi sge, %add3A_321, %ge3A_375 : i32
      %convert_element_type3A_377 = arith.extui %ge3A_376 : i1 to i32
      %cond3A_378 = arith.constant 0 : i32
      %cond3A_379 = arith.cmpi ne, %convert_element_type3A_377, %cond3A_378 : i32
      scf.if %cond3A_379 {
        %sub3A_387 = arith.constant 1 : i32
        %sub3A_388 = arith.subi %add3A_321, %sub3A_387 : i32
        %dma_wait3A_389 = arith.constant 0 : i32
        %dma_wait3A_390 = tpu.memref_slice %arg7[%sub3A_388, %dma_wait3A_389] : memref<80x64xi32, #tpu.memory_space<vmem>> -> memref<1x64xi32, #tpu.memory_space<vmem>>
        %dma_wait3A_391 = tpu.memref_squeeze %dma_wait3A_390 : memref<1x64xi32, #tpu.memory_space<vmem>> -> memref<64xi32, #tpu.memory_space<vmem>>
        %dma_wait3A_392 = arith.constant 0 : i32
        %dma_wait3A_393 = arith.constant 0 : i32
        %dma_wait3A_394 = tpu.memref_slice %arg8[%dma_wait3A_392, %dma_wait3A_393] : memref<10112x128xf32, #tpu.memory_space<vmem_shared>> -> memref<10112x128xf32, #tpu.memory_space<vmem_shared>>
        tpu.wait_indirect_dma semaphore(%arg16 : memref<!tpu.dma_semaphore, #tpu.memory_space<semaphore_mem>>) src(%arg10 : memref<64x128xf32, #tpu.memory_space<vmem>>) dst(%dma_wait3A_394 : memref<10112x128xf32, #tpu.memory_space<vmem_shared>>)
      } else {
      }
      %add3A_380 = arith.constant 2 : i32
      %add3A_381 = arith.addi %add3A_321, %add3A_380 : i32
      %lt3A_382 = arith.constant 80 : i32
      %lt3A_383 = arith.cmpi slt, %add3A_381, %lt3A_382 : i32
      %convert_element_type3A_384 = arith.extui %lt3A_383 : i1 to i32
      %cond3A_385 = arith.constant 0 : i32
      %cond3A_386 = arith.cmpi ne, %convert_element_type3A_384, %cond3A_385 : i32
      scf.if %cond3A_386 {
        %add3A_387 = arith.constant 2 : i32
        %add3A_388 = arith.addi %add3A_321, %add3A_387 : i32
        %jit3A_389 = arith.constant 2 : i32
        %div3A_390 = arith.divsi %add3A_388, %jit3A_389 : i32
        %sign3A_391 = arith.constant 0 : i32
        %sign3A_392 = arith.cmpi sgt, %add3A_388, %sign3A_391 : i32
        %sign3A_393 = arith.extui %sign3A_392 : i1 to i32
        %sign3A_394 = arith.constant 0 : i32
        %sign3A_395 = arith.cmpi slt, %add3A_388, %sign3A_394 : i32
        %sign3A_396 = arith.extui %sign3A_395 : i1 to i32
        %sign3A_397 = arith.subi %sign3A_393, %sign3A_396 : i32
        %sign3A_398 = arith.constant 0 : i32
        %sign3A_399 = arith.cmpi sgt, %jit3A_389, %sign3A_398 : i32
        %sign3A_400 = arith.extui %sign3A_399 : i1 to i32
        %sign3A_401 = arith.constant 0 : i32
        %sign3A_402 = arith.cmpi slt, %jit3A_389, %sign3A_401 : i32
        %sign3A_403 = arith.extui %sign3A_402 : i1 to i32
        %sign3A_404 = arith.subi %sign3A_400, %sign3A_403 : i32
        %ne3A_405 = arith.cmpi ne, %sign3A_397, %sign3A_404 : i32
        %rem3A_406 = arith.remsi %add3A_388, %jit3A_389 : i32
        %ne3A_407 = arith.constant 0 : i32
        %ne3A_408 = arith.cmpi ne, %rem3A_406, %ne3A_407 : i32
        %and3A_409 = arith.andi %ne3A_405, %ne3A_408 : i1
        %sub3A_410 = arith.constant 1 : i32
        %sub3A_411 = arith.subi %div3A_390, %sub3A_410 : i32
        %select_n3A_412 = arith.select %and3A_409, %sub3A_411, %div3A_390 : i32
        %jit3A_413 = arith.constant 2 : i32
        %eq3A_414 = arith.constant 0 : i32
        %eq3A_415 = arith.cmpi eq, %jit3A_413, %eq3A_414 : i32
        %jit3A_416 = arith.constant 1 : i32
        %select_n3A_417 = arith.select %eq3A_415, %jit3A_416, %jit3A_413 : i32
        %rem3A_418 = arith.remsi %add3A_388, %select_n3A_417 : i32
        %ne3A_419 = arith.constant 0 : i32
        %ne3A_420 = arith.cmpi ne, %rem3A_418, %ne3A_419 : i32
        %lt3A_421 = arith.constant 0 : i32
        %lt3A_422 = arith.cmpi slt, %rem3A_418, %lt3A_421 : i32
        %lt3A_423 = arith.constant 0 : i32
        %lt3A_424 = arith.cmpi slt, %select_n3A_417, %lt3A_423 : i32
        %ne3A_425 = arith.xori %lt3A_422, %lt3A_424 : i1
        %and3A_426 = arith.andi %ne3A_425, %ne3A_420 : i1
        %add3A_427 = arith.addi %rem3A_418, %select_n3A_417 : i32
        %select_n3A_428 = arith.select %and3A_426, %add3A_427, %rem3A_418 : i32
        %mul3A_429 = arith.constant 64 : i32
        %mul3A_430 = arith.muli %select_n3A_428, %mul3A_429 : i32
        %dma_start3A_431 = tpu.memref_slice %arg6[%select_n3A_412, %mul3A_430] : memref<40x128xi32, #tpu.memory_space<vmem>> -> memref<1x64xi32, #tpu.memory_space<vmem>>
        %dma_start3A_432 = tpu.memref_squeeze %dma_start3A_431 : memref<1x64xi32, #tpu.memory_space<vmem>> -> memref<64xi32, #tpu.memory_space<vmem>>
        %dma_start3A_433 = arith.constant 0 : i32
        %dma_start3A_434 = arith.constant 0 : i32
        %dma_start3A_435 = tpu.memref_slice %arg2[%dma_start3A_433, %dma_start3A_434] : memref<10000x128xf32, #tpu.memory_space<hbm>> -> memref<10000x128xf32, #tpu.memory_space<hbm>>
        tpu.enqueue_indirect_dma source(%dma_start3A_435 : memref<10000x128xf32, #tpu.memory_space<hbm>>) target(%arg10 : memref<64x128xf32, #tpu.memory_space<vmem>>) offsets(%dma_start3A_432 : memref<64xi32, #tpu.memory_space<vmem>>) semaphore(%arg13 : memref<!tpu.dma_semaphore, #tpu.memory_space<semaphore_mem>>)
      } else {
      }
    }
    %scan3A_132 = arith.constant 26 : i32
    %dma_wait3A_133 = arith.constant 39 : i32
    %dma_wait3A_134 = arith.constant 0 : i32
    %dma_wait3A_135 = tpu.memref_slice %arg6[%dma_wait3A_133, %dma_wait3A_134] : memref<40x128xi32, #tpu.memory_space<vmem>> -> memref<1x64xi32, #tpu.memory_space<vmem>>
    %dma_wait3A_136 = tpu.memref_squeeze %dma_wait3A_135 : memref<1x64xi32, #tpu.memory_space<vmem>> -> memref<64xi32, #tpu.memory_space<vmem>>
    %dma_wait3A_137 = arith.constant 0 : i32
    %dma_wait3A_138 = arith.constant 0 : i32
    %dma_wait3A_139 = tpu.memref_slice %arg2[%dma_wait3A_137, %dma_wait3A_138] : memref<10000x128xf32, #tpu.memory_space<hbm>> -> memref<10000x128xf32, #tpu.memory_space<hbm>>
    tpu.wait_indirect_dma semaphore(%arg12 : memref<!tpu.dma_semaphore, #tpu.memory_space<semaphore_mem>>) src(%dma_wait3A_139 : memref<10000x128xf32, #tpu.memory_space<hbm>>) dst(%arg9 : memref<64x128xf32, #tpu.memory_space<vmem>>)
    %dma_start3A_140 = arith.constant 78 : i32
    %dma_start3A_141 = arith.constant 0 : i32
    %dma_start3A_142 = tpu.memref_slice %arg7[%dma_start3A_140, %dma_start3A_141] : memref<80x64xi32, #tpu.memory_space<vmem>> -> memref<1x64xi32, #tpu.memory_space<vmem>>
    %dma_start3A_143 = tpu.memref_squeeze %dma_start3A_142 : memref<1x64xi32, #tpu.memory_space<vmem>> -> memref<64xi32, #tpu.memory_space<vmem>>
    %dma_start3A_144 = arith.constant 0 : i32
    %dma_start3A_145 = arith.constant 0 : i32
    %dma_start3A_146 = tpu.memref_slice %arg8[%dma_start3A_144, %dma_start3A_145] : memref<10112x128xf32, #tpu.memory_space<vmem_shared>> -> memref<10112x128xf32, #tpu.memory_space<vmem_shared>>
    tpu.enqueue_indirect_dma source(%arg9 : memref<64x128xf32, #tpu.memory_space<vmem>>) target(%dma_start3A_146 : memref<10112x128xf32, #tpu.memory_space<vmem_shared>>) offsets(%dma_start3A_143 : memref<64xi32, #tpu.memory_space<vmem>>) semaphore(%arg15 : memref<!tpu.dma_semaphore, #tpu.memory_space<semaphore_mem>>) {add = true}
    %dma_wait3A_147 = arith.constant 77 : i32
    %dma_wait3A_148 = arith.constant 0 : i32
    %dma_wait3A_149 = tpu.memref_slice %arg7[%dma_wait3A_147, %dma_wait3A_148] : memref<80x64xi32, #tpu.memory_space<vmem>> -> memref<1x64xi32, #tpu.memory_space<vmem>>
    %dma_wait3A_150 = tpu.memref_squeeze %dma_wait3A_149 : memref<1x64xi32, #tpu.memory_space<vmem>> -> memref<64xi32, #tpu.memory_space<vmem>>
    %dma_wait3A_151 = arith.constant 0 : i32
    %dma_wait3A_152 = arith.constant 0 : i32
    %dma_wait3A_153 = tpu.memref_slice %arg8[%dma_wait3A_151, %dma_wait3A_152] : memref<10112x128xf32, #tpu.memory_space<vmem_shared>> -> memref<10112x128xf32, #tpu.memory_space<vmem_shared>>
    tpu.wait_indirect_dma semaphore(%arg17 : memref<!tpu.dma_semaphore, #tpu.memory_space<semaphore_mem>>) src(%arg11 : memref<64x128xf32, #tpu.memory_space<vmem>>) dst(%dma_wait3A_153 : memref<10112x128xf32, #tpu.memory_space<vmem_shared>>)
    %dma_wait3A_154 = arith.constant 39 : i32
    %dma_wait3A_155 = arith.constant 64 : i32
    %dma_wait3A_156 = tpu.memref_slice %arg6[%dma_wait3A_154, %dma_wait3A_155] : memref<40x128xi32, #tpu.memory_space<vmem>> -> memref<1x64xi32, #tpu.memory_space<vmem>>
    %dma_wait3A_157 = tpu.memref_squeeze %dma_wait3A_156 : memref<1x64xi32, #tpu.memory_space<vmem>> -> memref<64xi32, #tpu.memory_space<vmem>>
    %dma_wait3A_158 = arith.constant 0 : i32
    %dma_wait3A_159 = arith.constant 0 : i32
    %dma_wait3A_160 = tpu.memref_slice %arg2[%dma_wait3A_158, %dma_wait3A_159] : memref<10000x128xf32, #tpu.memory_space<hbm>> -> memref<10000x128xf32, #tpu.memory_space<hbm>>
    tpu.wait_indirect_dma semaphore(%arg13 : memref<!tpu.dma_semaphore, #tpu.memory_space<semaphore_mem>>) src(%dma_wait3A_160 : memref<10000x128xf32, #tpu.memory_space<hbm>>) dst(%arg10 : memref<64x128xf32, #tpu.memory_space<vmem>>)
    %dma_start3A_161 = arith.constant 79 : i32
    %dma_start3A_162 = arith.constant 0 : i32
    %dma_start3A_163 = tpu.memref_slice %arg7[%dma_start3A_161, %dma_start3A_162] : memref<80x64xi32, #tpu.memory_space<vmem>> -> memref<1x64xi32, #tpu.memory_space<vmem>>
    %dma_start3A_164 = tpu.memref_squeeze %dma_start3A_163 : memref<1x64xi32, #tpu.memory_space<vmem>> -> memref<64xi32, #tpu.memory_space<vmem>>
    %dma_start3A_165 = arith.constant 0 : i32
    %dma_start3A_166 = arith.constant 0 : i32
    %dma_start3A_167 = tpu.memref_slice %arg8[%dma_start3A_165, %dma_start3A_166] : memref<10112x128xf32, #tpu.memory_space<vmem_shared>> -> memref<10112x128xf32, #tpu.memory_space<vmem_shared>>
    tpu.enqueue_indirect_dma source(%arg10 : memref<64x128xf32, #tpu.memory_space<vmem>>) target(%dma_start3A_167 : memref<10112x128xf32, #tpu.memory_space<vmem_shared>>) offsets(%dma_start3A_164 : memref<64xi32, #tpu.memory_space<vmem>>) semaphore(%arg16 : memref<!tpu.dma_semaphore, #tpu.memory_space<semaphore_mem>>) {add = true}
    %dma_wait3A_168 = arith.constant 78 : i32
    %dma_wait3A_169 = arith.constant 0 : i32
    %dma_wait3A_170 = tpu.memref_slice %arg7[%dma_wait3A_168, %dma_wait3A_169] : memref<80x64xi32, #tpu.memory_space<vmem>> -> memref<1x64xi32, #tpu.memory_space<vmem>>
    %dma_wait3A_171 = tpu.memref_squeeze %dma_wait3A_170 : memref<1x64xi32, #tpu.memory_space<vmem>> -> memref<64xi32, #tpu.memory_space<vmem>>
    %dma_wait3A_172 = arith.constant 0 : i32
    %dma_wait3A_173 = arith.constant 0 : i32
    %dma_wait3A_174 = tpu.memref_slice %arg8[%dma_wait3A_172, %dma_wait3A_173] : memref<10112x128xf32, #tpu.memory_space<vmem_shared>> -> memref<10112x128xf32, #tpu.memory_space<vmem_shared>>
    tpu.wait_indirect_dma semaphore(%arg15 : memref<!tpu.dma_semaphore, #tpu.memory_space<semaphore_mem>>) src(%arg9 : memref<64x128xf32, #tpu.memory_space<vmem>>) dst(%dma_wait3A_174 : memref<10112x128xf32, #tpu.memory_space<vmem_shared>>)
    %dma_wait3A_175 = arith.constant 79 : i32
    %dma_wait3A_176 = arith.constant 0 : i32
    %dma_wait3A_177 = tpu.memref_slice %arg7[%dma_wait3A_175, %dma_wait3A_176] : memref<80x64xi32, #tpu.memory_space<vmem>> -> memref<1x64xi32, #tpu.memory_space<vmem>>
    %dma_wait3A_178 = tpu.memref_squeeze %dma_wait3A_177 : memref<1x64xi32, #tpu.memory_space<vmem>> -> memref<64xi32, #tpu.memory_space<vmem>>
    %dma_wait3A_179 = arith.constant 0 : i32
    %dma_wait3A_180 = arith.constant 0 : i32
    %dma_wait3A_181 = tpu.memref_slice %arg8[%dma_wait3A_179, %dma_wait3A_180] : memref<10112x128xf32, #tpu.memory_space<vmem_shared>> -> memref<10112x128xf32, #tpu.memory_space<vmem_shared>>
    tpu.wait_indirect_dma semaphore(%arg16 : memref<!tpu.dma_semaphore, #tpu.memory_space<semaphore_mem>>) src(%arg10 : memref<64x128xf32, #tpu.memory_space<vmem>>) dst(%dma_wait3A_181 : memref<10112x128xf32, #tpu.memory_space<vmem_shared>>)
    %barrier3A_182 = arith.constant 0 : index
    tpu.barrier barrier_id(%barrier3A_182)
    %mul3A_183 = arith.constant 624 : i32
    %mul3A_184 = arith.muli %arg1, %mul3A_183 : i32
    %mul3A_185 = arith.constant 624 : i32
    %mul3A_186 = arith.muli %arg1, %mul3A_185 : i32
    "tpu.region"() ({
      %run_scoped3A = tpu.sem_alloc : memref<!tpu.dma_semaphore, #tpu.memory_space<semaphore_mem>>
      %dma_start3A_189 = arith.constant 0 : i32
      %dma_start3A_190 = tpu.memref_slice %arg5[%arg0, %mul3A_186, %dma_start3A_189] : memref<2x10000x128xf32, #tpu.memory_space<hbm>> -> memref<1x624x128xf32, #tpu.memory_space<hbm>>
      %dma_start3A_191 = tpu.memref_squeeze %dma_start3A_190 : memref<1x624x128xf32, #tpu.memory_space<hbm>> -> memref<624x128xf32, #tpu.memory_space<hbm>>
      %dma_start3A_192 = arith.constant 0 : i32
      %dma_start3A_193 = tpu.memref_slice %arg8[%mul3A_184, %dma_start3A_192] : memref<10112x128xf32, #tpu.memory_space<vmem_shared>> -> memref<624x128xf32, #tpu.memory_space<vmem_shared>>
      tpu.enqueue_dma source(%dma_start3A_193 : memref<624x128xf32, #tpu.memory_space<vmem_shared>>) target(%dma_start3A_191 : memref<624x128xf32, #tpu.memory_space<hbm>>) target_semaphore(%run_scoped3A : memref<!tpu.dma_semaphore, #tpu.memory_space<semaphore_mem>>)
      %dma_wait3A_194 = arith.constant 0 : i32
      %dma_wait3A_195 = tpu.memref_slice %arg5[%arg0, %mul3A_186, %dma_wait3A_194] : memref<2x10000x128xf32, #tpu.memory_space<hbm>> -> memref<1x624x128xf32, #tpu.memory_space<hbm>>
      %dma_wait3A_196 = tpu.memref_squeeze %dma_wait3A_195 : memref<1x624x128xf32, #tpu.memory_space<hbm>> -> memref<624x128xf32, #tpu.memory_space<hbm>>
      %dma_wait3A_197 = arith.constant 0 : i32
      %dma_wait3A_198 = tpu.memref_slice %arg8[%mul3A_184, %dma_wait3A_197] : memref<10112x128xf32, #tpu.memory_space<vmem_shared>> -> memref<624x128xf32, #tpu.memory_space<vmem_shared>>
      tpu.wait_dma2 semaphore(%run_scoped3A : memref<!tpu.dma_semaphore, #tpu.memory_space<semaphore_mem>>) src(%dma_wait3A_198 : memref<624x128xf32, #tpu.memory_space<vmem_shared>>) dst(%dma_wait3A_196 : memref<624x128xf32, #tpu.memory_space<hbm>>)
      tpu.yield
    }) : () -> ()
    %eq3A = arith.constant 15 : i32
    %eq3A_187 = arith.cmpi eq, %arg1, %eq3A : i32
    %convert_element_type3A = arith.extui %eq3A_187 : i1 to i32
    %cond3A = arith.constant 0 : i32
    %cond3A_188 = arith.cmpi ne, %convert_element_type3A, %cond3A : i32
    scf.if %cond3A_188 {
      "tpu.region"() ({
        %run_scoped3A = tpu.sem_alloc : memref<!tpu.dma_semaphore, #tpu.memory_space<semaphore_mem>>
        %dma_start3A_189 = arith.constant 9984 : i32
        %dma_start3A_190 = arith.constant 0 : i32
        %dma_start3A_191 = tpu.memref_slice %arg5[%arg0, %dma_start3A_189, %dma_start3A_190] : memref<2x10000x128xf32, #tpu.memory_space<hbm>> -> memref<1x16x128xf32, #tpu.memory_space<hbm>>
        %dma_start3A_192 = tpu.memref_squeeze %dma_start3A_191 : memref<1x16x128xf32, #tpu.memory_space<hbm>> -> memref<16x128xf32, #tpu.memory_space<hbm>>
        %dma_start3A_193 = arith.constant 9984 : i32
        %dma_start3A_194 = arith.constant 0 : i32
        %dma_start3A_195 = tpu.memref_slice %arg8[%dma_start3A_193, %dma_start3A_194] : memref<10112x128xf32, #tpu.memory_space<vmem_shared>> -> memref<16x128xf32, #tpu.memory_space<vmem_shared>>
        tpu.enqueue_dma source(%dma_start3A_195 : memref<16x128xf32, #tpu.memory_space<vmem_shared>>) target(%dma_start3A_192 : memref<16x128xf32, #tpu.memory_space<hbm>>) target_semaphore(%run_scoped3A : memref<!tpu.dma_semaphore, #tpu.memory_space<semaphore_mem>>)
        %dma_wait3A_196 = arith.constant 9984 : i32
        %dma_wait3A_197 = arith.constant 0 : i32
        %dma_wait3A_198 = tpu.memref_slice %arg5[%arg0, %dma_wait3A_196, %dma_wait3A_197] : memref<2x10000x128xf32, #tpu.memory_space<hbm>> -> memref<1x16x128xf32, #tpu.memory_space<hbm>>
        %dma_wait3A_199 = tpu.memref_squeeze %dma_wait3A_198 : memref<1x16x128xf32, #tpu.memory_space<hbm>> -> memref<16x128xf32, #tpu.memory_space<hbm>>
        %dma_wait3A_200 = arith.constant 9984 : i32
        %dma_wait3A_201 = arith.constant 0 : i32
        %dma_wait3A_202 = tpu.memref_slice %arg8[%dma_wait3A_200, %dma_wait3A_201] : memref<10112x128xf32, #tpu.memory_space<vmem_shared>> -> memref<16x128xf32, #tpu.memory_space<vmem_shared>>
        tpu.wait_dma2 semaphore(%run_scoped3A : memref<!tpu.dma_semaphore, #tpu.memory_space<semaphore_mem>>) src(%dma_wait3A_202 : memref<16x128xf32, #tpu.memory_space<vmem_shared>>) dst(%dma_wait3A_199 : memref<16x128xf32, #tpu.memory_space<hbm>>)
        tpu.yield
      }) : () -> ()
    } else {
    }
    return
  }
}

module attributes {stable_mosaic.version = 14 : i64} {
  func.func @_mmraw_body(%arg0: i32, %arg1: memref<2000x128xf32, #tpu.memory_space<vmem>>, %arg2: memref<128x128xf32, #tpu.memory_space<vmem>>, %arg3: memref<2000x128xf32, #tpu.memory_space<vmem>>) attributes {dimension_semantics = [#tpu.dimension_semantics<arbitrary>], iteration_bounds = array<i64: 5>, scalar_prefetch = 0 : i64, scratch_operands = 0 : i64, tpu.core_type = #tpu.core_type<tc>, window_params = [{transform_indices = @transform_0, window_bounds = array<i64: 2000, 128>}, {pipeline_mode = #tpu.pipeline_mode<synchronous>, transform_indices = @transform_1, window_bounds = array<i64: 128, 128>}, {transform_indices = @transform_2, window_bounds = array<i64: 2000, 128>}]} {
    %get3A = arith.constant 0 : index
    %get3A_0 = arith.constant 0 : index
    %get3A_1 = vector.load %arg1[%get3A, %get3A_0] : memref<2000x128xf32, #tpu.memory_space<vmem>>, vector<2000x128xf32>
    %get3A_2 = arith.constant 0 : index
    %get3A_3 = arith.constant 0 : index
    %get3A_4 = vector.load %arg2[%get3A_2, %get3A_3] : memref<128x128xf32, #tpu.memory_space<vmem>>, vector<128x128xf32>
    %dot_general3A = arith.constant dense<0.000000e+00> : vector<2000x128xf32>
    %dot_general3A_5 = tpu.matmul %get3A_1, %get3A_4, %dot_general3A {dimension_numbers = #tpu.dot_dimension_numbers<[1], [0], [0], [1], [0, 0, 1, 1], [], []>, transpose_lhs_hint = false} : vector<2000x128xf32>, vector<128x128xf32>, vector<2000x128xf32> -> vector<2000x128xf32>
    %swap3A = arith.constant 0 : index
    %swap3A_6 = arith.constant 0 : index
    %swap3A_7 = vector.load %arg3[%swap3A, %swap3A_6] : memref<2000x128xf32, #tpu.memory_space<vmem>>, vector<2000x128xf32>
    tpu.vector_store %arg3[%swap3A, %swap3A_6], %dot_general3A_5 {strides = array<i32>} : memref<2000x128xf32, #tpu.memory_space<vmem>>, vector<2000x128xf32>,
    return
  }
  func.func @transform_0(%arg0: i32) -> (i32, i32) {
    %c0_i32 = arith.constant 0 : i32
    %c0_i32_0 = arith.constant 0 : i32
    return %arg0, %c0_i32 : i32, i32
  }
  func.func @transform_1(%arg0: i32) -> (i32, i32) {
    %c0_i32 = arith.constant 0 : i32
    %c0_i32_0 = arith.constant 0 : i32
    %c0_i32_1 = arith.constant 0 : i32
    return %c0_i32, %c0_i32_0 : i32, i32
  }
  func.func @transform_2(%arg0: i32) -> (i32, i32) {
    %c0_i32 = arith.constant 0 : i32
    %c0_i32_0 = arith.constant 0 : i32
    return %arg0, %c0_i32 : i32, i32
  }
}

module attributes {stable_mosaic.version = 14 : i64} {
  func.func @_dinv_body(%arg0: memref<2x79x128xf32, #tpu.memory_space<vmem>>, %arg1: memref<79x128xf32, #tpu.memory_space<vmem>>) attributes {dimension_semantics = [], scalar_prefetch = 0 : i64, scratch_operands = 0 : i64, tpu.core_type = #tpu.core_type<tc>} {
    %get3A = arith.constant 0 : index
    %get3A_0 = arith.constant 0 : index
    %get3A_1 = arith.constant 0 : index
    %get3A_2 = vector.load %arg0[%get3A, %get3A_0, %get3A_1] : memref<2x79x128xf32, #tpu.memory_space<vmem>>, vector<1x79x128xf32>
    %get3A_3 = vector.shape_cast %get3A_2 : vector<1x79x128xf32> to vector<79x128xf32>
    %get3A_4 = arith.constant 1 : index
    %get3A_5 = arith.constant 0 : index
    %get3A_6 = arith.constant 0 : index
    %get3A_7 = vector.load %arg0[%get3A_4, %get3A_5, %get3A_6] : memref<2x79x128xf32, #tpu.memory_space<vmem>>, vector<1x79x128xf32>
    %get3A_8 = vector.shape_cast %get3A_7 : vector<1x79x128xf32> to vector<79x128xf32>
    %add3A = arith.addf %get3A_3, %get3A_8 : vector<79x128xf32>
    %add3A_9 = arith.constant 1.000000e+00 : f32
    %add3A_10 = vector.broadcast %add3A_9 : f32 to vector<79x128xf32>
    %add3A_11 = arith.addf %add3A, %add3A_10 : vector<79x128xf32>
    %rsqrt3A = math.rsqrt %add3A_11 : vector<79x128xf32>
    %swap3A = arith.constant 0 : index
    %swap3A_12 = arith.constant 0 : index
    %swap3A_13 = vector.load %arg1[%swap3A, %swap3A_12] : memref<79x128xf32, #tpu.memory_space<vmem>>, vector<79x128xf32>
    tpu.vector_store %arg1[%swap3A, %swap3A_12], %rsqrt3A {strides = array<i32>} : memref<79x128xf32, #tpu.memory_space<vmem>>, vector<79x128xf32>,
    return
  }
}

module attributes {stable_mosaic.version = 14 : i64} {
  func.func @_scale_body(%arg0: i32, %arg1: memref<2000x128xf32, #tpu.memory_space<vmem>>, %arg2: memref<2000x128xf32, #tpu.memory_space<vmem>>, %arg3: memref<2000x128xf32, #tpu.memory_space<vmem>>) attributes {dimension_semantics = [#tpu.dimension_semantics<arbitrary>], iteration_bounds = array<i64: 5>, scalar_prefetch = 0 : i64, scratch_operands = 0 : i64, tpu.core_type = #tpu.core_type<tc>, window_params = [{transform_indices = @transform_0, window_bounds = array<i64: 2000, 128>}, {transform_indices = @transform_1, window_bounds = array<i64: 2000, 128>}, {transform_indices = @transform_2, window_bounds = array<i64: 2000, 128>}]} {
    %get3A = arith.constant 0 : index
    %get3A_0 = arith.constant 0 : index
    %get3A_1 = vector.load %arg1[%get3A, %get3A_0] : memref<2000x128xf32, #tpu.memory_space<vmem>>, vector<2000x128xf32>
    %get3A_2 = arith.constant 0 : index
    %get3A_3 = arith.constant 0 : index
    %get3A_4 = vector.load %arg2[%get3A_2, %get3A_3] : memref<2000x128xf32, #tpu.memory_space<vmem>>, vector<2000x128xf32>
    %mul3A = arith.mulf %get3A_1, %get3A_4 : vector<2000x128xf32>
    %swap3A = arith.constant 0 : index
    %swap3A_5 = arith.constant 0 : index
    %swap3A_6 = vector.load %arg3[%swap3A, %swap3A_5] : memref<2000x128xf32, #tpu.memory_space<vmem>>, vector<2000x128xf32>
    tpu.vector_store %arg3[%swap3A, %swap3A_5], %mul3A {strides = array<i32>} : memref<2000x128xf32, #tpu.memory_space<vmem>>, vector<2000x128xf32>,
    return
  }
  func.func @transform_0(%arg0: i32) -> (i32, i32) {
    %c0_i32 = arith.constant 0 : i32
    %c0_i32_0 = arith.constant 0 : i32
    return %arg0, %c0_i32 : i32, i32
  }
  func.func @transform_1(%arg0: i32) -> (i32, i32) {
    %c0_i32 = arith.constant 0 : i32
    %c0_i32_0 = arith.constant 0 : i32
    return %arg0, %c0_i32 : i32, i32
  }
  func.func @transform_2(%arg0: i32) -> (i32, i32) {
    %c0_i32 = arith.constant 0 : i32
    %c0_i32_0 = arith.constant 0 : i32
    return %arg0, %c0_i32 : i32, i32
  }
}

module attributes {stable_mosaic.version = 14 : i64} {
  func.func @_mm2_body(%arg0: i32, %arg1: memref<2x2000x128xf32, #tpu.memory_space<vmem>>, %arg2: memref<2000x128xf32, #tpu.memory_space<vmem>>, %arg3: memref<2000x128xf32, #tpu.memory_space<vmem>>, %arg4: memref<1x128xf32, #tpu.memory_space<vmem>>, %arg5: memref<128x128xf32, #tpu.memory_space<vmem>>, %arg6: memref<2000x128xf32, #tpu.memory_space<vmem>>) attributes {dimension_semantics = [#tpu.dimension_semantics<arbitrary>], iteration_bounds = array<i64: 5>, scalar_prefetch = 0 : i64, scratch_operands = 0 : i64, tpu.core_type = #tpu.core_type<tc>, window_params = [{transform_indices = @transform_0, window_bounds = array<i64: 2, 2000, 128>}, {transform_indices = @transform_1, window_bounds = array<i64: 2000, 128>}, {transform_indices = @transform_2, window_bounds = array<i64: 2000, 128>}, {pipeline_mode = #tpu.pipeline_mode<synchronous>, transform_indices = @transform_3, window_bounds = array<i64: 1, 128>}, {pipeline_mode = #tpu.pipeline_mode<synchronous>, transform_indices = @transform_4, window_bounds = array<i64: 128, 128>}, {transform_indices = @transform_5, window_bounds = array<i64: 2000, 128>}]} {
    %get3A = arith.constant 0 : index
    %get3A_0 = arith.constant 0 : index
    %get3A_1 = vector.load %arg3[%get3A, %get3A_0] : memref<2000x128xf32, #tpu.memory_space<vmem>>, vector<2000x128xf32>
    %get3A_2 = arith.constant 0 : index
    %get3A_3 = arith.constant 0 : index
    %get3A_4 = arith.constant 0 : index
    %get3A_5 = vector.load %arg1[%get3A_2, %get3A_3, %get3A_4] : memref<2x2000x128xf32, #tpu.memory_space<vmem>>, vector<1x2000x128xf32>
    %get3A_6 = vector.shape_cast %get3A_5 : vector<1x2000x128xf32> to vector<2000x128xf32>
    %get3A_7 = arith.constant 1 : index
    %get3A_8 = arith.constant 0 : index
    %get3A_9 = arith.constant 0 : index
    %get3A_10 = vector.load %arg1[%get3A_7, %get3A_8, %get3A_9] : memref<2x2000x128xf32, #tpu.memory_space<vmem>>, vector<1x2000x128xf32>
    %get3A_11 = vector.shape_cast %get3A_10 : vector<1x2000x128xf32> to vector<2000x128xf32>
    %add3A = arith.addf %get3A_6, %get3A_11 : vector<2000x128xf32>
    %get3A_12 = arith.constant 0 : index
    %get3A_13 = arith.constant 0 : index
    %get3A_14 = vector.load %arg2[%get3A_12, %get3A_13] : memref<2000x128xf32, #tpu.memory_space<vmem>>, vector<2000x128xf32>
    %add3A_15 = arith.addf %add3A, %get3A_14 : vector<2000x128xf32>
    %mul3A = arith.mulf %add3A_15, %get3A_1 : vector<2000x128xf32>
    %get3A_16 = arith.constant 0 : index
    %get3A_17 = arith.constant 0 : index
    %get3A_18 = vector.load %arg4[%get3A_16, %get3A_17] : memref<1x128xf32, #tpu.memory_space<vmem>>, vector<1x128xf32>
    %add3A_19 = vector.broadcast %get3A_18 : vector<1x128xf32> to vector<2000x128xf32>
    %add3A_20 = arith.addf %mul3A, %add3A_19 : vector<2000x128xf32>
    %max3A = arith.constant 0.000000e+00 : f32
    %max3A_21 = vector.broadcast %max3A : f32 to vector<2000x128xf32>
    %max3A_22 = arith.maximumf %add3A_20, %max3A_21 : vector<2000x128xf32>
    %get3A_23 = arith.constant 0 : index
    %get3A_24 = arith.constant 0 : index
    %get3A_25 = vector.load %arg5[%get3A_23, %get3A_24] : memref<128x128xf32, #tpu.memory_space<vmem>>, vector<128x128xf32>
    %dot_general3A = arith.constant dense<0.000000e+00> : vector<2000x128xf32>
    %dot_general3A_26 = tpu.matmul %max3A_22, %get3A_25, %dot_general3A {dimension_numbers = #tpu.dot_dimension_numbers<[1], [0], [0], [1], [0, 0, 1, 1], [], []>, transpose_lhs_hint = false} : vector<2000x128xf32>, vector<128x128xf32>, vector<2000x128xf32> -> vector<2000x128xf32>
    %mul3A_27 = arith.mulf %dot_general3A_26, %get3A_1 : vector<2000x128xf32>
    %swap3A = arith.constant 0 : index
    %swap3A_28 = arith.constant 0 : index
    %swap3A_29 = vector.load %arg6[%swap3A, %swap3A_28] : memref<2000x128xf32, #tpu.memory_space<vmem>>, vector<2000x128xf32>
    tpu.vector_store %arg6[%swap3A, %swap3A_28], %mul3A_27 {strides = array<i32>} : memref<2000x128xf32, #tpu.memory_space<vmem>>, vector<2000x128xf32>,
    return
  }
  func.func @transform_0(%arg0: i32) -> (i32, i32, i32) {
    %c0_i32 = arith.constant 0 : i32
    %c0_i32_0 = arith.constant 0 : i32
    %c0_i32_1 = arith.constant 0 : i32
    return %c0_i32, %arg0, %c0_i32_0 : i32, i32, i32
  }
  func.func @transform_1(%arg0: i32) -> (i32, i32) {
    %c0_i32 = arith.constant 0 : i32
    %c0_i32_0 = arith.constant 0 : i32
    return %arg0, %c0_i32 : i32, i32
  }
  func.func @transform_2(%arg0: i32) -> (i32, i32) {
    %c0_i32 = arith.constant 0 : i32
    %c0_i32_0 = arith.constant 0 : i32
    return %arg0, %c0_i32 : i32, i32
  }
  func.func @transform_3(%arg0: i32) -> (i32, i32) {
    %c0_i32 = arith.constant 0 : i32
    %c0_i32_0 = arith.constant 0 : i32
    %c0_i32_1 = arith.constant 0 : i32
    return %c0_i32, %c0_i32_0 : i32, i32
  }
  func.func @transform_4(%arg0: i32) -> (i32, i32) {
    %c0_i32 = arith.constant 0 : i32
    %c0_i32_0 = arith.constant 0 : i32
    %c0_i32_1 = arith.constant 0 : i32
    return %c0_i32, %c0_i32_0 : i32, i32
  }
  func.func @transform_5(%arg0: i32) -> (i32, i32) {
    %c0_i32 = arith.constant 0 : i32
    %c0_i32_0 = arith.constant 0 : i32
    return %arg0, %c0_i32 : i32, i32
  }
}

module attributes {stable_mosaic.version = 14 : i64} {
  func.func @_mm3_body(%arg0: i32, %arg1: memref<2x2000x128xf32, #tpu.memory_space<vmem>>, %arg2: memref<2000x128xf32, #tpu.memory_space<vmem>>, %arg3: memref<2000x128xf32, #tpu.memory_space<vmem>>, %arg4: memref<1x128xf32, #tpu.memory_space<vmem>>, %arg5: memref<128x2xf32, #tpu.memory_space<vmem>>, %arg6: memref<1x2xf32, #tpu.memory_space<vmem>>, %arg7: memref<2000x2xf32, #tpu.memory_space<vmem>>) attributes {dimension_semantics = [#tpu.dimension_semantics<arbitrary>], iteration_bounds = array<i64: 5>, scalar_prefetch = 0 : i64, scratch_operands = 0 : i64, tpu.core_type = #tpu.core_type<tc>, window_params = [{transform_indices = @transform_0, window_bounds = array<i64: 2, 2000, 128>}, {transform_indices = @transform_1, window_bounds = array<i64: 2000, 128>}, {transform_indices = @transform_2, window_bounds = array<i64: 2000, 128>}, {pipeline_mode = #tpu.pipeline_mode<synchronous>, transform_indices = @transform_3, window_bounds = array<i64: 1, 128>}, {pipeline_mode = #tpu.pipeline_mode<synchronous>, transform_indices = @transform_4, window_bounds = array<i64: 128, 2>}, {pipeline_mode = #tpu.pipeline_mode<synchronous>, transform_indices = @transform_5, window_bounds = array<i64: 1, 2>}, {transform_indices = @transform_6, window_bounds = array<i64: 2000, 2>}]} {
    %get3A = arith.constant 0 : index
    %get3A_0 = arith.constant 0 : index
    %get3A_1 = arith.constant 0 : index
    %get3A_2 = vector.load %arg1[%get3A, %get3A_0, %get3A_1] : memref<2x2000x128xf32, #tpu.memory_space<vmem>>, vector<1x2000x128xf32>
    %get3A_3 = vector.shape_cast %get3A_2 : vector<1x2000x128xf32> to vector<2000x128xf32>
    %get3A_4 = arith.constant 1 : index
    %get3A_5 = arith.constant 0 : index
    %get3A_6 = arith.constant 0 : index
    %get3A_7 = vector.load %arg1[%get3A_4, %get3A_5, %get3A_6] : memref<2x2000x128xf32, #tpu.memory_space<vmem>>, vector<1x2000x128xf32>
    %get3A_8 = vector.shape_cast %get3A_7 : vector<1x2000x128xf32> to vector<2000x128xf32>
    %add3A = arith.addf %get3A_3, %get3A_8 : vector<2000x128xf32>
    %get3A_9 = arith.constant 0 : index
    %get3A_10 = arith.constant 0 : index
    %get3A_11 = vector.load %arg2[%get3A_9, %get3A_10] : memref<2000x128xf32, #tpu.memory_space<vmem>>, vector<2000x128xf32>
    %add3A_12 = arith.addf %add3A, %get3A_11 : vector<2000x128xf32>
    %get3A_13 = arith.constant 0 : index
    %get3A_14 = arith.constant 0 : index
    %get3A_15 = vector.load %arg3[%get3A_13, %get3A_14] : memref<2000x128xf32, #tpu.memory_space<vmem>>, vector<2000x128xf32>
    %mul3A = arith.mulf %add3A_12, %get3A_15 : vector<2000x128xf32>
    %get3A_16 = arith.constant 0 : index
    %get3A_17 = arith.constant 0 : index
    %get3A_18 = vector.load %arg4[%get3A_16, %get3A_17] : memref<1x128xf32, #tpu.memory_space<vmem>>, vector<1x128xf32>
    %add3A_19 = vector.broadcast %get3A_18 : vector<1x128xf32> to vector<2000x128xf32>
    %add3A_20 = arith.addf %mul3A, %add3A_19 : vector<2000x128xf32>
    %max3A = arith.constant 0.000000e+00 : f32
    %max3A_21 = vector.broadcast %max3A : f32 to vector<2000x128xf32>
    %max3A_22 = arith.maximumf %add3A_20, %max3A_21 : vector<2000x128xf32>
    %get3A_23 = arith.constant 0 : index
    %get3A_24 = arith.constant 0 : index
    %get3A_25 = vector.load %arg5[%get3A_23, %get3A_24] : memref<128x2xf32, #tpu.memory_space<vmem>>, vector<128x2xf32>
    %dot_general3A = arith.constant dense<0.000000e+00> : vector<2000x2xf32>
    %dot_general3A_26 = tpu.matmul %max3A_22, %get3A_25, %dot_general3A {dimension_numbers = #tpu.dot_dimension_numbers<[1], [0], [0], [1], [0, 0, 1, 1], [], []>, transpose_lhs_hint = false} : vector<2000x128xf32>, vector<128x2xf32>, vector<2000x2xf32> -> vector<2000x2xf32>
    %get3A_27 = arith.constant 0 : index
    %get3A_28 = arith.constant 0 : index
    %get3A_29 = vector.load %arg6[%get3A_27, %get3A_28] : memref<1x2xf32, #tpu.memory_space<vmem>>, vector<1x2xf32>
    %add3A_30 = vector.broadcast %get3A_29 : vector<1x2xf32> to vector<2000x2xf32>
    %add3A_31 = arith.addf %dot_general3A_26, %add3A_30 : vector<2000x2xf32>
    %swap3A = arith.constant 0 : index
    %swap3A_32 = arith.constant 0 : index
    %swap3A_33 = vector.load %arg7[%swap3A, %swap3A_32] : memref<2000x2xf32, #tpu.memory_space<vmem>>, vector<2000x2xf32>
    tpu.vector_store %arg7[%swap3A, %swap3A_32], %add3A_31 {strides = array<i32>} : memref<2000x2xf32, #tpu.memory_space<vmem>>, vector<2000x2xf32>,
    return
  }
  func.func @transform_0(%arg0: i32) -> (i32, i32, i32) {
    %c0_i32 = arith.constant 0 : i32
    %c0_i32_0 = arith.constant 0 : i32
    %c0_i32_1 = arith.constant 0 : i32
    return %c0_i32, %arg0, %c0_i32_0 : i32, i32, i32
  }
  func.func @transform_1(%arg0: i32) -> (i32, i32) {
    %c0_i32 = arith.constant 0 : i32
    %c0_i32_0 = arith.constant 0 : i32
    return %arg0, %c0_i32 : i32, i32
  }
  func.func @transform_2(%arg0: i32) -> (i32, i32) {
    %c0_i32 = arith.constant 0 : i32
    %c0_i32_0 = arith.constant 0 : i32
    return %arg0, %c0_i32 : i32, i32
  }
  func.func @transform_3(%arg0: i32) -> (i32, i32) {
    %c0_i32 = arith.constant 0 : i32
    %c0_i32_0 = arith.constant 0 : i32
    %c0_i32_1 = arith.constant 0 : i32
    return %c0_i32, %c0_i32_0 : i32, i32
  }
  func.func @transform_4(%arg0: i32) -> (i32, i32) {
    %c0_i32 = arith.constant 0 : i32
    %c0_i32_0 = arith.constant 0 : i32
    %c0_i32_1 = arith.constant 0 : i32
    return %c0_i32, %c0_i32_0 : i32, i32
  }
  func.func @transform_5(%arg0: i32) -> (i32, i32) {
    %c0_i32 = arith.constant 0 : i32
    %c0_i32_0 = arith.constant 0 : i32
    %c0_i32_1 = arith.constant 0 : i32
    return %c0_i32, %c0_i32_0 : i32, i32
  }
  func.func @transform_6(%arg0: i32) -> (i32, i32) {
    %c0_i32 = arith.constant 0 : i32
    %c0_i32_0 = arith.constant 0 : i32
    return %arg0, %c0_i32 : i32, i32
  }
}

</mosaic_0001>

<sc_bundles>
// kernel: kernel.10.cloned.1.call-start
scs
__scs_entry_jumppad:
0x0: {  	(pc) =	sbr.rel $0x88, $3  }
0x1: {  	(tag) =	ssettag $0x0;
	lr =	simm.s32 $0x1  }
0x2: {  	[smem:$0x3F99] =	sst lr;
	_ =	strace $0xD0000000  }
0x3: {  	_ = 	snop  }
0x4: {  	_ = 	snop  }
0x5: {  	_ = 	snop  }
0x6: {  	_ = 	snop  }
0x7: {  	_ = 	snop  }
__scs_overlays_trampoline_lowered:
0x8: {  	[smem:$0x3FA8] =	sst s0  }
0x9: {  	[smem:$0x3FA9] =	sst s1  }
0xa: {  	[smem:$0x3FAA] =	sst s2  }
0xb: {  	[smem:$0x3FAB] =	sst s3  }
0xc: {  	[smem:$0x3FAC] =	sst s4  }
0xd: {  	[smem:$0x3FAD] =	sst s5  }
0xe: {  	[smem:$0x3FAE] =	sst s6  }
0xf: {  	[smem:$0x3FAF] =	sst s7  }
0x10: {  	[smem:$0x3FB0] =	sst s8  }
0x11: {  	[smem:$0x3FB1] =	sst s9;
	s0 =	simm.s32 @!p0 $0x0  }
0x12: {  	s1 =	sld [smem:$0x3F97];
	s0 =	simm.s32 @p0 $0x1  }
0x13: {  	[smem:$0x3FB2] =	sst s0;
	s0 =	simm.s32 @!p1 $0x0  }
0x14: {  	s2 =	sld [smem:$0x3F96];
	s0 =	simm.s32 @p1 $0x1  }
0x15: {  	[smem:$0x3FB3] =	sst s0;
	s0 =	simm.s32 @!p2 $0x0  }
0x16: {  	s3 =	sld [smem:$0x3FDB];
	s0 =	simm.s32 @p2 $0x1  }
0x17: {  	s4 =	simm.s32 $0x1BF5;
	[smem:$0x3FB5] =	sst s0  }
0x18: {  	s0 =	sld [smem:$0x3F98];
	_ =	swait.ge [sflag:s4], $0x0  }
0x19: {  	s7 =	sld [smem:$0x3F99]  }
0x1a: {  	s8 =	sadd.s32 $0xFFFFE003, lr  }
0x1b: {  	s9 =	sadd.s32 $0xFFFFFEF7, lr;
	s5 =	simm.s32 $0xFFFFFFFF;
	p2 =	slt.u32 s8, $0xFFFFF086  }
0x1c: {  	p1 =	slt.u32 s9, $0xF7A;
	s5 =	simm.s32 @!p2 $0x0  }
0x1d: {  	s5 =	simm.s32 @p1 $0x1;
	p0 =	seq.s32 s7, s2  }
0x1e: {  	s7 =	smul.u32 @!p0 $0xF7A, s2;
	p2 =	seq.s32 @!p0 s5, $0x0  }
0x1f: {  	s9 =	smul.u32 $0xF7A, s1;
	s8 =	simm.s32 @!p0 $0x1BF5;
	p2 =	por !p2, p0  }
0x20: {  	[sflag:s8] =	ssyncset.s32 @!p0 $0xFFFFF086;
	s6 =	sadd.s32 @!p0 s3, s7;
	s7 =	simm.s32 @!p0 $0x108  }
0x21: {  	s3 =	sadd.s32 s3, s9;
	s6 =	sadd.s32 @!p0 $0x88, s6;
	s7 =	simm.s32 @p2 $0x1082  }
0x22: {  	[simem:s7], [sflag:s8] =	dma.local @!p0 [hbm:s6], $0xF7A  }
0x23: {  	s9 =	sor.u32 $0xD0000000, s2;
	s6 =	simm.s32 $0x108;
	_ =	swait.ge @!p0 [sflag:s8], $0x0  }
0x24: {  	s3 =	sadd.s32 $0x88, s3;
	s6 =	simm.s32 @!p1 $0x1082;
	[sflag:s4] =	ssyncset.s32 $0xFFFFF086  }
0x25: {  	[simem:s6], [sflag:s4] =	dma.local [hbm:s3], $0xF7A  }
0x26: {  	[smem:$0x3F99] =	sst s1;
	(tag) =	ssettag s2;
	_ =	strace s9  }
0x27: {  	s1 =	sld [smem:$0x3FA9]  }
0x28: {  	s2 =	sld [smem:$0x3FAA]  }
0x29: {  	s4 =	sld [smem:$0x3FAC]  }
0x2a: {  	p0 =	seq.s32 s5, $0x0;
	s5 =	sld [smem:$0x3FAD]  }
0x2b: {  	s6 =	sld [smem:$0x3FAE]  }
0x2c: {  	s7 =	sld [smem:$0x3FAF]  }
0x2d: {  	s3 =	simm.s32 $0x108;
	s8 =	sld [smem:$0x3FB0]  }
0x2e: {  	s3 =	simm.s32 @!p0 $0x1082;
	s9 =	sld [smem:$0x3FB1]  }
0x2f: {  	lr =	sadd.s32 s0, s3;
	s0 =	sld [smem:$0x3FA8]  }
0x30: {  	s3 =	sld [smem:$0x3FAB]  }
0x31: {  	[smem:$0x3FB4] =	sst s10  }
0x32: {  	s10 =	sld [smem:$0x3FB2];
	_ =	sdelay $0x3  }
0x33: {  	p0 =	seq.s32 s10, $0x1;
	s10 =	sld [smem:$0x3FB4];
	_ =	sdelay $0x3  }
0x34: {  	[smem:$0x3FB4] =	sst s10  }
0x35: {  	s10 =	sld [smem:$0x3FB3];
	_ =	sdelay $0x3  }
0x36: {  	p1 =	seq.s32 s10, $0x1;
	s10 =	sld [smem:$0x3FB4];
	_ =	sdelay $0x3  }
0x37: {  	[smem:$0x3FB4] =	sst s10  }
0x38: {  	s10 =	sld [smem:$0x3FB5]  }
0x39: {  	_ = 	snop;
	(pc) =	sbr.ind lr, $3  }
0x3a: {  	_ = 	snop  }
0x3b: {  	_ = 	snop  }
0x3c: {  	p2 =	seq.s32 s10, $0x1;
	s10 =	sld [smem:$0x3FB4]  }
0x3d: {  	_ =	shalt  }
0x3e: {  	_ =	shalt  }
0x3f: {  	_ =	shalt  }
0x40: {  	_ =	shalt  }
0x41: {  	_ =	shalt  }
0x42: {  	_ =	shalt  }
0x43: {  	_ =	shalt  }
0x44: {  	_ =	shalt  }
0x45: {  	_ =	shalt  }
0x46: {  	_ =	shalt  }
0x47: {  	_ =	shalt  }
0x48: {  	_ =	shalt  }
0x49: {  	_ =	shalt  }
0x4a: {  	_ =	shalt  }
0x4b: {  	_ =	shalt  }
0x4c: {  	_ =	shalt  }
0x4d: {  	_ =	shalt  }
0x4e: {  	_ =	shalt  }
0x4f: {  	_ =	shalt  }
0x50: {  	_ =	shalt  }
0x51: {  	_ =	shalt  }
0x52: {  	_ =	shalt  }
0x53: {  	_ =	shalt  }
0x54: {  	_ =	shalt  }
0x55: {  	_ =	shalt  }
0x56: {  	_ =	shalt  }
0x57: {  	_ =	shalt  }
0x58: {  	_ =	shalt  }
0x59: {  	_ =	shalt  }
0x5a: {  	_ =	shalt  }
0x5b: {  	_ =	shalt  }
0x5c: {  	_ =	shalt  }
0x5d: {  	_ =	shalt  }
0x5e: {  	_ =	shalt  }
0x5f: {  	_ =	shalt  }
0x60: {  	_ =	shalt  }
0x61: {  	_ =	shalt  }
0x62: {  	_ =	shalt  }
0x63: {  	_ =	shalt  }
0x64: {  	_ =	shalt  }
0x65: {  	_ =	shalt  }
0x66: {  	_ =	shalt  }
0x67: {  	_ =	shalt  }
0x68: {  	_ =	shalt  }
0x69: {  	_ =	shalt  }
0x6a: {  	_ =	shalt  }
0x6b: {  	_ =	shalt  }
0x6c: {  	_ =	shalt  }
0x6d: {  	_ =	shalt  }
0x6e: {  	_ =	shalt  }
0x6f: {  	_ =	shalt  }
0x70: {  	_ =	shalt  }
0x71: {  	_ =	shalt  }
0x72: {  	_ =	shalt  }
0x73: {  	_ =	shalt  }
0x74: {  	_ =	shalt  }
0x75: {  	_ =	shalt  }
0x76: {  	_ =	shalt  }
0x77: {  	_ =	shalt  }
0x78: {  	_ =	shalt  }
0x79: {  	_ =	shalt  }
0x7a: {  	_ =	shalt  }
0x7b: {  	_ =	shalt  }
0x7c: {  	_ =	shalt  }
0x7d: {  	_ =	shalt  }
0x7e: {  	_ =	shalt  }
0x7f: {  	_ =	shalt  }
0x80: {  	_ =	shalt  }
0x81: {  	_ =	shalt  }
0x82: {  	_ =	shalt  }
0x83: {  	_ =	shalt  }
0x84: {  	_ =	shalt  }
0x85: {  	_ =	shalt  }
0x86: {  	_ =	shalt  }
0x87: {  	_ =	shalt  }
.Lfunc_end0:
.L_simem_size_0:
called_computation_lowered:
.L_overlay_start_0:
0x88: {  	s2 =	sld [smem:$0x3FD9]  }
0x89: {  	s3 =	sld [smem:$0x3FFE];
	_ =	sdelay $0x1  }
0x8a: {  	s1 =	srdreg.scid  }
0x8b: {  	s0 =	sand.u32 $0x1, s1  }
0x8c: {  	s17 =	sshll.u32 s0, $0xA;
	s2 =	sadd.s32 s3, s2  }
0x8d: {  	s2 =	sadd.s32 s2, s17  }
0x8e: {  	[smem:$0x3FC0] =	sst s2  }
0x8f: {  	_ = 	snop  }
0x90: {  	s2 =	sld [smem:$0x3FD0];
	(tm) =	ssettm $0x1  }
0x91: {  	s18 =	sld [smem:$0x3FFB];
	_ =	sdelay $0x3  }
0x92: {  	_ =	strace s18  }
0x93: {  	s3 =	sld [smem:$0x3FFC];
	_ =	sdelay $0x3  }
0x94: {  	_ =	strace s3  }
0x95: {  	s3 =	sld [smem:$0x3FFD];
	_ =	sdelay $0x3  }
0x96: {  	_ =	strace s3  }
0x97: {  	_ =	strace $0x8FFFFFFF  }
0x98: {  	s19 =	sld [smem:$0x3FDB];
	_ =	sdelay $0x1  }
0x99: {  	s4 =	simm.s32 $_scs_section_size  }
0x9a: {  	s5 =	simm.s32 $_size__tile_overlayer_lowered;
	s6 =	simm.s32 $_tile_overlayer_lowered  }
0x9b: {  	s22 =	simm.s32 $0x1BFF;
	s21 =	sshll.u32 s6, $0x1;
	s3 =	sadd.s32 s4, s19  }
0x9c: {  	s7 =	simm.s32 $0x0;
	s20 =	sshll.u32 s5, $0x1;
	s5 =	sadd.s32 s21, s3  }
0x9d: {  	[timem:s7], [sflag:s22] =	dma.local [hbm:s5], s20  }
0x9e: {  	_ =	swait.ge [sflag:s22], s20  }
0x9f: {  	s4 =	ssub.s32 $0x0, s20;
	[sflag:s22] =	ssyncset.done $0x0  }
0xa0: {  	[sflag:s22] =	ssyncadd.s32 s4;
	_ =	sdelay $0x1  }
0xa1: {  	s23 =	simm.s32 $0x1B8B  }
0xa2: {  	_ =	swait.ge [sflag:s23], $0x1  }
0xa3: {  	[sflag:s23] =	ssyncset.done $0x0  }
0xa4: {  	s25 =	simm.s32 $0x1B8E;
	s24 =	sld [smem:$0x3FFE];
	[sflag:s23] =	ssyncadd.s32 $0xFFFFFFFF  }
0xa5: {  	s26 =	simm.s32 $execute0_lowered;
	[smem:$0x3FD2] =	sst s25  }
0xa6: {  	s5 =	sshll.u32 s26, $0x1;
	_ =	strace $0x80000046;
	[dreg:$0x1] =	wrdreg $0xFFFFFFFF  }
0xa7: {  	s28 =	simm.s32 $_size_execute0_lowered;
	s3 =	sadd.s32 s3, s5;
	[dreg:$0x0] =	wrdreg $0x0  }
0xa8: {  	s5 =	sshll.u32 s28, $0x1;
	[dreg:$0x2] =	wrdreg s3  }
0xa9: {  	[dreg:$0x3] =	wrdreg s5  }
0xaa: {  	[dreg:$0x4] =	wrdreg $0xC0  }
0xab: {  	_ =	task [dreg:s7], $0x5FFFF  }
0xac: {  	[dreg:$0x1] =	wrdreg $0xFFFFFFFF  }
0xad: {  	[dreg:$0x0] =	wrdreg $0x60  }
0xae: {  	[dreg:$0x2] =	wrdreg s24  }
0xaf: {  	[dreg:$0x3] =	wrdreg s2  }
0xb0: {  	[dreg:$0x4] =	wrdreg $0x50800  }
0xb1: {  	[dreg:$0x5] =	wrdreg $0x9  }
0xb2: {  	_ =	task.clear_ibuf [dreg:s7], $0x6FFFF;
	_ =	strace $0x90000046  }
0xb3: {  	s29 =	simm.s32 $0x9;
	_ =	strace $0x80000048  }
0xb4: {  	_ =	swait.ge [sflag:s29], $0x1  }
0xb5: {  	[sflag:s29] =	ssyncadd.s32 $0xFFFFFFFF  }
0xb6: {  	_ =	strace $0x90000048  }
0xb7: {  	_ =	sfence  }
0xb8: {  	s30 =	sld [smem:$0x0];
	_ =	sdelay $0x2  }
0xb9: {  	s31 =	sshll.u32 s1, $0xD;
	s1 =	sshrl.u32 s1, $0x2  }
0xba: {  	s3 =	sand.u32 $0x4000, s31;
	s1 =	sadd.s32 s1, s30  }
0xbb: {  	s0 =	sor.u32 s3, s0;
	s1 =	sshll.u32 s1, $0x11  }
0xbc: {  	s0 =	sor.u32 s1, s0  }
0xbd: {  	s0 =	sadd.s32 $0x8F2B, s0  }
0xbe: {  	[sflag:s0] =	ssyncadd.remote.s32 $0x1  }
0xbf: {  	_ =	sfence.sel $0xFFFF  }
0xc0: {  	[dreg:$0x0] =	wrdreg $0xFFFFFFFF;
	(pc) =	sbr.abs _section_cstart, $3  }
0xc1: {  	[dreg:$0x1] =	wrdreg $0xFFFFFFFF  }
0xc2: {  	_ =	task.clear_ibuf [dreg:s7], $0x2FFFF;
	_ =	strace $0x9FFFFFFF  }
0xc3: {  	(tm) =	ssettm $0x7FFFFFFF  }
tec
execute0_lowered:
.L_overlay_start_1:
0x0: {  	(tag) =	ssettag $0x1  }
0x1: {  	s4 =	rddreg [dreg:$0x0]  }
0x2: {  	s6 =	rddreg [dreg:$0x1]  }
0x3: {  	s0 =	srdreg.scid;
	s2 =	rddreg [dreg:$0x2]  }
0x4: {  	s1 =	stileid.u32;
	s3 =	simm.s32 $0x0;
	s15 =	simm.s32 $0x5000  }
0x5: {  	s16 =	simm.s32 $0x1;
	s5 =	sand.u32 $0x1, s0;
	s0 =	rddreg [dreg:$0x3]  }
0x6: {  	s17 =	simm.s32 $0x0;
	[smem:$0x7FF] =	sst s3;
	s9 =	smul.u32 $0x280, s1  }
0x7: {  	s10 =	sadd.s32 $0x20C00, s4;
	s14 =	sadd.s32 $0x2580, s2;
	p0 =	seq.s32 s1, $0xF  }
0x8: {  	s7 =	sshll.u32 s5, $0x4;
	_ =	strace $0x80000047;
	s8 =	ssub.s32 $0x2, s5  }
0x9: {  	s11 =	smul.u32 $0x2780, s5;
	s7 =	sor.u32 s1, s7;
	s28 =	sshrl.u32 s8, $0x1  }
0xa: {  	s29 =	sshrl.u32 s9, $0x3;
	s13 =	sadd.s32 s9, s2;
	s7 =	smul.u32 $0xA00, s7  }
0xb: {  	s12 =	ssub.s32 s8, s28;
	s5 =	sadd.s32 s6, s29;
	s30 =	sadd.s32 s9, s11  }
0xc: {  	s31 =	sshrl.u32 s11, $0x3;
	s6 =	sadd.s32 $0x4B0, s6;
	s11 =	sshrl.u32 @p0 s14, $0x3  }
0xd: {  	s13 =	sshrl.u32 @!p0 s13, $0x3;
	s14 =	simm.s32 $0x40;
	s8 =	sadd.s32 s10, s31  }
0xe: {  	s9 =	smax.u32 s12, $0x1;
	s12 =	sshll.u32 @!p0 s1, $0x6;
	s7 =	sadd.s32 s7, s4  }
0xf: {  	s8 =	sadd.s32 $0x4B0, s8;
	s4 =	sadd.s32 $0xCC00, s7;
	s7 =	sshrl.u32 s30, $0x3  }
0x10: {  	v0 =	vimm.f32 $1.000000000e+00;
	s12 =	sor.u32 @!p0 $0x1C02, s12;
	s7 =	sadd.s32 s10, s7;
	s10 =	simm.s32 $0x2  }
.LBB2_1:
0x11: {  	[tilespmem:$0x5000] =	vst v0  }
0x12: {  	[tilespmem:$0x5010] =	vst v0  }
0x13: {  	[tilespmem:$0x5020] =	vst v0  }
0x14: {  	[tilespmem:$0x5030] =	vst v0  }
0x15: {  	[tilespmem:s3], [sflag:$0x2] =	stream.linear.gather [hbm4b:s4+s3], $0x5000, $0x38;
	[tilespmem:$0x52F8] =	vst v63  }
0x16: {  	_ =	swait.ge [sflag:s10], $0x5000  }
0x17: {  	[sflag:s10] =	ssyncset.done $0x0  }
0x18: {  	s18 =	simm.s32 @p0 $0x1FC2;
	[sflag:s10] =	ssyncadd.s32 $0xFFFFB000  }
0x19: {  	[spmem:s11], [sflag:s18] =	dma.local @p0 [hbm:s6], $0x40  }
0x1a: {  	s18 =	simm.s32 @p0 $0x2  }
0x1b: {  	_ =	swait.ge @p0 [sflag:s18], $0x40  }
0x1c: {  	[sflag:s18] =	ssyncset.done @p0 $0x0  }
0x1d: {  	[sflag:s18] =	ssyncadd.s32 @p0 $0xFFFFFFC0;
	s18 =	simm.s32 @!p0 $0x2  }
0x1e: {  	[spmem:s13], [sflag:s12] =	dma.local @!p0 [hbm:s5], $0x50  }
0x1f: {  	_ =	swait.ge @!p0 [sflag:s18], $0x50  }
0x20: {  	[sflag:s18] =	ssyncset.done @!p0 $0x0  }
0x21: {  	[sflag:s18] =	ssyncadd.s32 @!p0 $0xFFFFFFB0  }
0x22: {  	s23 =	simm.s32 $0x0;
	[bflag:$0x0] =	sbarrier.arrive $0xFFFF  }
0x23: {  	[spmem:s2] =	stream.indirect.scatter.add.f32 [tilespmem:s15], [sflag:$0x1], $0x1, s23, s14, $0xb8;
	[tilespmem:$0x52F8] =	vst v63  }
0x24: {  	s24 =	simm.s32 $0x80  }
0x25: {  	[spmem:s2] =	stream.indirect.scatter.add.f32 [tilespmem:s15], [sflag:$0x1], $0x1, s24, s14, $0xb8;
	[tilespmem:$0x52F8] =	vst v63  }
0x26: {  	s25 =	simm.s32 $0x100  }
0x27: {  	[spmem:s2] =	stream.indirect.scatter.add.f32 [tilespmem:s15], [sflag:$0x1], $0x1, s25, s14, $0xb8;
	[tilespmem:$0x52F8] =	vst v63  }
0x28: {  	s26 =	simm.s32 $0x180  }
0x29: {  	[spmem:s2] =	stream.indirect.scatter.add.f32 [tilespmem:s15], [sflag:$0x1], $0x1, s26, s14, $0xb8;
	[tilespmem:$0x52F8] =	vst v63  }
0x2a: {  	s28 =	simm.s32 $0x200  }
0x2b: {  	[spmem:s2] =	stream.indirect.scatter.add.f32 [tilespmem:s15], [sflag:$0x1], $0x1, s28, s14, $0xb8;
	[tilespmem:$0x52F8] =	vst v63  }
0x2c: {  	s29 =	simm.s32 $0x280  }
0x2d: {  	[spmem:s2] =	stream.indirect.scatter.add.f32 [tilespmem:s15], [sflag:$0x1], $0x1, s29, s14, $0xb8;
	[tilespmem:$0x52F8] =	vst v63  }
0x2e: {  	s30 =	simm.s32 $0x300  }
0x2f: {  	[spmem:s2] =	stream.indirect.scatter.add.f32 [tilespmem:s15], [sflag:$0x1], $0x1, s30, s14, $0xb8;
	[tilespmem:$0x52F8] =	vst v63  }
0x30: {  	s31 =	simm.s32 $0x380  }
0x31: {  	[spmem:s2] =	stream.indirect.scatter.add.f32 [tilespmem:s15], [sflag:$0x1], $0x1, s31, s14, $0xb8;
	[tilespmem:$0x52F8] =	vst v63  }
0x32: {  	_ =	swait.ge [sflag:s16], $0x40  }
0x33: {  	[sflag:s16] =	ssyncset.done $0x0  }
0x34: {  	[sflag:s16] =	ssyncadd.s32 $0xFFFFFFC0  }
0x35: {  	_ =	swait.ge [sflag:s16], $0x40  }
0x36: {  	[sflag:s16] =	ssyncset.done $0x0  }
0x37: {  	[sflag:s16] =	ssyncadd.s32 $0xFFFFFFC0  }
0x38: {  	_ =	swait.ge [sflag:s16], $0x40  }
0x39: {  	[sflag:s16] =	ssyncset.done $0x0  }
0x3a: {  	[sflag:s16] =	ssyncadd.s32 $0xFFFFFFC0  }
0x3b: {  	_ =	swait.ge [sflag:s16], $0x40  }
0x3c: {  	[sflag:s16] =	ssyncset.done $0x0  }
0x3d: {  	[sflag:s16] =	ssyncadd.s32 $0xFFFFFFC0  }
0x3e: {  	_ =	swait.ge [sflag:s16], $0x40  }
0x3f: {  	[sflag:s16] =	ssyncset.done $0x0  }
0x40: {  	[sflag:s16] =	ssyncadd.s32 $0xFFFFFFC0  }
0x41: {  	_ =	swait.ge [sflag:s16], $0x40  }
0x42: {  	[sflag:s16] =	ssyncset.done $0x0  }
0x43: {  	[sflag:s16] =	ssyncadd.s32 $0xFFFFFFC0  }
0x44: {  	_ =	swait.ge [sflag:s16], $0x40  }
0x45: {  	[sflag:s16] =	ssyncset.done $0x0  }
0x46: {  	[sflag:s16] =	ssyncadd.s32 $0xFFFFFFC0  }
0x47: {  	_ =	swait.ge [sflag:s16], $0x40  }
0x48: {  	s20 =	simm.s32 $0x2000;
	s18 =	simm.s32 $0x1000;
	[sflag:s16] =	ssyncset.done $0x0  }
.LBB2_2:
0x49: {  	s21 =	sshra.s32 s18, $0x2  }
0x4a: {  	[sflag:s16] =	ssyncadd.s32 $0xFFFFFFC0;
	s18 =	smov.u32 s20;
	s19 =	sadd.s32 $0x1000, s20  }
0x4b: {  	[spmem:s2] =	stream.indirect.scatter.add.f32 [tilespmem:s15], [sflag:$0x1], $0x1, s21, s14, $0xb8;
	[tilespmem:$0x52F8] =	vst v63  }
0x4c: {  	p1 =	sne.s32 s20, $0x13000;
	s20 =	sadd.s32 $0x80, s21  }
0x4d: {  	[spmem:s2] =	stream.indirect.scatter.add.f32 [tilespmem:s15], [sflag:$0x1], $0x1, s20, s14, $0xb8;
	[tilespmem:$0x52F8] =	vst v63  }
0x4e: {  	s20 =	sadd.s32 $0x100, s21  }
0x4f: {  	[spmem:s2] =	stream.indirect.scatter.add.f32 [tilespmem:s15], [sflag:$0x1], $0x1, s20, s14, $0xb8;
	[tilespmem:$0x52F8] =	vst v63  }
0x50: {  	s20 =	sadd.s32 $0x180, s21  }
0x51: {  	[spmem:s2] =	stream.indirect.scatter.add.f32 [tilespmem:s15], [sflag:$0x1], $0x1, s20, s14, $0xb8;
	[tilespmem:$0x52F8] =	vst v63  }
0x52: {  	s20 =	sadd.s32 $0x200, s21  }
0x53: {  	[spmem:s2] =	stream.indirect.scatter.add.f32 [tilespmem:s15], [sflag:$0x1], $0x1, s20, s14, $0xb8;
	[tilespmem:$0x52F8] =	vst v63  }
0x54: {  	s20 =	sadd.s32 $0x280, s21  }
0x55: {  	[spmem:s2] =	stream.indirect.scatter.add.f32 [tilespmem:s15], [sflag:$0x1], $0x1, s20, s14, $0xb8;
	[tilespmem:$0x52F8] =	vst v63  }
0x56: {  	s20 =	sadd.s32 $0x300, s21  }
0x57: {  	[spmem:s2] =	stream.indirect.scatter.add.f32 [tilespmem:s15], [sflag:$0x1], $0x1, s20, s14, $0xb8;
	[tilespmem:$0x52F8] =	vst v63  }
0x58: {  	s20 =	sadd.s32 $0x380, s21  }
0x59: {  	[spmem:s2] =	stream.indirect.scatter.add.f32 [tilespmem:s15], [sflag:$0x1], $0x1, s20, s14, $0xb8;
	[tilespmem:$0x52F8] =	vst v63  }
0x5a: {  	_ =	swait.ge [sflag:s16], $0x40  }
0x5b: {  	[sflag:s16] =	ssyncset.done $0x0  }
0x5c: {  	[sflag:s16] =	ssyncadd.s32 $0xFFFFFFC0  }
0x5d: {  	_ =	swait.ge [sflag:s16], $0x40  }
0x5e: {  	[sflag:s16] =	ssyncset.done $0x0  }
0x5f: {  	[sflag:s16] =	ssyncadd.s32 $0xFFFFFFC0  }
0x60: {  	_ =	swait.ge [sflag:s16], $0x40  }
0x61: {  	[sflag:s16] =	ssyncset.done $0x0  }
0x62: {  	[sflag:s16] =	ssyncadd.s32 $0xFFFFFFC0  }
0x63: {  	_ =	swait.ge [sflag:s16], $0x40  }
0x64: {  	[sflag:s16] =	ssyncset.done $0x0  }
0x65: {  	[sflag:s16] =	ssyncadd.s32 $0xFFFFFFC0  }
0x66: {  	_ =	swait.ge [sflag:s16], $0x40  }
0x67: {  	[sflag:s16] =	ssyncset.done $0x0  }
0x68: {  	[sflag:s16] =	ssyncadd.s32 $0xFFFFFFC0  }
0x69: {  	_ =	swait.ge [sflag:s16], $0x40  }
0x6a: {  	[sflag:s16] =	ssyncset.done $0x0  }
0x6b: {  	[sflag:s16] =	ssyncadd.s32 $0xFFFFFFC0  }
.Ltmp0:
0x6c: {  	_ =	swait.ge [sflag:s16], $0x40;
	(pc) =	sbr.rel @p1 .LBB2_2-.Ltmp0, $4  }
0x6d: {  	[sflag:s16] =	ssyncset.done $0x0  }
0x6e: {  	[sflag:s16] =	ssyncadd.s32 $0xFFFFFFC0  }
0x6f: {  	_ =	swait.ge [sflag:s16], $0x40  }
0x70: {  	s20 =	smov.u32 s19;
	[sflag:s16] =	ssyncset.done $0x0  }
0x71: {  	s18 =	sshra.s32 s18, $0x2;
	[sflag:s16] =	ssyncadd.s32 $0xFFFFFFC0  }
0x72: {  	[spmem:s2] =	stream.indirect.scatter.add.f32 [tilespmem:s15], [sflag:$0x1], $0x1, s18, s14, $0xb8;
	[tilespmem:$0x52F8] =	vst v63  }
0x73: {  	s19 =	sadd.s32 $0x80, s18  }
0x74: {  	[spmem:s2] =	stream.indirect.scatter.add.f32 [tilespmem:s15], [sflag:$0x1], $0x1, s19, s14, $0xb8;
	[tilespmem:$0x52F8] =	vst v63  }
0x75: {  	s26 =	sadd.s32 $0x100, s18  }
0x76: {  	[spmem:s2] =	stream.indirect.scatter.add.f32 [tilespmem:s15], [sflag:$0x1], $0x1, s26, s14, $0xb8;
	[tilespmem:$0x52F8] =	vst v63  }
0x77: {  	s28 =	sadd.s32 $0x180, s18  }
0x78: {  	[spmem:s2] =	stream.indirect.scatter.add.f32 [tilespmem:s15], [sflag:$0x1], $0x1, s28, s14, $0xb8;
	[tilespmem:$0x52F8] =	vst v63  }
0x79: {  	s29 =	sadd.s32 $0x200, s18  }
0x7a: {  	[spmem:s2] =	stream.indirect.scatter.add.f32 [tilespmem:s15], [sflag:$0x1], $0x1, s29, s14, $0xb8;
	[tilespmem:$0x52F8] =	vst v63  }
0x7b: {  	s30 =	sadd.s32 $0x280, s18  }
0x7c: {  	[spmem:s2] =	stream.indirect.scatter.add.f32 [tilespmem:s15], [sflag:$0x1], $0x1, s30, s14, $0xb8;
	[tilespmem:$0x52F8] =	vst v63  }
0x7d: {  	s31 =	sadd.s32 $0x300, s18  }
0x7e: {  	[spmem:s2] =	stream.indirect.scatter.add.f32 [tilespmem:s15], [sflag:$0x1], $0x1, s31, s14, $0xb8;
	[tilespmem:$0x52F8] =	vst v63  }
0x7f: {  	s18 =	sadd.s32 $0x380, s18  }
0x80: {  	[spmem:s2] =	stream.indirect.scatter.add.f32 [tilespmem:s15], [sflag:$0x1], $0x1, s18, s14, $0xb8;
	[tilespmem:$0x52F8] =	vst v63  }
0x81: {  	_ =	swait.ge [sflag:s16], $0x40  }
0x82: {  	[sflag:s16] =	ssyncset.done $0x0  }
0x83: {  	[sflag:s16] =	ssyncadd.s32 $0xFFFFFFC0  }
0x84: {  	_ =	swait.ge [sflag:s16], $0x40  }
0x85: {  	[sflag:s16] =	ssyncset.done $0x0  }
0x86: {  	[sflag:s16] =	ssyncadd.s32 $0xFFFFFFC0  }
0x87: {  	_ =	swait.ge [sflag:s16], $0x40  }
0x88: {  	[sflag:s16] =	ssyncset.done $0x0  }
0x89: {  	[sflag:s16] =	ssyncadd.s32 $0xFFFFFFC0  }
0x8a: {  	_ =	swait.ge [sflag:s16], $0x40  }
0x8b: {  	[sflag:s16] =	ssyncset.done $0x0  }
0x8c: {  	[sflag:s16] =	ssyncadd.s32 $0xFFFFFFC0  }
0x8d: {  	_ =	swait.ge [sflag:s16], $0x40  }
0x8e: {  	[sflag:s16] =	ssyncset.done $0x0  }
0x8f: {  	[sflag:s16] =	ssyncadd.s32 $0xFFFFFFC0  }
0x90: {  	_ =	swait.ge [sflag:s16], $0x40  }
0x91: {  	[sflag:s16] =	ssyncset.done $0x0  }
0x92: {  	[sflag:s16] =	ssyncadd.s32 $0xFFFFFFC0  }
0x93: {  	_ =	swait.ge [sflag:s16], $0x40  }
0x94: {  	[sflag:s16] =	ssyncset.done $0x0  }
0x95: {  	[sflag:s16] =	ssyncadd.s32 $0xFFFFFFC0  }
0x96: {  	_ =	swait.ge [sflag:s16], $0x40  }
0x97: {  	[sflag:s16] =	ssyncset.done $0x0  }
0x98: {  	[sflag:s16] =	ssyncadd.s32 $0xFFFFFFC0  }
0x99: {  	s18 =	simm.s32 @p0 $0x1FC2;
	[bflag:$0x0] =	sbarrier.arrive $0xFFFF  }
0x9a: {  	[hbm:s8], [sflag:s18] =	dma.local @p0 [spmem:s11], $0x40  }
0x9b: {  	s18 =	simm.s32 @p0 $0x2  }
0x9c: {  	s17 =	sadd.s32 $0x1, s17;
	_ =	swait.ge @p0 [sflag:s18], $0x40  }
0x9d: {  	p1 =	sne.s32 s17, s9;
	[sflag:s18] =	ssyncset.done @p0 $0x0  }
.Ltmp1:
0x9e: {  	[sflag:s18] =	ssyncadd.s32 @p0 $0xFFFFFFC0;
	s18 =	simm.s32 @!p0 $0x2;
	(pc) =	sbr.rel @p1 .LBB2_1-.Ltmp1, $4  }
0x9f: {  	[hbm:s7], [sflag:s12] =	dma.local @!p0 [spmem:s13], $0x50  }
0xa0: {  	_ =	swait.ge @!p0 [sflag:s18], $0x50  }
0xa1: {  	[sflag:s18] =	ssyncset.done @!p0 $0x0  }
0xa2: {  	[sflag:s18] =	ssyncadd.s32 @!p0 $0xFFFFFFB0  }
0xa3: {  	_ =	sfence.sel $0x180000  }
0xa4: {  	[bflag:$0x0] =	sbarrier.arrive $0xFFFF  }
0xa5: {  	p0 =	sne.s32 s1, $0x0;
	_ =	strace $0x90000047  }
0xa6: {  	s0 =	sadd.s32 @!p0 $0x100000, s0;
	[bflag:$0x2] =	sbarrier.arrive $0xFFFF  }
0xa7: {  	[sflag:s0] =	ssyncadd.tile.s32 @!p0 $0x1;
	_ =	shalt  }
.Lfunc_end2:
_tile_overlayer_lowered:
.L_overlay_start_2:
0xa8: {  	(tag) =	ssettag $0x2  }
0xa9: {  	s0 =	rddreg [dreg:$0x0];
	s2 =	stileid.u32  }
0xaa: {  	s1 =	rddreg [dreg:$0x1];
	p0 =	sne.s32 s2, $0x0  }
0xab: {  	s3 =	rddreg [dreg:$0x2];
	[bflag:$0x3] =	sbarrier.arrive $0xFFFF;
	s2 =	simm.s32 @!p0 $0x1C02  }
0xac: {  	[timem:s3], [sflag:s2] =	dma.local @!p0 [hbm:s0], s1  }
0xad: {  	s0 =	simm.s32 @!p0 $0x2  }
0xae: {  	_ =	swait.ge @!p0 [sflag:s0], s1  }
0xaf: {  	s1 =	ssub.s32 @!p0 $0x0, s1;
	[sflag:s0] =	ssyncset.done @!p0 $0x0  }
0xb0: {  	[sflag:s0] =	ssyncadd.s32 @!p0 s1  }
0xb1: {  	[bflag:$0x3] =	sbarrier.arrive $0xFFFF  }
0xb2: {  	_ =	shalt  }

// kernel: kernel.13.cloned.1.call-start
scs
__scs_entry_jumppad:
0x0: {  	(pc) =	sbr.rel $0x88, $3  }
0x1: {  	(tag) =	ssettag $0x0;
	lr =	simm.s32 $0x1  }
0x2: {  	[smem:$0x3F99] =	sst lr;
	_ =	strace $0xD0000000  }
0x3: {  	_ = 	snop  }
0x4: {  	_ = 	snop  }
0x5: {  	_ = 	snop  }
0x6: {  	_ = 	snop  }
0x7: {  	_ = 	snop  }
__scs_overlays_trampoline_lowered:
0x8: {  	[smem:$0x3FA8] =	sst s0  }
0x9: {  	[smem:$0x3FA9] =	sst s1  }
0xa: {  	[smem:$0x3FAA] =	sst s2  }
0xb: {  	[smem:$0x3FAB] =	sst s3  }
0xc: {  	[smem:$0x3FAC] =	sst s4  }
0xd: {  	[smem:$0x3FAD] =	sst s5  }
0xe: {  	[smem:$0x3FAE] =	sst s6  }
0xf: {  	[smem:$0x3FAF] =	sst s7  }
0x10: {  	[smem:$0x3FB0] =	sst s8  }
0x11: {  	[smem:$0x3FB1] =	sst s9;
	s0 =	simm.s32 @!p0 $0x0  }
0x12: {  	s1 =	sld [smem:$0x3F97];
	s0 =	simm.s32 @p0 $0x1  }
0x13: {  	[smem:$0x3FB2] =	sst s0;
	s0 =	simm.s32 @!p1 $0x0  }
0x14: {  	s2 =	sld [smem:$0x3F96];
	s0 =	simm.s32 @p1 $0x1  }
0x15: {  	[smem:$0x3FB3] =	sst s0;
	s0 =	simm.s32 @!p2 $0x0  }
0x16: {  	s3 =	sld [smem:$0x3FDB];
	s0 =	simm.s32 @p2 $0x1  }
0x17: {  	s4 =	simm.s32 $0x1BF5;
	[smem:$0x3FB5] =	sst s0  }
0x18: {  	s0 =	sld [smem:$0x3F98];
	_ =	swait.ge [sflag:s4], $0x0  }
0x19: {  	s7 =	sld [smem:$0x3F99]  }
0x1a: {  	s8 =	sadd.s32 $0xFFFFE003, lr  }
0x1b: {  	s9 =	sadd.s32 $0xFFFFFEF7, lr;
	s5 =	simm.s32 $0xFFFFFFFF;
	p2 =	slt.u32 s8, $0xFFFFF086  }
0x1c: {  	p1 =	slt.u32 s9, $0xF7A;
	s5 =	simm.s32 @!p2 $0x0  }
0x1d: {  	s5 =	simm.s32 @p1 $0x1;
	p0 =	seq.s32 s7, s2  }
0x1e: {  	s7 =	smul.u32 @!p0 $0xF7A, s2;
	p2 =	seq.s32 @!p0 s5, $0x0  }
0x1f: {  	s9 =	smul.u32 $0xF7A, s1;
	s8 =	simm.s32 @!p0 $0x1BF5;
	p2 =	por !p2, p0  }
0x20: {  	[sflag:s8] =	ssyncset.s32 @!p0 $0xFFFFF086;
	s6 =	sadd.s32 @!p0 s3, s7;
	s7 =	simm.s32 @!p0 $0x108  }
0x21: {  	s3 =	sadd.s32 s3, s9;
	s6 =	sadd.s32 @!p0 $0x88, s6;
	s7 =	simm.s32 @p2 $0x1082  }
0x22: {  	[simem:s7], [sflag:s8] =	dma.local @!p0 [hbm:s6], $0xF7A  }
0x23: {  	s9 =	sor.u32 $0xD0000000, s2;
	s6 =	simm.s32 $0x108;
	_ =	swait.ge @!p0 [sflag:s8], $0x0  }
0x24: {  	s3 =	sadd.s32 $0x88, s3;
	s6 =	simm.s32 @!p1 $0x1082;
	[sflag:s4] =	ssyncset.s32 $0xFFFFF086  }
0x25: {  	[simem:s6], [sflag:s4] =	dma.local [hbm:s3], $0xF7A  }
0x26: {  	[smem:$0x3F99] =	sst s1;
	(tag) =	ssettag s2;
	_ =	strace s9  }
0x27: {  	s1 =	sld [smem:$0x3FA9]  }
0x28: {  	s2 =	sld [smem:$0x3FAA]  }
0x29: {  	s4 =	sld [smem:$0x3FAC]  }
0x2a: {  	p0 =	seq.s32 s5, $0x0;
	s5 =	sld [smem:$0x3FAD]  }
0x2b: {  	s6 =	sld [smem:$0x3FAE]  }
0x2c: {  	s7 =	sld [smem:$0x3FAF]  }
0x2d: {  	s3 =	simm.s32 $0x108;
	s8 =	sld [smem:$0x3FB0]  }
0x2e: {  	s3 =	simm.s32 @!p0 $0x1082;
	s9 =	sld [smem:$0x3FB1]  }
0x2f: {  	lr =	sadd.s32 s0, s3;
	s0 =	sld [smem:$0x3FA8]  }
0x30: {  	s3 =	sld [smem:$0x3FAB]  }
0x31: {  	[smem:$0x3FB4] =	sst s10  }
0x32: {  	s10 =	sld [smem:$0x3FB2];
	_ =	sdelay $0x3  }
0x33: {  	p0 =	seq.s32 s10, $0x1;
	s10 =	sld [smem:$0x3FB4];
	_ =	sdelay $0x3  }
0x34: {  	[smem:$0x3FB4] =	sst s10  }
0x35: {  	s10 =	sld [smem:$0x3FB3];
	_ =	sdelay $0x3  }
0x36: {  	p1 =	seq.s32 s10, $0x1;
	s10 =	sld [smem:$0x3FB4];
	_ =	sdelay $0x3  }
0x37: {  	[smem:$0x3FB4] =	sst s10  }
0x38: {  	s10 =	sld [smem:$0x3FB5]  }
0x39: {  	_ = 	snop;
	(pc) =	sbr.ind lr, $3  }
0x3a: {  	_ = 	snop  }
0x3b: {  	_ = 	snop  }
0x3c: {  	p2 =	seq.s32 s10, $0x1;
	s10 =	sld [smem:$0x3FB4]  }
0x3d: {  	_ =	shalt  }
0x3e: {  	_ =	shalt  }
0x3f: {  	_ =	shalt  }
0x40: {  	_ =	shalt  }
0x41: {  	_ =	shalt  }
0x42: {  	_ =	shalt  }
0x43: {  	_ =	shalt  }
0x44: {  	_ =	shalt  }
0x45: {  	_ =	shalt  }
0x46: {  	_ =	shalt  }
0x47: {  	_ =	shalt  }
0x48: {  	_ =	shalt  }
0x49: {  	_ =	shalt  }
0x4a: {  	_ =	shalt  }
0x4b: {  	_ =	shalt  }
0x4c: {  	_ =	shalt  }
0x4d: {  	_ =	shalt  }
0x4e: {  	_ =	shalt  }
0x4f: {  	_ =	shalt  }
0x50: {  	_ =	shalt  }
0x51: {  	_ =	shalt  }
0x52: {  	_ =	shalt  }
0x53: {  	_ =	shalt  }
0x54: {  	_ =	shalt  }
0x55: {  	_ =	shalt  }
0x56: {  	_ =	shalt  }
0x57: {  	_ =	shalt  }
0x58: {  	_ =	shalt  }
0x59: {  	_ =	shalt  }
0x5a: {  	_ =	shalt  }
0x5b: {  	_ =	shalt  }
0x5c: {  	_ =	shalt  }
0x5d: {  	_ =	shalt  }
0x5e: {  	_ =	shalt  }
0x5f: {  	_ =	shalt  }
0x60: {  	_ =	shalt  }
0x61: {  	_ =	shalt  }
0x62: {  	_ =	shalt  }
0x63: {  	_ =	shalt  }
0x64: {  	_ =	shalt  }
0x65: {  	_ =	shalt  }
0x66: {  	_ =	shalt  }
0x67: {  	_ =	shalt  }
0x68: {  	_ =	shalt  }
0x69: {  	_ =	shalt  }
0x6a: {  	_ =	shalt  }
0x6b: {  	_ =	shalt  }
0x6c: {  	_ =	shalt  }
0x6d: {  	_ =	shalt  }
0x6e: {  	_ =	shalt  }
0x6f: {  	_ =	shalt  }
0x70: {  	_ =	shalt  }
0x71: {  	_ =	shalt  }
0x72: {  	_ =	shalt  }
0x73: {  	_ =	shalt  }
0x74: {  	_ =	shalt  }
0x75: {  	_ =	shalt  }
0x76: {  	_ =	shalt  }
0x77: {  	_ =	shalt  }
0x78: {  	_ =	shalt  }
0x79: {  	_ =	shalt  }
0x7a: {  	_ =	shalt  }
0x7b: {  	_ =	shalt  }
0x7c: {  	_ =	shalt  }
0x7d: {  	_ =	shalt  }
0x7e: {  	_ =	shalt  }
0x7f: {  	_ =	shalt  }
0x80: {  	_ =	shalt  }
0x81: {  	_ =	shalt  }
0x82: {  	_ =	shalt  }
0x83: {  	_ =	shalt  }
0x84: {  	_ =	shalt  }
0x85: {  	_ =	shalt  }
0x86: {  	_ =	shalt  }
0x87: {  	_ =	shalt  }
.Lfunc_end0:
.L_simem_size_0:
called_computation.1_lowered:
.L_overlay_start_0:
0x88: {  	s2 =	sld [smem:$0x3FD9]  }
0x89: {  	s3 =	sld [smem:$0x3FFE];
	_ =	sdelay $0x1  }
0x8a: {  	s1 =	srdreg.scid  }
0x8b: {  	s0 =	sand.u32 $0x1, s1  }
0x8c: {  	s16 =	sshll.u32 s0, $0xA;
	s2 =	sadd.s32 s3, s2  }
0x8d: {  	s2 =	sadd.s32 s2, s16  }
0x8e: {  	[smem:$0x3FC0] =	sst s2  }
0x8f: {  	_ = 	snop  }
0x90: {  	(tm) =	ssettm $0x1  }
0x91: {  	s17 =	sld [smem:$0x3FFB];
	_ =	sdelay $0x3  }
0x92: {  	_ =	strace s17  }
0x93: {  	s2 =	sld [smem:$0x3FFC];
	_ =	sdelay $0x3  }
0x94: {  	_ =	strace s2  }
0x95: {  	s2 =	sld [smem:$0x3FFD];
	_ =	sdelay $0x3  }
0x96: {  	_ =	strace s2  }
0x97: {  	_ =	strace $0x8FFFFFFF  }
0x98: {  	s18 =	sld [smem:$0x3FDB];
	_ =	sdelay $0x1  }
0x99: {  	s19 =	simm.s32 $_scs_section_size  }
0x9a: {  	s4 =	simm.s32 $_size__tile_overlayer_lowered;
	s5 =	simm.s32 $_tile_overlayer_lowered  }
0x9b: {  	s22 =	simm.s32 $0x1BFF;
	s21 =	sshll.u32 s5, $0x1;
	s2 =	sadd.s32 s19, s18  }
0x9c: {  	s6 =	simm.s32 $0x0;
	s20 =	sshll.u32 s4, $0x1;
	s4 =	sadd.s32 s21, s2  }
0x9d: {  	[timem:s6], [sflag:s22] =	dma.local [hbm:s4], s20  }
0x9e: {  	_ =	swait.ge [sflag:s22], s20  }
0x9f: {  	s3 =	ssub.s32 $0x0, s20;
	[sflag:s22] =	ssyncset.done $0x0  }
0xa0: {  	[sflag:s22] =	ssyncadd.s32 s3;
	_ =	sdelay $0x1  }
0xa1: {  	s23 =	simm.s32 $0x1B8B  }
0xa2: {  	_ =	swait.ge [sflag:s23], $0x1  }
0xa3: {  	[sflag:s23] =	ssyncset.done $0x0  }
0xa4: {  	s25 =	simm.s32 $0x1B8E;
	s24 =	sld [smem:$0x3FFE];
	[sflag:s23] =	ssyncadd.s32 $0xFFFFFFFF  }
0xa5: {  	s26 =	simm.s32 $execute0_lowered;
	[smem:$0x3FD2] =	sst s25  }
0xa6: {  	s4 =	sshll.u32 s26, $0x1;
	_ =	strace $0x80000049;
	[dreg:$0x1] =	wrdreg $0xFFFFFFFF  }
0xa7: {  	s28 =	simm.s32 $_size_execute0_lowered;
	s2 =	sadd.s32 s2, s4;
	[dreg:$0x0] =	wrdreg $0x0  }
0xa8: {  	s4 =	sshll.u32 s28, $0x1;
	[dreg:$0x2] =	wrdreg s2  }
0xa9: {  	[dreg:$0x3] =	wrdreg s4  }
0xaa: {  	[dreg:$0x4] =	wrdreg $0xC0  }
0xab: {  	_ =	task [dreg:s6], $0x5FFFF  }
0xac: {  	[dreg:$0x1] =	wrdreg $0xFFFFFFFF  }
0xad: {  	[dreg:$0x0] =	wrdreg $0x60  }
0xae: {  	[dreg:$0x2] =	wrdreg s24  }
0xaf: {  	[dreg:$0x3] =	wrdreg $0x3C000  }
0xb0: {  	[dreg:$0x4] =	wrdreg $0x9  }
0xb1: {  	_ =	task.clear_ibuf [dreg:s6], $0x5FFFF;
	_ =	strace $0x90000049  }
0xb2: {  	s29 =	simm.s32 $0x9;
	_ =	strace $0x8000004B  }
0xb3: {  	_ =	swait.ge [sflag:s29], $0x1  }
0xb4: {  	[sflag:s29] =	ssyncadd.s32 $0xFFFFFFFF  }
0xb5: {  	_ =	strace $0x9000004B  }
0xb6: {  	_ =	sfence  }
0xb7: {  	s30 =	sld [smem:$0x0];
	_ =	sdelay $0x2  }
0xb8: {  	s31 =	sshll.u32 s1, $0xD;
	s1 =	sshrl.u32 s1, $0x2  }
0xb9: {  	s3 =	sand.u32 $0x4000, s31;
	s1 =	sadd.s32 s1, s30  }
0xba: {  	s0 =	sor.u32 s3, s0;
	s1 =	sshll.u32 s1, $0x11  }
0xbb: {  	s0 =	sor.u32 s1, s0  }
0xbc: {  	s0 =	sadd.s32 $0x8F2B, s0  }
0xbd: {  	[sflag:s0] =	ssyncadd.remote.s32 $0x1  }
0xbe: {  	_ =	sfence.sel $0xFFFF  }
0xbf: {  	[dreg:$0x0] =	wrdreg $0xFFFFFFFF;
	(pc) =	sbr.abs _section_cstart, $3  }
0xc0: {  	[dreg:$0x1] =	wrdreg $0xFFFFFFFF  }
0xc1: {  	_ =	task.clear_ibuf [dreg:s6], $0x2FFFF;
	_ =	strace $0x9FFFFFFF  }
0xc2: {  	(tm) =	ssettm $0x7FFFFFFF  }
0xc3: {  	_ =	shalt  }
tec
execute0_lowered:
.L_overlay_start_1:
0x0: {  	(tag) =	ssettag $0x1  }
0x1: {  	s0 =	srdreg.scid;
	s6 =	rddreg [dreg:$0x0]  }
0x2: {  	s10 =	stileid.u32;
	s2 =	rddreg [dreg:$0x1]  }
0x3: {  	s3 =	simm.s32 $0x0;
	s0 =	sand.u32 $0x1, s0;
	s7 =	smul.u32 $0x4F000, s10  }
0x4: {  	s28 =	simm.s32 $0x19800;
	s20 =	smul.u32 $0x13800, s10;
	s1 =	sshll.u32 s0, $0x4  }
0x5: {  	s29 =	simm.s32 $0x1;
	s24 =	smul.u32 $0x4E000, s10;
	s1 =	sor.u32 s10, s1  }
0x6: {  	s31 =	simm.s32 $0x1B800;
	[smem:$0x7FF] =	sst s3;
	s4 =	smul.u32 $0x2800, s1  }
0x7: {  	p0 =	sne.s32 s10, $0xF;
	_ =	strace $0x8000004A;
	s9 =	ssub.s32 $0x2, s0  }
0x8: {  	s0 =	smul.u32 $0x138800, s0;
	s7 =	sshrl.u32 s7, $0x2;
	s5 =	sshrl.u32 s4, $0x3  }
0x9: {  	s11 =	sshrl.u32 s9, $0x1;
	s8 =	sadd.s32 s5, s6;
	s5 =	sadd.s32 s7, s2  }
0xa: {  	s26 =	sshrl.u32 s24, $0x2;
	s10 =	simm.s32 $0x5;
	s12 =	sadd.s32 $0x2000, s5  }
0xb: {  	s1 =	smul.u32 $0x5000, s1;
	s13 =	sadd.s32 $0x4000, s5;
	[dreg:$0x3] =	wrdreg s12  }
0xc: {  	s23 =	sadd.s32 s20, s0;
	s14 =	sadd.s32 $0x6000, s5;
	[dreg:$0x4] =	wrdreg s13  }
0xd: {  	s0 =	sshrl.u32 s0, $0x3;
	s15 =	sadd.s32 $0x8000, s5;
	[dreg:$0x5] =	wrdreg s14  }
0xe: {  	s25 =	sshrl.u32 s23, $0x3;
	s16 =	sadd.s32 $0xA000, s5;
	[dreg:$0x6] =	wrdreg s15  }
0xf: {  	s23 =	simm.s32 $0x7;
	s17 =	sadd.s32 $0xC000, s5;
	[dreg:$0x7] =	wrdreg s16  }
0x10: {  	s4 =	sadd.s32 $0x20C00, s6;
	s18 =	sadd.s32 $0xE000, s5;
	[dreg:$0x8] =	wrdreg s17  }
0x11: {  	s1 =	sshrl.u32 s1, $0x3;
	s19 =	sadd.s32 $0x10000, s5;
	[dreg:$0x9] =	wrdreg s18  }
0x12: {  	s7 =	ssub.s32 s9, s11;
	s11 =	sadd.s32 $0x12000, s5;
	[dreg:$0xa] =	wrdreg s19  }
0x13: {  	s1 =	sadd.s32 s1, s6;
	s21 =	sadd.s32 $0x2C00, s8;
	[dreg:$0xb] =	wrdreg s11  }
0x14: {  	s6 =	sadd.s32 $0x47E00, s6;
	s22 =	sadd.s32 $0xCC00, s1;
	[dreg:$0xc] =	wrdreg s21  }
0x15: {  	s9 =	simm.s32 $0x1500;
	s8 =	sadd.s32 $0x2E80, s8;
	[dreg:$0xd] =	wrdreg s22  }
0x16: {  	s1 =	sadd.s32 $0xD100, s1;
	s0 =	sadd.s32 s6, s0;
	[dreg:$0xe] =	wrdreg s8  }
0x17: {  	s30 =	smax.u32 s7, $0x1;
	s7 =	simm.s32 $0xC0;
	[dreg:$0xf] =	wrdreg s1  }
0x18: {  	s1 =	sadd.s32 s6, s25;
	s0 =	sadd.s32 $0x27000, s0;
	[dreg:$0x12] =	wrdreg s30  }
0x19: {  	s22 =	simm.s32 $0x17800;
	s6 =	simm.s32 $0x4;
	s8 =	simm.s32 $0x3  }
0x1a: {  	s11 =	simm.s32 $0x100;
	s12 =	simm.s32 $0x40;
	s13 =	simm.s32 $0x6  }
0x1b: {  	s14 =	simm.s32 $0x3B00;
	s15 =	simm.s32 $0x3B80;
	[dreg:$0x10] =	wrdreg s1  }
0x1c: {  	s16 =	simm.s32 $0x0;
	s1 =	sadd.s32 s26, s2;
	[dreg:$0x11] =	wrdreg s0  }
0x1d: {  	s0 =	sadd.s32 $0x138000, s2;
	s26 =	simm.s32 $0x1400;
	s1 =	sshrl.u32 s1, $0x3  }
0x1e: {  	v0 =	vimm.f32 $0.0e+00;
	s25 =	sshrl.u32 @!p0 s0, $0x3;
	[dreg:$0x13] =	wrdreg s1;
	s1 =	simm.s32 $0x2  }
.LBB2_1:
0x1f: {  	s17 =	simm.s32 $0x0;
	s18 =	simm.s32 $0x200  }
.LBB2_2:
0x20: {  	p1 =	sne.s32 s18, $0x7E00;
	[tilespmem:s17+$0x17870] =	vst v0  }
0x21: {  	[tilespmem:s17+$0x17800] =	vst v0  }
0x22: {  	[tilespmem:s17+$0x17810] =	vst v0  }
.Ltmp0:
0x23: {  	[tilespmem:s17+$0x17820] =	vst v0;
	(pc) =	sbr.rel @p1 .LBB2_2-.Ltmp0, $4  }
0x24: {  	[tilespmem:s17+$0x17830] =	vst v0  }
0x25: {  	[tilespmem:s17+$0x17840] =	vst v0  }
0x26: {  	[tilespmem:s17+$0x17850] =	vst v0  }
0x27: {  	[tilespmem:s17+$0x17860] =	vst v0;
	s17 =	sshra.s32 s18, $0x2;
	s18 =	sadd.s32 $0x200, s18  }
0x28: {  	[tilespmem:s17+$0x17870] =	vst v0  }
0x29: {  	[tilespmem:s17+$0x17800] =	vst v0  }
0x2a: {  	[tilespmem:s17+$0x17810] =	vst v0  }
0x2b: {  	[tilespmem:s17+$0x17820] =	vst v0  }
0x2c: {  	[tilespmem:s17+$0x17830] =	vst v0  }
0x2d: {  	[tilespmem:s17+$0x17840] =	vst v0  }
0x2e: {  	[tilespmem:s17+$0x17850] =	vst v0  }
0x2f: {  	[tilespmem:s17+$0x17860] =	vst v0  }
0x30: {  	[spmem:s5] =	stream.linear.scatter [tilespmem:s22], [sflag:$0x7], $0x2000, $0x38;
	[tilespmem:$0x1D800] =	vst v63  }
0x31: {  	_ =	swait.ge [sflag:s23], $0x2000  }
0x32: {  	[sflag:s23] =	ssyncset.done $0x0  }
0x33: {  	s0 =	rddreg [dreg:$0x3];
	[sflag:s23] =	ssyncadd.s32 $0xFFFFE000  }
0x34: {  	[spmem:s0] =	stream.linear.scatter [tilespmem:s22], [sflag:$0x7], $0x2000, $0x38;
	[tilespmem:$0x1D800] =	vst v63  }
0x35: {  	_ =	swait.ge [sflag:s23], $0x2000  }
0x36: {  	[sflag:s23] =	ssyncset.done $0x0  }
0x37: {  	s20 =	rddreg [dreg:$0x4];
	[sflag:s23] =	ssyncadd.s32 $0xFFFFE000  }
0x38: {  	[spmem:s20] =	stream.linear.scatter [tilespmem:s22], [sflag:$0x7], $0x2000, $0x38;
	[tilespmem:$0x1D800] =	vst v63  }
0x39: {  	_ =	swait.ge [sflag:s23], $0x2000  }
0x3a: {  	[sflag:s23] =	ssyncset.done $0x0  }
0x3b: {  	s21 =	rddreg [dreg:$0x5];
	[sflag:s23] =	ssyncadd.s32 $0xFFFFE000  }
0x3c: {  	[spmem:s21] =	stream.linear.scatter [tilespmem:s22], [sflag:$0x7], $0x2000, $0x38;
	[tilespmem:$0x1D800] =	vst v63  }
0x3d: {  	_ =	swait.ge [sflag:s23], $0x2000  }
0x3e: {  	[sflag:s23] =	ssyncset.done $0x0  }
0x3f: {  	s24 =	rddreg [dreg:$0x6];
	[sflag:s23] =	ssyncadd.s32 $0xFFFFE000  }
0x40: {  	[spmem:s24] =	stream.linear.scatter [tilespmem:s22], [sflag:$0x7], $0x2000, $0x38;
	[tilespmem:$0x1D800] =	vst v63  }
0x41: {  	_ =	swait.ge [sflag:s23], $0x2000  }
0x42: {  	[sflag:s23] =	ssyncset.done $0x0  }
0x43: {  	s30 =	rddreg [dreg:$0x7];
	[sflag:s23] =	ssyncadd.s32 $0xFFFFE000  }
0x44: {  	[spmem:s30] =	stream.linear.scatter [tilespmem:s22], [sflag:$0x7], $0x2000, $0x38;
	[tilespmem:$0x1D800] =	vst v63  }
0x45: {  	_ =	swait.ge [sflag:s23], $0x2000  }
0x46: {  	[sflag:s23] =	ssyncset.done $0x0  }
0x47: {  	s17 =	rddreg [dreg:$0x8];
	[sflag:s23] =	ssyncadd.s32 $0xFFFFE000  }
0x48: {  	[spmem:s17] =	stream.linear.scatter [tilespmem:s22], [sflag:$0x7], $0x2000, $0x38;
	[tilespmem:$0x1D800] =	vst v63  }
0x49: {  	_ =	swait.ge [sflag:s23], $0x2000  }
0x4a: {  	[sflag:s23] =	ssyncset.done $0x0  }
0x4b: {  	s18 =	rddreg [dreg:$0x9];
	[sflag:s23] =	ssyncadd.s32 $0xFFFFE000  }
0x4c: {  	[spmem:s18] =	stream.linear.scatter [tilespmem:s22], [sflag:$0x7], $0x2000, $0x38;
	[tilespmem:$0x1D800] =	vst v63  }
0x4d: {  	_ =	swait.ge [sflag:s23], $0x2000  }
0x4e: {  	[sflag:s23] =	ssyncset.done $0x0  }
0x4f: {  	s19 =	rddreg [dreg:$0xa];
	[sflag:s23] =	ssyncadd.s32 $0xFFFFE000  }
0x50: {  	[spmem:s19] =	stream.linear.scatter [tilespmem:s22], [sflag:$0x7], $0x2000, $0x38;
	[tilespmem:$0x1D800] =	vst v63  }
0x51: {  	_ =	swait.ge [sflag:s23], $0x2000  }
0x52: {  	[sflag:s23] =	ssyncset.done $0x0  }
0x53: {  	s20 =	rddreg [dreg:$0xb];
	[sflag:s23] =	ssyncadd.s32 $0xFFFFE000  }
0x54: {  	[spmem:s20] =	stream.linear.scatter [tilespmem:s22], [sflag:$0x7], $0x1C00, $0x38;
	[tilespmem:$0x1D800] =	vst v63  }
0x55: {  	_ =	swait.ge [sflag:s23], $0x1C00  }
0x56: {  	[sflag:s23] =	ssyncset.done $0x0  }
0x57: {  	[sflag:s23] =	ssyncadd.s32 $0xFFFFE400  }
0x58: {  	[bflag:$0x0] =	sbarrier.arrive $0xFFFF  }
0x59: {  	s21 =	rddreg [dreg:$0xc]  }
0x5a: {  	[tilespmem:s3], [sflag:$0x7] =	stream.linear.gather [hbm4b:s21+s3], $0x1400, $0x38;
	[tilespmem:$0x1D800] =	vst v63  }
0x5b: {  	_ =	swait.ge [sflag:s23], $0x1400  }
0x5c: {  	[sflag:s23] =	ssyncset.done $0x0  }
0x5d: {  	s24 =	rddreg [dreg:$0xd];
	[sflag:s23] =	ssyncadd.s32 $0xFFFFEC00  }
0x5e: {  	[tilespmem:s26], [sflag:$0x7] =	stream.linear.gather [hbm4b:s24+s3], $0x2800, $0x38;
	[tilespmem:$0x1D800] =	vst v63  }
0x5f: {  	_ =	swait.ge [sflag:s23], $0x2800  }
0x60: {  	[sflag:s23] =	ssyncset.done $0x0  }
0x61: {  	s30 =	simm.s32 $0x40;
	[sflag:s23] =	ssyncadd.s32 $0xFFFFD800  }
0x62: {  	[tilespmem:s22], [sflag:$0x1] =	stream.indirect.gather [hbm4b:s4+s30], $0x80, s3, s30, $0xb8;
	[tilespmem:$0x1D800] =	vst v63  }
0x63: {  	_ = 	snop  }
0x64: {  	[tilespmem:s28], [sflag:$0x2] =	stream.indirect.gather [hbm4b:s4+s30], $0x80, s30, s30, $0xb8;
	[tilespmem:$0x1D800] =	vst v63  }
0x65: {  	_ =	swait.ge [sflag:s29], $0x2000  }
0x66: {  	[sflag:s29] =	ssyncset.done $0x0  }
0x67: {  	[sflag:s29] =	ssyncadd.s32 $0xFFFFE000  }
0x68: {  	[spmem:s2] =	stream.indirect.scatter.add.f32 [tilespmem:s22], [sflag:$0x4], $0x80, s26, s30, $0xb8;
	[tilespmem:$0x1D800] =	vst v63  }
0x69: {  	s19 =	simm.s32 $0x80  }
0x6a: {  	[tilespmem:s31], [sflag:$0x3] =	stream.indirect.gather [hbm4b:s4+s30], $0x80, s19, s30, $0xb8;
	[tilespmem:$0x1D800] =	vst v63  }
0x6b: {  	_ =	swait.ge [sflag:s1], $0x2000  }
0x6c: {  	[sflag:s1] =	ssyncset.done $0x0  }
0x6d: {  	s20 =	simm.s32 $0x1480;
	[sflag:s1] =	ssyncadd.s32 $0xFFFFE000  }
0x6e: {  	[spmem:s2] =	stream.indirect.scatter.add.f32 [tilespmem:s28], [sflag:$0x5], $0x80, s20, s30, $0xb8;
	[tilespmem:$0x1D800] =	vst v63  }
0x6f: {  	_ =	swait.ge [sflag:s6], $0x2000  }
0x70: {  	[sflag:s6] =	ssyncset.done $0x0  }
0x71: {  	[sflag:s6] =	ssyncadd.s32 $0xFFFFE000  }
0x72: {  	[tilespmem:s22], [sflag:$0x1] =	stream.indirect.gather [hbm4b:s4+s30], $0x80, s7, s30, $0xb8;
	[tilespmem:$0x1D800] =	vst v63  }
0x73: {  	_ =	swait.ge [sflag:s8], $0x2000  }
0x74: {  	[sflag:s8] =	ssyncset.done $0x0  }
0x75: {  	[sflag:s8] =	ssyncadd.s32 $0xFFFFE000  }
0x76: {  	[spmem:s2] =	stream.indirect.scatter.add.f32 [tilespmem:s31], [sflag:$0x6], $0x80, s9, s30, $0xb8;
	[tilespmem:$0x1D800] =	vst v63  }
0x77: {  	_ =	swait.ge [sflag:s10], $0x2000  }
0x78: {  	[sflag:s10] =	ssyncset.done $0x0  }
0x79: {  	[sflag:s10] =	ssyncadd.s32 $0xFFFFE000  }
0x7a: {  	[tilespmem:s28], [sflag:$0x2] =	stream.indirect.gather [hbm4b:s4+s30], $0x80, s11, s30, $0xb8;
	[tilespmem:$0x1D800] =	vst v63  }
0x7b: {  	_ =	swait.ge [sflag:s29], $0x2000  }
0x7c: {  	[sflag:s29] =	ssyncset.done $0x0  }
0x7d: {  	s18 =	simm.s32 $0x1580;
	s19 =	simm.s32 $0x500;
	[sflag:s29] =	ssyncadd.s32 $0xFFFFE000  }
0x7e: {  	[spmem:s2] =	stream.indirect.scatter.add.f32 [tilespmem:s22], [sflag:$0x4], $0x80, s18, s12, $0xb8;
	[tilespmem:$0x1D800] =	vst v63  }
0x7f: {  	s21 =	sand.u32 $0xFE00, s19;
	_ =	swait.ge [sflag:s13], $0x2000  }
0x80: {  	s24 =	sshrl.u32 s21, $0x2;
	s20 =	sand.u32 $0x40, s30;
	[sflag:s13] =	ssyncset.done $0x0  }
0x81: {  	s17 =	sor.u32 s20, s24;
	[sflag:s13] =	ssyncadd.s32 $0xFFFFE000  }
0x82: {  	[tilespmem:s31], [sflag:$0x3] =	stream.indirect.gather [hbm4b:s4+s12], $0x80, s17, s12, $0xb8;
	[tilespmem:$0x1D800] =	vst v63  }
0x83: {  	_ =	swait.ge [sflag:s1], $0x2000  }
0x84: {  	[sflag:s1] =	ssyncset.done $0x0  }
0x85: {  	s0 =	simm.s32 $0x600;
	s30 =	simm.s32 $0x1600;
	[sflag:s1] =	ssyncadd.s32 $0xFFFFE000  }
0x86: {  	[spmem:s2] =	stream.indirect.scatter.add.f32 [tilespmem:s28], [sflag:$0x5], $0x80, s30, s12, $0xb8;
	[tilespmem:$0x1D800] =	vst v63  }
0x87: {  	s19 =	simm.s32 $0x180;
	s18 =	sand.u32 $0xFE00, s0;
	_ =	swait.ge [sflag:s6], $0x2000  }
0x88: {  	s18 =	sshrl.u32 s18, $0x2;
	s17 =	sand.u32 $0x40, s19;
	[sflag:s6] =	ssyncset.done $0x0  }
0x89: {  	s17 =	sor.u32 s17, s18;
	[sflag:s6] =	ssyncadd.s32 $0xFFFFE000  }
0x8a: {  	[tilespmem:s22], [sflag:$0x1] =	stream.indirect.gather [hbm4b:s4+s12], $0x80, s17, s12, $0xb8;
	[tilespmem:$0x1D800] =	vst v63  }
0x8b: {  	_ =	swait.ge [sflag:s8], $0x2000  }
0x8c: {  	s21 =	simm.s32 $0x700;
	[sflag:s8] =	ssyncset.done $0x0  }
0x8d: {  	s24 =	simm.s32 $0x1680;
	s30 =	sand.u32 $0xFE00, s21;
	[sflag:s8] =	ssyncadd.s32 $0xFFFFE000  }
0x8e: {  	[spmem:s2] =	stream.indirect.scatter.add.f32 [tilespmem:s31], [sflag:$0x6], $0x80, s24, s12, $0xb8;
	[tilespmem:$0x1D800] =	vst v63  }
0x8f: {  	s19 =	simm.s32 $0x240;
	s21 =	sshrl.u32 s30, $0x2;
	_ =	swait.ge [sflag:s10], $0x2000  }
0x90: {  	s18 =	simm.s32 $0x80;
	s21 =	sor.u32 s20, s21;
	[sflag:s10] =	ssyncset.done $0x0  }
0x91: {  	s20 =	simm.s32 $0x1800;
	s17 =	simm.s32 $0xA00;
	[sflag:s10] =	ssyncadd.s32 $0xFFFFE000  }
.LBB2_4:
0x92: {  	[tilespmem:s28], [sflag:$0x2] =	stream.indirect.gather [hbm4b:s4+s12], $0x80, s21, s12, $0xb8;
	[tilespmem:$0x1D800] =	vst v63  }
0x93: {  	s21 =	smov.u32 s17  }
0x94: {  	p1 =	sne.s32 s17, $0x4F00;
	s17 =	sadd.s32 $0x300, s17;
	_ =	swait.ge [sflag:s29], $0x2000  }
0x95: {  	[sflag:s29] =	ssyncset.done $0x0  }
0x96: {  	s30 =	sadd.s32 $0xFFFFFF00, s20;
	s24 =	sadd.s32 $0xFFFFFE00, s21;
	[sflag:s29] =	ssyncadd.s32 $0xFFFFE000  }
0x97: {  	[spmem:s2] =	stream.indirect.scatter.add.f32 [tilespmem:s22], [sflag:$0x4], $0x80, s30, s12, $0xb8;
	[tilespmem:$0x1D800] =	vst v63  }
0x98: {  	s24 =	sand.u32 $0xFE00, s24;
	_ =	swait.ge [sflag:s13], $0x2000  }
0x99: {  	s24 =	sshrl.u32 s24, $0x2;
	s30 =	sand.u32 $0x40, s18;
	[sflag:s13] =	ssyncset.done $0x0  }
0x9a: {  	s24 =	sor.u32 s30, s24;
	[sflag:s13] =	ssyncadd.s32 $0xFFFFE000  }
0x9b: {  	[tilespmem:s31], [sflag:$0x3] =	stream.indirect.gather [hbm4b:s4+s12], $0x80, s24, s12, $0xb8;
	[tilespmem:$0x1D800] =	vst v63  }
0x9c: {  	_ =	swait.ge [sflag:s1], $0x2000  }
0x9d: {  	[sflag:s1] =	ssyncset.done $0x0  }
0x9e: {  	s0 =	sadd.s32 $0xFFFFFF00, s21;
	s24 =	sadd.s32 $0xFFFFFF80, s20;
	[sflag:s1] =	ssyncadd.s32 $0xFFFFE000  }
0x9f: {  	[spmem:s2] =	stream.indirect.scatter.add.f32 [tilespmem:s28], [sflag:$0x5], $0x80, s24, s12, $0xb8;
	[tilespmem:$0x1D800] =	vst v63  }
0xa0: {  	s0 =	sand.u32 $0xFE00, s0;
	_ =	swait.ge [sflag:s6], $0x2000  }
0xa1: {  	s0 =	sshrl.u32 s0, $0x2;
	s24 =	sand.u32 $0x40, s19;
	[sflag:s6] =	ssyncset.done $0x0  }
0xa2: {  	s0 =	sor.u32 s24, s0;
	[sflag:s6] =	ssyncadd.s32 $0xFFFFE000  }
0xa3: {  	[tilespmem:s22], [sflag:$0x1] =	stream.indirect.gather [hbm4b:s4+s12], $0x80, s0, s12, $0xb8;
	[tilespmem:$0x1D800] =	vst v63  }
0xa4: {  	_ =	swait.ge [sflag:s8], $0x2000  }
0xa5: {  	[sflag:s8] =	ssyncset.done $0x0  }
.Ltmp1:
0xa6: {  	[sflag:s8] =	ssyncadd.s32 $0xFFFFE000;
	(pc) =	sbr.rel @p1 .LBB2_4-.Ltmp1, $4  }
0xa7: {  	[spmem:s2] =	stream.indirect.scatter.add.f32 [tilespmem:s31], [sflag:$0x6], $0x80, s20, s12, $0xb8;
	[tilespmem:$0x1D800] =	vst v63  }
0xa8: {  	s18 =	sadd.s32 $0x40, s18;
	s0 =	sand.u32 $0xFE00, s21;
	_ =	swait.ge [sflag:s10], $0x2000  }
0xa9: {  	s19 =	sadd.s32 $0xC0, s19;
	s0 =	sshrl.u32 s0, $0x2;
	[sflag:s10] =	ssyncset.done $0x0  }
0xaa: {  	s21 =	sor.u32 s30, s0;
	s20 =	sadd.s32 $0x180, s20;
	[sflag:s10] =	ssyncadd.s32 $0xFFFFE000  }
0xab: {  	[tilespmem:s28], [sflag:$0x2] =	stream.indirect.gather [hbm4b:s4+s12], $0x80, s21, s12, $0xb8;
	[tilespmem:$0x1D800] =	vst v63  }
0xac: {  	_ =	swait.ge [sflag:s29], $0x2000  }
0xad: {  	[sflag:s29] =	ssyncset.done $0x0  }
0xae: {  	s0 =	simm.s32 $0x40;
	[sflag:s29] =	ssyncadd.s32 $0xFFFFE000  }
0xaf: {  	[spmem:s2] =	stream.indirect.scatter.add.f32 [tilespmem:s22], [sflag:$0x4], $0x80, s14, s0, $0xb8;
	[tilespmem:$0x1D800] =	vst v63  }
0xb0: {  	_ =	swait.ge [sflag:s13], $0x2000  }
0xb1: {  	[sflag:s13] =	ssyncset.done $0x0  }
0xb2: {  	[sflag:s13] =	ssyncadd.s32 $0xFFFFE000  }
0xb3: {  	_ =	swait.ge [sflag:s1], $0x2000  }
0xb4: {  	[sflag:s1] =	ssyncset.done $0x0  }
0xb5: {  	[sflag:s1] =	ssyncadd.s32 $0xFFFFE000  }
0xb6: {  	[spmem:s2] =	stream.indirect.scatter.add.f32 [tilespmem:s28], [sflag:$0x5], $0x80, s15, s0, $0xb8;
	[tilespmem:$0x1D800] =	vst v63  }
0xb7: {  	_ =	swait.ge [sflag:s6], $0x2000  }
0xb8: {  	[sflag:s6] =	ssyncset.done $0x0  }
0xb9: {  	[sflag:s6] =	ssyncadd.s32 $0xFFFFE000  }
0xba: {  	_ =	swait.ge [sflag:s10], $0x2000  }
0xbb: {  	[sflag:s10] =	ssyncset.done $0x0  }
0xbc: {  	s17 =	rddreg [dreg:$0xe];
	[sflag:s10] =	ssyncadd.s32 $0xFFFFE000  }
0xbd: {  	[tilespmem:s3], [sflag:$0x7] =	stream.linear.gather [hbm4b:s17+s3], $0x1400, $0x38;
	[tilespmem:$0x1D800] =	vst v63  }
0xbe: {  	_ =	swait.ge [sflag:s23], $0x1400  }
0xbf: {  	[sflag:s23] =	ssyncset.done $0x0  }
0xc0: {  	s20 =	rddreg [dreg:$0xf];
	[sflag:s23] =	ssyncadd.s32 $0xFFFFEC00  }
0xc1: {  	[tilespmem:s26], [sflag:$0x7] =	stream.linear.gather [hbm4b:s20+s3], $0x2800, $0x38;
	[tilespmem:$0x1D800] =	vst v63  }
0xc2: {  	_ =	swait.ge [sflag:s23], $0x2800  }
0xc3: {  	[sflag:s23] =	ssyncset.done $0x0  }
0xc4: {  	[sflag:s23] =	ssyncadd.s32 $0xFFFFD800  }
0xc5: {  	[tilespmem:s22], [sflag:$0x1] =	stream.indirect.gather [hbm4b:s4+s0], $0x80, s3, s0, $0xb8;
	[tilespmem:$0x1D800] =	vst v63  }
0xc6: {  	_ = 	snop  }
0xc7: {  	[tilespmem:s28], [sflag:$0x2] =	stream.indirect.gather [hbm4b:s4+s0], $0x80, s0, s0, $0xb8;
	[tilespmem:$0x1D800] =	vst v63  }
0xc8: {  	_ =	swait.ge [sflag:s29], $0x2000  }
0xc9: {  	[sflag:s29] =	ssyncset.done $0x0  }
0xca: {  	[sflag:s29] =	ssyncadd.s32 $0xFFFFE000  }
0xcb: {  	[spmem:s2] =	stream.indirect.scatter.add.f32 [tilespmem:s22], [sflag:$0x4], $0x80, s26, s0, $0xb8;
	[tilespmem:$0x1D800] =	vst v63  }
0xcc: {  	s21 =	simm.s32 $0x80  }
0xcd: {  	[tilespmem:s31], [sflag:$0x3] =	stream.indirect.gather [hbm4b:s4+s0], $0x80, s21, s0, $0xb8;
	[tilespmem:$0x1D800] =	vst v63  }
0xce: {  	_ =	swait.ge [sflag:s1], $0x2000  }
0xcf: {  	[sflag:s1] =	ssyncset.done $0x0  }
0xd0: {  	s24 =	simm.s32 $0x1480;
	[sflag:s1] =	ssyncadd.s32 $0xFFFFE000  }
0xd1: {  	[spmem:s2] =	stream.indirect.scatter.add.f32 [tilespmem:s28], [sflag:$0x5], $0x80, s24, s0, $0xb8;
	[tilespmem:$0x1D800] =	vst v63  }
0xd2: {  	_ =	swait.ge [sflag:s6], $0x2000  }
0xd3: {  	[sflag:s6] =	ssyncset.done $0x0  }
0xd4: {  	[sflag:s6] =	ssyncadd.s32 $0xFFFFE000  }
0xd5: {  	[tilespmem:s22], [sflag:$0x1] =	stream.indirect.gather [hbm4b:s4+s0], $0x80, s7, s0, $0xb8;
	[tilespmem:$0x1D800] =	vst v63  }
0xd6: {  	_ =	swait.ge [sflag:s8], $0x2000  }
0xd7: {  	[sflag:s8] =	ssyncset.done $0x0  }
0xd8: {  	[sflag:s8] =	ssyncadd.s32 $0xFFFFE000  }
0xd9: {  	[spmem:s2] =	stream.indirect.scatter.add.f32 [tilespmem:s31], [sflag:$0x6], $0x80, s9, s0, $0xb8;
	[tilespmem:$0x1D800] =	vst v63  }
0xda: {  	_ =	swait.ge [sflag:s10], $0x2000  }
0xdb: {  	[sflag:s10] =	ssyncset.done $0x0  }
0xdc: {  	[sflag:s10] =	ssyncadd.s32 $0xFFFFE000  }
0xdd: {  	[tilespmem:s28], [sflag:$0x2] =	stream.indirect.gather [hbm4b:s4+s0], $0x80, s11, s0, $0xb8;
	[tilespmem:$0x1D800] =	vst v63  }
0xde: {  	_ =	swait.ge [sflag:s29], $0x2000  }
0xdf: {  	[sflag:s29] =	ssyncset.done $0x0  }
0xe0: {  	s30 =	simm.s32 $0x1580;
	s18 =	simm.s32 $0x500;
	[sflag:s29] =	ssyncadd.s32 $0xFFFFE000  }
0xe1: {  	[spmem:s2] =	stream.indirect.scatter.add.f32 [tilespmem:s22], [sflag:$0x4], $0x80, s30, s12, $0xb8;
	[tilespmem:$0x1D800] =	vst v63  }
0xe2: {  	s18 =	sand.u32 $0xFE00, s18;
	_ =	swait.ge [sflag:s13], $0x2000  }
0xe3: {  	s17 =	sshrl.u32 s18, $0x2;
	s0 =	sand.u32 $0x40, s0;
	[sflag:s13] =	ssyncset.done $0x0  }
0xe4: {  	s17 =	sor.u32 s0, s17;
	[sflag:s13] =	ssyncadd.s32 $0xFFFFE000  }
0xe5: {  	[tilespmem:s31], [sflag:$0x3] =	stream.indirect.gather [hbm4b:s4+s12], $0x80, s17, s12, $0xb8;
	[tilespmem:$0x1D800] =	vst v63  }
0xe6: {  	_ =	swait.ge [sflag:s1], $0x2000  }
0xe7: {  	[sflag:s1] =	ssyncset.done $0x0  }
0xe8: {  	s19 =	simm.s32 $0x1600;
	s20 =	simm.s32 $0x600;
	[sflag:s1] =	ssyncadd.s32 $0xFFFFE000  }
0xe9: {  	[spmem:s2] =	stream.indirect.scatter.add.f32 [tilespmem:s28], [sflag:$0x5], $0x80, s19, s12, $0xb8;
	[tilespmem:$0x1D800] =	vst v63  }
0xea: {  	s18 =	sand.u32 $0xFE00, s20;
	s21 =	simm.s32 $0x180;
	_ =	swait.ge [sflag:s6], $0x2000  }
0xeb: {  	s18 =	sshrl.u32 s18, $0x2;
	s17 =	sand.u32 $0x40, s21;
	[sflag:s6] =	ssyncset.done $0x0  }
0xec: {  	s17 =	sor.u32 s17, s18;
	[sflag:s6] =	ssyncadd.s32 $0xFFFFE000  }
0xed: {  	[tilespmem:s22], [sflag:$0x1] =	stream.indirect.gather [hbm4b:s4+s12], $0x80, s17, s12, $0xb8;
	[tilespmem:$0x1D800] =	vst v63  }
0xee: {  	s24 =	simm.s32 $0x700;
	_ =	swait.ge [sflag:s8], $0x2000  }
0xef: {  	s30 =	sand.u32 $0xFE00, s24;
	[sflag:s8] =	ssyncset.done $0x0  }
0xf0: {  	s20 =	sshrl.u32 s30, $0x2;
	s19 =	simm.s32 $0x1680;
	[sflag:s8] =	ssyncadd.s32 $0xFFFFE000  }
0xf1: {  	[spmem:s2] =	stream.indirect.scatter.add.f32 [tilespmem:s31], [sflag:$0x6], $0x80, s19, s12, $0xb8;
	[tilespmem:$0x1D800] =	vst v63  }
0xf2: {  	s21 =	sor.u32 s0, s20;
	_ =	swait.ge [sflag:s10], $0x2000  }
0xf3: {  	s20 =	simm.s32 $0x1800;
	s18 =	simm.s32 $0x80;
	[sflag:s10] =	ssyncset.done $0x0  }
0xf4: {  	s17 =	simm.s32 $0xA00;
	s19 =	simm.s32 $0x240;
	[sflag:s10] =	ssyncadd.s32 $0xFFFFE000  }
.LBB2_6:
0xf5: {  	[tilespmem:s28], [sflag:$0x2] =	stream.indirect.gather [hbm4b:s4+s12], $0x80, s21, s12, $0xb8;
	[tilespmem:$0x1D800] =	vst v63  }
0xf6: {  	s0 =	smov.u32 s17  }
0xf7: {  	p1 =	sne.s32 s17, $0x4F00;
	s17 =	sadd.s32 $0x300, s17;
	_ =	swait.ge [sflag:s29], $0x2000  }
0xf8: {  	[sflag:s29] =	ssyncset.done $0x0  }
0xf9: {  	s21 =	sadd.s32 $0xFFFFFF00, s20;
	s24 =	sadd.s32 $0xFFFFFE00, s0;
	[sflag:s29] =	ssyncadd.s32 $0xFFFFE000  }
0xfa: {  	[spmem:s2] =	stream.indirect.scatter.add.f32 [tilespmem:s22], [sflag:$0x4], $0x80, s21, s12, $0xb8;
	[tilespmem:$0x1D800] =	vst v63  }
0xfb: {  	s21 =	sand.u32 $0xFE00, s24;
	_ =	swait.ge [sflag:s13], $0x2000  }
0xfc: {  	s24 =	sand.u32 $0x40, s18;
	s21 =	sshrl.u32 s21, $0x2;
	[sflag:s13] =	ssyncset.done $0x0  }
0xfd: {  	s21 =	sor.u32 s24, s21;
	[sflag:s13] =	ssyncadd.s32 $0xFFFFE000  }
0xfe: {  	[tilespmem:s31], [sflag:$0x3] =	stream.indirect.gather [hbm4b:s4+s12], $0x80, s21, s12, $0xb8;
	[tilespmem:$0x1D800] =	vst v63  }
0xff: {  	_ =	swait.ge [sflag:s1], $0x2000  }
0x100: {  	[sflag:s1] =	ssyncset.done $0x0  }
0x101: {  	s30 =	sadd.s32 $0xFFFFFF00, s0;
	s21 =	sadd.s32 $0xFFFFFF80, s20;
	[sflag:s1] =	ssyncadd.s32 $0xFFFFE000  }
0x102: {  	[spmem:s2] =	stream.indirect.scatter.add.f32 [tilespmem:s28], [sflag:$0x5], $0x80, s21, s12, $0xb8;
	[tilespmem:$0x1D800] =	vst v63  }
0x103: {  	s21 =	sand.u32 $0xFE00, s30;
	_ =	swait.ge [sflag:s6], $0x2000  }
0x104: {  	s30 =	sand.u32 $0x40, s19;
	s21 =	sshrl.u32 s21, $0x2;
	[sflag:s6] =	ssyncset.done $0x0  }
0x105: {  	s21 =	sor.u32 s30, s21;
	[sflag:s6] =	ssyncadd.s32 $0xFFFFE000  }
0x106: {  	[tilespmem:s22], [sflag:$0x1] =	stream.indirect.gather [hbm4b:s4+s12], $0x80, s21, s12, $0xb8;
	[tilespmem:$0x1D800] =	vst v63  }
0x107: {  	_ =	swait.ge [sflag:s8], $0x2000  }
0x108: {  	[sflag:s8] =	ssyncset.done $0x0  }
.Ltmp2:
0x109: {  	[sflag:s8] =	ssyncadd.s32 $0xFFFFE000;
	(pc) =	sbr.rel @p1 .LBB2_6-.Ltmp2, $4  }
0x10a: {  	[spmem:s2] =	stream.indirect.scatter.add.f32 [tilespmem:s31], [sflag:$0x6], $0x80, s20, s12, $0xb8;
	[tilespmem:$0x1D800] =	vst v63  }
0x10b: {  	s0 =	sand.u32 $0xFE00, s0;
	s18 =	sadd.s32 $0x40, s18;
	_ =	swait.ge [sflag:s10], $0x2000  }
0x10c: {  	s0 =	sshrl.u32 s0, $0x2;
	s19 =	sadd.s32 $0xC0, s19;
	[sflag:s10] =	ssyncset.done $0x0  }
0x10d: {  	s21 =	sor.u32 s24, s0;
	s20 =	sadd.s32 $0x180, s20;
	[sflag:s10] =	ssyncadd.s32 $0xFFFFE000  }
0x10e: {  	[tilespmem:s28], [sflag:$0x2] =	stream.indirect.gather [hbm4b:s4+s12], $0x80, s21, s12, $0xb8;
	[tilespmem:$0x1D800] =	vst v63  }
0x10f: {  	_ =	swait.ge [sflag:s29], $0x2000  }
0x110: {  	[sflag:s29] =	ssyncset.done $0x0  }
0x111: {  	[sflag:s29] =	ssyncadd.s32 $0xFFFFE000  }
0x112: {  	[spmem:s2] =	stream.indirect.scatter.add.f32 [tilespmem:s22], [sflag:$0x4], $0x80, s14, s12, $0xb8;
	[tilespmem:$0x1D800] =	vst v63  }
0x113: {  	_ =	swait.ge [sflag:s13], $0x2000  }
0x114: {  	[sflag:s13] =	ssyncset.done $0x0  }
0x115: {  	[sflag:s13] =	ssyncadd.s32 $0xFFFFE000  }
0x116: {  	_ =	swait.ge [sflag:s1], $0x2000  }
0x117: {  	[sflag:s1] =	ssyncset.done $0x0  }
0x118: {  	[sflag:s1] =	ssyncadd.s32 $0xFFFFE000  }
0x119: {  	[spmem:s2] =	stream.indirect.scatter.add.f32 [tilespmem:s28], [sflag:$0x5], $0x80, s15, s12, $0xb8;
	[tilespmem:$0x1D800] =	vst v63  }
0x11a: {  	_ =	swait.ge [sflag:s6], $0x2000  }
0x11b: {  	[sflag:s6] =	ssyncset.done $0x0  }
0x11c: {  	[sflag:s6] =	ssyncadd.s32 $0xFFFFE000  }
0x11d: {  	_ =	swait.ge [sflag:s10], $0x2000  }
0x11e: {  	[sflag:s10] =	ssyncset.done $0x0  }
0x11f: {  	[sflag:s10] =	ssyncadd.s32 $0xFFFFE000  }
0x120: {  	s0 =	stileid.u32;
	[bflag:$0x0] =	sbarrier.arrive $0xFFFF  }
0x121: {  	s0 =	sshll.u32 s0, $0x6;
	s17 =	rddreg [dreg:$0x10]  }
0x122: {  	s0 =	sor.u32 $0x1C07, s0;
	s18 =	rddreg [dreg:$0x13]  }
0x123: {  	[hbm:s17], [sflag:s0] =	dma.local [spmem:s18], $0x2700  }
0x124: {  	_ =	swait.ge [sflag:s23], $0x2700  }
0x125: {  	[sflag:s23] =	ssyncset.done $0x0  }
0x126: {  	s17 =	rddreg [dreg:$0x11];
	[sflag:s23] =	ssyncadd.s32 $0xFFFFD900  }
0x127: {  	[hbm:s17], [sflag:s0] =	dma.local @!p0 [spmem:s25], $0x100  }
0x128: {  	s0 =	simm.s32 @!p0 $0x7  }
0x129: {  	_ =	swait.ge @!p0 [sflag:s0], $0x100  }
0x12a: {  	s16 =	sadd.s32 $0x1, s16;
	s30 =	rddreg [dreg:$0x12]  }
0x12b: {  	p1 =	sne.s32 s16, s30  }
.Ltmp3:
0x12c: {  	_ = 	snop;
	(pc) =	sbr.rel @p1 .LBB2_1-.Ltmp3, $3  }
0x12d: {  	_ =	sdelay $0x1  }
0x12e: {  	[sflag:s0] =	ssyncset.done @!p0 $0x0  }
0x12f: {  	[sflag:s0] =	ssyncadd.s32 @!p0 $0xFFFFFF00  }
0x130: {  	_ =	sfence.sel $0x180000  }
0x131: {  	[bflag:$0x0] =	sbarrier.arrive $0xFFFF  }
0x132: {  	_ =	strace $0x9000004A  }
0x133: {  	s0 =	stileid.u32;
	[bflag:$0x2] =	sbarrier.arrive $0xFFFF  }
0x134: {  	p0 =	sne.s32 s0, $0x0;
	s0 =	rddreg [dreg:$0x2]  }
0x135: {  	s0 =	sadd.s32 @!p0 $0x100000, s0  }
0x136: {  	[sflag:s0] =	ssyncadd.tile.s32 @!p0 $0x1;
	_ =	shalt  }
.Lfunc_end2:
_tile_overlayer_lowered:
.L_overlay_start_2:
0x137: {  	(tag) =	ssettag $0x2  }
0x138: {  	s0 =	rddreg [dreg:$0x0];
	s2 =	stileid.u32  }
0x139: {  	s1 =	rddreg [dreg:$0x1];
	p0 =	sne.s32 s2, $0x0  }
0x13a: {  	s3 =	rddreg [dreg:$0x2];
	[bflag:$0x3] =	sbarrier.arrive $0xFFFF;
	s2 =	simm.s32 @!p0 $0x1C07  }
0x13b: {  	[timem:s3], [sflag:s2] =	dma.local @!p0 [hbm:s0], s1  }
0x13c: {  	s0 =	simm.s32 @!p0 $0x7  }
0x13d: {  	_ =	swait.ge @!p0 [sflag:s0], s1  }
0x13e: {  	s1 =	ssub.s32 @!p0 $0x0, s1;
	[sflag:s0] =	ssyncset.done @!p0 $0x0  }
0x13f: {  	[sflag:s0] =	ssyncadd.s32 @!p0 s1  }
0x140: {  	[bflag:$0x3] =	sbarrier.arrive $0xFFFF  }
0x141: {  	_ =	shalt  }

// kernel: kernel.16.cloned.1.call-start
scs
__scs_entry_jumppad:
0x0: {  	(pc) =	sbr.rel $0x88, $3  }
0x1: {  	(tag) =	ssettag $0x0;
	lr =	simm.s32 $0x1  }
0x2: {  	[smem:$0x3F99] =	sst lr;
	_ =	strace $0xD0000000  }
0x3: {  	_ = 	snop  }
0x4: {  	_ = 	snop  }
0x5: {  	_ = 	snop  }
0x6: {  	_ = 	snop  }
0x7: {  	_ = 	snop  }
__scs_overlays_trampoline_lowered:
0x8: {  	[smem:$0x3FA8] =	sst s0  }
0x9: {  	[smem:$0x3FA9] =	sst s1  }
0xa: {  	[smem:$0x3FAA] =	sst s2  }
0xb: {  	[smem:$0x3FAB] =	sst s3  }
0xc: {  	[smem:$0x3FAC] =	sst s4  }
0xd: {  	[smem:$0x3FAD] =	sst s5  }
0xe: {  	[smem:$0x3FAE] =	sst s6  }
0xf: {  	[smem:$0x3FAF] =	sst s7  }
0x10: {  	[smem:$0x3FB0] =	sst s8  }
0x11: {  	[smem:$0x3FB1] =	sst s9;
	s0 =	simm.s32 @!p0 $0x0  }
0x12: {  	s1 =	sld [smem:$0x3F97];
	s0 =	simm.s32 @p0 $0x1  }
0x13: {  	[smem:$0x3FB2] =	sst s0;
	s0 =	simm.s32 @!p1 $0x0  }
0x14: {  	s2 =	sld [smem:$0x3F96];
	s0 =	simm.s32 @p1 $0x1  }
0x15: {  	[smem:$0x3FB3] =	sst s0;
	s0 =	simm.s32 @!p2 $0x0  }
0x16: {  	s3 =	sld [smem:$0x3FDB];
	s0 =	simm.s32 @p2 $0x1  }
0x17: {  	s4 =	simm.s32 $0x1BF5;
	[smem:$0x3FB5] =	sst s0  }
0x18: {  	s0 =	sld [smem:$0x3F98];
	_ =	swait.ge [sflag:s4], $0x0  }
0x19: {  	s7 =	sld [smem:$0x3F99]  }
0x1a: {  	s8 =	sadd.s32 $0xFFFFE003, lr  }
0x1b: {  	s9 =	sadd.s32 $0xFFFFFEF7, lr;
	s5 =	simm.s32 $0xFFFFFFFF;
	p2 =	slt.u32 s8, $0xFFFFF086  }
0x1c: {  	p1 =	slt.u32 s9, $0xF7A;
	s5 =	simm.s32 @!p2 $0x0  }
0x1d: {  	s5 =	simm.s32 @p1 $0x1;
	p0 =	seq.s32 s7, s2  }
0x1e: {  	s7 =	smul.u32 @!p0 $0xF7A, s2;
	p2 =	seq.s32 @!p0 s5, $0x0  }
0x1f: {  	s9 =	smul.u32 $0xF7A, s1;
	s8 =	simm.s32 @!p0 $0x1BF5;
	p2 =	por !p2, p0  }
0x20: {  	[sflag:s8] =	ssyncset.s32 @!p0 $0xFFFFF086;
	s6 =	sadd.s32 @!p0 s3, s7;
	s7 =	simm.s32 @!p0 $0x108  }
0x21: {  	s3 =	sadd.s32 s3, s9;
	s6 =	sadd.s32 @!p0 $0x88, s6;
	s7 =	simm.s32 @p2 $0x1082  }
0x22: {  	[simem:s7], [sflag:s8] =	dma.local @!p0 [hbm:s6], $0xF7A  }
0x23: {  	s9 =	sor.u32 $0xD0000000, s2;
	s6 =	simm.s32 $0x108;
	_ =	swait.ge @!p0 [sflag:s8], $0x0  }
0x24: {  	s3 =	sadd.s32 $0x88, s3;
	s6 =	simm.s32 @!p1 $0x1082;
	[sflag:s4] =	ssyncset.s32 $0xFFFFF086  }
0x25: {  	[simem:s6], [sflag:s4] =	dma.local [hbm:s3], $0xF7A  }
0x26: {  	[smem:$0x3F99] =	sst s1;
	(tag) =	ssettag s2;
	_ =	strace s9  }
0x27: {  	s1 =	sld [smem:$0x3FA9]  }
0x28: {  	s2 =	sld [smem:$0x3FAA]  }
0x29: {  	s4 =	sld [smem:$0x3FAC]  }
0x2a: {  	p0 =	seq.s32 s5, $0x0;
	s5 =	sld [smem:$0x3FAD]  }
0x2b: {  	s6 =	sld [smem:$0x3FAE]  }
0x2c: {  	s7 =	sld [smem:$0x3FAF]  }
0x2d: {  	s3 =	simm.s32 $0x108;
	s8 =	sld [smem:$0x3FB0]  }
0x2e: {  	s3 =	simm.s32 @!p0 $0x1082;
	s9 =	sld [smem:$0x3FB1]  }
0x2f: {  	lr =	sadd.s32 s0, s3;
	s0 =	sld [smem:$0x3FA8]  }
0x30: {  	s3 =	sld [smem:$0x3FAB]  }
0x31: {  	[smem:$0x3FB4] =	sst s10  }
0x32: {  	s10 =	sld [smem:$0x3FB2];
	_ =	sdelay $0x3  }
0x33: {  	p0 =	seq.s32 s10, $0x1;
	s10 =	sld [smem:$0x3FB4];
	_ =	sdelay $0x3  }
0x34: {  	[smem:$0x3FB4] =	sst s10  }
0x35: {  	s10 =	sld [smem:$0x3FB3];
	_ =	sdelay $0x3  }
0x36: {  	p1 =	seq.s32 s10, $0x1;
	s10 =	sld [smem:$0x3FB4];
	_ =	sdelay $0x3  }
0x37: {  	[smem:$0x3FB4] =	sst s10  }
0x38: {  	s10 =	sld [smem:$0x3FB5]  }
0x39: {  	_ = 	snop;
	(pc) =	sbr.ind lr, $3  }
0x3a: {  	_ = 	snop  }
0x3b: {  	_ = 	snop  }
0x3c: {  	p2 =	seq.s32 s10, $0x1;
	s10 =	sld [smem:$0x3FB4]  }
0x3d: {  	_ =	shalt  }
0x3e: {  	_ =	shalt  }
0x3f: {  	_ =	shalt  }
0x40: {  	_ =	shalt  }
0x41: {  	_ =	shalt  }
0x42: {  	_ =	shalt  }
0x43: {  	_ =	shalt  }
0x44: {  	_ =	shalt  }
0x45: {  	_ =	shalt  }
0x46: {  	_ =	shalt  }
0x47: {  	_ =	shalt  }
0x48: {  	_ =	shalt  }
0x49: {  	_ =	shalt  }
0x4a: {  	_ =	shalt  }
0x4b: {  	_ =	shalt  }
0x4c: {  	_ =	shalt  }
0x4d: {  	_ =	shalt  }
0x4e: {  	_ =	shalt  }
0x4f: {  	_ =	shalt  }
0x50: {  	_ =	shalt  }
0x51: {  	_ =	shalt  }
0x52: {  	_ =	shalt  }
0x53: {  	_ =	shalt  }
0x54: {  	_ =	shalt  }
0x55: {  	_ =	shalt  }
0x56: {  	_ =	shalt  }
0x57: {  	_ =	shalt  }
0x58: {  	_ =	shalt  }
0x59: {  	_ =	shalt  }
0x5a: {  	_ =	shalt  }
0x5b: {  	_ =	shalt  }
0x5c: {  	_ =	shalt  }
0x5d: {  	_ =	shalt  }
0x5e: {  	_ =	shalt  }
0x5f: {  	_ =	shalt  }
0x60: {  	_ =	shalt  }
0x61: {  	_ =	shalt  }
0x62: {  	_ =	shalt  }
0x63: {  	_ =	shalt  }
0x64: {  	_ =	shalt  }
0x65: {  	_ =	shalt  }
0x66: {  	_ =	shalt  }
0x67: {  	_ =	shalt  }
0x68: {  	_ =	shalt  }
0x69: {  	_ =	shalt  }
0x6a: {  	_ =	shalt  }
0x6b: {  	_ =	shalt  }
0x6c: {  	_ =	shalt  }
0x6d: {  	_ =	shalt  }
0x6e: {  	_ =	shalt  }
0x6f: {  	_ =	shalt  }
0x70: {  	_ =	shalt  }
0x71: {  	_ =	shalt  }
0x72: {  	_ =	shalt  }
0x73: {  	_ =	shalt  }
0x74: {  	_ =	shalt  }
0x75: {  	_ =	shalt  }
0x76: {  	_ =	shalt  }
0x77: {  	_ =	shalt  }
0x78: {  	_ =	shalt  }
0x79: {  	_ =	shalt  }
0x7a: {  	_ =	shalt  }
0x7b: {  	_ =	shalt  }
0x7c: {  	_ =	shalt  }
0x7d: {  	_ =	shalt  }
0x7e: {  	_ =	shalt  }
0x7f: {  	_ =	shalt  }
0x80: {  	_ =	shalt  }
0x81: {  	_ =	shalt  }
0x82: {  	_ =	shalt  }
0x83: {  	_ =	shalt  }
0x84: {  	_ =	shalt  }
0x85: {  	_ =	shalt  }
0x86: {  	_ =	shalt  }
0x87: {  	_ =	shalt  }
.Lfunc_end0:
.L_simem_size_0:
called_computation.2_lowered:
.L_overlay_start_0:
0x88: {  	s2 =	sld [smem:$0x3FD9]  }
0x89: {  	s3 =	sld [smem:$0x3FFE];
	_ =	sdelay $0x1  }
0x8a: {  	s1 =	srdreg.scid  }
0x8b: {  	s0 =	sand.u32 $0x1, s1  }
0x8c: {  	s16 =	sshll.u32 s0, $0xA;
	s2 =	sadd.s32 s3, s2  }
0x8d: {  	s2 =	sadd.s32 s2, s16  }
0x8e: {  	[smem:$0x3FC0] =	sst s2  }
0x8f: {  	_ = 	snop  }
0x90: {  	(tm) =	ssettm $0x1  }
0x91: {  	s17 =	sld [smem:$0x3FFB];
	_ =	sdelay $0x3  }
0x92: {  	_ =	strace s17  }
0x93: {  	s2 =	sld [smem:$0x3FFC];
	_ =	sdelay $0x3  }
0x94: {  	_ =	strace s2  }
0x95: {  	s2 =	sld [smem:$0x3FFD];
	_ =	sdelay $0x3  }
0x96: {  	_ =	strace s2  }
0x97: {  	_ =	strace $0x8FFFFFFF  }
0x98: {  	s18 =	sld [smem:$0x3FDB];
	_ =	sdelay $0x1  }
0x99: {  	s19 =	simm.s32 $_scs_section_size  }
0x9a: {  	s4 =	simm.s32 $_size__tile_overlayer_lowered;
	s5 =	simm.s32 $_tile_overlayer_lowered  }
0x9b: {  	s22 =	simm.s32 $0x1BFF;
	s21 =	sshll.u32 s5, $0x1;
	s2 =	sadd.s32 s19, s18  }
0x9c: {  	s6 =	simm.s32 $0x0;
	s20 =	sshll.u32 s4, $0x1;
	s4 =	sadd.s32 s21, s2  }
0x9d: {  	[timem:s6], [sflag:s22] =	dma.local [hbm:s4], s20  }
0x9e: {  	_ =	swait.ge [sflag:s22], s20  }
0x9f: {  	s3 =	ssub.s32 $0x0, s20;
	[sflag:s22] =	ssyncset.done $0x0  }
0xa0: {  	[sflag:s22] =	ssyncadd.s32 s3;
	_ =	sdelay $0x1  }
0xa1: {  	s23 =	simm.s32 $0x1B8B  }
0xa2: {  	_ =	swait.ge [sflag:s23], $0x1  }
0xa3: {  	[sflag:s23] =	ssyncset.done $0x0  }
0xa4: {  	s25 =	simm.s32 $0x1B8E;
	s24 =	sld [smem:$0x3FFE];
	[sflag:s23] =	ssyncadd.s32 $0xFFFFFFFF  }
0xa5: {  	s26 =	simm.s32 $execute0_lowered;
	[smem:$0x3FD2] =	sst s25  }
0xa6: {  	s4 =	sshll.u32 s26, $0x1;
	_ =	strace $0x8000004C;
	[dreg:$0x1] =	wrdreg $0xFFFFFFFF  }
0xa7: {  	s28 =	simm.s32 $_size_execute0_lowered;
	s2 =	sadd.s32 s2, s4;
	[dreg:$0x0] =	wrdreg $0x0  }
0xa8: {  	s4 =	sshll.u32 s28, $0x1;
	[dreg:$0x2] =	wrdreg s2  }
0xa9: {  	[dreg:$0x3] =	wrdreg s4  }
0xaa: {  	[dreg:$0x4] =	wrdreg $0xC0  }
0xab: {  	_ =	task [dreg:s6], $0x5FFFF  }
0xac: {  	[dreg:$0x1] =	wrdreg $0xFFFFFFFF  }
0xad: {  	[dreg:$0x0] =	wrdreg $0x60  }
0xae: {  	[dreg:$0x2] =	wrdreg s24  }
0xaf: {  	[dreg:$0x3] =	wrdreg $0x3C000  }
0xb0: {  	[dreg:$0x4] =	wrdreg $0x9  }
0xb1: {  	_ =	task.clear_ibuf [dreg:s6], $0x5FFFF;
	_ =	strace $0x9000004C  }
0xb2: {  	s29 =	simm.s32 $0x9;
	_ =	strace $0x8000004E  }
0xb3: {  	_ =	swait.ge [sflag:s29], $0x1  }
0xb4: {  	[sflag:s29] =	ssyncadd.s32 $0xFFFFFFFF  }
0xb5: {  	_ =	strace $0x9000004E  }
0xb6: {  	_ =	sfence  }
0xb7: {  	s30 =	sld [smem:$0x0];
	_ =	sdelay $0x2  }
0xb8: {  	s31 =	sshll.u32 s1, $0xD;
	s1 =	sshrl.u32 s1, $0x2  }
0xb9: {  	s3 =	sand.u32 $0x4000, s31;
	s1 =	sadd.s32 s1, s30  }
0xba: {  	s0 =	sor.u32 s3, s0;
	s1 =	sshll.u32 s1, $0x11  }
0xbb: {  	s0 =	sor.u32 s1, s0  }
0xbc: {  	s0 =	sadd.s32 $0x8F2B, s0  }
0xbd: {  	[sflag:s0] =	ssyncadd.remote.s32 $0x1  }
0xbe: {  	_ =	sfence.sel $0xFFFF  }
0xbf: {  	[dreg:$0x0] =	wrdreg $0xFFFFFFFF;
	(pc) =	sbr.abs _section_cstart, $3  }
0xc0: {  	[dreg:$0x1] =	wrdreg $0xFFFFFFFF  }
0xc1: {  	_ =	task.clear_ibuf [dreg:s6], $0x2FFFF;
	_ =	strace $0x9FFFFFFF  }
0xc2: {  	(tm) =	ssettm $0x7FFFFFFF  }
0xc3: {  	_ =	shalt  }
tec
execute0_lowered:
.L_overlay_start_1:
0x0: {  	(tag) =	ssettag $0x1  }
0x1: {  	s0 =	srdreg.scid;
	s6 =	rddreg [dreg:$0x0]  }
0x2: {  	s10 =	stileid.u32;
	s2 =	rddreg [dreg:$0x1]  }
0x3: {  	s3 =	simm.s32 $0x0;
	s0 =	sand.u32 $0x1, s0;
	s7 =	smul.u32 $0x4F000, s10  }
0x4: {  	s28 =	simm.s32 $0x19800;
	s20 =	smul.u32 $0x13800, s10;
	s1 =	sshll.u32 s0, $0x4  }
0x5: {  	s29 =	simm.s32 $0x1;
	s24 =	smul.u32 $0x4E000, s10;
	s1 =	sor.u32 s10, s1  }
0x6: {  	s31 =	simm.s32 $0x1B800;
	[smem:$0x7FF] =	sst s3;
	s4 =	smul.u32 $0x2800, s1  }
0x7: {  	p0 =	sne.s32 s10, $0xF;
	_ =	strace $0x8000004D;
	s9 =	ssub.s32 $0x2, s0  }
0x8: {  	s0 =	smul.u32 $0x138800, s0;
	s7 =	sshrl.u32 s7, $0x2;
	s5 =	sshrl.u32 s4, $0x3  }
0x9: {  	s11 =	sshrl.u32 s9, $0x1;
	s8 =	sadd.s32 s5, s6;
	s5 =	sadd.s32 s7, s2  }
0xa: {  	s26 =	sshrl.u32 s24, $0x2;
	s10 =	simm.s32 $0x5;
	s12 =	sadd.s32 $0x2000, s5  }
0xb: {  	s1 =	smul.u32 $0x5000, s1;
	s13 =	sadd.s32 $0x4000, s5;
	[dreg:$0x3] =	wrdreg s12  }
0xc: {  	s23 =	sadd.s32 s20, s0;
	s14 =	sadd.s32 $0x6000, s5;
	[dreg:$0x4] =	wrdreg s13  }
0xd: {  	s0 =	sshrl.u32 s0, $0x3;
	s15 =	sadd.s32 $0x8000, s5;
	[dreg:$0x5] =	wrdreg s14  }
0xe: {  	s25 =	sshrl.u32 s23, $0x3;
	s16 =	sadd.s32 $0xA000, s5;
	[dreg:$0x6] =	wrdreg s15  }
0xf: {  	s23 =	simm.s32 $0x7;
	s17 =	sadd.s32 $0xC000, s5;
	[dreg:$0x7] =	wrdreg s16  }
0x10: {  	s4 =	sadd.s32 $0x20C00, s6;
	s18 =	sadd.s32 $0xE000, s5;
	[dreg:$0x8] =	wrdreg s17  }
0x11: {  	s1 =	sshrl.u32 s1, $0x3;
	s19 =	sadd.s32 $0x10000, s5;
	[dreg:$0x9] =	wrdreg s18  }
0x12: {  	s7 =	ssub.s32 s9, s11;
	s11 =	sadd.s32 $0x12000, s5;
	[dreg:$0xa] =	wrdreg s19  }
0x13: {  	s1 =	sadd.s32 s1, s6;
	s21 =	sadd.s32 $0x2C00, s8;
	[dreg:$0xb] =	wrdreg s11  }
0x14: {  	s6 =	sadd.s32 $0x47E00, s6;
	s22 =	sadd.s32 $0xCC00, s1;
	[dreg:$0xc] =	wrdreg s21  }
0x15: {  	s9 =	simm.s32 $0x1500;
	s8 =	sadd.s32 $0x2E80, s8;
	[dreg:$0xd] =	wrdreg s22  }
0x16: {  	s1 =	sadd.s32 $0xD100, s1;
	s0 =	sadd.s32 s6, s0;
	[dreg:$0xe] =	wrdreg s8  }
0x17: {  	s30 =	smax.u32 s7, $0x1;
	s7 =	simm.s32 $0xC0;
	[dreg:$0xf] =	wrdreg s1  }
0x18: {  	s1 =	sadd.s32 s6, s25;
	s0 =	sadd.s32 $0x27000, s0;
	[dreg:$0x12] =	wrdreg s30  }
0x19: {  	s22 =	simm.s32 $0x17800;
	s6 =	simm.s32 $0x4;
	s8 =	simm.s32 $0x3  }
0x1a: {  	s11 =	simm.s32 $0x100;
	s12 =	simm.s32 $0x40;
	s13 =	simm.s32 $0x6  }
0x1b: {  	s14 =	simm.s32 $0x3B00;
	s15 =	simm.s32 $0x3B80;
	[dreg:$0x10] =	wrdreg s1  }
0x1c: {  	s16 =	simm.s32 $0x0;
	s1 =	sadd.s32 s26, s2;
	[dreg:$0x11] =	wrdreg s0  }
0x1d: {  	s0 =	sadd.s32 $0x138000, s2;
	s26 =	simm.s32 $0x1400;
	s1 =	sshrl.u32 s1, $0x3  }
0x1e: {  	v0 =	vimm.f32 $0.0e+00;
	s25 =	sshrl.u32 @!p0 s0, $0x3;
	[dreg:$0x13] =	wrdreg s1;
	s1 =	simm.s32 $0x2  }
.LBB2_1:
0x1f: {  	s17 =	simm.s32 $0x0;
	s18 =	simm.s32 $0x200  }
.LBB2_2:
0x20: {  	p1 =	sne.s32 s18, $0x7E00;
	[tilespmem:s17+$0x17870] =	vst v0  }
0x21: {  	[tilespmem:s17+$0x17800] =	vst v0  }
0x22: {  	[tilespmem:s17+$0x17810] =	vst v0  }
.Ltmp0:
0x23: {  	[tilespmem:s17+$0x17820] =	vst v0;
	(pc) =	sbr.rel @p1 .LBB2_2-.Ltmp0, $4  }
0x24: {  	[tilespmem:s17+$0x17830] =	vst v0  }
0x25: {  	[tilespmem:s17+$0x17840] =	vst v0  }
0x26: {  	[tilespmem:s17+$0x17850] =	vst v0  }
0x27: {  	[tilespmem:s17+$0x17860] =	vst v0;
	s17 =	sshra.s32 s18, $0x2;
	s18 =	sadd.s32 $0x200, s18  }
0x28: {  	[tilespmem:s17+$0x17870] =	vst v0  }
0x29: {  	[tilespmem:s17+$0x17800] =	vst v0  }
0x2a: {  	[tilespmem:s17+$0x17810] =	vst v0  }
0x2b: {  	[tilespmem:s17+$0x17820] =	vst v0  }
0x2c: {  	[tilespmem:s17+$0x17830] =	vst v0  }
0x2d: {  	[tilespmem:s17+$0x17840] =	vst v0  }
0x2e: {  	[tilespmem:s17+$0x17850] =	vst v0  }
0x2f: {  	[tilespmem:s17+$0x17860] =	vst v0  }
0x30: {  	[spmem:s5] =	stream.linear.scatter [tilespmem:s22], [sflag:$0x7], $0x2000, $0x38;
	[tilespmem:$0x1D800] =	vst v63  }
0x31: {  	_ =	swait.ge [sflag:s23], $0x2000  }
0x32: {  	[sflag:s23] =	ssyncset.done $0x0  }
0x33: {  	s0 =	rddreg [dreg:$0x3];
	[sflag:s23] =	ssyncadd.s32 $0xFFFFE000  }
0x34: {  	[spmem:s0] =	stream.linear.scatter [tilespmem:s22], [sflag:$0x7], $0x2000, $0x38;
	[tilespmem:$0x1D800] =	vst v63  }
0x35: {  	_ =	swait.ge [sflag:s23], $0x2000  }
0x36: {  	[sflag:s23] =	ssyncset.done $0x0  }
0x37: {  	s20 =	rddreg [dreg:$0x4];
	[sflag:s23] =	ssyncadd.s32 $0xFFFFE000  }
0x38: {  	[spmem:s20] =	stream.linear.scatter [tilespmem:s22], [sflag:$0x7], $0x2000, $0x38;
	[tilespmem:$0x1D800] =	vst v63  }
0x39: {  	_ =	swait.ge [sflag:s23], $0x2000  }
0x3a: {  	[sflag:s23] =	ssyncset.done $0x0  }
0x3b: {  	s21 =	rddreg [dreg:$0x5];
	[sflag:s23] =	ssyncadd.s32 $0xFFFFE000  }
0x3c: {  	[spmem:s21] =	stream.linear.scatter [tilespmem:s22], [sflag:$0x7], $0x2000, $0x38;
	[tilespmem:$0x1D800] =	vst v63  }
0x3d: {  	_ =	swait.ge [sflag:s23], $0x2000  }
0x3e: {  	[sflag:s23] =	ssyncset.done $0x0  }
0x3f: {  	s24 =	rddreg [dreg:$0x6];
	[sflag:s23] =	ssyncadd.s32 $0xFFFFE000  }
0x40: {  	[spmem:s24] =	stream.linear.scatter [tilespmem:s22], [sflag:$0x7], $0x2000, $0x38;
	[tilespmem:$0x1D800] =	vst v63  }
0x41: {  	_ =	swait.ge [sflag:s23], $0x2000  }
0x42: {  	[sflag:s23] =	ssyncset.done $0x0  }
0x43: {  	s30 =	rddreg [dreg:$0x7];
	[sflag:s23] =	ssyncadd.s32 $0xFFFFE000  }
0x44: {  	[spmem:s30] =	stream.linear.scatter [tilespmem:s22], [sflag:$0x7], $0x2000, $0x38;
	[tilespmem:$0x1D800] =	vst v63  }
0x45: {  	_ =	swait.ge [sflag:s23], $0x2000  }
0x46: {  	[sflag:s23] =	ssyncset.done $0x0  }
0x47: {  	s17 =	rddreg [dreg:$0x8];
	[sflag:s23] =	ssyncadd.s32 $0xFFFFE000  }
0x48: {  	[spmem:s17] =	stream.linear.scatter [tilespmem:s22], [sflag:$0x7], $0x2000, $0x38;
	[tilespmem:$0x1D800] =	vst v63  }
0x49: {  	_ =	swait.ge [sflag:s23], $0x2000  }
0x4a: {  	[sflag:s23] =	ssyncset.done $0x0  }
0x4b: {  	s18 =	rddreg [dreg:$0x9];
	[sflag:s23] =	ssyncadd.s32 $0xFFFFE000  }
0x4c: {  	[spmem:s18] =	stream.linear.scatter [tilespmem:s22], [sflag:$0x7], $0x2000, $0x38;
	[tilespmem:$0x1D800] =	vst v63  }
0x4d: {  	_ =	swait.ge [sflag:s23], $0x2000  }
0x4e: {  	[sflag:s23] =	ssyncset.done $0x0  }
0x4f: {  	s19 =	rddreg [dreg:$0xa];
	[sflag:s23] =	ssyncadd.s32 $0xFFFFE000  }
0x50: {  	[spmem:s19] =	stream.linear.scatter [tilespmem:s22], [sflag:$0x7], $0x2000, $0x38;
	[tilespmem:$0x1D800] =	vst v63  }
0x51: {  	_ =	swait.ge [sflag:s23], $0x2000  }
0x52: {  	[sflag:s23] =	ssyncset.done $0x0  }
0x53: {  	s20 =	rddreg [dreg:$0xb];
	[sflag:s23] =	ssyncadd.s32 $0xFFFFE000  }
0x54: {  	[spmem:s20] =	stream.linear.scatter [tilespmem:s22], [sflag:$0x7], $0x1C00, $0x38;
	[tilespmem:$0x1D800] =	vst v63  }
0x55: {  	_ =	swait.ge [sflag:s23], $0x1C00  }
0x56: {  	[sflag:s23] =	ssyncset.done $0x0  }
0x57: {  	[sflag:s23] =	ssyncadd.s32 $0xFFFFE400  }
0x58: {  	[bflag:$0x0] =	sbarrier.arrive $0xFFFF  }
0x59: {  	s21 =	rddreg [dreg:$0xc]  }
0x5a: {  	[tilespmem:s3], [sflag:$0x7] =	stream.linear.gather [hbm4b:s21+s3], $0x1400, $0x38;
	[tilespmem:$0x1D800] =	vst v63  }
0x5b: {  	_ =	swait.ge [sflag:s23], $0x1400  }
0x5c: {  	[sflag:s23] =	ssyncset.done $0x0  }
0x5d: {  	s24 =	rddreg [dreg:$0xd];
	[sflag:s23] =	ssyncadd.s32 $0xFFFFEC00  }
0x5e: {  	[tilespmem:s26], [sflag:$0x7] =	stream.linear.gather [hbm4b:s24+s3], $0x2800, $0x38;
	[tilespmem:$0x1D800] =	vst v63  }
0x5f: {  	_ =	swait.ge [sflag:s23], $0x2800  }
0x60: {  	[sflag:s23] =	ssyncset.done $0x0  }
0x61: {  	s30 =	simm.s32 $0x40;
	[sflag:s23] =	ssyncadd.s32 $0xFFFFD800  }
0x62: {  	[tilespmem:s22], [sflag:$0x1] =	stream.indirect.gather [hbm4b:s4+s30], $0x80, s3, s30, $0xb8;
	[tilespmem:$0x1D800] =	vst v63  }
0x63: {  	_ = 	snop  }
0x64: {  	[tilespmem:s28], [sflag:$0x2] =	stream.indirect.gather [hbm4b:s4+s30], $0x80, s30, s30, $0xb8;
	[tilespmem:$0x1D800] =	vst v63  }
0x65: {  	_ =	swait.ge [sflag:s29], $0x2000  }
0x66: {  	[sflag:s29] =	ssyncset.done $0x0  }
0x67: {  	[sflag:s29] =	ssyncadd.s32 $0xFFFFE000  }
0x68: {  	[spmem:s2] =	stream.indirect.scatter.add.f32 [tilespmem:s22], [sflag:$0x4], $0x80, s26, s30, $0xb8;
	[tilespmem:$0x1D800] =	vst v63  }
0x69: {  	s19 =	simm.s32 $0x80  }
0x6a: {  	[tilespmem:s31], [sflag:$0x3] =	stream.indirect.gather [hbm4b:s4+s30], $0x80, s19, s30, $0xb8;
	[tilespmem:$0x1D800] =	vst v63  }
0x6b: {  	_ =	swait.ge [sflag:s1], $0x2000  }
0x6c: {  	[sflag:s1] =	ssyncset.done $0x0  }
0x6d: {  	s20 =	simm.s32 $0x1480;
	[sflag:s1] =	ssyncadd.s32 $0xFFFFE000  }
0x6e: {  	[spmem:s2] =	stream.indirect.scatter.add.f32 [tilespmem:s28], [sflag:$0x5], $0x80, s20, s30, $0xb8;
	[tilespmem:$0x1D800] =	vst v63  }
0x6f: {  	_ =	swait.ge [sflag:s6], $0x2000  }
0x70: {  	[sflag:s6] =	ssyncset.done $0x0  }
0x71: {  	[sflag:s6] =	ssyncadd.s32 $0xFFFFE000  }
0x72: {  	[tilespmem:s22], [sflag:$0x1] =	stream.indirect.gather [hbm4b:s4+s30], $0x80, s7, s30, $0xb8;
	[tilespmem:$0x1D800] =	vst v63  }
0x73: {  	_ =	swait.ge [sflag:s8], $0x2000  }
0x74: {  	[sflag:s8] =	ssyncset.done $0x0  }
0x75: {  	[sflag:s8] =	ssyncadd.s32 $0xFFFFE000  }
0x76: {  	[spmem:s2] =	stream.indirect.scatter.add.f32 [tilespmem:s31], [sflag:$0x6], $0x80, s9, s30, $0xb8;
	[tilespmem:$0x1D800] =	vst v63  }
0x77: {  	_ =	swait.ge [sflag:s10], $0x2000  }
0x78: {  	[sflag:s10] =	ssyncset.done $0x0  }
0x79: {  	[sflag:s10] =	ssyncadd.s32 $0xFFFFE000  }
0x7a: {  	[tilespmem:s28], [sflag:$0x2] =	stream.indirect.gather [hbm4b:s4+s30], $0x80, s11, s30, $0xb8;
	[tilespmem:$0x1D800] =	vst v63  }
0x7b: {  	_ =	swait.ge [sflag:s29], $0x2000  }
0x7c: {  	[sflag:s29] =	ssyncset.done $0x0  }
0x7d: {  	s18 =	simm.s32 $0x1580;
	s19 =	simm.s32 $0x500;
	[sflag:s29] =	ssyncadd.s32 $0xFFFFE000  }
0x7e: {  	[spmem:s2] =	stream.indirect.scatter.add.f32 [tilespmem:s22], [sflag:$0x4], $0x80, s18, s12, $0xb8;
	[tilespmem:$0x1D800] =	vst v63  }
0x7f: {  	s21 =	sand.u32 $0xFE00, s19;
	_ =	swait.ge [sflag:s13], $0x2000  }
0x80: {  	s24 =	sshrl.u32 s21, $0x2;
	s20 =	sand.u32 $0x40, s30;
	[sflag:s13] =	ssyncset.done $0x0  }
0x81: {  	s17 =	sor.u32 s20, s24;
	[sflag:s13] =	ssyncadd.s32 $0xFFFFE000  }
0x82: {  	[tilespmem:s31], [sflag:$0x3] =	stream.indirect.gather [hbm4b:s4+s12], $0x80, s17, s12, $0xb8;
	[tilespmem:$0x1D800] =	vst v63  }
0x83: {  	_ =	swait.ge [sflag:s1], $0x2000  }
0x84: {  	[sflag:s1] =	ssyncset.done $0x0  }
0x85: {  	s0 =	simm.s32 $0x600;
	s30 =	simm.s32 $0x1600;
	[sflag:s1] =	ssyncadd.s32 $0xFFFFE000  }
0x86: {  	[spmem:s2] =	stream.indirect.scatter.add.f32 [tilespmem:s28], [sflag:$0x5], $0x80, s30, s12, $0xb8;
	[tilespmem:$0x1D800] =	vst v63  }
0x87: {  	s19 =	simm.s32 $0x180;
	s18 =	sand.u32 $0xFE00, s0;
	_ =	swait.ge [sflag:s6], $0x2000  }
0x88: {  	s18 =	sshrl.u32 s18, $0x2;
	s17 =	sand.u32 $0x40, s19;
	[sflag:s6] =	ssyncset.done $0x0  }
0x89: {  	s17 =	sor.u32 s17, s18;
	[sflag:s6] =	ssyncadd.s32 $0xFFFFE000  }
0x8a: {  	[tilespmem:s22], [sflag:$0x1] =	stream.indirect.gather [hbm4b:s4+s12], $0x80, s17, s12, $0xb8;
	[tilespmem:$0x1D800] =	vst v63  }
0x8b: {  	_ =	swait.ge [sflag:s8], $0x2000  }
0x8c: {  	s21 =	simm.s32 $0x700;
	[sflag:s8] =	ssyncset.done $0x0  }
0x8d: {  	s24 =	simm.s32 $0x1680;
	s30 =	sand.u32 $0xFE00, s21;
	[sflag:s8] =	ssyncadd.s32 $0xFFFFE000  }
0x8e: {  	[spmem:s2] =	stream.indirect.scatter.add.f32 [tilespmem:s31], [sflag:$0x6], $0x80, s24, s12, $0xb8;
	[tilespmem:$0x1D800] =	vst v63  }
0x8f: {  	s19 =	simm.s32 $0x240;
	s21 =	sshrl.u32 s30, $0x2;
	_ =	swait.ge [sflag:s10], $0x2000  }
0x90: {  	s18 =	simm.s32 $0x80;
	s21 =	sor.u32 s20, s21;
	[sflag:s10] =	ssyncset.done $0x0  }
0x91: {  	s20 =	simm.s32 $0x1800;
	s17 =	simm.s32 $0xA00;
	[sflag:s10] =	ssyncadd.s32 $0xFFFFE000  }
.LBB2_4:
0x92: {  	[tilespmem:s28], [sflag:$0x2] =	stream.indirect.gather [hbm4b:s4+s12], $0x80, s21, s12, $0xb8;
	[tilespmem:$0x1D800] =	vst v63  }
0x93: {  	s21 =	smov.u32 s17  }
0x94: {  	p1 =	sne.s32 s17, $0x4F00;
	s17 =	sadd.s32 $0x300, s17;
	_ =	swait.ge [sflag:s29], $0x2000  }
0x95: {  	[sflag:s29] =	ssyncset.done $0x0  }
0x96: {  	s30 =	sadd.s32 $0xFFFFFF00, s20;
	s24 =	sadd.s32 $0xFFFFFE00, s21;
	[sflag:s29] =	ssyncadd.s32 $0xFFFFE000  }
0x97: {  	[spmem:s2] =	stream.indirect.scatter.add.f32 [tilespmem:s22], [sflag:$0x4], $0x80, s30, s12, $0xb8;
	[tilespmem:$0x1D800] =	vst v63  }
0x98: {  	s24 =	sand.u32 $0xFE00, s24;
	_ =	swait.ge [sflag:s13], $0x2000  }
0x99: {  	s24 =	sshrl.u32 s24, $0x2;
	s30 =	sand.u32 $0x40, s18;
	[sflag:s13] =	ssyncset.done $0x0  }
0x9a: {  	s24 =	sor.u32 s30, s24;
	[sflag:s13] =	ssyncadd.s32 $0xFFFFE000  }
0x9b: {  	[tilespmem:s31], [sflag:$0x3] =	stream.indirect.gather [hbm4b:s4+s12], $0x80, s24, s12, $0xb8;
	[tilespmem:$0x1D800] =	vst v63  }
0x9c: {  	_ =	swait.ge [sflag:s1], $0x2000  }
0x9d: {  	[sflag:s1] =	ssyncset.done $0x0  }
0x9e: {  	s0 =	sadd.s32 $0xFFFFFF00, s21;
	s24 =	sadd.s32 $0xFFFFFF80, s20;
	[sflag:s1] =	ssyncadd.s32 $0xFFFFE000  }
0x9f: {  	[spmem:s2] =	stream.indirect.scatter.add.f32 [tilespmem:s28], [sflag:$0x5], $0x80, s24, s12, $0xb8;
	[tilespmem:$0x1D800] =	vst v63  }
0xa0: {  	s0 =	sand.u32 $0xFE00, s0;
	_ =	swait.ge [sflag:s6], $0x2000  }
0xa1: {  	s0 =	sshrl.u32 s0, $0x2;
	s24 =	sand.u32 $0x40, s19;
	[sflag:s6] =	ssyncset.done $0x0  }
0xa2: {  	s0 =	sor.u32 s24, s0;
	[sflag:s6] =	ssyncadd.s32 $0xFFFFE000  }
0xa3: {  	[tilespmem:s22], [sflag:$0x1] =	stream.indirect.gather [hbm4b:s4+s12], $0x80, s0, s12, $0xb8;
	[tilespmem:$0x1D800] =	vst v63  }
0xa4: {  	_ =	swait.ge [sflag:s8], $0x2000  }
0xa5: {  	[sflag:s8] =	ssyncset.done $0x0  }
.Ltmp1:
0xa6: {  	[sflag:s8] =	ssyncadd.s32 $0xFFFFE000;
	(pc) =	sbr.rel @p1 .LBB2_4-.Ltmp1, $4  }
0xa7: {  	[spmem:s2] =	stream.indirect.scatter.add.f32 [tilespmem:s31], [sflag:$0x6], $0x80, s20, s12, $0xb8;
	[tilespmem:$0x1D800] =	vst v63  }
0xa8: {  	s18 =	sadd.s32 $0x40, s18;
	s0 =	sand.u32 $0xFE00, s21;
	_ =	swait.ge [sflag:s10], $0x2000  }
0xa9: {  	s19 =	sadd.s32 $0xC0, s19;
	s0 =	sshrl.u32 s0, $0x2;
	[sflag:s10] =	ssyncset.done $0x0  }
0xaa: {  	s21 =	sor.u32 s30, s0;
	s20 =	sadd.s32 $0x180, s20;
	[sflag:s10] =	ssyncadd.s32 $0xFFFFE000  }
0xab: {  	[tilespmem:s28], [sflag:$0x2] =	stream.indirect.gather [hbm4b:s4+s12], $0x80, s21, s12, $0xb8;
	[tilespmem:$0x1D800] =	vst v63  }
0xac: {  	_ =	swait.ge [sflag:s29], $0x2000  }
0xad: {  	[sflag:s29] =	ssyncset.done $0x0  }
0xae: {  	s0 =	simm.s32 $0x40;
	[sflag:s29] =	ssyncadd.s32 $0xFFFFE000  }
0xaf: {  	[spmem:s2] =	stream.indirect.scatter.add.f32 [tilespmem:s22], [sflag:$0x4], $0x80, s14, s0, $0xb8;
	[tilespmem:$0x1D800] =	vst v63  }
0xb0: {  	_ =	swait.ge [sflag:s13], $0x2000  }
0xb1: {  	[sflag:s13] =	ssyncset.done $0x0  }
0xb2: {  	[sflag:s13] =	ssyncadd.s32 $0xFFFFE000  }
0xb3: {  	_ =	swait.ge [sflag:s1], $0x2000  }
0xb4: {  	[sflag:s1] =	ssyncset.done $0x0  }
0xb5: {  	[sflag:s1] =	ssyncadd.s32 $0xFFFFE000  }
0xb6: {  	[spmem:s2] =	stream.indirect.scatter.add.f32 [tilespmem:s28], [sflag:$0x5], $0x80, s15, s0, $0xb8;
	[tilespmem:$0x1D800] =	vst v63  }
0xb7: {  	_ =	swait.ge [sflag:s6], $0x2000  }
0xb8: {  	[sflag:s6] =	ssyncset.done $0x0  }
0xb9: {  	[sflag:s6] =	ssyncadd.s32 $0xFFFFE000  }
0xba: {  	_ =	swait.ge [sflag:s10], $0x2000  }
0xbb: {  	[sflag:s10] =	ssyncset.done $0x0  }
0xbc: {  	s17 =	rddreg [dreg:$0xe];
	[sflag:s10] =	ssyncadd.s32 $0xFFFFE000  }
0xbd: {  	[tilespmem:s3], [sflag:$0x7] =	stream.linear.gather [hbm4b:s17+s3], $0x1400, $0x38;
	[tilespmem:$0x1D800] =	vst v63  }
0xbe: {  	_ =	swait.ge [sflag:s23], $0x1400  }
0xbf: {  	[sflag:s23] =	ssyncset.done $0x0  }
0xc0: {  	s20 =	rddreg [dreg:$0xf];
	[sflag:s23] =	ssyncadd.s32 $0xFFFFEC00  }
0xc1: {  	[tilespmem:s26], [sflag:$0x7] =	stream.linear.gather [hbm4b:s20+s3], $0x2800, $0x38;
	[tilespmem:$0x1D800] =	vst v63  }
0xc2: {  	_ =	swait.ge [sflag:s23], $0x2800  }
0xc3: {  	[sflag:s23] =	ssyncset.done $0x0  }
0xc4: {  	[sflag:s23] =	ssyncadd.s32 $0xFFFFD800  }
0xc5: {  	[tilespmem:s22], [sflag:$0x1] =	stream.indirect.gather [hbm4b:s4+s0], $0x80, s3, s0, $0xb8;
	[tilespmem:$0x1D800] =	vst v63  }
0xc6: {  	_ = 	snop  }
0xc7: {  	[tilespmem:s28], [sflag:$0x2] =	stream.indirect.gather [hbm4b:s4+s0], $0x80, s0, s0, $0xb8;
	[tilespmem:$0x1D800] =	vst v63  }
0xc8: {  	_ =	swait.ge [sflag:s29], $0x2000  }
0xc9: {  	[sflag:s29] =	ssyncset.done $0x0  }
0xca: {  	[sflag:s29] =	ssyncadd.s32 $0xFFFFE000  }
0xcb: {  	[spmem:s2] =	stream.indirect.scatter.add.f32 [tilespmem:s22], [sflag:$0x4], $0x80, s26, s0, $0xb8;
	[tilespmem:$0x1D800] =	vst v63  }
0xcc: {  	s21 =	simm.s32 $0x80  }
0xcd: {  	[tilespmem:s31], [sflag:$0x3] =	stream.indirect.gather [hbm4b:s4+s0], $0x80, s21, s0, $0xb8;
	[tilespmem:$0x1D800] =	vst v63  }
0xce: {  	_ =	swait.ge [sflag:s1], $0x2000  }
0xcf: {  	[sflag:s1] =	ssyncset.done $0x0  }
0xd0: {  	s24 =	simm.s32 $0x1480;
	[sflag:s1] =	ssyncadd.s32 $0xFFFFE000  }
0xd1: {  	[spmem:s2] =	stream.indirect.scatter.add.f32 [tilespmem:s28], [sflag:$0x5], $0x80, s24, s0, $0xb8;
	[tilespmem:$0x1D800] =	vst v63  }
0xd2: {  	_ =	swait.ge [sflag:s6], $0x2000  }
0xd3: {  	[sflag:s6] =	ssyncset.done $0x0  }
0xd4: {  	[sflag:s6] =	ssyncadd.s32 $0xFFFFE000  }
0xd5: {  	[tilespmem:s22], [sflag:$0x1] =	stream.indirect.gather [hbm4b:s4+s0], $0x80, s7, s0, $0xb8;
	[tilespmem:$0x1D800] =	vst v63  }
0xd6: {  	_ =	swait.ge [sflag:s8], $0x2000  }
0xd7: {  	[sflag:s8] =	ssyncset.done $0x0  }
0xd8: {  	[sflag:s8] =	ssyncadd.s32 $0xFFFFE000  }
0xd9: {  	[spmem:s2] =	stream.indirect.scatter.add.f32 [tilespmem:s31], [sflag:$0x6], $0x80, s9, s0, $0xb8;
	[tilespmem:$0x1D800] =	vst v63  }
0xda: {  	_ =	swait.ge [sflag:s10], $0x2000  }
0xdb: {  	[sflag:s10] =	ssyncset.done $0x0  }
0xdc: {  	[sflag:s10] =	ssyncadd.s32 $0xFFFFE000  }
0xdd: {  	[tilespmem:s28], [sflag:$0x2] =	stream.indirect.gather [hbm4b:s4+s0], $0x80, s11, s0, $0xb8;
	[tilespmem:$0x1D800] =	vst v63  }
0xde: {  	_ =	swait.ge [sflag:s29], $0x2000  }
0xdf: {  	[sflag:s29] =	ssyncset.done $0x0  }
0xe0: {  	s30 =	simm.s32 $0x1580;
	s18 =	simm.s32 $0x500;
	[sflag:s29] =	ssyncadd.s32 $0xFFFFE000  }
0xe1: {  	[spmem:s2] =	stream.indirect.scatter.add.f32 [tilespmem:s22], [sflag:$0x4], $0x80, s30, s12, $0xb8;
	[tilespmem:$0x1D800] =	vst v63  }
0xe2: {  	s18 =	sand.u32 $0xFE00, s18;
	_ =	swait.ge [sflag:s13], $0x2000  }
0xe3: {  	s17 =	sshrl.u32 s18, $0x2;
	s0 =	sand.u32 $0x40, s0;
	[sflag:s13] =	ssyncset.done $0x0  }
0xe4: {  	s17 =	sor.u32 s0, s17;
	[sflag:s13] =	ssyncadd.s32 $0xFFFFE000  }
0xe5: {  	[tilespmem:s31], [sflag:$0x3] =	stream.indirect.gather [hbm4b:s4+s12], $0x80, s17, s12, $0xb8;
	[tilespmem:$0x1D800] =	vst v63  }
0xe6: {  	_ =	swait.ge [sflag:s1], $0x2000  }
0xe7: {  	[sflag:s1] =	ssyncset.done $0x0  }
0xe8: {  	s19 =	simm.s32 $0x1600;
	s20 =	simm.s32 $0x600;
	[sflag:s1] =	ssyncadd.s32 $0xFFFFE000  }
0xe9: {  	[spmem:s2] =	stream.indirect.scatter.add.f32 [tilespmem:s28], [sflag:$0x5], $0x80, s19, s12, $0xb8;
	[tilespmem:$0x1D800] =	vst v63  }
0xea: {  	s18 =	sand.u32 $0xFE00, s20;
	s21 =	simm.s32 $0x180;
	_ =	swait.ge [sflag:s6], $0x2000  }
0xeb: {  	s18 =	sshrl.u32 s18, $0x2;
	s17 =	sand.u32 $0x40, s21;
	[sflag:s6] =	ssyncset.done $0x0  }
0xec: {  	s17 =	sor.u32 s17, s18;
	[sflag:s6] =	ssyncadd.s32 $0xFFFFE000  }
0xed: {  	[tilespmem:s22], [sflag:$0x1] =	stream.indirect.gather [hbm4b:s4+s12], $0x80, s17, s12, $0xb8;
	[tilespmem:$0x1D800] =	vst v63  }
0xee: {  	s24 =	simm.s32 $0x700;
	_ =	swait.ge [sflag:s8], $0x2000  }
0xef: {  	s30 =	sand.u32 $0xFE00, s24;
	[sflag:s8] =	ssyncset.done $0x0  }
0xf0: {  	s20 =	sshrl.u32 s30, $0x2;
	s19 =	simm.s32 $0x1680;
	[sflag:s8] =	ssyncadd.s32 $0xFFFFE000  }
0xf1: {  	[spmem:s2] =	stream.indirect.scatter.add.f32 [tilespmem:s31], [sflag:$0x6], $0x80, s19, s12, $0xb8;
	[tilespmem:$0x1D800] =	vst v63  }
0xf2: {  	s21 =	sor.u32 s0, s20;
	_ =	swait.ge [sflag:s10], $0x2000  }
0xf3: {  	s20 =	simm.s32 $0x1800;
	s18 =	simm.s32 $0x80;
	[sflag:s10] =	ssyncset.done $0x0  }
0xf4: {  	s17 =	simm.s32 $0xA00;
	s19 =	simm.s32 $0x240;
	[sflag:s10] =	ssyncadd.s32 $0xFFFFE000  }
.LBB2_6:
0xf5: {  	[tilespmem:s28], [sflag:$0x2] =	stream.indirect.gather [hbm4b:s4+s12], $0x80, s21, s12, $0xb8;
	[tilespmem:$0x1D800] =	vst v63  }
0xf6: {  	s0 =	smov.u32 s17  }
0xf7: {  	p1 =	sne.s32 s17, $0x4F00;
	s17 =	sadd.s32 $0x300, s17;
	_ =	swait.ge [sflag:s29], $0x2000  }
0xf8: {  	[sflag:s29] =	ssyncset.done $0x0  }
0xf9: {  	s21 =	sadd.s32 $0xFFFFFF00, s20;
	s24 =	sadd.s32 $0xFFFFFE00, s0;
	[sflag:s29] =	ssyncadd.s32 $0xFFFFE000  }
0xfa: {  	[spmem:s2] =	stream.indirect.scatter.add.f32 [tilespmem:s22], [sflag:$0x4], $0x80, s21, s12, $0xb8;
	[tilespmem:$0x1D800] =	vst v63  }
0xfb: {  	s21 =	sand.u32 $0xFE00, s24;
	_ =	swait.ge [sflag:s13], $0x2000  }
0xfc: {  	s24 =	sand.u32 $0x40, s18;
	s21 =	sshrl.u32 s21, $0x2;
	[sflag:s13] =	ssyncset.done $0x0  }
0xfd: {  	s21 =	sor.u32 s24, s21;
	[sflag:s13] =	ssyncadd.s32 $0xFFFFE000  }
0xfe: {  	[tilespmem:s31], [sflag:$0x3] =	stream.indirect.gather [hbm4b:s4+s12], $0x80, s21, s12, $0xb8;
	[tilespmem:$0x1D800] =	vst v63  }
0xff: {  	_ =	swait.ge [sflag:s1], $0x2000  }
0x100: {  	[sflag:s1] =	ssyncset.done $0x0  }
0x101: {  	s30 =	sadd.s32 $0xFFFFFF00, s0;
	s21 =	sadd.s32 $0xFFFFFF80, s20;
	[sflag:s1] =	ssyncadd.s32 $0xFFFFE000  }
0x102: {  	[spmem:s2] =	stream.indirect.scatter.add.f32 [tilespmem:s28], [sflag:$0x5], $0x80, s21, s12, $0xb8;
	[tilespmem:$0x1D800] =	vst v63  }
0x103: {  	s21 =	sand.u32 $0xFE00, s30;
	_ =	swait.ge [sflag:s6], $0x2000  }
0x104: {  	s30 =	sand.u32 $0x40, s19;
	s21 =	sshrl.u32 s21, $0x2;
	[sflag:s6] =	ssyncset.done $0x0  }
0x105: {  	s21 =	sor.u32 s30, s21;
	[sflag:s6] =	ssyncadd.s32 $0xFFFFE000  }
0x106: {  	[tilespmem:s22], [sflag:$0x1] =	stream.indirect.gather [hbm4b:s4+s12], $0x80, s21, s12, $0xb8;
	[tilespmem:$0x1D800] =	vst v63  }
0x107: {  	_ =	swait.ge [sflag:s8], $0x2000  }
0x108: {  	[sflag:s8] =	ssyncset.done $0x0  }
.Ltmp2:
0x109: {  	[sflag:s8] =	ssyncadd.s32 $0xFFFFE000;
	(pc) =	sbr.rel @p1 .LBB2_6-.Ltmp2, $4  }
0x10a: {  	[spmem:s2] =	stream.indirect.scatter.add.f32 [tilespmem:s31], [sflag:$0x6], $0x80, s20, s12, $0xb8;
	[tilespmem:$0x1D800] =	vst v63  }
0x10b: {  	s0 =	sand.u32 $0xFE00, s0;
	s18 =	sadd.s32 $0x40, s18;
	_ =	swait.ge [sflag:s10], $0x2000  }
0x10c: {  	s0 =	sshrl.u32 s0, $0x2;
	s19 =	sadd.s32 $0xC0, s19;
	[sflag:s10] =	ssyncset.done $0x0  }
0x10d: {  	s21 =	sor.u32 s24, s0;
	s20 =	sadd.s32 $0x180, s20;
	[sflag:s10] =	ssyncadd.s32 $0xFFFFE000  }
0x10e: {  	[tilespmem:s28], [sflag:$0x2] =	stream.indirect.gather [hbm4b:s4+s12], $0x80, s21, s12, $0xb8;
	[tilespmem:$0x1D800] =	vst v63  }
0x10f: {  	_ =	swait.ge [sflag:s29], $0x2000  }
0x110: {  	[sflag:s29] =	ssyncset.done $0x0  }
0x111: {  	[sflag:s29] =	ssyncadd.s32 $0xFFFFE000  }
0x112: {  	[spmem:s2] =	stream.indirect.scatter.add.f32 [tilespmem:s22], [sflag:$0x4], $0x80, s14, s12, $0xb8;
	[tilespmem:$0x1D800] =	vst v63  }
0x113: {  	_ =	swait.ge [sflag:s13], $0x2000  }
0x114: {  	[sflag:s13] =	ssyncset.done $0x0  }
0x115: {  	[sflag:s13] =	ssyncadd.s32 $0xFFFFE000  }
0x116: {  	_ =	swait.ge [sflag:s1], $0x2000  }
0x117: {  	[sflag:s1] =	ssyncset.done $0x0  }
0x118: {  	[sflag:s1] =	ssyncadd.s32 $0xFFFFE000  }
0x119: {  	[spmem:s2] =	stream.indirect.scatter.add.f32 [tilespmem:s28], [sflag:$0x5], $0x80, s15, s12, $0xb8;
	[tilespmem:$0x1D800] =	vst v63  }
0x11a: {  	_ =	swait.ge [sflag:s6], $0x2000  }
0x11b: {  	[sflag:s6] =	ssyncset.done $0x0  }
0x11c: {  	[sflag:s6] =	ssyncadd.s32 $0xFFFFE000  }
0x11d: {  	_ =	swait.ge [sflag:s10], $0x2000  }
0x11e: {  	[sflag:s10] =	ssyncset.done $0x0  }
0x11f: {  	[sflag:s10] =	ssyncadd.s32 $0xFFFFE000  }
0x120: {  	s0 =	stileid.u32;
	[bflag:$0x0] =	sbarrier.arrive $0xFFFF  }
0x121: {  	s0 =	sshll.u32 s0, $0x6;
	s17 =	rddreg [dreg:$0x10]  }
0x122: {  	s0 =	sor.u32 $0x1C07, s0;
	s18 =	rddreg [dreg:$0x13]  }
0x123: {  	[hbm:s17], [sflag:s0] =	dma.local [spmem:s18], $0x2700  }
0x124: {  	_ =	swait.ge [sflag:s23], $0x2700  }
0x125: {  	[sflag:s23] =	ssyncset.done $0x0  }
0x126: {  	s17 =	rddreg [dreg:$0x11];
	[sflag:s23] =	ssyncadd.s32 $0xFFFFD900  }
0x127: {  	[hbm:s17], [sflag:s0] =	dma.local @!p0 [spmem:s25], $0x100  }
0x128: {  	s0 =	simm.s32 @!p0 $0x7  }
0x129: {  	_ =	swait.ge @!p0 [sflag:s0], $0x100  }
0x12a: {  	s16 =	sadd.s32 $0x1, s16;
	s30 =	rddreg [dreg:$0x12]  }
0x12b: {  	p1 =	sne.s32 s16, s30  }
.Ltmp3:
0x12c: {  	_ = 	snop;
	(pc) =	sbr.rel @p1 .LBB2_1-.Ltmp3, $3  }
0x12d: {  	_ =	sdelay $0x1  }
0x12e: {  	[sflag:s0] =	ssyncset.done @!p0 $0x0  }
0x12f: {  	[sflag:s0] =	ssyncadd.s32 @!p0 $0xFFFFFF00  }
0x130: {  	_ =	sfence.sel $0x180000  }
0x131: {  	[bflag:$0x0] =	sbarrier.arrive $0xFFFF  }
0x132: {  	_ =	strace $0x9000004D  }
0x133: {  	s0 =	stileid.u32;
	[bflag:$0x2] =	sbarrier.arrive $0xFFFF  }
0x134: {  	p0 =	sne.s32 s0, $0x0;
	s0 =	rddreg [dreg:$0x2]  }
0x135: {  	s0 =	sadd.s32 @!p0 $0x100000, s0  }
0x136: {  	[sflag:s0] =	ssyncadd.tile.s32 @!p0 $0x1;
	_ =	shalt  }
.Lfunc_end2:
_tile_overlayer_lowered:
.L_overlay_start_2:
0x137: {  	(tag) =	ssettag $0x2  }
0x138: {  	s0 =	rddreg [dreg:$0x0];
	s2 =	stileid.u32  }
0x139: {  	s1 =	rddreg [dreg:$0x1];
	p0 =	sne.s32 s2, $0x0  }
0x13a: {  	s3 =	rddreg [dreg:$0x2];
	[bflag:$0x3] =	sbarrier.arrive $0xFFFF;
	s2 =	simm.s32 @!p0 $0x1C07  }
0x13b: {  	[timem:s3], [sflag:s2] =	dma.local @!p0 [hbm:s0], s1  }
0x13c: {  	s0 =	simm.s32 @!p0 $0x7  }
0x13d: {  	_ =	swait.ge @!p0 [sflag:s0], s1  }
0x13e: {  	s1 =	ssub.s32 @!p0 $0x0, s1;
	[sflag:s0] =	ssyncset.done @!p0 $0x0  }
0x13f: {  	[sflag:s0] =	ssyncadd.s32 @!p0 s1  }
0x140: {  	[bflag:$0x3] =	sbarrier.arrive $0xFFFF  }
0x141: {  	_ =	shalt  }

</sc_bundles>
